<compile_context>
chip_gen: v7x
topology: tpu7x:2x2x1
jax: 0.10.2.dev20260603
libtpu: 0.0.44.dev20260713+nightly
codegen_flags: <defaults>
</compile_context>

<pallas_src>
import jax
import jax.numpy as jnp
from jax import lax
from jax.experimental import pallas as pl
from jax.experimental.pallas import tpu as pltpu
from jax.experimental.pallas import tpu_sc as plsc

N = 10000
F = 256
FH = 128
E = 160000
NSUB = 16
NCORE = 2
EPT = E // NSUB
K = 125
NCH = EPT // K
DR = 16
NP = 10240
SPT = NP // NSUB


def _mesh():
  return plsc.VectorSubcoreMesh(core_axis_name="c", subcore_axis_name="s")


def _fill_vmem2(ref, nrows, ncols, value):
  z = jnp.full((16,), value, jnp.float32)

  @pl.loop(0, nrows)
  def _(i):
    for q in range(ncols // 16):
      ref[i, pl.ds(q * 16, 16)] = z


def _counts_body(dst3, node3, he3, deg_out, D_out, B_out,
                 idxbuf, ones, zbuf, acc, sem):
  del sem
  cid = lax.axis_index("c")
  sid = lax.axis_index("s")

  _fill_vmem2(ones, K, FH, 1.0)
  _fill_vmem2(zbuf, DR, FH, 0.0)
  base = sid * SPT

  def zero_acc():
    @pl.loop(0, SPT // DR)
    def _(j):
      pltpu.sync_copy(zbuf, acc.at[pl.ds(base + j * DR, DR)])

  def hist(idx3_hbm):
    pltpu.sync_copy(idx3_hbm.at[sid], idxbuf)

    @pl.loop(0, NCH)
    def _(j):
      pltpu.sync_copy(ones, acc.at[idxbuf.at[j]], add=True)

  def drain(out_hbm):
    pltpu.sync_copy(acc.at[pl.ds(base, SPT)], out_hbm.at[pl.ds(base, SPT)])

  zero_acc()
  plsc.subcore_barrier()

  @pl.when(cid == 0)
  def _():
    hist(dst3)

  @pl.when(cid == 1)
  def _():
    hist(node3)

  plsc.subcore_barrier()

  @pl.when(cid == 0)
  def _():
    drain(deg_out)

  @pl.when(cid == 1)
  def _():
    drain(D_out)

  zero_acc()
  plsc.subcore_barrier()

  @pl.when(cid == 1)
  def _():
    hist(he3)

  plsc.subcore_barrier()

  @pl.when(cid == 1)
  def _():
    drain(B_out)


def _make_counts():
  out = (jax.ShapeDtypeStruct((NP, FH), jnp.float32),) * 3
  return pl.kernel(
      _counts_body,
      out_type=out,
      mesh=_mesh(),
      scratch_types=[
          pltpu.VMEM((NCH, K), jnp.int32),
          pltpu.VMEM((K, FH), jnp.float32),
          pltpu.VMEM((DR, FH), jnp.float32),
          pltpu.VMEM_SHARED((NP, FH), jnp.float32),
          pltpu.SemaphoreType.DMA,
      ],
  )


def _make_agg():
  def body(x2, g3, s3, out2, gbuf, sbuf, rows0, zbuf, acc, sem0):
    cid = lax.axis_index("c")
    sid = lax.axis_index("s")

    _fill_vmem2(zbuf, DR, FH, 0.0)
    zsrc = zbuf
    rows_base = sid * SPT

    @pl.loop(0, SPT // DR)
    def _(j):
      pltpu.sync_copy(zsrc, acc.at[pl.ds(rows_base + j * DR, DR)])

    pltpu.sync_copy(g3.at[sid], gbuf)
    pltpu.sync_copy(s3.at[sid], sbuf)
    plsc.subcore_barrier()

    def edge_loop(xv):
      @pl.loop(0, NCH)
      def _(j):
        pltpu.async_copy(xv.at[gbuf.at[j]], rows0, sem0).wait()
        pltpu.sync_copy(rows0, acc.at[sbuf.at[j]], add=True)

    @pl.when(cid == 0)
    def _():
      edge_loop(x2.at[0])

    @pl.when(cid == 1)
    def _():
      edge_loop(x2.at[1])

    plsc.subcore_barrier()

    ntrips = jnp.where(sid == NSUB - 1, (N - (NSUB - 1) * SPT) // DR,
                       SPT // DR)

    def drain(outv):
      @pl.loop(0, ntrips)
      def _(k):
        r0 = rows_base + k * DR
        pltpu.sync_copy(acc.at[pl.ds(r0, DR)], outv.at[pl.ds(r0, DR)])

    @pl.when(cid == 0)
    def _():
      drain(out2.at[0])

    @pl.when(cid == 1)
    def _():
      drain(out2.at[1])

  scratch = [
      pltpu.VMEM((NCH, K), jnp.int32),
      pltpu.VMEM((NCH, K), jnp.int32),
      pltpu.VMEM((K, FH), jnp.float32),
      pltpu.VMEM((DR, FH), jnp.float32),
      pltpu.VMEM_SHARED((NP, FH), jnp.float32),
      pltpu.SemaphoreType.DMA,
  ]
  return pl.kernel(
      body,
      out_type=jax.ShapeDtypeStruct((NCORE, N, FH), jnp.float32),
      mesh=_mesh(),
      scratch_types=scratch,
  )


BR = 2000
_NBLK = N // BR


def _tc_call(body, in_specs, out_specs, out_shape):
  return pl.pallas_call(
      body,
      grid=(_NBLK,),
      in_specs=in_specs,
      out_specs=out_specs,
      out_shape=out_shape,
  )


def _row_spec(w):
  return pl.BlockSpec((BR, w), lambda i: (i, 0))


def _split_spec():
  return pl.BlockSpec((NCORE, BR, FH), lambda i: (0, i, 0))


def _full_spec(shape):
  return pl.BlockSpec(shape, lambda i: tuple(0 for _ in shape))


def _cat(ref):
  return jnp.concatenate([ref[0], ref[1]], axis=-1)


def _prep_body(emb_ref, deg_ref, xs_ref, dinv_ref):
  dinv = lax.rsqrt(deg_ref[...] + 1.0)
  x = emb_ref[...] * dinv
  xs_ref[0] = x[:, :FH]
  xs_ref[1] = x[:, FH:]
  dinv_ref[...] = dinv


def _prep(emb, deg_c):
  return _tc_call(
      _prep_body,
      [_row_spec(F), _row_spec(1)],
      [_split_spec(), _row_spec(1)],
      (jax.ShapeDtypeStruct((NCORE, N, FH), jnp.float32),
       jax.ShapeDtypeStruct((N, 1), jnp.float32)),
  )(emb, deg_c)


def _mid_body(agg_ref, xs_ref, dinv_ref, W1_ref, b1_ref, W2_ref, ts_ref):
  dinv = dinv_ref[...]
  u = dinv * (_cat(agg_ref) + _cat(xs_ref))
  h1 = jnp.dot(u, W1_ref[...], preferred_element_type=jnp.float32) + b1_ref[...]
  t = jnp.dot(h1, W2_ref[...], preferred_element_type=jnp.float32)
  ts = t * dinv
  ts_ref[0] = ts[:, :FH]
  ts_ref[1] = ts[:, FH:]


def _mid(agg1, xs2, dinv_c, W1, b1r, W2):
  return _tc_call(
      _mid_body,
      [_split_spec(), _split_spec(), _row_spec(1),
       _full_spec((F, 2 * F)), _full_spec((1, 2 * F)), _full_spec((2 * F, F))],
      _split_spec(),
      jax.ShapeDtypeStruct((NCORE, N, FH), jnp.float32),
  )(agg1, xs2, dinv_c, W1, b1r, W2)


def _heter_body(agg_ref, ts_ref, dinv_ref, b2_ref, B_ref, ho_ref, xh_ref,
                binv_ref):
  ho = dinv_ref[...] * (_cat(agg_ref) + _cat(ts_ref)) + b2_ref[...]
  ho_ref[...] = ho
  xh_ref[0] = ho[:, :FH]
  xh_ref[1] = ho[:, FH:]
  b = B_ref[...]
  binv_ref[...] = jnp.where(b > 0.0, 1.0 / jnp.where(b > 0.0, b, 1.0), 0.0)


def _heter(agg2, ts2, dinv_c, b2r, Bc):
  return _tc_call(
      _heter_body,
      [_split_spec(), _split_spec(), _row_spec(1), _full_spec((1, F)),
       _row_spec(1)],
      [_row_spec(F), _split_spec(), _row_spec(1)],
      (jax.ShapeDtypeStruct((N, F), jnp.float32),
       jax.ShapeDtypeStruct((NCORE, N, FH), jnp.float32),
       jax.ShapeDtypeStruct((N, 1), jnp.float32)),
  )(agg2, ts2, dinv_c, b2r, Bc)


def _bscale_body(ef_ref, binv_ref, out_ref):
  binv = binv_ref[...]
  out_ref[0] = ef_ref[0] * binv
  out_ref[1] = ef_ref[1] * binv


def _bscale(ef2raw, binv_c):
  return _tc_call(
      _bscale_body,
      [_split_spec(), _row_spec(1)],
      _split_spec(),
      jax.ShapeDtypeStruct((NCORE, N, FH), jnp.float32),
  )(ef2raw, binv_c)


def _hyper_body(hp_ref, D_ref, W4_ref, b4_ref, out_ref):
  d = D_ref[...]
  dinv = jnp.where(d > 0.0, 1.0 / jnp.where(d > 0.0, d, 1.0), 0.0)
  xa = hp_ref[0] * dinv
  xb = hp_ref[1] * dinv
  W4 = W4_ref[...]
  out_ref[...] = (
      jnp.dot(xa, W4[:FH, :], preferred_element_type=jnp.float32)
      + jnp.dot(xb, W4[FH:, :], preferred_element_type=jnp.float32)
      + b4_ref[...])


def _hyper_tc(hp2, Dc, W4, b4r):
  return _tc_call(
      _hyper_body,
      [_split_spec(), _row_spec(1), _full_spec((F, F)), _full_spec((1, F))],
      _row_spec(F),
      jax.ShapeDtypeStruct((N, F), jnp.float32),
  )(hp2, Dc, W4, b4r)


_counts = _make_counts()
_agg_plain = _make_agg()


def kernel(heter_edge_index, heter_edge_type, hyper_edge_index, emb,
           W1, b1, W2, b2, W4, b4):
  del heter_edge_type
  src3 = heter_edge_index[0].reshape(NSUB, NCH, K)
  dst3 = heter_edge_index[1].reshape(NSUB, NCH, K)
  node3 = hyper_edge_index[0].reshape(NSUB, NCH, K)
  he3 = hyper_edge_index[1].reshape(NSUB, NCH, K)

  deg_p, D_p, B_p = _counts(dst3, node3, he3)
  deg_c = deg_p[:N, :1]
  Dc = D_p[:N, :1]
  Bc = B_p[:N, :1]

  xs2, dinv_c = _prep(emb, deg_c)
  agg1 = _agg_plain(xs2, src3, dst3)
  ts2 = _mid(agg1, xs2, dinv_c, W1, b1.reshape(1, -1), W2)
  agg2 = _agg_plain(ts2, src3, dst3)
  heter_out, xh2, binv_c = _heter(agg2, ts2, dinv_c, b2.reshape(1, -1), Bc)

  ef2 = _bscale(_agg_plain(xh2, node3, he3), binv_c)
  hp2 = _agg_plain(ef2, he3, node3)
  hyper_out = _hyper_tc(hp2, Dc, W4, b4.reshape(1, -1))
  return heter_out, hyper_out

# --- scband reference (transcript-rebuilt; emitter-appended) ---
"""Pipeline reference for scband-graph-nn-77653008712006 (READ-ONLY COPY).

The authoritative reference and input builder live on the scoring server;
editing this copy changes nothing except your own understanding.
"""

import jax, jax.numpy as jnp
import numpy as np

N_NODES = 10000
NINP = 256
N_EDGES = 160000
N_INCID = 160000
N_HYPEREDGES = 10000


def glorot(key, shape):
    std = float(np.sqrt(2.0 / (shape[0] + shape[1])))
    return jax.random.normal(key, shape, dtype=jnp.float32) * std


def setup_inputs(seed: int = 0):
    key = jax.random.key(seed)
    ks = jax.random.split(key, 10)
    heter_edge_index = jax.random.randint(ks[0], (2, N_EDGES), 0, N_NODES, dtype=jnp.int32)
    heter_edge_type = jax.random.randint(ks[1], (N_EDGES,), 0, 8, dtype=jnp.int32)
    hyper_edge_index = jax.random.randint(ks[2], (2, N_INCID), 0, N_NODES, dtype=jnp.int32)
    emb = glorot(ks[3], (N_NODES, NINP))
    emb = emb.at[0].set(0.0)  # padding_idx=0
    W1 = glorot(ks[4], (NINP, 2 * NINP))
    b1 = jnp.zeros((2 * NINP,), jnp.float32)
    W2 = glorot(ks[5], (2 * NINP, NINP))
    b2 = jnp.zeros((NINP,), jnp.float32)
    W4 = glorot(ks[6], (NINP, NINP))
    b4 = jnp.zeros((NINP,), jnp.float32)
    return {"heter_edge_index": heter_edge_index, "heter_edge_type": heter_edge_type,
            "hyper_edge_index": hyper_edge_index, "emb": emb,
            "W1": W1, "b1": b1, "W2": W2, "b2": b2, "W4": W4, "b4": b4}


def gcn_conv(x, edge_index, W, b, num_nodes):
    # PyG GCNConv: add self-loops, symmetric normalization, x W then scatter-add
    src = edge_index[0]
    dst = edge_index[1]
    loop = jnp.arange(num_nodes, dtype=edge_index.dtype)
    src = jnp.concatenate([src, loop])
    dst = jnp.concatenate([dst, loop])
    deg = jnp.zeros((num_nodes,), x.dtype).at[dst].add(1.0)
    dinv = jnp.where(deg > 0, 1.0 / jnp.sqrt(deg), 0.0)
    norm = dinv[src] * dinv[dst]
    xw = x @ W
    msg = xw[src] * norm[:, None]
    out = jnp.zeros((num_nodes, W.shape[1]), x.dtype).at[dst].add(msg)
    return out + b


def hyper_conv(x, edge_index, theta, b, num_nodes, num_hyperedges):
    # PyG HypergraphConv (no attention, unit hyperedge weights):
    # out = D^{-1} H W B^{-1} H^T (X Theta) + b
    node = edge_index[0]
    he = edge_index[1]
    xw = x @ theta
    D = jnp.zeros((num_nodes,), x.dtype).at[node].add(1.0)
    Dinv = jnp.where(D > 0, 1.0 / D, 0.0)
    B = jnp.zeros((num_hyperedges,), x.dtype).at[he].add(1.0)
    Binv = jnp.where(B > 0, 1.0 / B, 0.0)
    efeat = jnp.zeros((num_hyperedges, theta.shape[1]), x.dtype).at[he].add(xw[node])
    efeat = efeat * Binv[:, None]
    out = jnp.zeros((num_nodes, theta.shape[1]), x.dtype).at[node].add(efeat[he])
    out = out * Dinv[:, None]
    return out + b


def reference(heter_edge_index, heter_edge_type, hyper_edge_index, emb, W1, b1, W2, b2, W4, b4):
    # embedding.weight is the node feature matrix; dropout is identity in eval mode
    h1 = gcn_conv(emb, heter_edge_index, W1, b1, N_NODES)
    heter_out = gcn_conv(h1, heter_edge_index, W2, b2, N_NODES)
    # original uses .data.clone() -> detached copy feeds the hypergraph branch
    hyper_in = jax.lax.stop_gradient(heter_out)
    hyper_out = hyper_conv(hyper_in, hyper_edge_index, W4, b4, N_NODES, N_HYPEREDGES)
    return (heter_out, hyper_out)

if __name__ == "__main__":
    import jax
    _d = setup_inputs()
    print(jax.jit(kernel)(*tuple(_d.values())))

</pallas_src>

<mosaic_0001>
#map = affine_map<(d0, d1) -> (0, 0, 0)>
module attributes {stable_mosaic.version = 14 : i64} {
  func.func @body(%arg0: i32, %arg1: i32, %arg2: memref<2x10000x128xf32, #tpu.memory_space<hbm>>, %arg3: memref<16x80x125xi32, #tpu.memory_space<hbm>>, %arg4: memref<16x80x125xi32, #tpu.memory_space<hbm>>, %arg5: memref<2x10000x128xf32, #tpu.memory_space<hbm>>, %arg6: memref<80x125xi32, #tpu.memory_space<vmem>>, %arg7: memref<80x125xi32, #tpu.memory_space<vmem>>, %arg8: memref<125x128xf32, #tpu.memory_space<vmem>>, %arg9: memref<16x128xf32, #tpu.memory_space<vmem>>, %arg10: memref<10240x128xf32, #tpu.memory_space<vmem_shared>>, %arg11: memref<!tpu.dma_semaphore, #tpu.memory_space<semaphore_mem>>) attributes {dimension_semantics = [#tpu.dimension_semantics<core_parallel>, #tpu.dimension_semantics<subcore_parallel>], iteration_bounds = array<i64: 2, 16>, scalar_prefetch = 0 : i64, scratch_operands = 6 : i64, tpu.core_type = #tpu.core_type<sc_vector_subcore>, window_params = [{transform_indices = #map}, {transform_indices = #map}, {transform_indices = #map}, {transform_indices = #map}]} {
    %broadcast_in_dim3A = arith.constant 0.000000e+00 : f32
    %broadcast_in_dim3A_0 = vector.broadcast %broadcast_in_dim3A : f32 to vector<16xf32>
    %scan3A = arith.constant 0 : i32
    %scan3A_1 = arith.constant 16 : i32
    %scan3A_2 = arith.addi %scan3A, %scan3A_1 : i32
    %scan3A_3 = arith.constant 1 : i32
    scf.for %scan3A_32 = %scan3A to %scan3A_2 step %scan3A_3  : i32 {
      %mul3A_33 = arith.constant 1 : i32
      %mul3A_34 = arith.muli %scan3A_32, %mul3A_33 : i32
      %add3A = arith.constant 0 : i32
      %add3A_35 = arith.addi %add3A, %mul3A_34 : i32
      %swap3A = arith.index_cast %add3A_35 : i32 to index
      %swap3A_36 = arith.constant 0 : index
      %swap3A_37 = tpu.vector_load %arg9[%swap3A, %swap3A_36] {strides = array<i32>} : memref<16x128xf32, #tpu.memory_space<vmem>>, vector<1x16xf32>,
      %swap3A_38 = vector.shape_cast %swap3A_37 : vector<1x16xf32> to vector<16xf32>
      %swap3A_39 = vector.shape_cast %broadcast_in_dim3A_0 : vector<16xf32> to vector<1x16xf32>
      tpu.vector_store %arg9[%swap3A, %swap3A_36], %swap3A_39 {strides = array<i32>} : memref<16x128xf32, #tpu.memory_space<vmem>>, vector<1x16xf32>,
      %swap3A_40 = arith.index_cast %add3A_35 : i32 to index
      %swap3A_41 = arith.constant 16 : index
      %swap3A_42 = tpu.vector_load %arg9[%swap3A_40, %swap3A_41] {strides = array<i32>} : memref<16x128xf32, #tpu.memory_space<vmem>>, vector<1x16xf32>,
      %swap3A_43 = vector.shape_cast %swap3A_42 : vector<1x16xf32> to vector<16xf32>
      %swap3A_44 = vector.shape_cast %broadcast_in_dim3A_0 : vector<16xf32> to vector<1x16xf32>
      tpu.vector_store %arg9[%swap3A_40, %swap3A_41], %swap3A_44 {strides = array<i32>} : memref<16x128xf32, #tpu.memory_space<vmem>>, vector<1x16xf32>,
      %swap3A_45 = arith.index_cast %add3A_35 : i32 to index
      %swap3A_46 = arith.constant 32 : index
      %swap3A_47 = tpu.vector_load %arg9[%swap3A_45, %swap3A_46] {strides = array<i32>} : memref<16x128xf32, #tpu.memory_space<vmem>>, vector<1x16xf32>,
      %swap3A_48 = vector.shape_cast %swap3A_47 : vector<1x16xf32> to vector<16xf32>
      %swap3A_49 = vector.shape_cast %broadcast_in_dim3A_0 : vector<16xf32> to vector<1x16xf32>
      tpu.vector_store %arg9[%swap3A_45, %swap3A_46], %swap3A_49 {strides = array<i32>} : memref<16x128xf32, #tpu.memory_space<vmem>>, vector<1x16xf32>,
      %swap3A_50 = arith.index_cast %add3A_35 : i32 to index
      %swap3A_51 = arith.constant 48 : index
      %swap3A_52 = tpu.vector_load %arg9[%swap3A_50, %swap3A_51] {strides = array<i32>} : memref<16x128xf32, #tpu.memory_space<vmem>>, vector<1x16xf32>,
      %swap3A_53 = vector.shape_cast %swap3A_52 : vector<1x16xf32> to vector<16xf32>
      %swap3A_54 = vector.shape_cast %broadcast_in_dim3A_0 : vector<16xf32> to vector<1x16xf32>
      tpu.vector_store %arg9[%swap3A_50, %swap3A_51], %swap3A_54 {strides = array<i32>} : memref<16x128xf32, #tpu.memory_space<vmem>>, vector<1x16xf32>,
      %swap3A_55 = arith.index_cast %add3A_35 : i32 to index
      %swap3A_56 = arith.constant 64 : index
      %swap3A_57 = tpu.vector_load %arg9[%swap3A_55, %swap3A_56] {strides = array<i32>} : memref<16x128xf32, #tpu.memory_space<vmem>>, vector<1x16xf32>,
      %swap3A_58 = vector.shape_cast %swap3A_57 : vector<1x16xf32> to vector<16xf32>
      %swap3A_59 = vector.shape_cast %broadcast_in_dim3A_0 : vector<16xf32> to vector<1x16xf32>
      tpu.vector_store %arg9[%swap3A_55, %swap3A_56], %swap3A_59 {strides = array<i32>} : memref<16x128xf32, #tpu.memory_space<vmem>>, vector<1x16xf32>,
      %swap3A_60 = arith.index_cast %add3A_35 : i32 to index
      %swap3A_61 = arith.constant 80 : index
      %swap3A_62 = tpu.vector_load %arg9[%swap3A_60, %swap3A_61] {strides = array<i32>} : memref<16x128xf32, #tpu.memory_space<vmem>>, vector<1x16xf32>,
      %swap3A_63 = vector.shape_cast %swap3A_62 : vector<1x16xf32> to vector<16xf32>
      %swap3A_64 = vector.shape_cast %broadcast_in_dim3A_0 : vector<16xf32> to vector<1x16xf32>
      tpu.vector_store %arg9[%swap3A_60, %swap3A_61], %swap3A_64 {strides = array<i32>} : memref<16x128xf32, #tpu.memory_space<vmem>>, vector<1x16xf32>,
      %swap3A_65 = arith.index_cast %add3A_35 : i32 to index
      %swap3A_66 = arith.constant 96 : index
      %swap3A_67 = tpu.vector_load %arg9[%swap3A_65, %swap3A_66] {strides = array<i32>} : memref<16x128xf32, #tpu.memory_space<vmem>>, vector<1x16xf32>,
      %swap3A_68 = vector.shape_cast %swap3A_67 : vector<1x16xf32> to vector<16xf32>
      %swap3A_69 = vector.shape_cast %broadcast_in_dim3A_0 : vector<16xf32> to vector<1x16xf32>
      tpu.vector_store %arg9[%swap3A_65, %swap3A_66], %swap3A_69 {strides = array<i32>} : memref<16x128xf32, #tpu.memory_space<vmem>>, vector<1x16xf32>,
      %swap3A_70 = arith.index_cast %add3A_35 : i32 to index
      %swap3A_71 = arith.constant 112 : index
      %swap3A_72 = tpu.vector_load %arg9[%swap3A_70, %swap3A_71] {strides = array<i32>} : memref<16x128xf32, #tpu.memory_space<vmem>>, vector<1x16xf32>,
      %swap3A_73 = vector.shape_cast %swap3A_72 : vector<1x16xf32> to vector<16xf32>
      %swap3A_74 = vector.shape_cast %broadcast_in_dim3A_0 : vector<16xf32> to vector<1x16xf32>
      tpu.vector_store %arg9[%swap3A_70, %swap3A_71], %swap3A_74 {strides = array<i32>} : memref<16x128xf32, #tpu.memory_space<vmem>>, vector<1x16xf32>,
    }
    %scan3A_4 = arith.constant 16 : i32
    %mul3A = arith.constant 640 : i32
    %mul3A_5 = arith.muli %arg1, %mul3A : i32
    %scan3A_6 = arith.constant 0 : i32
    %scan3A_7 = arith.constant 40 : i32
    %scan3A_8 = arith.addi %scan3A_6, %scan3A_7 : i32
    %scan3A_9 = arith.constant 1 : i32
    scf.for %scan3A_32 = %scan3A_6 to %scan3A_8 step %scan3A_9  : i32 {
      %mul3A_33 = arith.constant 1 : i32
      %mul3A_34 = arith.muli %scan3A_32, %mul3A_33 : i32
      %add3A = arith.constant 0 : i32
      %add3A_35 = arith.addi %add3A, %mul3A_34 : i32
      %mul3A_36 = arith.constant 16 : i32
      %mul3A_37 = arith.muli %add3A_35, %mul3A_36 : i32
      %add3A_38 = arith.addi %mul3A_5, %mul3A_37 : i32
      "tpu.region"() ({
        %run_scoped3A = tpu.sem_alloc : memref<!tpu.dma_semaphore, #tpu.memory_space<semaphore_mem>>
        %dma_start3A = arith.constant 0 : i32
        %dma_start3A_39 = tpu.memref_slice %arg10[%add3A_38, %dma_start3A] : memref<10240x128xf32, #tpu.memory_space<vmem_shared>> -> memref<16x128xf32, #tpu.memory_space<vmem_shared>>
        %dma_start3A_40 = arith.constant 0 : i32
        %dma_start3A_41 = tpu.memref_slice %arg10[%add3A_38, %dma_start3A_40] : memref<10240x128xf32, #tpu.memory_space<vmem_shared>> -> memref<16x128xf32, #tpu.memory_space<vmem_shared>>
        tpu.enqueue_dma source(%arg9 : memref<16x128xf32, #tpu.memory_space<vmem>>) target(%dma_start3A_41 : memref<16x128xf32, #tpu.memory_space<vmem_shared>>) target_semaphore(%run_scoped3A : memref<!tpu.dma_semaphore, #tpu.memory_space<semaphore_mem>>)
        %dma_wait3A = arith.constant 0 : i32
        %dma_wait3A_42 = tpu.memref_slice %arg10[%add3A_38, %dma_wait3A] : memref<10240x128xf32, #tpu.memory_space<vmem_shared>> -> memref<16x128xf32, #tpu.memory_space<vmem_shared>>
        %dma_wait3A_43 = arith.constant 0 : i32
        %dma_wait3A_44 = tpu.memref_slice %arg10[%add3A_38, %dma_wait3A_43] : memref<10240x128xf32, #tpu.memory_space<vmem_shared>> -> memref<16x128xf32, #tpu.memory_space<vmem_shared>>
        tpu.wait_dma2 semaphore(%run_scoped3A : memref<!tpu.dma_semaphore, #tpu.memory_space<semaphore_mem>>) src(%arg9 : memref<16x128xf32, #tpu.memory_space<vmem>>) dst(%dma_wait3A_44 : memref<16x128xf32, #tpu.memory_space<vmem_shared>>)
        tpu.yield
      }) : () -> ()
    }
    %scan3A_10 = arith.constant 40 : i32
    "tpu.region"() ({
      %run_scoped3A = tpu.sem_alloc : memref<!tpu.dma_semaphore, #tpu.memory_space<semaphore_mem>>
      %dma_start3A = arith.constant 0 : i32
      %dma_start3A_32 = arith.constant 0 : i32
      %dma_start3A_33 = tpu.memref_slice %arg3[%arg1, %dma_start3A, %dma_start3A_32] : memref<16x80x125xi32, #tpu.memory_space<hbm>> -> memref<1x80x125xi32, #tpu.memory_space<hbm>>
      %dma_start3A_34 = tpu.memref_squeeze %dma_start3A_33 : memref<1x80x125xi32, #tpu.memory_space<hbm>> -> memref<80x125xi32, #tpu.memory_space<hbm>>
      %dma_start3A_35 = arith.constant 0 : i32
      %dma_start3A_36 = arith.constant 0 : i32
      %dma_start3A_37 = tpu.memref_slice %arg3[%arg1, %dma_start3A_35, %dma_start3A_36] : memref<16x80x125xi32, #tpu.memory_space<hbm>> -> memref<1x80x125xi32, #tpu.memory_space<hbm>>
      %dma_start3A_38 = tpu.memref_squeeze %dma_start3A_37 : memref<1x80x125xi32, #tpu.memory_space<hbm>> -> memref<80x125xi32, #tpu.memory_space<hbm>>
      tpu.enqueue_dma source(%dma_start3A_38 : memref<80x125xi32, #tpu.memory_space<hbm>>) target(%arg6 : memref<80x125xi32, #tpu.memory_space<vmem>>) target_semaphore(%run_scoped3A : memref<!tpu.dma_semaphore, #tpu.memory_space<semaphore_mem>>)
      %dma_wait3A = arith.constant 0 : i32
      %dma_wait3A_39 = arith.constant 0 : i32
      %dma_wait3A_40 = tpu.memref_slice %arg3[%arg1, %dma_wait3A, %dma_wait3A_39] : memref<16x80x125xi32, #tpu.memory_space<hbm>> -> memref<1x80x125xi32, #tpu.memory_space<hbm>>
      %dma_wait3A_41 = tpu.memref_squeeze %dma_wait3A_40 : memref<1x80x125xi32, #tpu.memory_space<hbm>> -> memref<80x125xi32, #tpu.memory_space<hbm>>
      %dma_wait3A_42 = arith.constant 0 : i32
      %dma_wait3A_43 = arith.constant 0 : i32
      %dma_wait3A_44 = tpu.memref_slice %arg3[%arg1, %dma_wait3A_42, %dma_wait3A_43] : memref<16x80x125xi32, #tpu.memory_space<hbm>> -> memref<1x80x125xi32, #tpu.memory_space<hbm>>
      %dma_wait3A_45 = tpu.memref_squeeze %dma_wait3A_44 : memref<1x80x125xi32, #tpu.memory_space<hbm>> -> memref<80x125xi32, #tpu.memory_space<hbm>>
      tpu.wait_dma2 semaphore(%run_scoped3A : memref<!tpu.dma_semaphore, #tpu.memory_space<semaphore_mem>>) src(%dma_wait3A_45 : memref<80x125xi32, #tpu.memory_space<hbm>>) dst(%arg6 : memref<80x125xi32, #tpu.memory_space<vmem>>)
      tpu.yield
    }) : () -> ()
    "tpu.region"() ({
      %run_scoped3A = tpu.sem_alloc : memref<!tpu.dma_semaphore, #tpu.memory_space<semaphore_mem>>
      %dma_start3A = arith.constant 0 : i32
      %dma_start3A_32 = arith.constant 0 : i32
      %dma_start3A_33 = tpu.memref_slice %arg4[%arg1, %dma_start3A, %dma_start3A_32] : memref<16x80x125xi32, #tpu.memory_space<hbm>> -> memref<1x80x125xi32, #tpu.memory_space<hbm>>
      %dma_start3A_34 = tpu.memref_squeeze %dma_start3A_33 : memref<1x80x125xi32, #tpu.memory_space<hbm>> -> memref<80x125xi32, #tpu.memory_space<hbm>>
      %dma_start3A_35 = arith.constant 0 : i32
      %dma_start3A_36 = arith.constant 0 : i32
      %dma_start3A_37 = tpu.memref_slice %arg4[%arg1, %dma_start3A_35, %dma_start3A_36] : memref<16x80x125xi32, #tpu.memory_space<hbm>> -> memref<1x80x125xi32, #tpu.memory_space<hbm>>
      %dma_start3A_38 = tpu.memref_squeeze %dma_start3A_37 : memref<1x80x125xi32, #tpu.memory_space<hbm>> -> memref<80x125xi32, #tpu.memory_space<hbm>>
      tpu.enqueue_dma source(%dma_start3A_38 : memref<80x125xi32, #tpu.memory_space<hbm>>) target(%arg7 : memref<80x125xi32, #tpu.memory_space<vmem>>) target_semaphore(%run_scoped3A : memref<!tpu.dma_semaphore, #tpu.memory_space<semaphore_mem>>)
      %dma_wait3A = arith.constant 0 : i32
      %dma_wait3A_39 = arith.constant 0 : i32
      %dma_wait3A_40 = tpu.memref_slice %arg4[%arg1, %dma_wait3A, %dma_wait3A_39] : memref<16x80x125xi32, #tpu.memory_space<hbm>> -> memref<1x80x125xi32, #tpu.memory_space<hbm>>
      %dma_wait3A_41 = tpu.memref_squeeze %dma_wait3A_40 : memref<1x80x125xi32, #tpu.memory_space<hbm>> -> memref<80x125xi32, #tpu.memory_space<hbm>>
      %dma_wait3A_42 = arith.constant 0 : i32
      %dma_wait3A_43 = arith.constant 0 : i32
      %dma_wait3A_44 = tpu.memref_slice %arg4[%arg1, %dma_wait3A_42, %dma_wait3A_43] : memref<16x80x125xi32, #tpu.memory_space<hbm>> -> memref<1x80x125xi32, #tpu.memory_space<hbm>>
      %dma_wait3A_45 = tpu.memref_squeeze %dma_wait3A_44 : memref<1x80x125xi32, #tpu.memory_space<hbm>> -> memref<80x125xi32, #tpu.memory_space<hbm>>
      tpu.wait_dma2 semaphore(%run_scoped3A : memref<!tpu.dma_semaphore, #tpu.memory_space<semaphore_mem>>) src(%dma_wait3A_45 : memref<80x125xi32, #tpu.memory_space<hbm>>) dst(%arg7 : memref<80x125xi32, #tpu.memory_space<vmem>>)
      tpu.yield
    }) : () -> ()
    %barrier3A = arith.constant 0 : index
    tpu.barrier barrier_id(%barrier3A)
    %eq3A = arith.constant 0 : i32
    %eq3A_11 = arith.cmpi eq, %arg0, %eq3A : i32
    %convert_element_type3A = arith.extui %eq3A_11 : i1 to i32
    %cond3A = arith.constant 0 : i32
    %cond3A_12 = arith.cmpi ne, %convert_element_type3A, %cond3A : i32
    scf.if %cond3A_12 {
      %scan3A_32 = arith.constant 0 : i32
      %scan3A_33 = arith.constant 0 : i32
      %scan3A_34 = arith.constant 80 : i32
      %scan3A_35 = arith.addi %scan3A_33, %scan3A_34 : i32
      %scan3A_36 = arith.constant 1 : i32
      scf.for %scan3A_38 = %scan3A_33 to %scan3A_35 step %scan3A_36  : i32 {
        %mul3A_39 = arith.constant 1 : i32
        %mul3A_40 = arith.muli %scan3A_38, %mul3A_39 : i32
        %add3A = arith.constant 0 : i32
        %add3A_41 = arith.addi %add3A, %mul3A_40 : i32
        %dma_start3A = arith.constant 0 : i32
        %dma_start3A_42 = tpu.memref_slice %arg6[%add3A_41, %dma_start3A] : memref<80x125xi32, #tpu.memory_space<vmem>> -> memref<1x125xi32, #tpu.memory_space<vmem>>
        %dma_start3A_43 = tpu.memref_squeeze %dma_start3A_42 : memref<1x125xi32, #tpu.memory_space<vmem>> -> memref<125xi32, #tpu.memory_space<vmem>>
        %dma_start3A_44 = arith.constant 0 : i32
        %dma_start3A_45 = arith.constant 0 : i32
        %dma_start3A_46 = tpu.memref_slice %arg2[%scan3A_32, %dma_start3A_44, %dma_start3A_45] : memref<2x10000x128xf32, #tpu.memory_space<hbm>> -> memref<1x10000x128xf32, #tpu.memory_space<hbm>>
        %dma_start3A_47 = tpu.memref_squeeze %dma_start3A_46 : memref<1x10000x128xf32, #tpu.memory_space<hbm>> -> memref<10000x128xf32, #tpu.memory_space<hbm>>
        %dma_start3A_48 = arith.constant 0 : i32
        %dma_start3A_49 = arith.constant 0 : i32
        %dma_start3A_50 = tpu.memref_slice %dma_start3A_47[%dma_start3A_48, %dma_start3A_49] : memref<10000x128xf32, #tpu.memory_space<hbm>> -> memref<10000x128xf32, #tpu.memory_space<hbm>>
        tpu.enqueue_indirect_dma source(%dma_start3A_50 : memref<10000x128xf32, #tpu.memory_space<hbm>>) target(%arg8 : memref<125x128xf32, #tpu.memory_space<vmem>>) offsets(%dma_start3A_43 : memref<125xi32, #tpu.memory_space<vmem>>) semaphore(%arg11 : memref<!tpu.dma_semaphore, #tpu.memory_space<semaphore_mem>>)
        %dma_wait3A = arith.constant 0 : i32
        %dma_wait3A_51 = tpu.memref_slice %arg6[%add3A_41, %dma_wait3A] : memref<80x125xi32, #tpu.memory_space<vmem>> -> memref<1x125xi32, #tpu.memory_space<vmem>>
        %dma_wait3A_52 = tpu.memref_squeeze %dma_wait3A_51 : memref<1x125xi32, #tpu.memory_space<vmem>> -> memref<125xi32, #tpu.memory_space<vmem>>
        %dma_wait3A_53 = arith.constant 0 : i32
        %dma_wait3A_54 = arith.constant 0 : i32
        %dma_wait3A_55 = tpu.memref_slice %arg2[%scan3A_32, %dma_wait3A_53, %dma_wait3A_54] : memref<2x10000x128xf32, #tpu.memory_space<hbm>> -> memref<1x10000x128xf32, #tpu.memory_space<hbm>>
        %dma_wait3A_56 = tpu.memref_squeeze %dma_wait3A_55 : memref<1x10000x128xf32, #tpu.memory_space<hbm>> -> memref<10000x128xf32, #tpu.memory_space<hbm>>
        %dma_wait3A_57 = arith.constant 0 : i32
        %dma_wait3A_58 = arith.constant 0 : i32
        %dma_wait3A_59 = tpu.memref_slice %dma_wait3A_56[%dma_wait3A_57, %dma_wait3A_58] : memref<10000x128xf32, #tpu.memory_space<hbm>> -> memref<10000x128xf32, #tpu.memory_space<hbm>>
        tpu.wait_indirect_dma semaphore(%arg11 : memref<!tpu.dma_semaphore, #tpu.memory_space<semaphore_mem>>) src(%dma_wait3A_59 : memref<10000x128xf32, #tpu.memory_space<hbm>>) dst(%arg8 : memref<125x128xf32, #tpu.memory_space<vmem>>)
        "tpu.region"() ({
          %run_scoped3A = tpu.sem_alloc : memref<!tpu.dma_semaphore, #tpu.memory_space<semaphore_mem>>
          %dma_start3A_60 = arith.constant 0 : i32
          %dma_start3A_61 = tpu.memref_slice %arg7[%add3A_41, %dma_start3A_60] : memref<80x125xi32, #tpu.memory_space<vmem>> -> memref<1x125xi32, #tpu.memory_space<vmem>>
          %dma_start3A_62 = tpu.memref_squeeze %dma_start3A_61 : memref<1x125xi32, #tpu.memory_space<vmem>> -> memref<125xi32, #tpu.memory_space<vmem>>
          %dma_start3A_63 = arith.constant 0 : i32
          %dma_start3A_64 = arith.constant 0 : i32
          %dma_start3A_65 = tpu.memref_slice %arg10[%dma_start3A_63, %dma_start3A_64] : memref<10240x128xf32, #tpu.memory_space<vmem_shared>> -> memref<10240x128xf32, #tpu.memory_space<vmem_shared>>
          tpu.enqueue_indirect_dma source(%arg8 : memref<125x128xf32, #tpu.memory_space<vmem>>) target(%dma_start3A_65 : memref<10240x128xf32, #tpu.memory_space<vmem_shared>>) offsets(%dma_start3A_62 : memref<125xi32, #tpu.memory_space<vmem>>) semaphore(%run_scoped3A : memref<!tpu.dma_semaphore, #tpu.memory_space<semaphore_mem>>) {add = true}
          %dma_wait3A_66 = arith.constant 0 : i32
          %dma_wait3A_67 = tpu.memref_slice %arg7[%add3A_41, %dma_wait3A_66] : memref<80x125xi32, #tpu.memory_space<vmem>> -> memref<1x125xi32, #tpu.memory_space<vmem>>
          %dma_wait3A_68 = tpu.memref_squeeze %dma_wait3A_67 : memref<1x125xi32, #tpu.memory_space<vmem>> -> memref<125xi32, #tpu.memory_space<vmem>>
          %dma_wait3A_69 = arith.constant 0 : i32
          %dma_wait3A_70 = arith.constant 0 : i32
          %dma_wait3A_71 = tpu.memref_slice %arg10[%dma_wait3A_69, %dma_wait3A_70] : memref<10240x128xf32, #tpu.memory_space<vmem_shared>> -> memref<10240x128xf32, #tpu.memory_space<vmem_shared>>
          tpu.wait_indirect_dma semaphore(%run_scoped3A : memref<!tpu.dma_semaphore, #tpu.memory_space<semaphore_mem>>) src(%arg8 : memref<125x128xf32, #tpu.memory_space<vmem>>) dst(%dma_wait3A_71 : memref<10240x128xf32, #tpu.memory_space<vmem_shared>>)
          tpu.yield
        }) : () -> ()
      }
      %scan3A_37 = arith.constant 80 : i32
    } else {
    }
    %eq3A_13 = arith.constant 1 : i32
    %eq3A_14 = arith.cmpi eq, %arg0, %eq3A_13 : i32
    %convert_element_type3A_15 = arith.extui %eq3A_14 : i1 to i32
    %cond3A_16 = arith.constant 0 : i32
    %cond3A_17 = arith.cmpi ne, %convert_element_type3A_15, %cond3A_16 : i32
    scf.if %cond3A_17 {
      %scan3A_32 = arith.constant 1 : i32
      %scan3A_33 = arith.constant 0 : i32
      %scan3A_34 = arith.constant 80 : i32
      %scan3A_35 = arith.addi %scan3A_33, %scan3A_34 : i32
      %scan3A_36 = arith.constant 1 : i32
      scf.for %scan3A_38 = %scan3A_33 to %scan3A_35 step %scan3A_36  : i32 {
        %mul3A_39 = arith.constant 1 : i32
        %mul3A_40 = arith.muli %scan3A_38, %mul3A_39 : i32
        %add3A = arith.constant 0 : i32
        %add3A_41 = arith.addi %add3A, %mul3A_40 : i32
        %dma_start3A = arith.constant 0 : i32
        %dma_start3A_42 = tpu.memref_slice %arg6[%add3A_41, %dma_start3A] : memref<80x125xi32, #tpu.memory_space<vmem>> -> memref<1x125xi32, #tpu.memory_space<vmem>>
        %dma_start3A_43 = tpu.memref_squeeze %dma_start3A_42 : memref<1x125xi32, #tpu.memory_space<vmem>> -> memref<125xi32, #tpu.memory_space<vmem>>
        %dma_start3A_44 = arith.constant 0 : i32
        %dma_start3A_45 = arith.constant 0 : i32
        %dma_start3A_46 = tpu.memref_slice %arg2[%scan3A_32, %dma_start3A_44, %dma_start3A_45] : memref<2x10000x128xf32, #tpu.memory_space<hbm>> -> memref<1x10000x128xf32, #tpu.memory_space<hbm>>
        %dma_start3A_47 = tpu.memref_squeeze %dma_start3A_46 : memref<1x10000x128xf32, #tpu.memory_space<hbm>> -> memref<10000x128xf32, #tpu.memory_space<hbm>>
        %dma_start3A_48 = arith.constant 0 : i32
        %dma_start3A_49 = arith.constant 0 : i32
        %dma_start3A_50 = tpu.memref_slice %dma_start3A_47[%dma_start3A_48, %dma_start3A_49] : memref<10000x128xf32, #tpu.memory_space<hbm>> -> memref<10000x128xf32, #tpu.memory_space<hbm>>
        tpu.enqueue_indirect_dma source(%dma_start3A_50 : memref<10000x128xf32, #tpu.memory_space<hbm>>) target(%arg8 : memref<125x128xf32, #tpu.memory_space<vmem>>) offsets(%dma_start3A_43 : memref<125xi32, #tpu.memory_space<vmem>>) semaphore(%arg11 : memref<!tpu.dma_semaphore, #tpu.memory_space<semaphore_mem>>)
        %dma_wait3A = arith.constant 0 : i32
        %dma_wait3A_51 = tpu.memref_slice %arg6[%add3A_41, %dma_wait3A] : memref<80x125xi32, #tpu.memory_space<vmem>> -> memref<1x125xi32, #tpu.memory_space<vmem>>
        %dma_wait3A_52 = tpu.memref_squeeze %dma_wait3A_51 : memref<1x125xi32, #tpu.memory_space<vmem>> -> memref<125xi32, #tpu.memory_space<vmem>>
        %dma_wait3A_53 = arith.constant 0 : i32
        %dma_wait3A_54 = arith.constant 0 : i32
        %dma_wait3A_55 = tpu.memref_slice %arg2[%scan3A_32, %dma_wait3A_53, %dma_wait3A_54] : memref<2x10000x128xf32, #tpu.memory_space<hbm>> -> memref<1x10000x128xf32, #tpu.memory_space<hbm>>
        %dma_wait3A_56 = tpu.memref_squeeze %dma_wait3A_55 : memref<1x10000x128xf32, #tpu.memory_space<hbm>> -> memref<10000x128xf32, #tpu.memory_space<hbm>>
        %dma_wait3A_57 = arith.constant 0 : i32
        %dma_wait3A_58 = arith.constant 0 : i32
        %dma_wait3A_59 = tpu.memref_slice %dma_wait3A_56[%dma_wait3A_57, %dma_wait3A_58] : memref<10000x128xf32, #tpu.memory_space<hbm>> -> memref<10000x128xf32, #tpu.memory_space<hbm>>
        tpu.wait_indirect_dma semaphore(%arg11 : memref<!tpu.dma_semaphore, #tpu.memory_space<semaphore_mem>>) src(%dma_wait3A_59 : memref<10000x128xf32, #tpu.memory_space<hbm>>) dst(%arg8 : memref<125x128xf32, #tpu.memory_space<vmem>>)
        "tpu.region"() ({
          %run_scoped3A = tpu.sem_alloc : memref<!tpu.dma_semaphore, #tpu.memory_space<semaphore_mem>>
          %dma_start3A_60 = arith.constant 0 : i32
          %dma_start3A_61 = tpu.memref_slice %arg7[%add3A_41, %dma_start3A_60] : memref<80x125xi32, #tpu.memory_space<vmem>> -> memref<1x125xi32, #tpu.memory_space<vmem>>
          %dma_start3A_62 = tpu.memref_squeeze %dma_start3A_61 : memref<1x125xi32, #tpu.memory_space<vmem>> -> memref<125xi32, #tpu.memory_space<vmem>>
          %dma_start3A_63 = arith.constant 0 : i32
          %dma_start3A_64 = arith.constant 0 : i32
          %dma_start3A_65 = tpu.memref_slice %arg10[%dma_start3A_63, %dma_start3A_64] : memref<10240x128xf32, #tpu.memory_space<vmem_shared>> -> memref<10240x128xf32, #tpu.memory_space<vmem_shared>>
          tpu.enqueue_indirect_dma source(%arg8 : memref<125x128xf32, #tpu.memory_space<vmem>>) target(%dma_start3A_65 : memref<10240x128xf32, #tpu.memory_space<vmem_shared>>) offsets(%dma_start3A_62 : memref<125xi32, #tpu.memory_space<vmem>>) semaphore(%run_scoped3A : memref<!tpu.dma_semaphore, #tpu.memory_space<semaphore_mem>>) {add = true}
          %dma_wait3A_66 = arith.constant 0 : i32
          %dma_wait3A_67 = tpu.memref_slice %arg7[%add3A_41, %dma_wait3A_66] : memref<80x125xi32, #tpu.memory_space<vmem>> -> memref<1x125xi32, #tpu.memory_space<vmem>>
          %dma_wait3A_68 = tpu.memref_squeeze %dma_wait3A_67 : memref<1x125xi32, #tpu.memory_space<vmem>> -> memref<125xi32, #tpu.memory_space<vmem>>
          %dma_wait3A_69 = arith.constant 0 : i32
          %dma_wait3A_70 = arith.constant 0 : i32
          %dma_wait3A_71 = tpu.memref_slice %arg10[%dma_wait3A_69, %dma_wait3A_70] : memref<10240x128xf32, #tpu.memory_space<vmem_shared>> -> memref<10240x128xf32, #tpu.memory_space<vmem_shared>>
          tpu.wait_indirect_dma semaphore(%run_scoped3A : memref<!tpu.dma_semaphore, #tpu.memory_space<semaphore_mem>>) src(%arg8 : memref<125x128xf32, #tpu.memory_space<vmem>>) dst(%dma_wait3A_71 : memref<10240x128xf32, #tpu.memory_space<vmem_shared>>)
          tpu.yield
        }) : () -> ()
      }
      %scan3A_37 = arith.constant 80 : i32
    } else {
    }
    %barrier3A_18 = arith.constant 0 : index
    tpu.barrier barrier_id(%barrier3A_18)
    %eq3A_19 = arith.constant 15 : i32
    %eq3A_20 = arith.cmpi eq, %arg1, %eq3A_19 : i32
    %jit3A = arith.constant 25 : i32
    %jit3A_21 = arith.constant 40 : i32
    %select_n3A = arith.select %eq3A_20, %jit3A, %jit3A_21 : i32
    %eq3A_22 = arith.constant 0 : i32
    %eq3A_23 = arith.cmpi eq, %arg0, %eq3A_22 : i32
    %convert_element_type3A_24 = arith.extui %eq3A_23 : i1 to i32
    %cond3A_25 = arith.constant 0 : i32
    %cond3A_26 = arith.cmpi ne, %convert_element_type3A_24, %cond3A_25 : i32
    scf.if %cond3A_26 {
      %sub3A = arith.constant 0 : i32
      %sub3A_32 = arith.subi %select_n3A, %sub3A : i32
      %sub3A_33 = arith.constant 1 : i32
      %sub3A_34 = arith.constant 1 : i32
      %sub3A_35 = arith.subi %sub3A_33, %sub3A_34 : i32
      %add3A = arith.addi %sub3A_32, %sub3A_35 : i32
      %div3A = arith.constant 1 : i32
      %div3A_36 = arith.divsi %add3A, %div3A : i32
      %while3A = arith.constant 1 : i32
      %while3A_37 = arith.constant 0 : i32
      %while3A_38 = arith.constant 0 : i32
      %while3A_39 = arith.constant 0 : i32
      %while3A_40 = arith.subi %div3A_36, %while3A_39 : i32
      %while3A_41 = arith.addi %while3A_39, %while3A_40 : i32
      %while3A_42 = arith.constant 1 : i32
      %while3A_43 = arith.divsi %while3A_40, %while3A_42 : i32
      %while3A_44 = arith.muli %while3A_43, %while3A_42 : i32
      %while3A_45 = arith.addi %while3A_39, %while3A_44 : i32
      %while3A_46 = arith.constant 1 : i32
      scf.for %while3A_48 = %while3A_39 to %while3A_45 step %while3A_46  : i32 {
        %mul3A_49 = arith.muli %while3A_48, %while3A : i32
        %add3A_50 = arith.addi %while3A_37, %mul3A_49 : i32
        %mul3A_51 = arith.constant 16 : i32
        %mul3A_52 = arith.muli %add3A_50, %mul3A_51 : i32
        %add3A_53 = arith.addi %mul3A_5, %mul3A_52 : i32
        "tpu.region"() ({
          %run_scoped3A = tpu.sem_alloc : memref<!tpu.dma_semaphore, #tpu.memory_space<semaphore_mem>>
          %dma_start3A = arith.constant 0 : i32
          %dma_start3A_54 = arith.constant 0 : i32
          %dma_start3A_55 = tpu.memref_slice %arg5[%while3A_38, %dma_start3A, %dma_start3A_54] : memref<2x10000x128xf32, #tpu.memory_space<hbm>> -> memref<1x10000x128xf32, #tpu.memory_space<hbm>>
          %dma_start3A_56 = tpu.memref_squeeze %dma_start3A_55 : memref<1x10000x128xf32, #tpu.memory_space<hbm>> -> memref<10000x128xf32, #tpu.memory_space<hbm>>
          %dma_start3A_57 = arith.constant 0 : i32
          %dma_start3A_58 = tpu.memref_slice %dma_start3A_56[%add3A_53, %dma_start3A_57] : memref<10000x128xf32, #tpu.memory_space<hbm>> -> memref<16x128xf32, #tpu.memory_space<hbm>>
          %dma_start3A_59 = arith.constant 0 : i32
          %dma_start3A_60 = tpu.memref_slice %arg10[%add3A_53, %dma_start3A_59] : memref<10240x128xf32, #tpu.memory_space<vmem_shared>> -> memref<16x128xf32, #tpu.memory_space<vmem_shared>>
          tpu.enqueue_dma source(%dma_start3A_60 : memref<16x128xf32, #tpu.memory_space<vmem_shared>>) target(%dma_start3A_58 : memref<16x128xf32, #tpu.memory_space<hbm>>) target_semaphore(%run_scoped3A : memref<!tpu.dma_semaphore, #tpu.memory_space<semaphore_mem>>)
          %dma_wait3A = arith.constant 0 : i32
          %dma_wait3A_61 = arith.constant 0 : i32
          %dma_wait3A_62 = tpu.memref_slice %arg5[%while3A_38, %dma_wait3A, %dma_wait3A_61] : memref<2x10000x128xf32, #tpu.memory_space<hbm>> -> memref<1x10000x128xf32, #tpu.memory_space<hbm>>
          %dma_wait3A_63 = tpu.memref_squeeze %dma_wait3A_62 : memref<1x10000x128xf32, #tpu.memory_space<hbm>> -> memref<10000x128xf32, #tpu.memory_space<hbm>>
          %dma_wait3A_64 = arith.constant 0 : i32
          %dma_wait3A_65 = tpu.memref_slice %dma_wait3A_63[%add3A_53, %dma_wait3A_64] : memref<10000x128xf32, #tpu.memory_space<hbm>> -> memref<16x128xf32, #tpu.memory_space<hbm>>
          %dma_wait3A_66 = arith.constant 0 : i32
          %dma_wait3A_67 = tpu.memref_slice %arg10[%add3A_53, %dma_wait3A_66] : memref<10240x128xf32, #tpu.memory_space<vmem_shared>> -> memref<16x128xf32, #tpu.memory_space<vmem_shared>>
          tpu.wait_dma2 semaphore(%run_scoped3A : memref<!tpu.dma_semaphore, #tpu.memory_space<semaphore_mem>>) src(%dma_wait3A_67 : memref<16x128xf32, #tpu.memory_space<vmem_shared>>) dst(%dma_wait3A_65 : memref<16x128xf32, #tpu.memory_space<hbm>>)
          tpu.yield
        }) : () -> ()
      }
      %while3A_47 = arith.constant 1 : i32
      scf.for %while3A_48 = %while3A_45 to %while3A_41 step %while3A_47  : i32 {
        %mul3A_49 = arith.muli %while3A_48, %while3A : i32
        %add3A_50 = arith.addi %while3A_37, %mul3A_49 : i32
        %mul3A_51 = arith.constant 16 : i32
        %mul3A_52 = arith.muli %add3A_50, %mul3A_51 : i32
        %add3A_53 = arith.addi %mul3A_5, %mul3A_52 : i32
        "tpu.region"() ({
          %run_scoped3A = tpu.sem_alloc : memref<!tpu.dma_semaphore, #tpu.memory_space<semaphore_mem>>
          %dma_start3A = arith.constant 0 : i32
          %dma_start3A_54 = arith.constant 0 : i32
          %dma_start3A_55 = tpu.memref_slice %arg5[%while3A_38, %dma_start3A, %dma_start3A_54] : memref<2x10000x128xf32, #tpu.memory_space<hbm>> -> memref<1x10000x128xf32, #tpu.memory_space<hbm>>
          %dma_start3A_56 = tpu.memref_squeeze %dma_start3A_55 : memref<1x10000x128xf32, #tpu.memory_space<hbm>> -> memref<10000x128xf32, #tpu.memory_space<hbm>>
          %dma_start3A_57 = arith.constant 0 : i32
          %dma_start3A_58 = tpu.memref_slice %dma_start3A_56[%add3A_53, %dma_start3A_57] : memref<10000x128xf32, #tpu.memory_space<hbm>> -> memref<16x128xf32, #tpu.memory_space<hbm>>
          %dma_start3A_59 = arith.constant 0 : i32
          %dma_start3A_60 = tpu.memref_slice %arg10[%add3A_53, %dma_start3A_59] : memref<10240x128xf32, #tpu.memory_space<vmem_shared>> -> memref<16x128xf32, #tpu.memory_space<vmem_shared>>
          tpu.enqueue_dma source(%dma_start3A_60 : memref<16x128xf32, #tpu.memory_space<vmem_shared>>) target(%dma_start3A_58 : memref<16x128xf32, #tpu.memory_space<hbm>>) target_semaphore(%run_scoped3A : memref<!tpu.dma_semaphore, #tpu.memory_space<semaphore_mem>>)
          %dma_wait3A = arith.constant 0 : i32
          %dma_wait3A_61 = arith.constant 0 : i32
          %dma_wait3A_62 = tpu.memref_slice %arg5[%while3A_38, %dma_wait3A, %dma_wait3A_61] : memref<2x10000x128xf32, #tpu.memory_space<hbm>> -> memref<1x10000x128xf32, #tpu.memory_space<hbm>>
          %dma_wait3A_63 = tpu.memref_squeeze %dma_wait3A_62 : memref<1x10000x128xf32, #tpu.memory_space<hbm>> -> memref<10000x128xf32, #tpu.memory_space<hbm>>
          %dma_wait3A_64 = arith.constant 0 : i32
          %dma_wait3A_65 = tpu.memref_slice %dma_wait3A_63[%add3A_53, %dma_wait3A_64] : memref<10000x128xf32, #tpu.memory_space<hbm>> -> memref<16x128xf32, #tpu.memory_space<hbm>>
          %dma_wait3A_66 = arith.constant 0 : i32
          %dma_wait3A_67 = tpu.memref_slice %arg10[%add3A_53, %dma_wait3A_66] : memref<10240x128xf32, #tpu.memory_space<vmem_shared>> -> memref<16x128xf32, #tpu.memory_space<vmem_shared>>
          tpu.wait_dma2 semaphore(%run_scoped3A : memref<!tpu.dma_semaphore, #tpu.memory_space<semaphore_mem>>) src(%dma_wait3A_67 : memref<16x128xf32, #tpu.memory_space<vmem_shared>>) dst(%dma_wait3A_65 : memref<16x128xf32, #tpu.memory_space<hbm>>)
          tpu.yield
        }) : () -> ()
      }
    } else {
    }
    %eq3A_27 = arith.constant 1 : i32
    %eq3A_28 = arith.cmpi eq, %arg0, %eq3A_27 : i32
    %convert_element_type3A_29 = arith.extui %eq3A_28 : i1 to i32
    %cond3A_30 = arith.constant 0 : i32
    %cond3A_31 = arith.cmpi ne, %convert_element_type3A_29, %cond3A_30 : i32
    scf.if %cond3A_31 {
      %sub3A = arith.constant 0 : i32
      %sub3A_32 = arith.subi %select_n3A, %sub3A : i32
      %sub3A_33 = arith.constant 1 : i32
      %sub3A_34 = arith.constant 1 : i32
      %sub3A_35 = arith.subi %sub3A_33, %sub3A_34 : i32
      %add3A = arith.addi %sub3A_32, %sub3A_35 : i32
      %div3A = arith.constant 1 : i32
      %div3A_36 = arith.divsi %add3A, %div3A : i32
      %while3A = arith.constant 1 : i32
      %while3A_37 = arith.constant 0 : i32
      %while3A_38 = arith.constant 1 : i32
      %while3A_39 = arith.constant 0 : i32
      %while3A_40 = arith.subi %div3A_36, %while3A_39 : i32
      %while3A_41 = arith.addi %while3A_39, %while3A_40 : i32
      %while3A_42 = arith.constant 1 : i32
      %while3A_43 = arith.divsi %while3A_40, %while3A_42 : i32
      %while3A_44 = arith.muli %while3A_43, %while3A_42 : i32
      %while3A_45 = arith.addi %while3A_39, %while3A_44 : i32
      %while3A_46 = arith.constant 1 : i32
      scf.for %while3A_48 = %while3A_39 to %while3A_45 step %while3A_46  : i32 {
        %mul3A_49 = arith.muli %while3A_48, %while3A : i32
        %add3A_50 = arith.addi %while3A_37, %mul3A_49 : i32
        %mul3A_51 = arith.constant 16 : i32
        %mul3A_52 = arith.muli %add3A_50, %mul3A_51 : i32
        %add3A_53 = arith.addi %mul3A_5, %mul3A_52 : i32
        "tpu.region"() ({
          %run_scoped3A = tpu.sem_alloc : memref<!tpu.dma_semaphore, #tpu.memory_space<semaphore_mem>>
          %dma_start3A = arith.constant 0 : i32
          %dma_start3A_54 = arith.constant 0 : i32
          %dma_start3A_55 = tpu.memref_slice %arg5[%while3A_38, %dma_start3A, %dma_start3A_54] : memref<2x10000x128xf32, #tpu.memory_space<hbm>> -> memref<1x10000x128xf32, #tpu.memory_space<hbm>>
          %dma_start3A_56 = tpu.memref_squeeze %dma_start3A_55 : memref<1x10000x128xf32, #tpu.memory_space<hbm>> -> memref<10000x128xf32, #tpu.memory_space<hbm>>
          %dma_start3A_57 = arith.constant 0 : i32
          %dma_start3A_58 = tpu.memref_slice %dma_start3A_56[%add3A_53, %dma_start3A_57] : memref<10000x128xf32, #tpu.memory_space<hbm>> -> memref<16x128xf32, #tpu.memory_space<hbm>>
          %dma_start3A_59 = arith.constant 0 : i32
          %dma_start3A_60 = tpu.memref_slice %arg10[%add3A_53, %dma_start3A_59] : memref<10240x128xf32, #tpu.memory_space<vmem_shared>> -> memref<16x128xf32, #tpu.memory_space<vmem_shared>>
          tpu.enqueue_dma source(%dma_start3A_60 : memref<16x128xf32, #tpu.memory_space<vmem_shared>>) target(%dma_start3A_58 : memref<16x128xf32, #tpu.memory_space<hbm>>) target_semaphore(%run_scoped3A : memref<!tpu.dma_semaphore, #tpu.memory_space<semaphore_mem>>)
          %dma_wait3A = arith.constant 0 : i32
          %dma_wait3A_61 = arith.constant 0 : i32
          %dma_wait3A_62 = tpu.memref_slice %arg5[%while3A_38, %dma_wait3A, %dma_wait3A_61] : memref<2x10000x128xf32, #tpu.memory_space<hbm>> -> memref<1x10000x128xf32, #tpu.memory_space<hbm>>
          %dma_wait3A_63 = tpu.memref_squeeze %dma_wait3A_62 : memref<1x10000x128xf32, #tpu.memory_space<hbm>> -> memref<10000x128xf32, #tpu.memory_space<hbm>>
          %dma_wait3A_64 = arith.constant 0 : i32
          %dma_wait3A_65 = tpu.memref_slice %dma_wait3A_63[%add3A_53, %dma_wait3A_64] : memref<10000x128xf32, #tpu.memory_space<hbm>> -> memref<16x128xf32, #tpu.memory_space<hbm>>
          %dma_wait3A_66 = arith.constant 0 : i32
          %dma_wait3A_67 = tpu.memref_slice %arg10[%add3A_53, %dma_wait3A_66] : memref<10240x128xf32, #tpu.memory_space<vmem_shared>> -> memref<16x128xf32, #tpu.memory_space<vmem_shared>>
          tpu.wait_dma2 semaphore(%run_scoped3A : memref<!tpu.dma_semaphore, #tpu.memory_space<semaphore_mem>>) src(%dma_wait3A_67 : memref<16x128xf32, #tpu.memory_space<vmem_shared>>) dst(%dma_wait3A_65 : memref<16x128xf32, #tpu.memory_space<hbm>>)
          tpu.yield
        }) : () -> ()
      }
      %while3A_47 = arith.constant 1 : i32
      scf.for %while3A_48 = %while3A_45 to %while3A_41 step %while3A_47  : i32 {
        %mul3A_49 = arith.muli %while3A_48, %while3A : i32
        %add3A_50 = arith.addi %while3A_37, %mul3A_49 : i32
        %mul3A_51 = arith.constant 16 : i32
        %mul3A_52 = arith.muli %add3A_50, %mul3A_51 : i32
        %add3A_53 = arith.addi %mul3A_5, %mul3A_52 : i32
        "tpu.region"() ({
          %run_scoped3A = tpu.sem_alloc : memref<!tpu.dma_semaphore, #tpu.memory_space<semaphore_mem>>
          %dma_start3A = arith.constant 0 : i32
          %dma_start3A_54 = arith.constant 0 : i32
          %dma_start3A_55 = tpu.memref_slice %arg5[%while3A_38, %dma_start3A, %dma_start3A_54] : memref<2x10000x128xf32, #tpu.memory_space<hbm>> -> memref<1x10000x128xf32, #tpu.memory_space<hbm>>
          %dma_start3A_56 = tpu.memref_squeeze %dma_start3A_55 : memref<1x10000x128xf32, #tpu.memory_space<hbm>> -> memref<10000x128xf32, #tpu.memory_space<hbm>>
          %dma_start3A_57 = arith.constant 0 : i32
          %dma_start3A_58 = tpu.memref_slice %dma_start3A_56[%add3A_53, %dma_start3A_57] : memref<10000x128xf32, #tpu.memory_space<hbm>> -> memref<16x128xf32, #tpu.memory_space<hbm>>
          %dma_start3A_59 = arith.constant 0 : i32
          %dma_start3A_60 = tpu.memref_slice %arg10[%add3A_53, %dma_start3A_59] : memref<10240x128xf32, #tpu.memory_space<vmem_shared>> -> memref<16x128xf32, #tpu.memory_space<vmem_shared>>
          tpu.enqueue_dma source(%dma_start3A_60 : memref<16x128xf32, #tpu.memory_space<vmem_shared>>) target(%dma_start3A_58 : memref<16x128xf32, #tpu.memory_space<hbm>>) target_semaphore(%run_scoped3A : memref<!tpu.dma_semaphore, #tpu.memory_space<semaphore_mem>>)
          %dma_wait3A = arith.constant 0 : i32
          %dma_wait3A_61 = arith.constant 0 : i32
          %dma_wait3A_62 = tpu.memref_slice %arg5[%while3A_38, %dma_wait3A, %dma_wait3A_61] : memref<2x10000x128xf32, #tpu.memory_space<hbm>> -> memref<1x10000x128xf32, #tpu.memory_space<hbm>>
          %dma_wait3A_63 = tpu.memref_squeeze %dma_wait3A_62 : memref<1x10000x128xf32, #tpu.memory_space<hbm>> -> memref<10000x128xf32, #tpu.memory_space<hbm>>
          %dma_wait3A_64 = arith.constant 0 : i32
          %dma_wait3A_65 = tpu.memref_slice %dma_wait3A_63[%add3A_53, %dma_wait3A_64] : memref<10000x128xf32, #tpu.memory_space<hbm>> -> memref<16x128xf32, #tpu.memory_space<hbm>>
          %dma_wait3A_66 = arith.constant 0 : i32
          %dma_wait3A_67 = tpu.memref_slice %arg10[%add3A_53, %dma_wait3A_66] : memref<10240x128xf32, #tpu.memory_space<vmem_shared>> -> memref<16x128xf32, #tpu.memory_space<vmem_shared>>
          tpu.wait_dma2 semaphore(%run_scoped3A : memref<!tpu.dma_semaphore, #tpu.memory_space<semaphore_mem>>) src(%dma_wait3A_67 : memref<16x128xf32, #tpu.memory_space<vmem_shared>>) dst(%dma_wait3A_65 : memref<16x128xf32, #tpu.memory_space<hbm>>)
          tpu.yield
        }) : () -> ()
      }
    } else {
    }
    return
  }
}

#map = affine_map<(d0, d1) -> (0, 0, 0)>
#map1 = affine_map<(d0, d1) -> (0, 0)>
module attributes {stable_mosaic.version = 14 : i64} {
  func.func @_counts_body(%arg0: i32, %arg1: i32, %arg2: memref<16x80x125xi32, #tpu.memory_space<hbm>>, %arg3: memref<16x80x125xi32, #tpu.memory_space<hbm>>, %arg4: memref<16x80x125xi32, #tpu.memory_space<hbm>>, %arg5: memref<10240x128xf32, #tpu.memory_space<hbm>>, %arg6: memref<10240x128xf32, #tpu.memory_space<hbm>>, %arg7: memref<10240x128xf32, #tpu.memory_space<hbm>>, %arg8: memref<80x125xi32, #tpu.memory_space<vmem>>, %arg9: memref<125x128xf32, #tpu.memory_space<vmem>>, %arg10: memref<16x128xf32, #tpu.memory_space<vmem>>, %arg11: memref<10240x128xf32, #tpu.memory_space<vmem_shared>>, %arg12: memref<!tpu.dma_semaphore, #tpu.memory_space<semaphore_mem>>) attributes {dimension_semantics = [#tpu.dimension_semantics<core_parallel>, #tpu.dimension_semantics<subcore_parallel>], iteration_bounds = array<i64: 2, 16>, scalar_prefetch = 0 : i64, scratch_operands = 5 : i64, tpu.core_type = #tpu.core_type<sc_vector_subcore>, window_params = [{transform_indices = #map}, {transform_indices = #map}, {transform_indices = #map}, {transform_indices = #map1}, {transform_indices = #map1}, {transform_indices = #map1}]} {
    %broadcast_in_dim3A = arith.constant 1.000000e+00 : f32
    %broadcast_in_dim3A_0 = vector.broadcast %broadcast_in_dim3A : f32 to vector<16xf32>
    %scan3A = arith.constant 0 : i32
    %scan3A_1 = arith.constant 125 : i32
    %scan3A_2 = arith.addi %scan3A, %scan3A_1 : i32
    %scan3A_3 = arith.constant 1 : i32
    scf.for %scan3A_53 = %scan3A to %scan3A_2 step %scan3A_3  : i32 {
      %mul3A_54 = arith.constant 1 : i32
      %mul3A_55 = arith.muli %scan3A_53, %mul3A_54 : i32
      %add3A = arith.constant 0 : i32
      %add3A_56 = arith.addi %add3A, %mul3A_55 : i32
      %swap3A = arith.index_cast %add3A_56 : i32 to index
      %swap3A_57 = arith.constant 0 : index
      %swap3A_58 = tpu.vector_load %arg9[%swap3A, %swap3A_57] {strides = array<i32>} : memref<125x128xf32, #tpu.memory_space<vmem>>, vector<1x16xf32>,
      %swap3A_59 = vector.shape_cast %swap3A_58 : vector<1x16xf32> to vector<16xf32>
      %swap3A_60 = vector.shape_cast %broadcast_in_dim3A_0 : vector<16xf32> to vector<1x16xf32>
      tpu.vector_store %arg9[%swap3A, %swap3A_57], %swap3A_60 {strides = array<i32>} : memref<125x128xf32, #tpu.memory_space<vmem>>, vector<1x16xf32>,
      %swap3A_61 = arith.index_cast %add3A_56 : i32 to index
      %swap3A_62 = arith.constant 16 : index
      %swap3A_63 = tpu.vector_load %arg9[%swap3A_61, %swap3A_62] {strides = array<i32>} : memref<125x128xf32, #tpu.memory_space<vmem>>, vector<1x16xf32>,
      %swap3A_64 = vector.shape_cast %swap3A_63 : vector<1x16xf32> to vector<16xf32>
      %swap3A_65 = vector.shape_cast %broadcast_in_dim3A_0 : vector<16xf32> to vector<1x16xf32>
      tpu.vector_store %arg9[%swap3A_61, %swap3A_62], %swap3A_65 {strides = array<i32>} : memref<125x128xf32, #tpu.memory_space<vmem>>, vector<1x16xf32>,
      %swap3A_66 = arith.index_cast %add3A_56 : i32 to index
      %swap3A_67 = arith.constant 32 : index
      %swap3A_68 = tpu.vector_load %arg9[%swap3A_66, %swap3A_67] {strides = array<i32>} : memref<125x128xf32, #tpu.memory_space<vmem>>, vector<1x16xf32>,
      %swap3A_69 = vector.shape_cast %swap3A_68 : vector<1x16xf32> to vector<16xf32>
      %swap3A_70 = vector.shape_cast %broadcast_in_dim3A_0 : vector<16xf32> to vector<1x16xf32>
      tpu.vector_store %arg9[%swap3A_66, %swap3A_67], %swap3A_70 {strides = array<i32>} : memref<125x128xf32, #tpu.memory_space<vmem>>, vector<1x16xf32>,
      %swap3A_71 = arith.index_cast %add3A_56 : i32 to index
      %swap3A_72 = arith.constant 48 : index
      %swap3A_73 = tpu.vector_load %arg9[%swap3A_71, %swap3A_72] {strides = array<i32>} : memref<125x128xf32, #tpu.memory_space<vmem>>, vector<1x16xf32>,
      %swap3A_74 = vector.shape_cast %swap3A_73 : vector<1x16xf32> to vector<16xf32>
      %swap3A_75 = vector.shape_cast %broadcast_in_dim3A_0 : vector<16xf32> to vector<1x16xf32>
      tpu.vector_store %arg9[%swap3A_71, %swap3A_72], %swap3A_75 {strides = array<i32>} : memref<125x128xf32, #tpu.memory_space<vmem>>, vector<1x16xf32>,
      %swap3A_76 = arith.index_cast %add3A_56 : i32 to index
      %swap3A_77 = arith.constant 64 : index
      %swap3A_78 = tpu.vector_load %arg9[%swap3A_76, %swap3A_77] {strides = array<i32>} : memref<125x128xf32, #tpu.memory_space<vmem>>, vector<1x16xf32>,
      %swap3A_79 = vector.shape_cast %swap3A_78 : vector<1x16xf32> to vector<16xf32>
      %swap3A_80 = vector.shape_cast %broadcast_in_dim3A_0 : vector<16xf32> to vector<1x16xf32>
      tpu.vector_store %arg9[%swap3A_76, %swap3A_77], %swap3A_80 {strides = array<i32>} : memref<125x128xf32, #tpu.memory_space<vmem>>, vector<1x16xf32>,
      %swap3A_81 = arith.index_cast %add3A_56 : i32 to index
      %swap3A_82 = arith.constant 80 : index
      %swap3A_83 = tpu.vector_load %arg9[%swap3A_81, %swap3A_82] {strides = array<i32>} : memref<125x128xf32, #tpu.memory_space<vmem>>, vector<1x16xf32>,
      %swap3A_84 = vector.shape_cast %swap3A_83 : vector<1x16xf32> to vector<16xf32>
      %swap3A_85 = vector.shape_cast %broadcast_in_dim3A_0 : vector<16xf32> to vector<1x16xf32>
      tpu.vector_store %arg9[%swap3A_81, %swap3A_82], %swap3A_85 {strides = array<i32>} : memref<125x128xf32, #tpu.memory_space<vmem>>, vector<1x16xf32>,
      %swap3A_86 = arith.index_cast %add3A_56 : i32 to index
      %swap3A_87 = arith.constant 96 : index
      %swap3A_88 = tpu.vector_load %arg9[%swap3A_86, %swap3A_87] {strides = array<i32>} : memref<125x128xf32, #tpu.memory_space<vmem>>, vector<1x16xf32>,
      %swap3A_89 = vector.shape_cast %swap3A_88 : vector<1x16xf32> to vector<16xf32>
      %swap3A_90 = vector.shape_cast %broadcast_in_dim3A_0 : vector<16xf32> to vector<1x16xf32>
      tpu.vector_store %arg9[%swap3A_86, %swap3A_87], %swap3A_90 {strides = array<i32>} : memref<125x128xf32, #tpu.memory_space<vmem>>, vector<1x16xf32>,
      %swap3A_91 = arith.index_cast %add3A_56 : i32 to index
      %swap3A_92 = arith.constant 112 : index
      %swap3A_93 = tpu.vector_load %arg9[%swap3A_91, %swap3A_92] {strides = array<i32>} : memref<125x128xf32, #tpu.memory_space<vmem>>, vector<1x16xf32>,
      %swap3A_94 = vector.shape_cast %swap3A_93 : vector<1x16xf32> to vector<16xf32>
      %swap3A_95 = vector.shape_cast %broadcast_in_dim3A_0 : vector<16xf32> to vector<1x16xf32>
      tpu.vector_store %arg9[%swap3A_91, %swap3A_92], %swap3A_95 {strides = array<i32>} : memref<125x128xf32, #tpu.memory_space<vmem>>, vector<1x16xf32>,
    }
    %scan3A_4 = arith.constant 125 : i32
    %broadcast_in_dim3A_5 = arith.constant 0.000000e+00 : f32
    %broadcast_in_dim3A_6 = vector.broadcast %broadcast_in_dim3A_5 : f32 to vector<16xf32>
    %scan3A_7 = arith.constant 0 : i32
    %scan3A_8 = arith.constant 16 : i32
    %scan3A_9 = arith.addi %scan3A_7, %scan3A_8 : i32
    %scan3A_10 = arith.constant 1 : i32
    scf.for %scan3A_53 = %scan3A_7 to %scan3A_9 step %scan3A_10  : i32 {
      %mul3A_54 = arith.constant 1 : i32
      %mul3A_55 = arith.muli %scan3A_53, %mul3A_54 : i32
      %add3A = arith.constant 0 : i32
      %add3A_56 = arith.addi %add3A, %mul3A_55 : i32
      %swap3A = arith.index_cast %add3A_56 : i32 to index
      %swap3A_57 = arith.constant 0 : index
      %swap3A_58 = tpu.vector_load %arg10[%swap3A, %swap3A_57] {strides = array<i32>} : memref<16x128xf32, #tpu.memory_space<vmem>>, vector<1x16xf32>,
      %swap3A_59 = vector.shape_cast %swap3A_58 : vector<1x16xf32> to vector<16xf32>
      %swap3A_60 = vector.shape_cast %broadcast_in_dim3A_6 : vector<16xf32> to vector<1x16xf32>
      tpu.vector_store %arg10[%swap3A, %swap3A_57], %swap3A_60 {strides = array<i32>} : memref<16x128xf32, #tpu.memory_space<vmem>>, vector<1x16xf32>,
      %swap3A_61 = arith.index_cast %add3A_56 : i32 to index
      %swap3A_62 = arith.constant 16 : index
      %swap3A_63 = tpu.vector_load %arg10[%swap3A_61, %swap3A_62] {strides = array<i32>} : memref<16x128xf32, #tpu.memory_space<vmem>>, vector<1x16xf32>,
      %swap3A_64 = vector.shape_cast %swap3A_63 : vector<1x16xf32> to vector<16xf32>
      %swap3A_65 = vector.shape_cast %broadcast_in_dim3A_6 : vector<16xf32> to vector<1x16xf32>
      tpu.vector_store %arg10[%swap3A_61, %swap3A_62], %swap3A_65 {strides = array<i32>} : memref<16x128xf32, #tpu.memory_space<vmem>>, vector<1x16xf32>,
      %swap3A_66 = arith.index_cast %add3A_56 : i32 to index
      %swap3A_67 = arith.constant 32 : index
      %swap3A_68 = tpu.vector_load %arg10[%swap3A_66, %swap3A_67] {strides = array<i32>} : memref<16x128xf32, #tpu.memory_space<vmem>>, vector<1x16xf32>,
      %swap3A_69 = vector.shape_cast %swap3A_68 : vector<1x16xf32> to vector<16xf32>
      %swap3A_70 = vector.shape_cast %broadcast_in_dim3A_6 : vector<16xf32> to vector<1x16xf32>
      tpu.vector_store %arg10[%swap3A_66, %swap3A_67], %swap3A_70 {strides = array<i32>} : memref<16x128xf32, #tpu.memory_space<vmem>>, vector<1x16xf32>,
      %swap3A_71 = arith.index_cast %add3A_56 : i32 to index
      %swap3A_72 = arith.constant 48 : index
      %swap3A_73 = tpu.vector_load %arg10[%swap3A_71, %swap3A_72] {strides = array<i32>} : memref<16x128xf32, #tpu.memory_space<vmem>>, vector<1x16xf32>,
      %swap3A_74 = vector.shape_cast %swap3A_73 : vector<1x16xf32> to vector<16xf32>
      %swap3A_75 = vector.shape_cast %broadcast_in_dim3A_6 : vector<16xf32> to vector<1x16xf32>
      tpu.vector_store %arg10[%swap3A_71, %swap3A_72], %swap3A_75 {strides = array<i32>} : memref<16x128xf32, #tpu.memory_space<vmem>>, vector<1x16xf32>,
      %swap3A_76 = arith.index_cast %add3A_56 : i32 to index
      %swap3A_77 = arith.constant 64 : index
      %swap3A_78 = tpu.vector_load %arg10[%swap3A_76, %swap3A_77] {strides = array<i32>} : memref<16x128xf32, #tpu.memory_space<vmem>>, vector<1x16xf32>,
      %swap3A_79 = vector.shape_cast %swap3A_78 : vector<1x16xf32> to vector<16xf32>
      %swap3A_80 = vector.shape_cast %broadcast_in_dim3A_6 : vector<16xf32> to vector<1x16xf32>
      tpu.vector_store %arg10[%swap3A_76, %swap3A_77], %swap3A_80 {strides = array<i32>} : memref<16x128xf32, #tpu.memory_space<vmem>>, vector<1x16xf32>,
      %swap3A_81 = arith.index_cast %add3A_56 : i32 to index
      %swap3A_82 = arith.constant 80 : index
      %swap3A_83 = tpu.vector_load %arg10[%swap3A_81, %swap3A_82] {strides = array<i32>} : memref<16x128xf32, #tpu.memory_space<vmem>>, vector<1x16xf32>,
      %swap3A_84 = vector.shape_cast %swap3A_83 : vector<1x16xf32> to vector<16xf32>
      %swap3A_85 = vector.shape_cast %broadcast_in_dim3A_6 : vector<16xf32> to vector<1x16xf32>
      tpu.vector_store %arg10[%swap3A_81, %swap3A_82], %swap3A_85 {strides = array<i32>} : memref<16x128xf32, #tpu.memory_space<vmem>>, vector<1x16xf32>,
      %swap3A_86 = arith.index_cast %add3A_56 : i32 to index
      %swap3A_87 = arith.constant 96 : index
      %swap3A_88 = tpu.vector_load %arg10[%swap3A_86, %swap3A_87] {strides = array<i32>} : memref<16x128xf32, #tpu.memory_space<vmem>>, vector<1x16xf32>,
      %swap3A_89 = vector.shape_cast %swap3A_88 : vector<1x16xf32> to vector<16xf32>
      %swap3A_90 = vector.shape_cast %broadcast_in_dim3A_6 : vector<16xf32> to vector<1x16xf32>
      tpu.vector_store %arg10[%swap3A_86, %swap3A_87], %swap3A_90 {strides = array<i32>} : memref<16x128xf32, #tpu.memory_space<vmem>>, vector<1x16xf32>,
      %swap3A_91 = arith.index_cast %add3A_56 : i32 to index
      %swap3A_92 = arith.constant 112 : index
      %swap3A_93 = tpu.vector_load %arg10[%swap3A_91, %swap3A_92] {strides = array<i32>} : memref<16x128xf32, #tpu.memory_space<vmem>>, vector<1x16xf32>,
      %swap3A_94 = vector.shape_cast %swap3A_93 : vector<1x16xf32> to vector<16xf32>
      %swap3A_95 = vector.shape_cast %broadcast_in_dim3A_6 : vector<16xf32> to vector<1x16xf32>
      tpu.vector_store %arg10[%swap3A_91, %swap3A_92], %swap3A_95 {strides = array<i32>} : memref<16x128xf32, #tpu.memory_space<vmem>>, vector<1x16xf32>,
    }
    %scan3A_11 = arith.constant 16 : i32
    %mul3A = arith.constant 640 : i32
    %mul3A_12 = arith.muli %arg1, %mul3A : i32
    %scan3A_13 = arith.constant 0 : i32
    %scan3A_14 = arith.constant 40 : i32
    %scan3A_15 = arith.addi %scan3A_13, %scan3A_14 : i32
    %scan3A_16 = arith.constant 1 : i32
    scf.for %scan3A_53 = %scan3A_13 to %scan3A_15 step %scan3A_16  : i32 {
      %mul3A_54 = arith.constant 1 : i32
      %mul3A_55 = arith.muli %scan3A_53, %mul3A_54 : i32
      %add3A = arith.constant 0 : i32
      %add3A_56 = arith.addi %add3A, %mul3A_55 : i32
      %mul3A_57 = arith.constant 16 : i32
      %mul3A_58 = arith.muli %add3A_56, %mul3A_57 : i32
      %add3A_59 = arith.addi %mul3A_12, %mul3A_58 : i32
      "tpu.region"() ({
        %run_scoped3A = tpu.sem_alloc : memref<!tpu.dma_semaphore, #tpu.memory_space<semaphore_mem>>
        %dma_start3A = arith.constant 0 : i32
        %dma_start3A_60 = tpu.memref_slice %arg11[%add3A_59, %dma_start3A] : memref<10240x128xf32, #tpu.memory_space<vmem_shared>> -> memref<16x128xf32, #tpu.memory_space<vmem_shared>>
        %dma_start3A_61 = arith.constant 0 : i32
        %dma_start3A_62 = tpu.memref_slice %arg11[%add3A_59, %dma_start3A_61] : memref<10240x128xf32, #tpu.memory_space<vmem_shared>> -> memref<16x128xf32, #tpu.memory_space<vmem_shared>>
        tpu.enqueue_dma source(%arg10 : memref<16x128xf32, #tpu.memory_space<vmem>>) target(%dma_start3A_62 : memref<16x128xf32, #tpu.memory_space<vmem_shared>>) target_semaphore(%run_scoped3A : memref<!tpu.dma_semaphore, #tpu.memory_space<semaphore_mem>>)
        %dma_wait3A = arith.constant 0 : i32
        %dma_wait3A_63 = tpu.memref_slice %arg11[%add3A_59, %dma_wait3A] : memref<10240x128xf32, #tpu.memory_space<vmem_shared>> -> memref<16x128xf32, #tpu.memory_space<vmem_shared>>
        %dma_wait3A_64 = arith.constant 0 : i32
        %dma_wait3A_65 = tpu.memref_slice %arg11[%add3A_59, %dma_wait3A_64] : memref<10240x128xf32, #tpu.memory_space<vmem_shared>> -> memref<16x128xf32, #tpu.memory_space<vmem_shared>>
        tpu.wait_dma2 semaphore(%run_scoped3A : memref<!tpu.dma_semaphore, #tpu.memory_space<semaphore_mem>>) src(%arg10 : memref<16x128xf32, #tpu.memory_space<vmem>>) dst(%dma_wait3A_65 : memref<16x128xf32, #tpu.memory_space<vmem_shared>>)
        tpu.yield
      }) : () -> ()
    }
    %scan3A_17 = arith.constant 40 : i32
    %barrier3A = arith.constant 0 : index
    tpu.barrier barrier_id(%barrier3A)
    %eq3A = arith.constant 0 : i32
    %eq3A_18 = arith.cmpi eq, %arg0, %eq3A : i32
    %convert_element_type3A = arith.extui %eq3A_18 : i1 to i32
    %cond3A = arith.constant 0 : i32
    %cond3A_19 = arith.cmpi ne, %convert_element_type3A, %cond3A : i32
    scf.if %cond3A_19 {
      "tpu.region"() ({
        %run_scoped3A = tpu.sem_alloc : memref<!tpu.dma_semaphore, #tpu.memory_space<semaphore_mem>>
        %dma_start3A = arith.constant 0 : i32
        %dma_start3A_58 = arith.constant 0 : i32
        %dma_start3A_59 = tpu.memref_slice %arg2[%arg1, %dma_start3A, %dma_start3A_58] : memref<16x80x125xi32, #tpu.memory_space<hbm>> -> memref<1x80x125xi32, #tpu.memory_space<hbm>>
        %dma_start3A_60 = tpu.memref_squeeze %dma_start3A_59 : memref<1x80x125xi32, #tpu.memory_space<hbm>> -> memref<80x125xi32, #tpu.memory_space<hbm>>
        %dma_start3A_61 = arith.constant 0 : i32
        %dma_start3A_62 = arith.constant 0 : i32
        %dma_start3A_63 = tpu.memref_slice %arg2[%arg1, %dma_start3A_61, %dma_start3A_62] : memref<16x80x125xi32, #tpu.memory_space<hbm>> -> memref<1x80x125xi32, #tpu.memory_space<hbm>>
        %dma_start3A_64 = tpu.memref_squeeze %dma_start3A_63 : memref<1x80x125xi32, #tpu.memory_space<hbm>> -> memref<80x125xi32, #tpu.memory_space<hbm>>
        tpu.enqueue_dma source(%dma_start3A_64 : memref<80x125xi32, #tpu.memory_space<hbm>>) target(%arg8 : memref<80x125xi32, #tpu.memory_space<vmem>>) target_semaphore(%run_scoped3A : memref<!tpu.dma_semaphore, #tpu.memory_space<semaphore_mem>>)
        %dma_wait3A = arith.constant 0 : i32
        %dma_wait3A_65 = arith.constant 0 : i32
        %dma_wait3A_66 = tpu.memref_slice %arg2[%arg1, %dma_wait3A, %dma_wait3A_65] : memref<16x80x125xi32, #tpu.memory_space<hbm>> -> memref<1x80x125xi32, #tpu.memory_space<hbm>>
        %dma_wait3A_67 = tpu.memref_squeeze %dma_wait3A_66 : memref<1x80x125xi32, #tpu.memory_space<hbm>> -> memref<80x125xi32, #tpu.memory_space<hbm>>
        %dma_wait3A_68 = arith.constant 0 : i32
        %dma_wait3A_69 = arith.constant 0 : i32
        %dma_wait3A_70 = tpu.memref_slice %arg2[%arg1, %dma_wait3A_68, %dma_wait3A_69] : memref<16x80x125xi32, #tpu.memory_space<hbm>> -> memref<1x80x125xi32, #tpu.memory_space<hbm>>
        %dma_wait3A_71 = tpu.memref_squeeze %dma_wait3A_70 : memref<1x80x125xi32, #tpu.memory_space<hbm>> -> memref<80x125xi32, #tpu.memory_space<hbm>>
        tpu.wait_dma2 semaphore(%run_scoped3A : memref<!tpu.dma_semaphore, #tpu.memory_space<semaphore_mem>>) src(%dma_wait3A_71 : memref<80x125xi32, #tpu.memory_space<hbm>>) dst(%arg8 : memref<80x125xi32, #tpu.memory_space<vmem>>)
        tpu.yield
      }) : () -> ()
      %scan3A_53 = arith.constant 0 : i32
      %scan3A_54 = arith.constant 80 : i32
      %scan3A_55 = arith.addi %scan3A_53, %scan3A_54 : i32
      %scan3A_56 = arith.constant 1 : i32
      scf.for %scan3A_58 = %scan3A_53 to %scan3A_55 step %scan3A_56  : i32 {
        %mul3A_59 = arith.constant 1 : i32
        %mul3A_60 = arith.muli %scan3A_58, %mul3A_59 : i32
        %add3A = arith.constant 0 : i32
        %add3A_61 = arith.addi %add3A, %mul3A_60 : i32
        "tpu.region"() ({
          %run_scoped3A = tpu.sem_alloc : memref<!tpu.dma_semaphore, #tpu.memory_space<semaphore_mem>>
          %dma_start3A = arith.constant 0 : i32
          %dma_start3A_62 = tpu.memref_slice %arg8[%add3A_61, %dma_start3A] : memref<80x125xi32, #tpu.memory_space<vmem>> -> memref<1x125xi32, #tpu.memory_space<vmem>>
          %dma_start3A_63 = tpu.memref_squeeze %dma_start3A_62 : memref<1x125xi32, #tpu.memory_space<vmem>> -> memref<125xi32, #tpu.memory_space<vmem>>
          %dma_start3A_64 = arith.constant 0 : i32
          %dma_start3A_65 = arith.constant 0 : i32
          %dma_start3A_66 = tpu.memref_slice %arg11[%dma_start3A_64, %dma_start3A_65] : memref<10240x128xf32, #tpu.memory_space<vmem_shared>> -> memref<10240x128xf32, #tpu.memory_space<vmem_shared>>
          tpu.enqueue_indirect_dma source(%arg9 : memref<125x128xf32, #tpu.memory_space<vmem>>) target(%dma_start3A_66 : memref<10240x128xf32, #tpu.memory_space<vmem_shared>>) offsets(%dma_start3A_63 : memref<125xi32, #tpu.memory_space<vmem>>) semaphore(%run_scoped3A : memref<!tpu.dma_semaphore, #tpu.memory_space<semaphore_mem>>) {add = true}
          %dma_wait3A = arith.constant 0 : i32
          %dma_wait3A_67 = tpu.memref_slice %arg8[%add3A_61, %dma_wait3A] : memref<80x125xi32, #tpu.memory_space<vmem>> -> memref<1x125xi32, #tpu.memory_space<vmem>>
          %dma_wait3A_68 = tpu.memref_squeeze %dma_wait3A_67 : memref<1x125xi32, #tpu.memory_space<vmem>> -> memref<125xi32, #tpu.memory_space<vmem>>
          %dma_wait3A_69 = arith.constant 0 : i32
          %dma_wait3A_70 = arith.constant 0 : i32
          %dma_wait3A_71 = tpu.memref_slice %arg11[%dma_wait3A_69, %dma_wait3A_70] : memref<10240x128xf32, #tpu.memory_space<vmem_shared>> -> memref<10240x128xf32, #tpu.memory_space<vmem_shared>>
          tpu.wait_indirect_dma semaphore(%run_scoped3A : memref<!tpu.dma_semaphore, #tpu.memory_space<semaphore_mem>>) src(%arg9 : memref<125x128xf32, #tpu.memory_space<vmem>>) dst(%dma_wait3A_71 : memref<10240x128xf32, #tpu.memory_space<vmem_shared>>)
          tpu.yield
        }) : () -> ()
      }
      %scan3A_57 = arith.constant 80 : i32
    } else {
    }
    %eq3A_20 = arith.constant 1 : i32
    %eq3A_21 = arith.cmpi eq, %arg0, %eq3A_20 : i32
    %convert_element_type3A_22 = arith.extui %eq3A_21 : i1 to i32
    %cond3A_23 = arith.constant 0 : i32
    %cond3A_24 = arith.cmpi ne, %convert_element_type3A_22, %cond3A_23 : i32
    scf.if %cond3A_24 {
      "tpu.region"() ({
        %run_scoped3A = tpu.sem_alloc : memref<!tpu.dma_semaphore, #tpu.memory_space<semaphore_mem>>
        %dma_start3A = arith.constant 0 : i32
        %dma_start3A_58 = arith.constant 0 : i32
        %dma_start3A_59 = tpu.memref_slice %arg3[%arg1, %dma_start3A, %dma_start3A_58] : memref<16x80x125xi32, #tpu.memory_space<hbm>> -> memref<1x80x125xi32, #tpu.memory_space<hbm>>
        %dma_start3A_60 = tpu.memref_squeeze %dma_start3A_59 : memref<1x80x125xi32, #tpu.memory_space<hbm>> -> memref<80x125xi32, #tpu.memory_space<hbm>>
        %dma_start3A_61 = arith.constant 0 : i32
        %dma_start3A_62 = arith.constant 0 : i32
        %dma_start3A_63 = tpu.memref_slice %arg3[%arg1, %dma_start3A_61, %dma_start3A_62] : memref<16x80x125xi32, #tpu.memory_space<hbm>> -> memref<1x80x125xi32, #tpu.memory_space<hbm>>
        %dma_start3A_64 = tpu.memref_squeeze %dma_start3A_63 : memref<1x80x125xi32, #tpu.memory_space<hbm>> -> memref<80x125xi32, #tpu.memory_space<hbm>>
        tpu.enqueue_dma source(%dma_start3A_64 : memref<80x125xi32, #tpu.memory_space<hbm>>) target(%arg8 : memref<80x125xi32, #tpu.memory_space<vmem>>) target_semaphore(%run_scoped3A : memref<!tpu.dma_semaphore, #tpu.memory_space<semaphore_mem>>)
        %dma_wait3A = arith.constant 0 : i32
        %dma_wait3A_65 = arith.constant 0 : i32
        %dma_wait3A_66 = tpu.memref_slice %arg3[%arg1, %dma_wait3A, %dma_wait3A_65] : memref<16x80x125xi32, #tpu.memory_space<hbm>> -> memref<1x80x125xi32, #tpu.memory_space<hbm>>
        %dma_wait3A_67 = tpu.memref_squeeze %dma_wait3A_66 : memref<1x80x125xi32, #tpu.memory_space<hbm>> -> memref<80x125xi32, #tpu.memory_space<hbm>>
        %dma_wait3A_68 = arith.constant 0 : i32
        %dma_wait3A_69 = arith.constant 0 : i32
        %dma_wait3A_70 = tpu.memref_slice %arg3[%arg1, %dma_wait3A_68, %dma_wait3A_69] : memref<16x80x125xi32, #tpu.memory_space<hbm>> -> memref<1x80x125xi32, #tpu.memory_space<hbm>>
        %dma_wait3A_71 = tpu.memref_squeeze %dma_wait3A_70 : memref<1x80x125xi32, #tpu.memory_space<hbm>> -> memref<80x125xi32, #tpu.memory_space<hbm>>
        tpu.wait_dma2 semaphore(%run_scoped3A : memref<!tpu.dma_semaphore, #tpu.memory_space<semaphore_mem>>) src(%dma_wait3A_71 : memref<80x125xi32, #tpu.memory_space<hbm>>) dst(%arg8 : memref<80x125xi32, #tpu.memory_space<vmem>>)
        tpu.yield
      }) : () -> ()
      %scan3A_53 = arith.constant 0 : i32
      %scan3A_54 = arith.constant 80 : i32
      %scan3A_55 = arith.addi %scan3A_53, %scan3A_54 : i32
      %scan3A_56 = arith.constant 1 : i32
      scf.for %scan3A_58 = %scan3A_53 to %scan3A_55 step %scan3A_56  : i32 {
        %mul3A_59 = arith.constant 1 : i32
        %mul3A_60 = arith.muli %scan3A_58, %mul3A_59 : i32
        %add3A = arith.constant 0 : i32
        %add3A_61 = arith.addi %add3A, %mul3A_60 : i32
        "tpu.region"() ({
          %run_scoped3A = tpu.sem_alloc : memref<!tpu.dma_semaphore, #tpu.memory_space<semaphore_mem>>
          %dma_start3A = arith.constant 0 : i32
          %dma_start3A_62 = tpu.memref_slice %arg8[%add3A_61, %dma_start3A] : memref<80x125xi32, #tpu.memory_space<vmem>> -> memref<1x125xi32, #tpu.memory_space<vmem>>
          %dma_start3A_63 = tpu.memref_squeeze %dma_start3A_62 : memref<1x125xi32, #tpu.memory_space<vmem>> -> memref<125xi32, #tpu.memory_space<vmem>>
          %dma_start3A_64 = arith.constant 0 : i32
          %dma_start3A_65 = arith.constant 0 : i32
          %dma_start3A_66 = tpu.memref_slice %arg11[%dma_start3A_64, %dma_start3A_65] : memref<10240x128xf32, #tpu.memory_space<vmem_shared>> -> memref<10240x128xf32, #tpu.memory_space<vmem_shared>>
          tpu.enqueue_indirect_dma source(%arg9 : memref<125x128xf32, #tpu.memory_space<vmem>>) target(%dma_start3A_66 : memref<10240x128xf32, #tpu.memory_space<vmem_shared>>) offsets(%dma_start3A_63 : memref<125xi32, #tpu.memory_space<vmem>>) semaphore(%run_scoped3A : memref<!tpu.dma_semaphore, #tpu.memory_space<semaphore_mem>>) {add = true}
          %dma_wait3A = arith.constant 0 : i32
          %dma_wait3A_67 = tpu.memref_slice %arg8[%add3A_61, %dma_wait3A] : memref<80x125xi32, #tpu.memory_space<vmem>> -> memref<1x125xi32, #tpu.memory_space<vmem>>
          %dma_wait3A_68 = tpu.memref_squeeze %dma_wait3A_67 : memref<1x125xi32, #tpu.memory_space<vmem>> -> memref<125xi32, #tpu.memory_space<vmem>>
          %dma_wait3A_69 = arith.constant 0 : i32
          %dma_wait3A_70 = arith.constant 0 : i32
          %dma_wait3A_71 = tpu.memref_slice %arg11[%dma_wait3A_69, %dma_wait3A_70] : memref<10240x128xf32, #tpu.memory_space<vmem_shared>> -> memref<10240x128xf32, #tpu.memory_space<vmem_shared>>
          tpu.wait_indirect_dma semaphore(%run_scoped3A : memref<!tpu.dma_semaphore, #tpu.memory_space<semaphore_mem>>) src(%arg9 : memref<125x128xf32, #tpu.memory_space<vmem>>) dst(%dma_wait3A_71 : memref<10240x128xf32, #tpu.memory_space<vmem_shared>>)
          tpu.yield
        }) : () -> ()
      }
      %scan3A_57 = arith.constant 80 : i32
    } else {
    }
    %barrier3A_25 = arith.constant 0 : index
    tpu.barrier barrier_id(%barrier3A_25)
    %eq3A_26 = arith.constant 0 : i32
    %eq3A_27 = arith.cmpi eq, %arg0, %eq3A_26 : i32
    %convert_element_type3A_28 = arith.extui %eq3A_27 : i1 to i32
    %cond3A_29 = arith.constant 0 : i32
    %cond3A_30 = arith.cmpi ne, %convert_element_type3A_28, %cond3A_29 : i32
    scf.if %cond3A_30 {
      "tpu.region"() ({
        %run_scoped3A = tpu.sem_alloc : memref<!tpu.dma_semaphore, #tpu.memory_space<semaphore_mem>>
        %dma_start3A = arith.constant 0 : i32
        %dma_start3A_53 = tpu.memref_slice %arg5[%mul3A_12, %dma_start3A] : memref<10240x128xf32, #tpu.memory_space<hbm>> -> memref<640x128xf32, #tpu.memory_space<hbm>>
        %dma_start3A_54 = arith.constant 0 : i32
        %dma_start3A_55 = tpu.memref_slice %arg11[%mul3A_12, %dma_start3A_54] : memref<10240x128xf32, #tpu.memory_space<vmem_shared>> -> memref<640x128xf32, #tpu.memory_space<vmem_shared>>
        tpu.enqueue_dma source(%dma_start3A_55 : memref<640x128xf32, #tpu.memory_space<vmem_shared>>) target(%dma_start3A_53 : memref<640x128xf32, #tpu.memory_space<hbm>>) target_semaphore(%run_scoped3A : memref<!tpu.dma_semaphore, #tpu.memory_space<semaphore_mem>>)
        %dma_wait3A = arith.constant 0 : i32
        %dma_wait3A_56 = tpu.memref_slice %arg5[%mul3A_12, %dma_wait3A] : memref<10240x128xf32, #tpu.memory_space<hbm>> -> memref<640x128xf32, #tpu.memory_space<hbm>>
        %dma_wait3A_57 = arith.constant 0 : i32
        %dma_wait3A_58 = tpu.memref_slice %arg11[%mul3A_12, %dma_wait3A_57] : memref<10240x128xf32, #tpu.memory_space<vmem_shared>> -> memref<640x128xf32, #tpu.memory_space<vmem_shared>>
        tpu.wait_dma2 semaphore(%run_scoped3A : memref<!tpu.dma_semaphore, #tpu.memory_space<semaphore_mem>>) src(%dma_wait3A_58 : memref<640x128xf32, #tpu.memory_space<vmem_shared>>) dst(%dma_wait3A_56 : memref<640x128xf32, #tpu.memory_space<hbm>>)
        tpu.yield
      }) : () -> ()
    } else {
    }
    %eq3A_31 = arith.constant 1 : i32
    %eq3A_32 = arith.cmpi eq, %arg0, %eq3A_31 : i32
    %convert_element_type3A_33 = arith.extui %eq3A_32 : i1 to i32
    %cond3A_34 = arith.constant 0 : i32
    %cond3A_35 = arith.cmpi ne, %convert_element_type3A_33, %cond3A_34 : i32
    scf.if %cond3A_35 {
      "tpu.region"() ({
        %run_scoped3A = tpu.sem_alloc : memref<!tpu.dma_semaphore, #tpu.memory_space<semaphore_mem>>
        %dma_start3A = arith.constant 0 : i32
        %dma_start3A_53 = tpu.memref_slice %arg6[%mul3A_12, %dma_start3A] : memref<10240x128xf32, #tpu.memory_space<hbm>> -> memref<640x128xf32, #tpu.memory_space<hbm>>
        %dma_start3A_54 = arith.constant 0 : i32
        %dma_start3A_55 = tpu.memref_slice %arg11[%mul3A_12, %dma_start3A_54] : memref<10240x128xf32, #tpu.memory_space<vmem_shared>> -> memref<640x128xf32, #tpu.memory_space<vmem_shared>>
        tpu.enqueue_dma source(%dma_start3A_55 : memref<640x128xf32, #tpu.memory_space<vmem_shared>>) target(%dma_start3A_53 : memref<640x128xf32, #tpu.memory_space<hbm>>) target_semaphore(%run_scoped3A : memref<!tpu.dma_semaphore, #tpu.memory_space<semaphore_mem>>)
        %dma_wait3A = arith.constant 0 : i32
        %dma_wait3A_56 = tpu.memref_slice %arg6[%mul3A_12, %dma_wait3A] : memref<10240x128xf32, #tpu.memory_space<hbm>> -> memref<640x128xf32, #tpu.memory_space<hbm>>
        %dma_wait3A_57 = arith.constant 0 : i32
        %dma_wait3A_58 = tpu.memref_slice %arg11[%mul3A_12, %dma_wait3A_57] : memref<10240x128xf32, #tpu.memory_space<vmem_shared>> -> memref<640x128xf32, #tpu.memory_space<vmem_shared>>
        tpu.wait_dma2 semaphore(%run_scoped3A : memref<!tpu.dma_semaphore, #tpu.memory_space<semaphore_mem>>) src(%dma_wait3A_58 : memref<640x128xf32, #tpu.memory_space<vmem_shared>>) dst(%dma_wait3A_56 : memref<640x128xf32, #tpu.memory_space<hbm>>)
        tpu.yield
      }) : () -> ()
    } else {
    }
    %scan3A_36 = arith.constant 0 : i32
    %scan3A_37 = arith.constant 40 : i32
    %scan3A_38 = arith.addi %scan3A_36, %scan3A_37 : i32
    %scan3A_39 = arith.constant 1 : i32
    scf.for %scan3A_53 = %scan3A_36 to %scan3A_38 step %scan3A_39  : i32 {
      %mul3A_54 = arith.constant 1 : i32
      %mul3A_55 = arith.muli %scan3A_53, %mul3A_54 : i32
      %add3A = arith.constant 0 : i32
      %add3A_56 = arith.addi %add3A, %mul3A_55 : i32
      %mul3A_57 = arith.constant 16 : i32
      %mul3A_58 = arith.muli %add3A_56, %mul3A_57 : i32
      %add3A_59 = arith.addi %mul3A_12, %mul3A_58 : i32
      "tpu.region"() ({
        %run_scoped3A = tpu.sem_alloc : memref<!tpu.dma_semaphore, #tpu.memory_space<semaphore_mem>>
        %dma_start3A = arith.constant 0 : i32
        %dma_start3A_60 = tpu.memref_slice %arg11[%add3A_59, %dma_start3A] : memref<10240x128xf32, #tpu.memory_space<vmem_shared>> -> memref<16x128xf32, #tpu.memory_space<vmem_shared>>
        %dma_start3A_61 = arith.constant 0 : i32
        %dma_start3A_62 = tpu.memref_slice %arg11[%add3A_59, %dma_start3A_61] : memref<10240x128xf32, #tpu.memory_space<vmem_shared>> -> memref<16x128xf32, #tpu.memory_space<vmem_shared>>
        tpu.enqueue_dma source(%arg10 : memref<16x128xf32, #tpu.memory_space<vmem>>) target(%dma_start3A_62 : memref<16x128xf32, #tpu.memory_space<vmem_shared>>) target_semaphore(%run_scoped3A : memref<!tpu.dma_semaphore, #tpu.memory_space<semaphore_mem>>)
        %dma_wait3A = arith.constant 0 : i32
        %dma_wait3A_63 = tpu.memref_slice %arg11[%add3A_59, %dma_wait3A] : memref<10240x128xf32, #tpu.memory_space<vmem_shared>> -> memref<16x128xf32, #tpu.memory_space<vmem_shared>>
        %dma_wait3A_64 = arith.constant 0 : i32
        %dma_wait3A_65 = tpu.memref_slice %arg11[%add3A_59, %dma_wait3A_64] : memref<10240x128xf32, #tpu.memory_space<vmem_shared>> -> memref<16x128xf32, #tpu.memory_space<vmem_shared>>
        tpu.wait_dma2 semaphore(%run_scoped3A : memref<!tpu.dma_semaphore, #tpu.memory_space<semaphore_mem>>) src(%arg10 : memref<16x128xf32, #tpu.memory_space<vmem>>) dst(%dma_wait3A_65 : memref<16x128xf32, #tpu.memory_space<vmem_shared>>)
        tpu.yield
      }) : () -> ()
    }
    %scan3A_40 = arith.constant 40 : i32
    %barrier3A_41 = arith.constant 0 : index
    tpu.barrier barrier_id(%barrier3A_41)
    %eq3A_42 = arith.constant 1 : i32
    %eq3A_43 = arith.cmpi eq, %arg0, %eq3A_42 : i32
    %convert_element_type3A_44 = arith.extui %eq3A_43 : i1 to i32
    %cond3A_45 = arith.constant 0 : i32
    %cond3A_46 = arith.cmpi ne, %convert_element_type3A_44, %cond3A_45 : i32
    scf.if %cond3A_46 {
      "tpu.region"() ({
        %run_scoped3A = tpu.sem_alloc : memref<!tpu.dma_semaphore, #tpu.memory_space<semaphore_mem>>
        %dma_start3A = arith.constant 0 : i32
        %dma_start3A_58 = arith.constant 0 : i32
        %dma_start3A_59 = tpu.memref_slice %arg4[%arg1, %dma_start3A, %dma_start3A_58] : memref<16x80x125xi32, #tpu.memory_space<hbm>> -> memref<1x80x125xi32, #tpu.memory_space<hbm>>
        %dma_start3A_60 = tpu.memref_squeeze %dma_start3A_59 : memref<1x80x125xi32, #tpu.memory_space<hbm>> -> memref<80x125xi32, #tpu.memory_space<hbm>>
        %dma_start3A_61 = arith.constant 0 : i32
        %dma_start3A_62 = arith.constant 0 : i32
        %dma_start3A_63 = tpu.memref_slice %arg4[%arg1, %dma_start3A_61, %dma_start3A_62] : memref<16x80x125xi32, #tpu.memory_space<hbm>> -> memref<1x80x125xi32, #tpu.memory_space<hbm>>
        %dma_start3A_64 = tpu.memref_squeeze %dma_start3A_63 : memref<1x80x125xi32, #tpu.memory_space<hbm>> -> memref<80x125xi32, #tpu.memory_space<hbm>>
        tpu.enqueue_dma source(%dma_start3A_64 : memref<80x125xi32, #tpu.memory_space<hbm>>) target(%arg8 : memref<80x125xi32, #tpu.memory_space<vmem>>) target_semaphore(%run_scoped3A : memref<!tpu.dma_semaphore, #tpu.memory_space<semaphore_mem>>)
        %dma_wait3A = arith.constant 0 : i32
        %dma_wait3A_65 = arith.constant 0 : i32
        %dma_wait3A_66 = tpu.memref_slice %arg4[%arg1, %dma_wait3A, %dma_wait3A_65] : memref<16x80x125xi32, #tpu.memory_space<hbm>> -> memref<1x80x125xi32, #tpu.memory_space<hbm>>
        %dma_wait3A_67 = tpu.memref_squeeze %dma_wait3A_66 : memref<1x80x125xi32, #tpu.memory_space<hbm>> -> memref<80x125xi32, #tpu.memory_space<hbm>>
        %dma_wait3A_68 = arith.constant 0 : i32
        %dma_wait3A_69 = arith.constant 0 : i32
        %dma_wait3A_70 = tpu.memref_slice %arg4[%arg1, %dma_wait3A_68, %dma_wait3A_69] : memref<16x80x125xi32, #tpu.memory_space<hbm>> -> memref<1x80x125xi32, #tpu.memory_space<hbm>>
        %dma_wait3A_71 = tpu.memref_squeeze %dma_wait3A_70 : memref<1x80x125xi32, #tpu.memory_space<hbm>> -> memref<80x125xi32, #tpu.memory_space<hbm>>
        tpu.wait_dma2 semaphore(%run_scoped3A : memref<!tpu.dma_semaphore, #tpu.memory_space<semaphore_mem>>) src(%dma_wait3A_71 : memref<80x125xi32, #tpu.memory_space<hbm>>) dst(%arg8 : memref<80x125xi32, #tpu.memory_space<vmem>>)
        tpu.yield
      }) : () -> ()
      %scan3A_53 = arith.constant 0 : i32
      %scan3A_54 = arith.constant 80 : i32
      %scan3A_55 = arith.addi %scan3A_53, %scan3A_54 : i32
      %scan3A_56 = arith.constant 1 : i32
      scf.for %scan3A_58 = %scan3A_53 to %scan3A_55 step %scan3A_56  : i32 {
        %mul3A_59 = arith.constant 1 : i32
        %mul3A_60 = arith.muli %scan3A_58, %mul3A_59 : i32
        %add3A = arith.constant 0 : i32
        %add3A_61 = arith.addi %add3A, %mul3A_60 : i32
        "tpu.region"() ({
          %run_scoped3A = tpu.sem_alloc : memref<!tpu.dma_semaphore, #tpu.memory_space<semaphore_mem>>
          %dma_start3A = arith.constant 0 : i32
          %dma_start3A_62 = tpu.memref_slice %arg8[%add3A_61, %dma_start3A] : memref<80x125xi32, #tpu.memory_space<vmem>> -> memref<1x125xi32, #tpu.memory_space<vmem>>
          %dma_start3A_63 = tpu.memref_squeeze %dma_start3A_62 : memref<1x125xi32, #tpu.memory_space<vmem>> -> memref<125xi32, #tpu.memory_space<vmem>>
          %dma_start3A_64 = arith.constant 0 : i32
          %dma_start3A_65 = arith.constant 0 : i32
          %dma_start3A_66 = tpu.memref_slice %arg11[%dma_start3A_64, %dma_start3A_65] : memref<10240x128xf32, #tpu.memory_space<vmem_shared>> -> memref<10240x128xf32, #tpu.memory_space<vmem_shared>>
          tpu.enqueue_indirect_dma source(%arg9 : memref<125x128xf32, #tpu.memory_space<vmem>>) target(%dma_start3A_66 : memref<10240x128xf32, #tpu.memory_space<vmem_shared>>) offsets(%dma_start3A_63 : memref<125xi32, #tpu.memory_space<vmem>>) semaphore(%run_scoped3A : memref<!tpu.dma_semaphore, #tpu.memory_space<semaphore_mem>>) {add = true}
          %dma_wait3A = arith.constant 0 : i32
          %dma_wait3A_67 = tpu.memref_slice %arg8[%add3A_61, %dma_wait3A] : memref<80x125xi32, #tpu.memory_space<vmem>> -> memref<1x125xi32, #tpu.memory_space<vmem>>
          %dma_wait3A_68 = tpu.memref_squeeze %dma_wait3A_67 : memref<1x125xi32, #tpu.memory_space<vmem>> -> memref<125xi32, #tpu.memory_space<vmem>>
          %dma_wait3A_69 = arith.constant 0 : i32
          %dma_wait3A_70 = arith.constant 0 : i32
          %dma_wait3A_71 = tpu.memref_slice %arg11[%dma_wait3A_69, %dma_wait3A_70] : memref<10240x128xf32, #tpu.memory_space<vmem_shared>> -> memref<10240x128xf32, #tpu.memory_space<vmem_shared>>
          tpu.wait_indirect_dma semaphore(%run_scoped3A : memref<!tpu.dma_semaphore, #tpu.memory_space<semaphore_mem>>) src(%arg9 : memref<125x128xf32, #tpu.memory_space<vmem>>) dst(%dma_wait3A_71 : memref<10240x128xf32, #tpu.memory_space<vmem_shared>>)
          tpu.yield
        }) : () -> ()
      }
      %scan3A_57 = arith.constant 80 : i32
    } else {
    }
    %barrier3A_47 = arith.constant 0 : index
    tpu.barrier barrier_id(%barrier3A_47)
    %eq3A_48 = arith.constant 1 : i32
    %eq3A_49 = arith.cmpi eq, %arg0, %eq3A_48 : i32
    %convert_element_type3A_50 = arith.extui %eq3A_49 : i1 to i32
    %cond3A_51 = arith.constant 0 : i32
    %cond3A_52 = arith.cmpi ne, %convert_element_type3A_50, %cond3A_51 : i32
    scf.if %cond3A_52 {
      "tpu.region"() ({
        %run_scoped3A = tpu.sem_alloc : memref<!tpu.dma_semaphore, #tpu.memory_space<semaphore_mem>>
        %dma_start3A = arith.constant 0 : i32
        %dma_start3A_53 = tpu.memref_slice %arg7[%mul3A_12, %dma_start3A] : memref<10240x128xf32, #tpu.memory_space<hbm>> -> memref<640x128xf32, #tpu.memory_space<hbm>>
        %dma_start3A_54 = arith.constant 0 : i32
        %dma_start3A_55 = tpu.memref_slice %arg11[%mul3A_12, %dma_start3A_54] : memref<10240x128xf32, #tpu.memory_space<vmem_shared>> -> memref<640x128xf32, #tpu.memory_space<vmem_shared>>
        tpu.enqueue_dma source(%dma_start3A_55 : memref<640x128xf32, #tpu.memory_space<vmem_shared>>) target(%dma_start3A_53 : memref<640x128xf32, #tpu.memory_space<hbm>>) target_semaphore(%run_scoped3A : memref<!tpu.dma_semaphore, #tpu.memory_space<semaphore_mem>>)
        %dma_wait3A = arith.constant 0 : i32
        %dma_wait3A_56 = tpu.memref_slice %arg7[%mul3A_12, %dma_wait3A] : memref<10240x128xf32, #tpu.memory_space<hbm>> -> memref<640x128xf32, #tpu.memory_space<hbm>>
        %dma_wait3A_57 = arith.constant 0 : i32
        %dma_wait3A_58 = tpu.memref_slice %arg11[%mul3A_12, %dma_wait3A_57] : memref<10240x128xf32, #tpu.memory_space<vmem_shared>> -> memref<640x128xf32, #tpu.memory_space<vmem_shared>>
        tpu.wait_dma2 semaphore(%run_scoped3A : memref<!tpu.dma_semaphore, #tpu.memory_space<semaphore_mem>>) src(%dma_wait3A_58 : memref<640x128xf32, #tpu.memory_space<vmem_shared>>) dst(%dma_wait3A_56 : memref<640x128xf32, #tpu.memory_space<hbm>>)
        tpu.yield
      }) : () -> ()
    } else {
    }
    return
  }
}

#map = affine_map<(d0, d1) -> (0, 0, 0)>
module attributes {stable_mosaic.version = 14 : i64} {
  func.func @body(%arg0: i32, %arg1: i32, %arg2: memref<2x10000x128xf32, #tpu.memory_space<hbm>>, %arg3: memref<16x80x125xi32, #tpu.memory_space<hbm>>, %arg4: memref<16x80x125xi32, #tpu.memory_space<hbm>>, %arg5: memref<2x10000x128xf32, #tpu.memory_space<hbm>>, %arg6: memref<80x125xi32, #tpu.memory_space<vmem>>, %arg7: memref<80x125xi32, #tpu.memory_space<vmem>>, %arg8: memref<125x128xf32, #tpu.memory_space<vmem>>, %arg9: memref<16x128xf32, #tpu.memory_space<vmem>>, %arg10: memref<10240x128xf32, #tpu.memory_space<vmem_shared>>, %arg11: memref<!tpu.dma_semaphore, #tpu.memory_space<semaphore_mem>>) attributes {dimension_semantics = [#tpu.dimension_semantics<core_parallel>, #tpu.dimension_semantics<subcore_parallel>], iteration_bounds = array<i64: 2, 16>, scalar_prefetch = 0 : i64, scratch_operands = 6 : i64, tpu.core_type = #tpu.core_type<sc_vector_subcore>, window_params = [{transform_indices = #map}, {transform_indices = #map}, {transform_indices = #map}, {transform_indices = #map}]} {
    %broadcast_in_dim3A = arith.constant 0.000000e+00 : f32
    %broadcast_in_dim3A_0 = vector.broadcast %broadcast_in_dim3A : f32 to vector<16xf32>
    %scan3A = arith.constant 0 : i32
    %scan3A_1 = arith.constant 16 : i32
    %scan3A_2 = arith.addi %scan3A, %scan3A_1 : i32
    %scan3A_3 = arith.constant 1 : i32
    scf.for %scan3A_32 = %scan3A to %scan3A_2 step %scan3A_3  : i32 {
      %mul3A_33 = arith.constant 1 : i32
      %mul3A_34 = arith.muli %scan3A_32, %mul3A_33 : i32
      %add3A = arith.constant 0 : i32
      %add3A_35 = arith.addi %add3A, %mul3A_34 : i32
      %swap3A = arith.index_cast %add3A_35 : i32 to index
      %swap3A_36 = arith.constant 0 : index
      %swap3A_37 = tpu.vector_load %arg9[%swap3A, %swap3A_36] {strides = array<i32>} : memref<16x128xf32, #tpu.memory_space<vmem>>, vector<1x16xf32>,
      %swap3A_38 = vector.shape_cast %swap3A_37 : vector<1x16xf32> to vector<16xf32>
      %swap3A_39 = vector.shape_cast %broadcast_in_dim3A_0 : vector<16xf32> to vector<1x16xf32>
      tpu.vector_store %arg9[%swap3A, %swap3A_36], %swap3A_39 {strides = array<i32>} : memref<16x128xf32, #tpu.memory_space<vmem>>, vector<1x16xf32>,
      %swap3A_40 = arith.index_cast %add3A_35 : i32 to index
      %swap3A_41 = arith.constant 16 : index
      %swap3A_42 = tpu.vector_load %arg9[%swap3A_40, %swap3A_41] {strides = array<i32>} : memref<16x128xf32, #tpu.memory_space<vmem>>, vector<1x16xf32>,
      %swap3A_43 = vector.shape_cast %swap3A_42 : vector<1x16xf32> to vector<16xf32>
      %swap3A_44 = vector.shape_cast %broadcast_in_dim3A_0 : vector<16xf32> to vector<1x16xf32>
      tpu.vector_store %arg9[%swap3A_40, %swap3A_41], %swap3A_44 {strides = array<i32>} : memref<16x128xf32, #tpu.memory_space<vmem>>, vector<1x16xf32>,
      %swap3A_45 = arith.index_cast %add3A_35 : i32 to index
      %swap3A_46 = arith.constant 32 : index
      %swap3A_47 = tpu.vector_load %arg9[%swap3A_45, %swap3A_46] {strides = array<i32>} : memref<16x128xf32, #tpu.memory_space<vmem>>, vector<1x16xf32>,
      %swap3A_48 = vector.shape_cast %swap3A_47 : vector<1x16xf32> to vector<16xf32>
      %swap3A_49 = vector.shape_cast %broadcast_in_dim3A_0 : vector<16xf32> to vector<1x16xf32>
      tpu.vector_store %arg9[%swap3A_45, %swap3A_46], %swap3A_49 {strides = array<i32>} : memref<16x128xf32, #tpu.memory_space<vmem>>, vector<1x16xf32>,
      %swap3A_50 = arith.index_cast %add3A_35 : i32 to index
      %swap3A_51 = arith.constant 48 : index
      %swap3A_52 = tpu.vector_load %arg9[%swap3A_50, %swap3A_51] {strides = array<i32>} : memref<16x128xf32, #tpu.memory_space<vmem>>, vector<1x16xf32>,
      %swap3A_53 = vector.shape_cast %swap3A_52 : vector<1x16xf32> to vector<16xf32>
      %swap3A_54 = vector.shape_cast %broadcast_in_dim3A_0 : vector<16xf32> to vector<1x16xf32>
      tpu.vector_store %arg9[%swap3A_50, %swap3A_51], %swap3A_54 {strides = array<i32>} : memref<16x128xf32, #tpu.memory_space<vmem>>, vector<1x16xf32>,
      %swap3A_55 = arith.index_cast %add3A_35 : i32 to index
      %swap3A_56 = arith.constant 64 : index
      %swap3A_57 = tpu.vector_load %arg9[%swap3A_55, %swap3A_56] {strides = array<i32>} : memref<16x128xf32, #tpu.memory_space<vmem>>, vector<1x16xf32>,
      %swap3A_58 = vector.shape_cast %swap3A_57 : vector<1x16xf32> to vector<16xf32>
      %swap3A_59 = vector.shape_cast %broadcast_in_dim3A_0 : vector<16xf32> to vector<1x16xf32>
      tpu.vector_store %arg9[%swap3A_55, %swap3A_56], %swap3A_59 {strides = array<i32>} : memref<16x128xf32, #tpu.memory_space<vmem>>, vector<1x16xf32>,
      %swap3A_60 = arith.index_cast %add3A_35 : i32 to index
      %swap3A_61 = arith.constant 80 : index
      %swap3A_62 = tpu.vector_load %arg9[%swap3A_60, %swap3A_61] {strides = array<i32>} : memref<16x128xf32, #tpu.memory_space<vmem>>, vector<1x16xf32>,
      %swap3A_63 = vector.shape_cast %swap3A_62 : vector<1x16xf32> to vector<16xf32>
      %swap3A_64 = vector.shape_cast %broadcast_in_dim3A_0 : vector<16xf32> to vector<1x16xf32>
      tpu.vector_store %arg9[%swap3A_60, %swap3A_61], %swap3A_64 {strides = array<i32>} : memref<16x128xf32, #tpu.memory_space<vmem>>, vector<1x16xf32>,
      %swap3A_65 = arith.index_cast %add3A_35 : i32 to index
      %swap3A_66 = arith.constant 96 : index
      %swap3A_67 = tpu.vector_load %arg9[%swap3A_65, %swap3A_66] {strides = array<i32>} : memref<16x128xf32, #tpu.memory_space<vmem>>, vector<1x16xf32>,
      %swap3A_68 = vector.shape_cast %swap3A_67 : vector<1x16xf32> to vector<16xf32>
      %swap3A_69 = vector.shape_cast %broadcast_in_dim3A_0 : vector<16xf32> to vector<1x16xf32>
      tpu.vector_store %arg9[%swap3A_65, %swap3A_66], %swap3A_69 {strides = array<i32>} : memref<16x128xf32, #tpu.memory_space<vmem>>, vector<1x16xf32>,
      %swap3A_70 = arith.index_cast %add3A_35 : i32 to index
      %swap3A_71 = arith.constant 112 : index
      %swap3A_72 = tpu.vector_load %arg9[%swap3A_70, %swap3A_71] {strides = array<i32>} : memref<16x128xf32, #tpu.memory_space<vmem>>, vector<1x16xf32>,
      %swap3A_73 = vector.shape_cast %swap3A_72 : vector<1x16xf32> to vector<16xf32>
      %swap3A_74 = vector.shape_cast %broadcast_in_dim3A_0 : vector<16xf32> to vector<1x16xf32>
      tpu.vector_store %arg9[%swap3A_70, %swap3A_71], %swap3A_74 {strides = array<i32>} : memref<16x128xf32, #tpu.memory_space<vmem>>, vector<1x16xf32>,
    }
    %scan3A_4 = arith.constant 16 : i32
    %mul3A = arith.constant 640 : i32
    %mul3A_5 = arith.muli %arg1, %mul3A : i32
    %scan3A_6 = arith.constant 0 : i32
    %scan3A_7 = arith.constant 40 : i32
    %scan3A_8 = arith.addi %scan3A_6, %scan3A_7 : i32
    %scan3A_9 = arith.constant 1 : i32
    scf.for %scan3A_32 = %scan3A_6 to %scan3A_8 step %scan3A_9  : i32 {
      %mul3A_33 = arith.constant 1 : i32
      %mul3A_34 = arith.muli %scan3A_32, %mul3A_33 : i32
      %add3A = arith.constant 0 : i32
      %add3A_35 = arith.addi %add3A, %mul3A_34 : i32
      %mul3A_36 = arith.constant 16 : i32
      %mul3A_37 = arith.muli %add3A_35, %mul3A_36 : i32
      %add3A_38 = arith.addi %mul3A_5, %mul3A_37 : i32
      "tpu.region"() ({
        %run_scoped3A = tpu.sem_alloc : memref<!tpu.dma_semaphore, #tpu.memory_space<semaphore_mem>>
        %dma_start3A = arith.constant 0 : i32
        %dma_start3A_39 = tpu.memref_slice %arg10[%add3A_38, %dma_start3A] : memref<10240x128xf32, #tpu.memory_space<vmem_shared>> -> memref<16x128xf32, #tpu.memory_space<vmem_shared>>
        %dma_start3A_40 = arith.constant 0 : i32
        %dma_start3A_41 = tpu.memref_slice %arg10[%add3A_38, %dma_start3A_40] : memref<10240x128xf32, #tpu.memory_space<vmem_shared>> -> memref<16x128xf32, #tpu.memory_space<vmem_shared>>
        tpu.enqueue_dma source(%arg9 : memref<16x128xf32, #tpu.memory_space<vmem>>) target(%dma_start3A_41 : memref<16x128xf32, #tpu.memory_space<vmem_shared>>) target_semaphore(%run_scoped3A : memref<!tpu.dma_semaphore, #tpu.memory_space<semaphore_mem>>)
        %dma_wait3A = arith.constant 0 : i32
        %dma_wait3A_42 = tpu.memref_slice %arg10[%add3A_38, %dma_wait3A] : memref<10240x128xf32, #tpu.memory_space<vmem_shared>> -> memref<16x128xf32, #tpu.memory_space<vmem_shared>>
        %dma_wait3A_43 = arith.constant 0 : i32
        %dma_wait3A_44 = tpu.memref_slice %arg10[%add3A_38, %dma_wait3A_43] : memref<10240x128xf32, #tpu.memory_space<vmem_shared>> -> memref<16x128xf32, #tpu.memory_space<vmem_shared>>
        tpu.wait_dma2 semaphore(%run_scoped3A : memref<!tpu.dma_semaphore, #tpu.memory_space<semaphore_mem>>) src(%arg9 : memref<16x128xf32, #tpu.memory_space<vmem>>) dst(%dma_wait3A_44 : memref<16x128xf32, #tpu.memory_space<vmem_shared>>)
        tpu.yield
      }) : () -> ()
    }
    %scan3A_10 = arith.constant 40 : i32
    "tpu.region"() ({
      %run_scoped3A = tpu.sem_alloc : memref<!tpu.dma_semaphore, #tpu.memory_space<semaphore_mem>>
      %dma_start3A = arith.constant 0 : i32
      %dma_start3A_32 = arith.constant 0 : i32
      %dma_start3A_33 = tpu.memref_slice %arg3[%arg1, %dma_start3A, %dma_start3A_32] : memref<16x80x125xi32, #tpu.memory_space<hbm>> -> memref<1x80x125xi32, #tpu.memory_space<hbm>>
      %dma_start3A_34 = tpu.memref_squeeze %dma_start3A_33 : memref<1x80x125xi32, #tpu.memory_space<hbm>> -> memref<80x125xi32, #tpu.memory_space<hbm>>
      %dma_start3A_35 = arith.constant 0 : i32
      %dma_start3A_36 = arith.constant 0 : i32
      %dma_start3A_37 = tpu.memref_slice %arg3[%arg1, %dma_start3A_35, %dma_start3A_36] : memref<16x80x125xi32, #tpu.memory_space<hbm>> -> memref<1x80x125xi32, #tpu.memory_space<hbm>>
      %dma_start3A_38 = tpu.memref_squeeze %dma_start3A_37 : memref<1x80x125xi32, #tpu.memory_space<hbm>> -> memref<80x125xi32, #tpu.memory_space<hbm>>
      tpu.enqueue_dma source(%dma_start3A_38 : memref<80x125xi32, #tpu.memory_space<hbm>>) target(%arg6 : memref<80x125xi32, #tpu.memory_space<vmem>>) target_semaphore(%run_scoped3A : memref<!tpu.dma_semaphore, #tpu.memory_space<semaphore_mem>>)
      %dma_wait3A = arith.constant 0 : i32
      %dma_wait3A_39 = arith.constant 0 : i32
      %dma_wait3A_40 = tpu.memref_slice %arg3[%arg1, %dma_wait3A, %dma_wait3A_39] : memref<16x80x125xi32, #tpu.memory_space<hbm>> -> memref<1x80x125xi32, #tpu.memory_space<hbm>>
      %dma_wait3A_41 = tpu.memref_squeeze %dma_wait3A_40 : memref<1x80x125xi32, #tpu.memory_space<hbm>> -> memref<80x125xi32, #tpu.memory_space<hbm>>
      %dma_wait3A_42 = arith.constant 0 : i32
      %dma_wait3A_43 = arith.constant 0 : i32
      %dma_wait3A_44 = tpu.memref_slice %arg3[%arg1, %dma_wait3A_42, %dma_wait3A_43] : memref<16x80x125xi32, #tpu.memory_space<hbm>> -> memref<1x80x125xi32, #tpu.memory_space<hbm>>
      %dma_wait3A_45 = tpu.memref_squeeze %dma_wait3A_44 : memref<1x80x125xi32, #tpu.memory_space<hbm>> -> memref<80x125xi32, #tpu.memory_space<hbm>>
      tpu.wait_dma2 semaphore(%run_scoped3A : memref<!tpu.dma_semaphore, #tpu.memory_space<semaphore_mem>>) src(%dma_wait3A_45 : memref<80x125xi32, #tpu.memory_space<hbm>>) dst(%arg6 : memref<80x125xi32, #tpu.memory_space<vmem>>)
      tpu.yield
    }) : () -> ()
    "tpu.region"() ({
      %run_scoped3A = tpu.sem_alloc : memref<!tpu.dma_semaphore, #tpu.memory_space<semaphore_mem>>
      %dma_start3A = arith.constant 0 : i32
      %dma_start3A_32 = arith.constant 0 : i32
      %dma_start3A_33 = tpu.memref_slice %arg4[%arg1, %dma_start3A, %dma_start3A_32] : memref<16x80x125xi32, #tpu.memory_space<hbm>> -> memref<1x80x125xi32, #tpu.memory_space<hbm>>
      %dma_start3A_34 = tpu.memref_squeeze %dma_start3A_33 : memref<1x80x125xi32, #tpu.memory_space<hbm>> -> memref<80x125xi32, #tpu.memory_space<hbm>>
      %dma_start3A_35 = arith.constant 0 : i32
      %dma_start3A_36 = arith.constant 0 : i32
      %dma_start3A_37 = tpu.memref_slice %arg4[%arg1, %dma_start3A_35, %dma_start3A_36] : memref<16x80x125xi32, #tpu.memory_space<hbm>> -> memref<1x80x125xi32, #tpu.memory_space<hbm>>
      %dma_start3A_38 = tpu.memref_squeeze %dma_start3A_37 : memref<1x80x125xi32, #tpu.memory_space<hbm>> -> memref<80x125xi32, #tpu.memory_space<hbm>>
      tpu.enqueue_dma source(%dma_start3A_38 : memref<80x125xi32, #tpu.memory_space<hbm>>) target(%arg7 : memref<80x125xi32, #tpu.memory_space<vmem>>) target_semaphore(%run_scoped3A : memref<!tpu.dma_semaphore, #tpu.memory_space<semaphore_mem>>)
      %dma_wait3A = arith.constant 0 : i32
      %dma_wait3A_39 = arith.constant 0 : i32
      %dma_wait3A_40 = tpu.memref_slice %arg4[%arg1, %dma_wait3A, %dma_wait3A_39] : memref<16x80x125xi32, #tpu.memory_space<hbm>> -> memref<1x80x125xi32, #tpu.memory_space<hbm>>
      %dma_wait3A_41 = tpu.memref_squeeze %dma_wait3A_40 : memref<1x80x125xi32, #tpu.memory_space<hbm>> -> memref<80x125xi32, #tpu.memory_space<hbm>>
      %dma_wait3A_42 = arith.constant 0 : i32
      %dma_wait3A_43 = arith.constant 0 : i32
      %dma_wait3A_44 = tpu.memref_slice %arg4[%arg1, %dma_wait3A_42, %dma_wait3A_43] : memref<16x80x125xi32, #tpu.memory_space<hbm>> -> memref<1x80x125xi32, #tpu.memory_space<hbm>>
      %dma_wait3A_45 = tpu.memref_squeeze %dma_wait3A_44 : memref<1x80x125xi32, #tpu.memory_space<hbm>> -> memref<80x125xi32, #tpu.memory_space<hbm>>
      tpu.wait_dma2 semaphore(%run_scoped3A : memref<!tpu.dma_semaphore, #tpu.memory_space<semaphore_mem>>) src(%dma_wait3A_45 : memref<80x125xi32, #tpu.memory_space<hbm>>) dst(%arg7 : memref<80x125xi32, #tpu.memory_space<vmem>>)
      tpu.yield
    }) : () -> ()
    %barrier3A = arith.constant 0 : index
    tpu.barrier barrier_id(%barrier3A)
    %eq3A = arith.constant 0 : i32
    %eq3A_11 = arith.cmpi eq, %arg0, %eq3A : i32
    %convert_element_type3A = arith.extui %eq3A_11 : i1 to i32
    %cond3A = arith.constant 0 : i32
    %cond3A_12 = arith.cmpi ne, %convert_element_type3A, %cond3A : i32
    scf.if %cond3A_12 {
      %scan3A_32 = arith.constant 0 : i32
      %scan3A_33 = arith.constant 0 : i32
      %scan3A_34 = arith.constant 80 : i32
      %scan3A_35 = arith.addi %scan3A_33, %scan3A_34 : i32
      %scan3A_36 = arith.constant 1 : i32
      scf.for %scan3A_38 = %scan3A_33 to %scan3A_35 step %scan3A_36  : i32 {
        %mul3A_39 = arith.constant 1 : i32
        %mul3A_40 = arith.muli %scan3A_38, %mul3A_39 : i32
        %add3A = arith.constant 0 : i32
        %add3A_41 = arith.addi %add3A, %mul3A_40 : i32
        %dma_start3A = arith.constant 0 : i32
        %dma_start3A_42 = tpu.memref_slice %arg6[%add3A_41, %dma_start3A] : memref<80x125xi32, #tpu.memory_space<vmem>> -> memref<1x125xi32, #tpu.memory_space<vmem>>
        %dma_start3A_43 = tpu.memref_squeeze %dma_start3A_42 : memref<1x125xi32, #tpu.memory_space<vmem>> -> memref<125xi32, #tpu.memory_space<vmem>>
        %dma_start3A_44 = arith.constant 0 : i32
        %dma_start3A_45 = arith.constant 0 : i32
        %dma_start3A_46 = tpu.memref_slice %arg2[%scan3A_32, %dma_start3A_44, %dma_start3A_45] : memref<2x10000x128xf32, #tpu.memory_space<hbm>> -> memref<1x10000x128xf32, #tpu.memory_space<hbm>>
        %dma_start3A_47 = tpu.memref_squeeze %dma_start3A_46 : memref<1x10000x128xf32, #tpu.memory_space<hbm>> -> memref<10000x128xf32, #tpu.memory_space<hbm>>
        %dma_start3A_48 = arith.constant 0 : i32
        %dma_start3A_49 = arith.constant 0 : i32
        %dma_start3A_50 = tpu.memref_slice %dma_start3A_47[%dma_start3A_48, %dma_start3A_49] : memref<10000x128xf32, #tpu.memory_space<hbm>> -> memref<10000x128xf32, #tpu.memory_space<hbm>>
        tpu.enqueue_indirect_dma source(%dma_start3A_50 : memref<10000x128xf32, #tpu.memory_space<hbm>>) target(%arg8 : memref<125x128xf32, #tpu.memory_space<vmem>>) offsets(%dma_start3A_43 : memref<125xi32, #tpu.memory_space<vmem>>) semaphore(%arg11 : memref<!tpu.dma_semaphore, #tpu.memory_space<semaphore_mem>>)
        %dma_wait3A = arith.constant 0 : i32
        %dma_wait3A_51 = tpu.memref_slice %arg6[%add3A_41, %dma_wait3A] : memref<80x125xi32, #tpu.memory_space<vmem>> -> memref<1x125xi32, #tpu.memory_space<vmem>>
        %dma_wait3A_52 = tpu.memref_squeeze %dma_wait3A_51 : memref<1x125xi32, #tpu.memory_space<vmem>> -> memref<125xi32, #tpu.memory_space<vmem>>
        %dma_wait3A_53 = arith.constant 0 : i32
        %dma_wait3A_54 = arith.constant 0 : i32
        %dma_wait3A_55 = tpu.memref_slice %arg2[%scan3A_32, %dma_wait3A_53, %dma_wait3A_54] : memref<2x10000x128xf32, #tpu.memory_space<hbm>> -> memref<1x10000x128xf32, #tpu.memory_space<hbm>>
        %dma_wait3A_56 = tpu.memref_squeeze %dma_wait3A_55 : memref<1x10000x128xf32, #tpu.memory_space<hbm>> -> memref<10000x128xf32, #tpu.memory_space<hbm>>
        %dma_wait3A_57 = arith.constant 0 : i32
        %dma_wait3A_58 = arith.constant 0 : i32
        %dma_wait3A_59 = tpu.memref_slice %dma_wait3A_56[%dma_wait3A_57, %dma_wait3A_58] : memref<10000x128xf32, #tpu.memory_space<hbm>> -> memref<10000x128xf32, #tpu.memory_space<hbm>>
        tpu.wait_indirect_dma semaphore(%arg11 : memref<!tpu.dma_semaphore, #tpu.memory_space<semaphore_mem>>) src(%dma_wait3A_59 : memref<10000x128xf32, #tpu.memory_space<hbm>>) dst(%arg8 : memref<125x128xf32, #tpu.memory_space<vmem>>)
        "tpu.region"() ({
          %run_scoped3A = tpu.sem_alloc : memref<!tpu.dma_semaphore, #tpu.memory_space<semaphore_mem>>
          %dma_start3A_60 = arith.constant 0 : i32
          %dma_start3A_61 = tpu.memref_slice %arg7[%add3A_41, %dma_start3A_60] : memref<80x125xi32, #tpu.memory_space<vmem>> -> memref<1x125xi32, #tpu.memory_space<vmem>>
          %dma_start3A_62 = tpu.memref_squeeze %dma_start3A_61 : memref<1x125xi32, #tpu.memory_space<vmem>> -> memref<125xi32, #tpu.memory_space<vmem>>
          %dma_start3A_63 = arith.constant 0 : i32
          %dma_start3A_64 = arith.constant 0 : i32
          %dma_start3A_65 = tpu.memref_slice %arg10[%dma_start3A_63, %dma_start3A_64] : memref<10240x128xf32, #tpu.memory_space<vmem_shared>> -> memref<10240x128xf32, #tpu.memory_space<vmem_shared>>
          tpu.enqueue_indirect_dma source(%arg8 : memref<125x128xf32, #tpu.memory_space<vmem>>) target(%dma_start3A_65 : memref<10240x128xf32, #tpu.memory_space<vmem_shared>>) offsets(%dma_start3A_62 : memref<125xi32, #tpu.memory_space<vmem>>) semaphore(%run_scoped3A : memref<!tpu.dma_semaphore, #tpu.memory_space<semaphore_mem>>) {add = true}
          %dma_wait3A_66 = arith.constant 0 : i32
          %dma_wait3A_67 = tpu.memref_slice %arg7[%add3A_41, %dma_wait3A_66] : memref<80x125xi32, #tpu.memory_space<vmem>> -> memref<1x125xi32, #tpu.memory_space<vmem>>
          %dma_wait3A_68 = tpu.memref_squeeze %dma_wait3A_67 : memref<1x125xi32, #tpu.memory_space<vmem>> -> memref<125xi32, #tpu.memory_space<vmem>>
          %dma_wait3A_69 = arith.constant 0 : i32
          %dma_wait3A_70 = arith.constant 0 : i32
          %dma_wait3A_71 = tpu.memref_slice %arg10[%dma_wait3A_69, %dma_wait3A_70] : memref<10240x128xf32, #tpu.memory_space<vmem_shared>> -> memref<10240x128xf32, #tpu.memory_space<vmem_shared>>
          tpu.wait_indirect_dma semaphore(%run_scoped3A : memref<!tpu.dma_semaphore, #tpu.memory_space<semaphore_mem>>) src(%arg8 : memref<125x128xf32, #tpu.memory_space<vmem>>) dst(%dma_wait3A_71 : memref<10240x128xf32, #tpu.memory_space<vmem_shared>>)
          tpu.yield
        }) : () -> ()
      }
      %scan3A_37 = arith.constant 80 : i32
    } else {
    }
    %eq3A_13 = arith.constant 1 : i32
    %eq3A_14 = arith.cmpi eq, %arg0, %eq3A_13 : i32
    %convert_element_type3A_15 = arith.extui %eq3A_14 : i1 to i32
    %cond3A_16 = arith.constant 0 : i32
    %cond3A_17 = arith.cmpi ne, %convert_element_type3A_15, %cond3A_16 : i32
    scf.if %cond3A_17 {
      %scan3A_32 = arith.constant 1 : i32
      %scan3A_33 = arith.constant 0 : i32
      %scan3A_34 = arith.constant 80 : i32
      %scan3A_35 = arith.addi %scan3A_33, %scan3A_34 : i32
      %scan3A_36 = arith.constant 1 : i32
      scf.for %scan3A_38 = %scan3A_33 to %scan3A_35 step %scan3A_36  : i32 {
        %mul3A_39 = arith.constant 1 : i32
        %mul3A_40 = arith.muli %scan3A_38, %mul3A_39 : i32
        %add3A = arith.constant 0 : i32
        %add3A_41 = arith.addi %add3A, %mul3A_40 : i32
        %dma_start3A = arith.constant 0 : i32
        %dma_start3A_42 = tpu.memref_slice %arg6[%add3A_41, %dma_start3A] : memref<80x125xi32, #tpu.memory_space<vmem>> -> memref<1x125xi32, #tpu.memory_space<vmem>>
        %dma_start3A_43 = tpu.memref_squeeze %dma_start3A_42 : memref<1x125xi32, #tpu.memory_space<vmem>> -> memref<125xi32, #tpu.memory_space<vmem>>
        %dma_start3A_44 = arith.constant 0 : i32
        %dma_start3A_45 = arith.constant 0 : i32
        %dma_start3A_46 = tpu.memref_slice %arg2[%scan3A_32, %dma_start3A_44, %dma_start3A_45] : memref<2x10000x128xf32, #tpu.memory_space<hbm>> -> memref<1x10000x128xf32, #tpu.memory_space<hbm>>
        %dma_start3A_47 = tpu.memref_squeeze %dma_start3A_46 : memref<1x10000x128xf32, #tpu.memory_space<hbm>> -> memref<10000x128xf32, #tpu.memory_space<hbm>>
        %dma_start3A_48 = arith.constant 0 : i32
        %dma_start3A_49 = arith.constant 0 : i32
        %dma_start3A_50 = tpu.memref_slice %dma_start3A_47[%dma_start3A_48, %dma_start3A_49] : memref<10000x128xf32, #tpu.memory_space<hbm>> -> memref<10000x128xf32, #tpu.memory_space<hbm>>
        tpu.enqueue_indirect_dma source(%dma_start3A_50 : memref<10000x128xf32, #tpu.memory_space<hbm>>) target(%arg8 : memref<125x128xf32, #tpu.memory_space<vmem>>) offsets(%dma_start3A_43 : memref<125xi32, #tpu.memory_space<vmem>>) semaphore(%arg11 : memref<!tpu.dma_semaphore, #tpu.memory_space<semaphore_mem>>)
        %dma_wait3A = arith.constant 0 : i32
        %dma_wait3A_51 = tpu.memref_slice %arg6[%add3A_41, %dma_wait3A] : memref<80x125xi32, #tpu.memory_space<vmem>> -> memref<1x125xi32, #tpu.memory_space<vmem>>
        %dma_wait3A_52 = tpu.memref_squeeze %dma_wait3A_51 : memref<1x125xi32, #tpu.memory_space<vmem>> -> memref<125xi32, #tpu.memory_space<vmem>>
        %dma_wait3A_53 = arith.constant 0 : i32
        %dma_wait3A_54 = arith.constant 0 : i32
        %dma_wait3A_55 = tpu.memref_slice %arg2[%scan3A_32, %dma_wait3A_53, %dma_wait3A_54] : memref<2x10000x128xf32, #tpu.memory_space<hbm>> -> memref<1x10000x128xf32, #tpu.memory_space<hbm>>
        %dma_wait3A_56 = tpu.memref_squeeze %dma_wait3A_55 : memref<1x10000x128xf32, #tpu.memory_space<hbm>> -> memref<10000x128xf32, #tpu.memory_space<hbm>>
        %dma_wait3A_57 = arith.constant 0 : i32
        %dma_wait3A_58 = arith.constant 0 : i32
        %dma_wait3A_59 = tpu.memref_slice %dma_wait3A_56[%dma_wait3A_57, %dma_wait3A_58] : memref<10000x128xf32, #tpu.memory_space<hbm>> -> memref<10000x128xf32, #tpu.memory_space<hbm>>
        tpu.wait_indirect_dma semaphore(%arg11 : memref<!tpu.dma_semaphore, #tpu.memory_space<semaphore_mem>>) src(%dma_wait3A_59 : memref<10000x128xf32, #tpu.memory_space<hbm>>) dst(%arg8 : memref<125x128xf32, #tpu.memory_space<vmem>>)
        "tpu.region"() ({
          %run_scoped3A = tpu.sem_alloc : memref<!tpu.dma_semaphore, #tpu.memory_space<semaphore_mem>>
          %dma_start3A_60 = arith.constant 0 : i32
          %dma_start3A_61 = tpu.memref_slice %arg7[%add3A_41, %dma_start3A_60] : memref<80x125xi32, #tpu.memory_space<vmem>> -> memref<1x125xi32, #tpu.memory_space<vmem>>
          %dma_start3A_62 = tpu.memref_squeeze %dma_start3A_61 : memref<1x125xi32, #tpu.memory_space<vmem>> -> memref<125xi32, #tpu.memory_space<vmem>>
          %dma_start3A_63 = arith.constant 0 : i32
          %dma_start3A_64 = arith.constant 0 : i32
          %dma_start3A_65 = tpu.memref_slice %arg10[%dma_start3A_63, %dma_start3A_64] : memref<10240x128xf32, #tpu.memory_space<vmem_shared>> -> memref<10240x128xf32, #tpu.memory_space<vmem_shared>>
          tpu.enqueue_indirect_dma source(%arg8 : memref<125x128xf32, #tpu.memory_space<vmem>>) target(%dma_start3A_65 : memref<10240x128xf32, #tpu.memory_space<vmem_shared>>) offsets(%dma_start3A_62 : memref<125xi32, #tpu.memory_space<vmem>>) semaphore(%run_scoped3A : memref<!tpu.dma_semaphore, #tpu.memory_space<semaphore_mem>>) {add = true}
          %dma_wait3A_66 = arith.constant 0 : i32
          %dma_wait3A_67 = tpu.memref_slice %arg7[%add3A_41, %dma_wait3A_66] : memref<80x125xi32, #tpu.memory_space<vmem>> -> memref<1x125xi32, #tpu.memory_space<vmem>>
          %dma_wait3A_68 = tpu.memref_squeeze %dma_wait3A_67 : memref<1x125xi32, #tpu.memory_space<vmem>> -> memref<125xi32, #tpu.memory_space<vmem>>
          %dma_wait3A_69 = arith.constant 0 : i32
          %dma_wait3A_70 = arith.constant 0 : i32
          %dma_wait3A_71 = tpu.memref_slice %arg10[%dma_wait3A_69, %dma_wait3A_70] : memref<10240x128xf32, #tpu.memory_space<vmem_shared>> -> memref<10240x128xf32, #tpu.memory_space<vmem_shared>>
          tpu.wait_indirect_dma semaphore(%run_scoped3A : memref<!tpu.dma_semaphore, #tpu.memory_space<semaphore_mem>>) src(%arg8 : memref<125x128xf32, #tpu.memory_space<vmem>>) dst(%dma_wait3A_71 : memref<10240x128xf32, #tpu.memory_space<vmem_shared>>)
          tpu.yield
        }) : () -> ()
      }
      %scan3A_37 = arith.constant 80 : i32
    } else {
    }
    %barrier3A_18 = arith.constant 0 : index
    tpu.barrier barrier_id(%barrier3A_18)
    %eq3A_19 = arith.constant 15 : i32
    %eq3A_20 = arith.cmpi eq, %arg1, %eq3A_19 : i32
    %jit3A = arith.constant 25 : i32
    %jit3A_21 = arith.constant 40 : i32
    %select_n3A = arith.select %eq3A_20, %jit3A, %jit3A_21 : i32
    %eq3A_22 = arith.constant 0 : i32
    %eq3A_23 = arith.cmpi eq, %arg0, %eq3A_22 : i32
    %convert_element_type3A_24 = arith.extui %eq3A_23 : i1 to i32
    %cond3A_25 = arith.constant 0 : i32
    %cond3A_26 = arith.cmpi ne, %convert_element_type3A_24, %cond3A_25 : i32
    scf.if %cond3A_26 {
      %sub3A = arith.constant 0 : i32
      %sub3A_32 = arith.subi %select_n3A, %sub3A : i32
      %sub3A_33 = arith.constant 1 : i32
      %sub3A_34 = arith.constant 1 : i32
      %sub3A_35 = arith.subi %sub3A_33, %sub3A_34 : i32
      %add3A = arith.addi %sub3A_32, %sub3A_35 : i32
      %div3A = arith.constant 1 : i32
      %div3A_36 = arith.divsi %add3A, %div3A : i32
      %while3A = arith.constant 1 : i32
      %while3A_37 = arith.constant 0 : i32
      %while3A_38 = arith.constant 0 : i32
      %while3A_39 = arith.constant 0 : i32
      %while3A_40 = arith.subi %div3A_36, %while3A_39 : i32
      %while3A_41 = arith.addi %while3A_39, %while3A_40 : i32
      %while3A_42 = arith.constant 1 : i32
      %while3A_43 = arith.divsi %while3A_40, %while3A_42 : i32
      %while3A_44 = arith.muli %while3A_43, %while3A_42 : i32
      %while3A_45 = arith.addi %while3A_39, %while3A_44 : i32
      %while3A_46 = arith.constant 1 : i32
      scf.for %while3A_48 = %while3A_39 to %while3A_45 step %while3A_46  : i32 {
        %mul3A_49 = arith.muli %while3A_48, %while3A : i32
        %add3A_50 = arith.addi %while3A_37, %mul3A_49 : i32
        %mul3A_51 = arith.constant 16 : i32
        %mul3A_52 = arith.muli %add3A_50, %mul3A_51 : i32
        %add3A_53 = arith.addi %mul3A_5, %mul3A_52 : i32
        "tpu.region"() ({
          %run_scoped3A = tpu.sem_alloc : memref<!tpu.dma_semaphore, #tpu.memory_space<semaphore_mem>>
          %dma_start3A = arith.constant 0 : i32
          %dma_start3A_54 = arith.constant 0 : i32
          %dma_start3A_55 = tpu.memref_slice %arg5[%while3A_38, %dma_start3A, %dma_start3A_54] : memref<2x10000x128xf32, #tpu.memory_space<hbm>> -> memref<1x10000x128xf32, #tpu.memory_space<hbm>>
          %dma_start3A_56 = tpu.memref_squeeze %dma_start3A_55 : memref<1x10000x128xf32, #tpu.memory_space<hbm>> -> memref<10000x128xf32, #tpu.memory_space<hbm>>
          %dma_start3A_57 = arith.constant 0 : i32
          %dma_start3A_58 = tpu.memref_slice %dma_start3A_56[%add3A_53, %dma_start3A_57] : memref<10000x128xf32, #tpu.memory_space<hbm>> -> memref<16x128xf32, #tpu.memory_space<hbm>>
          %dma_start3A_59 = arith.constant 0 : i32
          %dma_start3A_60 = tpu.memref_slice %arg10[%add3A_53, %dma_start3A_59] : memref<10240x128xf32, #tpu.memory_space<vmem_shared>> -> memref<16x128xf32, #tpu.memory_space<vmem_shared>>
          tpu.enqueue_dma source(%dma_start3A_60 : memref<16x128xf32, #tpu.memory_space<vmem_shared>>) target(%dma_start3A_58 : memref<16x128xf32, #tpu.memory_space<hbm>>) target_semaphore(%run_scoped3A : memref<!tpu.dma_semaphore, #tpu.memory_space<semaphore_mem>>)
          %dma_wait3A = arith.constant 0 : i32
          %dma_wait3A_61 = arith.constant 0 : i32
          %dma_wait3A_62 = tpu.memref_slice %arg5[%while3A_38, %dma_wait3A, %dma_wait3A_61] : memref<2x10000x128xf32, #tpu.memory_space<hbm>> -> memref<1x10000x128xf32, #tpu.memory_space<hbm>>
          %dma_wait3A_63 = tpu.memref_squeeze %dma_wait3A_62 : memref<1x10000x128xf32, #tpu.memory_space<hbm>> -> memref<10000x128xf32, #tpu.memory_space<hbm>>
          %dma_wait3A_64 = arith.constant 0 : i32
          %dma_wait3A_65 = tpu.memref_slice %dma_wait3A_63[%add3A_53, %dma_wait3A_64] : memref<10000x128xf32, #tpu.memory_space<hbm>> -> memref<16x128xf32, #tpu.memory_space<hbm>>
          %dma_wait3A_66 = arith.constant 0 : i32
          %dma_wait3A_67 = tpu.memref_slice %arg10[%add3A_53, %dma_wait3A_66] : memref<10240x128xf32, #tpu.memory_space<vmem_shared>> -> memref<16x128xf32, #tpu.memory_space<vmem_shared>>
          tpu.wait_dma2 semaphore(%run_scoped3A : memref<!tpu.dma_semaphore, #tpu.memory_space<semaphore_mem>>) src(%dma_wait3A_67 : memref<16x128xf32, #tpu.memory_space<vmem_shared>>) dst(%dma_wait3A_65 : memref<16x128xf32, #tpu.memory_space<hbm>>)
          tpu.yield
        }) : () -> ()
      }
      %while3A_47 = arith.constant 1 : i32
      scf.for %while3A_48 = %while3A_45 to %while3A_41 step %while3A_47  : i32 {
        %mul3A_49 = arith.muli %while3A_48, %while3A : i32
        %add3A_50 = arith.addi %while3A_37, %mul3A_49 : i32
        %mul3A_51 = arith.constant 16 : i32
        %mul3A_52 = arith.muli %add3A_50, %mul3A_51 : i32
        %add3A_53 = arith.addi %mul3A_5, %mul3A_52 : i32
        "tpu.region"() ({
          %run_scoped3A = tpu.sem_alloc : memref<!tpu.dma_semaphore, #tpu.memory_space<semaphore_mem>>
          %dma_start3A = arith.constant 0 : i32
          %dma_start3A_54 = arith.constant 0 : i32
          %dma_start3A_55 = tpu.memref_slice %arg5[%while3A_38, %dma_start3A, %dma_start3A_54] : memref<2x10000x128xf32, #tpu.memory_space<hbm>> -> memref<1x10000x128xf32, #tpu.memory_space<hbm>>
          %dma_start3A_56 = tpu.memref_squeeze %dma_start3A_55 : memref<1x10000x128xf32, #tpu.memory_space<hbm>> -> memref<10000x128xf32, #tpu.memory_space<hbm>>
          %dma_start3A_57 = arith.constant 0 : i32
          %dma_start3A_58 = tpu.memref_slice %dma_start3A_56[%add3A_53, %dma_start3A_57] : memref<10000x128xf32, #tpu.memory_space<hbm>> -> memref<16x128xf32, #tpu.memory_space<hbm>>
          %dma_start3A_59 = arith.constant 0 : i32
          %dma_start3A_60 = tpu.memref_slice %arg10[%add3A_53, %dma_start3A_59] : memref<10240x128xf32, #tpu.memory_space<vmem_shared>> -> memref<16x128xf32, #tpu.memory_space<vmem_shared>>
          tpu.enqueue_dma source(%dma_start3A_60 : memref<16x128xf32, #tpu.memory_space<vmem_shared>>) target(%dma_start3A_58 : memref<16x128xf32, #tpu.memory_space<hbm>>) target_semaphore(%run_scoped3A : memref<!tpu.dma_semaphore, #tpu.memory_space<semaphore_mem>>)
          %dma_wait3A = arith.constant 0 : i32
          %dma_wait3A_61 = arith.constant 0 : i32
          %dma_wait3A_62 = tpu.memref_slice %arg5[%while3A_38, %dma_wait3A, %dma_wait3A_61] : memref<2x10000x128xf32, #tpu.memory_space<hbm>> -> memref<1x10000x128xf32, #tpu.memory_space<hbm>>
          %dma_wait3A_63 = tpu.memref_squeeze %dma_wait3A_62 : memref<1x10000x128xf32, #tpu.memory_space<hbm>> -> memref<10000x128xf32, #tpu.memory_space<hbm>>
          %dma_wait3A_64 = arith.constant 0 : i32
          %dma_wait3A_65 = tpu.memref_slice %dma_wait3A_63[%add3A_53, %dma_wait3A_64] : memref<10000x128xf32, #tpu.memory_space<hbm>> -> memref<16x128xf32, #tpu.memory_space<hbm>>
          %dma_wait3A_66 = arith.constant 0 : i32
          %dma_wait3A_67 = tpu.memref_slice %arg10[%add3A_53, %dma_wait3A_66] : memref<10240x128xf32, #tpu.memory_space<vmem_shared>> -> memref<16x128xf32, #tpu.memory_space<vmem_shared>>
          tpu.wait_dma2 semaphore(%run_scoped3A : memref<!tpu.dma_semaphore, #tpu.memory_space<semaphore_mem>>) src(%dma_wait3A_67 : memref<16x128xf32, #tpu.memory_space<vmem_shared>>) dst(%dma_wait3A_65 : memref<16x128xf32, #tpu.memory_space<hbm>>)
          tpu.yield
        }) : () -> ()
      }
    } else {
    }
    %eq3A_27 = arith.constant 1 : i32
    %eq3A_28 = arith.cmpi eq, %arg0, %eq3A_27 : i32
    %convert_element_type3A_29 = arith.extui %eq3A_28 : i1 to i32
    %cond3A_30 = arith.constant 0 : i32
    %cond3A_31 = arith.cmpi ne, %convert_element_type3A_29, %cond3A_30 : i32
    scf.if %cond3A_31 {
      %sub3A = arith.constant 0 : i32
      %sub3A_32 = arith.subi %select_n3A, %sub3A : i32
      %sub3A_33 = arith.constant 1 : i32
      %sub3A_34 = arith.constant 1 : i32
      %sub3A_35 = arith.subi %sub3A_33, %sub3A_34 : i32
      %add3A = arith.addi %sub3A_32, %sub3A_35 : i32
      %div3A = arith.constant 1 : i32
      %div3A_36 = arith.divsi %add3A, %div3A : i32
      %while3A = arith.constant 1 : i32
      %while3A_37 = arith.constant 0 : i32
      %while3A_38 = arith.constant 1 : i32
      %while3A_39 = arith.constant 0 : i32
      %while3A_40 = arith.subi %div3A_36, %while3A_39 : i32
      %while3A_41 = arith.addi %while3A_39, %while3A_40 : i32
      %while3A_42 = arith.constant 1 : i32
      %while3A_43 = arith.divsi %while3A_40, %while3A_42 : i32
      %while3A_44 = arith.muli %while3A_43, %while3A_42 : i32
      %while3A_45 = arith.addi %while3A_39, %while3A_44 : i32
      %while3A_46 = arith.constant 1 : i32
      scf.for %while3A_48 = %while3A_39 to %while3A_45 step %while3A_46  : i32 {
        %mul3A_49 = arith.muli %while3A_48, %while3A : i32
        %add3A_50 = arith.addi %while3A_37, %mul3A_49 : i32
        %mul3A_51 = arith.constant 16 : i32
        %mul3A_52 = arith.muli %add3A_50, %mul3A_51 : i32
        %add3A_53 = arith.addi %mul3A_5, %mul3A_52 : i32
        "tpu.region"() ({
          %run_scoped3A = tpu.sem_alloc : memref<!tpu.dma_semaphore, #tpu.memory_space<semaphore_mem>>
          %dma_start3A = arith.constant 0 : i32
          %dma_start3A_54 = arith.constant 0 : i32
          %dma_start3A_55 = tpu.memref_slice %arg5[%while3A_38, %dma_start3A, %dma_start3A_54] : memref<2x10000x128xf32, #tpu.memory_space<hbm>> -> memref<1x10000x128xf32, #tpu.memory_space<hbm>>
          %dma_start3A_56 = tpu.memref_squeeze %dma_start3A_55 : memref<1x10000x128xf32, #tpu.memory_space<hbm>> -> memref<10000x128xf32, #tpu.memory_space<hbm>>
          %dma_start3A_57 = arith.constant 0 : i32
          %dma_start3A_58 = tpu.memref_slice %dma_start3A_56[%add3A_53, %dma_start3A_57] : memref<10000x128xf32, #tpu.memory_space<hbm>> -> memref<16x128xf32, #tpu.memory_space<hbm>>
          %dma_start3A_59 = arith.constant 0 : i32
          %dma_start3A_60 = tpu.memref_slice %arg10[%add3A_53, %dma_start3A_59] : memref<10240x128xf32, #tpu.memory_space<vmem_shared>> -> memref<16x128xf32, #tpu.memory_space<vmem_shared>>
          tpu.enqueue_dma source(%dma_start3A_60 : memref<16x128xf32, #tpu.memory_space<vmem_shared>>) target(%dma_start3A_58 : memref<16x128xf32, #tpu.memory_space<hbm>>) target_semaphore(%run_scoped3A : memref<!tpu.dma_semaphore, #tpu.memory_space<semaphore_mem>>)
          %dma_wait3A = arith.constant 0 : i32
          %dma_wait3A_61 = arith.constant 0 : i32
          %dma_wait3A_62 = tpu.memref_slice %arg5[%while3A_38, %dma_wait3A, %dma_wait3A_61] : memref<2x10000x128xf32, #tpu.memory_space<hbm>> -> memref<1x10000x128xf32, #tpu.memory_space<hbm>>
          %dma_wait3A_63 = tpu.memref_squeeze %dma_wait3A_62 : memref<1x10000x128xf32, #tpu.memory_space<hbm>> -> memref<10000x128xf32, #tpu.memory_space<hbm>>
          %dma_wait3A_64 = arith.constant 0 : i32
          %dma_wait3A_65 = tpu.memref_slice %dma_wait3A_63[%add3A_53, %dma_wait3A_64] : memref<10000x128xf32, #tpu.memory_space<hbm>> -> memref<16x128xf32, #tpu.memory_space<hbm>>
          %dma_wait3A_66 = arith.constant 0 : i32
          %dma_wait3A_67 = tpu.memref_slice %arg10[%add3A_53, %dma_wait3A_66] : memref<10240x128xf32, #tpu.memory_space<vmem_shared>> -> memref<16x128xf32, #tpu.memory_space<vmem_shared>>
          tpu.wait_dma2 semaphore(%run_scoped3A : memref<!tpu.dma_semaphore, #tpu.memory_space<semaphore_mem>>) src(%dma_wait3A_67 : memref<16x128xf32, #tpu.memory_space<vmem_shared>>) dst(%dma_wait3A_65 : memref<16x128xf32, #tpu.memory_space<hbm>>)
          tpu.yield
        }) : () -> ()
      }
      %while3A_47 = arith.constant 1 : i32
      scf.for %while3A_48 = %while3A_45 to %while3A_41 step %while3A_47  : i32 {
        %mul3A_49 = arith.muli %while3A_48, %while3A : i32
        %add3A_50 = arith.addi %while3A_37, %mul3A_49 : i32
        %mul3A_51 = arith.constant 16 : i32
        %mul3A_52 = arith.muli %add3A_50, %mul3A_51 : i32
        %add3A_53 = arith.addi %mul3A_5, %mul3A_52 : i32
        "tpu.region"() ({
          %run_scoped3A = tpu.sem_alloc : memref<!tpu.dma_semaphore, #tpu.memory_space<semaphore_mem>>
          %dma_start3A = arith.constant 0 : i32
          %dma_start3A_54 = arith.constant 0 : i32
          %dma_start3A_55 = tpu.memref_slice %arg5[%while3A_38, %dma_start3A, %dma_start3A_54] : memref<2x10000x128xf32, #tpu.memory_space<hbm>> -> memref<1x10000x128xf32, #tpu.memory_space<hbm>>
          %dma_start3A_56 = tpu.memref_squeeze %dma_start3A_55 : memref<1x10000x128xf32, #tpu.memory_space<hbm>> -> memref<10000x128xf32, #tpu.memory_space<hbm>>
          %dma_start3A_57 = arith.constant 0 : i32
          %dma_start3A_58 = tpu.memref_slice %dma_start3A_56[%add3A_53, %dma_start3A_57] : memref<10000x128xf32, #tpu.memory_space<hbm>> -> memref<16x128xf32, #tpu.memory_space<hbm>>
          %dma_start3A_59 = arith.constant 0 : i32
          %dma_start3A_60 = tpu.memref_slice %arg10[%add3A_53, %dma_start3A_59] : memref<10240x128xf32, #tpu.memory_space<vmem_shared>> -> memref<16x128xf32, #tpu.memory_space<vmem_shared>>
          tpu.enqueue_dma source(%dma_start3A_60 : memref<16x128xf32, #tpu.memory_space<vmem_shared>>) target(%dma_start3A_58 : memref<16x128xf32, #tpu.memory_space<hbm>>) target_semaphore(%run_scoped3A : memref<!tpu.dma_semaphore, #tpu.memory_space<semaphore_mem>>)
          %dma_wait3A = arith.constant 0 : i32
          %dma_wait3A_61 = arith.constant 0 : i32
          %dma_wait3A_62 = tpu.memref_slice %arg5[%while3A_38, %dma_wait3A, %dma_wait3A_61] : memref<2x10000x128xf32, #tpu.memory_space<hbm>> -> memref<1x10000x128xf32, #tpu.memory_space<hbm>>
          %dma_wait3A_63 = tpu.memref_squeeze %dma_wait3A_62 : memref<1x10000x128xf32, #tpu.memory_space<hbm>> -> memref<10000x128xf32, #tpu.memory_space<hbm>>
          %dma_wait3A_64 = arith.constant 0 : i32
          %dma_wait3A_65 = tpu.memref_slice %dma_wait3A_63[%add3A_53, %dma_wait3A_64] : memref<10000x128xf32, #tpu.memory_space<hbm>> -> memref<16x128xf32, #tpu.memory_space<hbm>>
          %dma_wait3A_66 = arith.constant 0 : i32
          %dma_wait3A_67 = tpu.memref_slice %arg10[%add3A_53, %dma_wait3A_66] : memref<10240x128xf32, #tpu.memory_space<vmem_shared>> -> memref<16x128xf32, #tpu.memory_space<vmem_shared>>
          tpu.wait_dma2 semaphore(%run_scoped3A : memref<!tpu.dma_semaphore, #tpu.memory_space<semaphore_mem>>) src(%dma_wait3A_67 : memref<16x128xf32, #tpu.memory_space<vmem_shared>>) dst(%dma_wait3A_65 : memref<16x128xf32, #tpu.memory_space<hbm>>)
          tpu.yield
        }) : () -> ()
      }
    } else {
    }
    return
  }
}

#map = affine_map<(d0, d1) -> (0, 0, 0)>
module attributes {stable_mosaic.version = 14 : i64} {
  func.func @body(%arg0: i32, %arg1: i32, %arg2: memref<2x10000x128xf32, #tpu.memory_space<hbm>>, %arg3: memref<16x80x125xi32, #tpu.memory_space<hbm>>, %arg4: memref<16x80x125xi32, #tpu.memory_space<hbm>>, %arg5: memref<2x10000x128xf32, #tpu.memory_space<hbm>>, %arg6: memref<80x125xi32, #tpu.memory_space<vmem>>, %arg7: memref<80x125xi32, #tpu.memory_space<vmem>>, %arg8: memref<125x128xf32, #tpu.memory_space<vmem>>, %arg9: memref<16x128xf32, #tpu.memory_space<vmem>>, %arg10: memref<10240x128xf32, #tpu.memory_space<vmem_shared>>, %arg11: memref<!tpu.dma_semaphore, #tpu.memory_space<semaphore_mem>>) attributes {dimension_semantics = [#tpu.dimension_semantics<core_parallel>, #tpu.dimension_semantics<subcore_parallel>], iteration_bounds = array<i64: 2, 16>, scalar_prefetch = 0 : i64, scratch_operands = 6 : i64, tpu.core_type = #tpu.core_type<sc_vector_subcore>, window_params = [{transform_indices = #map}, {transform_indices = #map}, {transform_indices = #map}, {transform_indices = #map}]} {
    %broadcast_in_dim3A = arith.constant 0.000000e+00 : f32
    %broadcast_in_dim3A_0 = vector.broadcast %broadcast_in_dim3A : f32 to vector<16xf32>
    %scan3A = arith.constant 0 : i32
    %scan3A_1 = arith.constant 16 : i32
    %scan3A_2 = arith.addi %scan3A, %scan3A_1 : i32
    %scan3A_3 = arith.constant 1 : i32
    scf.for %scan3A_32 = %scan3A to %scan3A_2 step %scan3A_3  : i32 {
      %mul3A_33 = arith.constant 1 : i32
      %mul3A_34 = arith.muli %scan3A_32, %mul3A_33 : i32
      %add3A = arith.constant 0 : i32
      %add3A_35 = arith.addi %add3A, %mul3A_34 : i32
      %swap3A = arith.index_cast %add3A_35 : i32 to index
      %swap3A_36 = arith.constant 0 : index
      %swap3A_37 = tpu.vector_load %arg9[%swap3A, %swap3A_36] {strides = array<i32>} : memref<16x128xf32, #tpu.memory_space<vmem>>, vector<1x16xf32>,
      %swap3A_38 = vector.shape_cast %swap3A_37 : vector<1x16xf32> to vector<16xf32>
      %swap3A_39 = vector.shape_cast %broadcast_in_dim3A_0 : vector<16xf32> to vector<1x16xf32>
      tpu.vector_store %arg9[%swap3A, %swap3A_36], %swap3A_39 {strides = array<i32>} : memref<16x128xf32, #tpu.memory_space<vmem>>, vector<1x16xf32>,
      %swap3A_40 = arith.index_cast %add3A_35 : i32 to index
      %swap3A_41 = arith.constant 16 : index
      %swap3A_42 = tpu.vector_load %arg9[%swap3A_40, %swap3A_41] {strides = array<i32>} : memref<16x128xf32, #tpu.memory_space<vmem>>, vector<1x16xf32>,
      %swap3A_43 = vector.shape_cast %swap3A_42 : vector<1x16xf32> to vector<16xf32>
      %swap3A_44 = vector.shape_cast %broadcast_in_dim3A_0 : vector<16xf32> to vector<1x16xf32>
      tpu.vector_store %arg9[%swap3A_40, %swap3A_41], %swap3A_44 {strides = array<i32>} : memref<16x128xf32, #tpu.memory_space<vmem>>, vector<1x16xf32>,
      %swap3A_45 = arith.index_cast %add3A_35 : i32 to index
      %swap3A_46 = arith.constant 32 : index
      %swap3A_47 = tpu.vector_load %arg9[%swap3A_45, %swap3A_46] {strides = array<i32>} : memref<16x128xf32, #tpu.memory_space<vmem>>, vector<1x16xf32>,
      %swap3A_48 = vector.shape_cast %swap3A_47 : vector<1x16xf32> to vector<16xf32>
      %swap3A_49 = vector.shape_cast %broadcast_in_dim3A_0 : vector<16xf32> to vector<1x16xf32>
      tpu.vector_store %arg9[%swap3A_45, %swap3A_46], %swap3A_49 {strides = array<i32>} : memref<16x128xf32, #tpu.memory_space<vmem>>, vector<1x16xf32>,
      %swap3A_50 = arith.index_cast %add3A_35 : i32 to index
      %swap3A_51 = arith.constant 48 : index
      %swap3A_52 = tpu.vector_load %arg9[%swap3A_50, %swap3A_51] {strides = array<i32>} : memref<16x128xf32, #tpu.memory_space<vmem>>, vector<1x16xf32>,
      %swap3A_53 = vector.shape_cast %swap3A_52 : vector<1x16xf32> to vector<16xf32>
      %swap3A_54 = vector.shape_cast %broadcast_in_dim3A_0 : vector<16xf32> to vector<1x16xf32>
      tpu.vector_store %arg9[%swap3A_50, %swap3A_51], %swap3A_54 {strides = array<i32>} : memref<16x128xf32, #tpu.memory_space<vmem>>, vector<1x16xf32>,
      %swap3A_55 = arith.index_cast %add3A_35 : i32 to index
      %swap3A_56 = arith.constant 64 : index
      %swap3A_57 = tpu.vector_load %arg9[%swap3A_55, %swap3A_56] {strides = array<i32>} : memref<16x128xf32, #tpu.memory_space<vmem>>, vector<1x16xf32>,
      %swap3A_58 = vector.shape_cast %swap3A_57 : vector<1x16xf32> to vector<16xf32>
      %swap3A_59 = vector.shape_cast %broadcast_in_dim3A_0 : vector<16xf32> to vector<1x16xf32>
      tpu.vector_store %arg9[%swap3A_55, %swap3A_56], %swap3A_59 {strides = array<i32>} : memref<16x128xf32, #tpu.memory_space<vmem>>, vector<1x16xf32>,
      %swap3A_60 = arith.index_cast %add3A_35 : i32 to index
      %swap3A_61 = arith.constant 80 : index
      %swap3A_62 = tpu.vector_load %arg9[%swap3A_60, %swap3A_61] {strides = array<i32>} : memref<16x128xf32, #tpu.memory_space<vmem>>, vector<1x16xf32>,
      %swap3A_63 = vector.shape_cast %swap3A_62 : vector<1x16xf32> to vector<16xf32>
      %swap3A_64 = vector.shape_cast %broadcast_in_dim3A_0 : vector<16xf32> to vector<1x16xf32>
      tpu.vector_store %arg9[%swap3A_60, %swap3A_61], %swap3A_64 {strides = array<i32>} : memref<16x128xf32, #tpu.memory_space<vmem>>, vector<1x16xf32>,
      %swap3A_65 = arith.index_cast %add3A_35 : i32 to index
      %swap3A_66 = arith.constant 96 : index
      %swap3A_67 = tpu.vector_load %arg9[%swap3A_65, %swap3A_66] {strides = array<i32>} : memref<16x128xf32, #tpu.memory_space<vmem>>, vector<1x16xf32>,
      %swap3A_68 = vector.shape_cast %swap3A_67 : vector<1x16xf32> to vector<16xf32>
      %swap3A_69 = vector.shape_cast %broadcast_in_dim3A_0 : vector<16xf32> to vector<1x16xf32>
      tpu.vector_store %arg9[%swap3A_65, %swap3A_66], %swap3A_69 {strides = array<i32>} : memref<16x128xf32, #tpu.memory_space<vmem>>, vector<1x16xf32>,
      %swap3A_70 = arith.index_cast %add3A_35 : i32 to index
      %swap3A_71 = arith.constant 112 : index
      %swap3A_72 = tpu.vector_load %arg9[%swap3A_70, %swap3A_71] {strides = array<i32>} : memref<16x128xf32, #tpu.memory_space<vmem>>, vector<1x16xf32>,
      %swap3A_73 = vector.shape_cast %swap3A_72 : vector<1x16xf32> to vector<16xf32>
      %swap3A_74 = vector.shape_cast %broadcast_in_dim3A_0 : vector<16xf32> to vector<1x16xf32>
      tpu.vector_store %arg9[%swap3A_70, %swap3A_71], %swap3A_74 {strides = array<i32>} : memref<16x128xf32, #tpu.memory_space<vmem>>, vector<1x16xf32>,
    }
    %scan3A_4 = arith.constant 16 : i32
    %mul3A = arith.constant 640 : i32
    %mul3A_5 = arith.muli %arg1, %mul3A : i32
    %scan3A_6 = arith.constant 0 : i32
    %scan3A_7 = arith.constant 40 : i32
    %scan3A_8 = arith.addi %scan3A_6, %scan3A_7 : i32
    %scan3A_9 = arith.constant 1 : i32
    scf.for %scan3A_32 = %scan3A_6 to %scan3A_8 step %scan3A_9  : i32 {
      %mul3A_33 = arith.constant 1 : i32
      %mul3A_34 = arith.muli %scan3A_32, %mul3A_33 : i32
      %add3A = arith.constant 0 : i32
      %add3A_35 = arith.addi %add3A, %mul3A_34 : i32
      %mul3A_36 = arith.constant 16 : i32
      %mul3A_37 = arith.muli %add3A_35, %mul3A_36 : i32
      %add3A_38 = arith.addi %mul3A_5, %mul3A_37 : i32
      "tpu.region"() ({
        %run_scoped3A = tpu.sem_alloc : memref<!tpu.dma_semaphore, #tpu.memory_space<semaphore_mem>>
        %dma_start3A = arith.constant 0 : i32
        %dma_start3A_39 = tpu.memref_slice %arg10[%add3A_38, %dma_start3A] : memref<10240x128xf32, #tpu.memory_space<vmem_shared>> -> memref<16x128xf32, #tpu.memory_space<vmem_shared>>
        %dma_start3A_40 = arith.constant 0 : i32
        %dma_start3A_41 = tpu.memref_slice %arg10[%add3A_38, %dma_start3A_40] : memref<10240x128xf32, #tpu.memory_space<vmem_shared>> -> memref<16x128xf32, #tpu.memory_space<vmem_shared>>
        tpu.enqueue_dma source(%arg9 : memref<16x128xf32, #tpu.memory_space<vmem>>) target(%dma_start3A_41 : memref<16x128xf32, #tpu.memory_space<vmem_shared>>) target_semaphore(%run_scoped3A : memref<!tpu.dma_semaphore, #tpu.memory_space<semaphore_mem>>)
        %dma_wait3A = arith.constant 0 : i32
        %dma_wait3A_42 = tpu.memref_slice %arg10[%add3A_38, %dma_wait3A] : memref<10240x128xf32, #tpu.memory_space<vmem_shared>> -> memref<16x128xf32, #tpu.memory_space<vmem_shared>>
        %dma_wait3A_43 = arith.constant 0 : i32
        %dma_wait3A_44 = tpu.memref_slice %arg10[%add3A_38, %dma_wait3A_43] : memref<10240x128xf32, #tpu.memory_space<vmem_shared>> -> memref<16x128xf32, #tpu.memory_space<vmem_shared>>
        tpu.wait_dma2 semaphore(%run_scoped3A : memref<!tpu.dma_semaphore, #tpu.memory_space<semaphore_mem>>) src(%arg9 : memref<16x128xf32, #tpu.memory_space<vmem>>) dst(%dma_wait3A_44 : memref<16x128xf32, #tpu.memory_space<vmem_shared>>)
        tpu.yield
      }) : () -> ()
    }
    %scan3A_10 = arith.constant 40 : i32
    "tpu.region"() ({
      %run_scoped3A = tpu.sem_alloc : memref<!tpu.dma_semaphore, #tpu.memory_space<semaphore_mem>>
      %dma_start3A = arith.constant 0 : i32
      %dma_start3A_32 = arith.constant 0 : i32
      %dma_start3A_33 = tpu.memref_slice %arg3[%arg1, %dma_start3A, %dma_start3A_32] : memref<16x80x125xi32, #tpu.memory_space<hbm>> -> memref<1x80x125xi32, #tpu.memory_space<hbm>>
      %dma_start3A_34 = tpu.memref_squeeze %dma_start3A_33 : memref<1x80x125xi32, #tpu.memory_space<hbm>> -> memref<80x125xi32, #tpu.memory_space<hbm>>
      %dma_start3A_35 = arith.constant 0 : i32
      %dma_start3A_36 = arith.constant 0 : i32
      %dma_start3A_37 = tpu.memref_slice %arg3[%arg1, %dma_start3A_35, %dma_start3A_36] : memref<16x80x125xi32, #tpu.memory_space<hbm>> -> memref<1x80x125xi32, #tpu.memory_space<hbm>>
      %dma_start3A_38 = tpu.memref_squeeze %dma_start3A_37 : memref<1x80x125xi32, #tpu.memory_space<hbm>> -> memref<80x125xi32, #tpu.memory_space<hbm>>
      tpu.enqueue_dma source(%dma_start3A_38 : memref<80x125xi32, #tpu.memory_space<hbm>>) target(%arg6 : memref<80x125xi32, #tpu.memory_space<vmem>>) target_semaphore(%run_scoped3A : memref<!tpu.dma_semaphore, #tpu.memory_space<semaphore_mem>>)
      %dma_wait3A = arith.constant 0 : i32
      %dma_wait3A_39 = arith.constant 0 : i32
      %dma_wait3A_40 = tpu.memref_slice %arg3[%arg1, %dma_wait3A, %dma_wait3A_39] : memref<16x80x125xi32, #tpu.memory_space<hbm>> -> memref<1x80x125xi32, #tpu.memory_space<hbm>>
      %dma_wait3A_41 = tpu.memref_squeeze %dma_wait3A_40 : memref<1x80x125xi32, #tpu.memory_space<hbm>> -> memref<80x125xi32, #tpu.memory_space<hbm>>
      %dma_wait3A_42 = arith.constant 0 : i32
      %dma_wait3A_43 = arith.constant 0 : i32
      %dma_wait3A_44 = tpu.memref_slice %arg3[%arg1, %dma_wait3A_42, %dma_wait3A_43] : memref<16x80x125xi32, #tpu.memory_space<hbm>> -> memref<1x80x125xi32, #tpu.memory_space<hbm>>
      %dma_wait3A_45 = tpu.memref_squeeze %dma_wait3A_44 : memref<1x80x125xi32, #tpu.memory_space<hbm>> -> memref<80x125xi32, #tpu.memory_space<hbm>>
      tpu.wait_dma2 semaphore(%run_scoped3A : memref<!tpu.dma_semaphore, #tpu.memory_space<semaphore_mem>>) src(%dma_wait3A_45 : memref<80x125xi32, #tpu.memory_space<hbm>>) dst(%arg6 : memref<80x125xi32, #tpu.memory_space<vmem>>)
      tpu.yield
    }) : () -> ()
    "tpu.region"() ({
      %run_scoped3A = tpu.sem_alloc : memref<!tpu.dma_semaphore, #tpu.memory_space<semaphore_mem>>
      %dma_start3A = arith.constant 0 : i32
      %dma_start3A_32 = arith.constant 0 : i32
      %dma_start3A_33 = tpu.memref_slice %arg4[%arg1, %dma_start3A, %dma_start3A_32] : memref<16x80x125xi32, #tpu.memory_space<hbm>> -> memref<1x80x125xi32, #tpu.memory_space<hbm>>
      %dma_start3A_34 = tpu.memref_squeeze %dma_start3A_33 : memref<1x80x125xi32, #tpu.memory_space<hbm>> -> memref<80x125xi32, #tpu.memory_space<hbm>>
      %dma_start3A_35 = arith.constant 0 : i32
      %dma_start3A_36 = arith.constant 0 : i32
      %dma_start3A_37 = tpu.memref_slice %arg4[%arg1, %dma_start3A_35, %dma_start3A_36] : memref<16x80x125xi32, #tpu.memory_space<hbm>> -> memref<1x80x125xi32, #tpu.memory_space<hbm>>
      %dma_start3A_38 = tpu.memref_squeeze %dma_start3A_37 : memref<1x80x125xi32, #tpu.memory_space<hbm>> -> memref<80x125xi32, #tpu.memory_space<hbm>>
      tpu.enqueue_dma source(%dma_start3A_38 : memref<80x125xi32, #tpu.memory_space<hbm>>) target(%arg7 : memref<80x125xi32, #tpu.memory_space<vmem>>) target_semaphore(%run_scoped3A : memref<!tpu.dma_semaphore, #tpu.memory_space<semaphore_mem>>)
      %dma_wait3A = arith.constant 0 : i32
      %dma_wait3A_39 = arith.constant 0 : i32
      %dma_wait3A_40 = tpu.memref_slice %arg4[%arg1, %dma_wait3A, %dma_wait3A_39] : memref<16x80x125xi32, #tpu.memory_space<hbm>> -> memref<1x80x125xi32, #tpu.memory_space<hbm>>
      %dma_wait3A_41 = tpu.memref_squeeze %dma_wait3A_40 : memref<1x80x125xi32, #tpu.memory_space<hbm>> -> memref<80x125xi32, #tpu.memory_space<hbm>>
      %dma_wait3A_42 = arith.constant 0 : i32
      %dma_wait3A_43 = arith.constant 0 : i32
      %dma_wait3A_44 = tpu.memref_slice %arg4[%arg1, %dma_wait3A_42, %dma_wait3A_43] : memref<16x80x125xi32, #tpu.memory_space<hbm>> -> memref<1x80x125xi32, #tpu.memory_space<hbm>>
      %dma_wait3A_45 = tpu.memref_squeeze %dma_wait3A_44 : memref<1x80x125xi32, #tpu.memory_space<hbm>> -> memref<80x125xi32, #tpu.memory_space<hbm>>
      tpu.wait_dma2 semaphore(%run_scoped3A : memref<!tpu.dma_semaphore, #tpu.memory_space<semaphore_mem>>) src(%dma_wait3A_45 : memref<80x125xi32, #tpu.memory_space<hbm>>) dst(%arg7 : memref<80x125xi32, #tpu.memory_space<vmem>>)
      tpu.yield
    }) : () -> ()
    %barrier3A = arith.constant 0 : index
    tpu.barrier barrier_id(%barrier3A)
    %eq3A = arith.constant 0 : i32
    %eq3A_11 = arith.cmpi eq, %arg0, %eq3A : i32
    %convert_element_type3A = arith.extui %eq3A_11 : i1 to i32
    %cond3A = arith.constant 0 : i32
    %cond3A_12 = arith.cmpi ne, %convert_element_type3A, %cond3A : i32
    scf.if %cond3A_12 {
      %scan3A_32 = arith.constant 0 : i32
      %scan3A_33 = arith.constant 0 : i32
      %scan3A_34 = arith.constant 80 : i32
      %scan3A_35 = arith.addi %scan3A_33, %scan3A_34 : i32
      %scan3A_36 = arith.constant 1 : i32
      scf.for %scan3A_38 = %scan3A_33 to %scan3A_35 step %scan3A_36  : i32 {
        %mul3A_39 = arith.constant 1 : i32
        %mul3A_40 = arith.muli %scan3A_38, %mul3A_39 : i32
        %add3A = arith.constant 0 : i32
        %add3A_41 = arith.addi %add3A, %mul3A_40 : i32
        %dma_start3A = arith.constant 0 : i32
        %dma_start3A_42 = tpu.memref_slice %arg6[%add3A_41, %dma_start3A] : memref<80x125xi32, #tpu.memory_space<vmem>> -> memref<1x125xi32, #tpu.memory_space<vmem>>
        %dma_start3A_43 = tpu.memref_squeeze %dma_start3A_42 : memref<1x125xi32, #tpu.memory_space<vmem>> -> memref<125xi32, #tpu.memory_space<vmem>>
        %dma_start3A_44 = arith.constant 0 : i32
        %dma_start3A_45 = arith.constant 0 : i32
        %dma_start3A_46 = tpu.memref_slice %arg2[%scan3A_32, %dma_start3A_44, %dma_start3A_45] : memref<2x10000x128xf32, #tpu.memory_space<hbm>> -> memref<1x10000x128xf32, #tpu.memory_space<hbm>>
        %dma_start3A_47 = tpu.memref_squeeze %dma_start3A_46 : memref<1x10000x128xf32, #tpu.memory_space<hbm>> -> memref<10000x128xf32, #tpu.memory_space<hbm>>
        %dma_start3A_48 = arith.constant 0 : i32
        %dma_start3A_49 = arith.constant 0 : i32
        %dma_start3A_50 = tpu.memref_slice %dma_start3A_47[%dma_start3A_48, %dma_start3A_49] : memref<10000x128xf32, #tpu.memory_space<hbm>> -> memref<10000x128xf32, #tpu.memory_space<hbm>>
        tpu.enqueue_indirect_dma source(%dma_start3A_50 : memref<10000x128xf32, #tpu.memory_space<hbm>>) target(%arg8 : memref<125x128xf32, #tpu.memory_space<vmem>>) offsets(%dma_start3A_43 : memref<125xi32, #tpu.memory_space<vmem>>) semaphore(%arg11 : memref<!tpu.dma_semaphore, #tpu.memory_space<semaphore_mem>>)
        %dma_wait3A = arith.constant 0 : i32
        %dma_wait3A_51 = tpu.memref_slice %arg6[%add3A_41, %dma_wait3A] : memref<80x125xi32, #tpu.memory_space<vmem>> -> memref<1x125xi32, #tpu.memory_space<vmem>>
        %dma_wait3A_52 = tpu.memref_squeeze %dma_wait3A_51 : memref<1x125xi32, #tpu.memory_space<vmem>> -> memref<125xi32, #tpu.memory_space<vmem>>
        %dma_wait3A_53 = arith.constant 0 : i32
        %dma_wait3A_54 = arith.constant 0 : i32
        %dma_wait3A_55 = tpu.memref_slice %arg2[%scan3A_32, %dma_wait3A_53, %dma_wait3A_54] : memref<2x10000x128xf32, #tpu.memory_space<hbm>> -> memref<1x10000x128xf32, #tpu.memory_space<hbm>>
        %dma_wait3A_56 = tpu.memref_squeeze %dma_wait3A_55 : memref<1x10000x128xf32, #tpu.memory_space<hbm>> -> memref<10000x128xf32, #tpu.memory_space<hbm>>
        %dma_wait3A_57 = arith.constant 0 : i32
        %dma_wait3A_58 = arith.constant 0 : i32
        %dma_wait3A_59 = tpu.memref_slice %dma_wait3A_56[%dma_wait3A_57, %dma_wait3A_58] : memref<10000x128xf32, #tpu.memory_space<hbm>> -> memref<10000x128xf32, #tpu.memory_space<hbm>>
        tpu.wait_indirect_dma semaphore(%arg11 : memref<!tpu.dma_semaphore, #tpu.memory_space<semaphore_mem>>) src(%dma_wait3A_59 : memref<10000x128xf32, #tpu.memory_space<hbm>>) dst(%arg8 : memref<125x128xf32, #tpu.memory_space<vmem>>)
        "tpu.region"() ({
          %run_scoped3A = tpu.sem_alloc : memref<!tpu.dma_semaphore, #tpu.memory_space<semaphore_mem>>
          %dma_start3A_60 = arith.constant 0 : i32
          %dma_start3A_61 = tpu.memref_slice %arg7[%add3A_41, %dma_start3A_60] : memref<80x125xi32, #tpu.memory_space<vmem>> -> memref<1x125xi32, #tpu.memory_space<vmem>>
          %dma_start3A_62 = tpu.memref_squeeze %dma_start3A_61 : memref<1x125xi32, #tpu.memory_space<vmem>> -> memref<125xi32, #tpu.memory_space<vmem>>
          %dma_start3A_63 = arith.constant 0 : i32
          %dma_start3A_64 = arith.constant 0 : i32
          %dma_start3A_65 = tpu.memref_slice %arg10[%dma_start3A_63, %dma_start3A_64] : memref<10240x128xf32, #tpu.memory_space<vmem_shared>> -> memref<10240x128xf32, #tpu.memory_space<vmem_shared>>
          tpu.enqueue_indirect_dma source(%arg8 : memref<125x128xf32, #tpu.memory_space<vmem>>) target(%dma_start3A_65 : memref<10240x128xf32, #tpu.memory_space<vmem_shared>>) offsets(%dma_start3A_62 : memref<125xi32, #tpu.memory_space<vmem>>) semaphore(%run_scoped3A : memref<!tpu.dma_semaphore, #tpu.memory_space<semaphore_mem>>) {add = true}
          %dma_wait3A_66 = arith.constant 0 : i32
          %dma_wait3A_67 = tpu.memref_slice %arg7[%add3A_41, %dma_wait3A_66] : memref<80x125xi32, #tpu.memory_space<vmem>> -> memref<1x125xi32, #tpu.memory_space<vmem>>
          %dma_wait3A_68 = tpu.memref_squeeze %dma_wait3A_67 : memref<1x125xi32, #tpu.memory_space<vmem>> -> memref<125xi32, #tpu.memory_space<vmem>>
          %dma_wait3A_69 = arith.constant 0 : i32
          %dma_wait3A_70 = arith.constant 0 : i32
          %dma_wait3A_71 = tpu.memref_slice %arg10[%dma_wait3A_69, %dma_wait3A_70] : memref<10240x128xf32, #tpu.memory_space<vmem_shared>> -> memref<10240x128xf32, #tpu.memory_space<vmem_shared>>
          tpu.wait_indirect_dma semaphore(%run_scoped3A : memref<!tpu.dma_semaphore, #tpu.memory_space<semaphore_mem>>) src(%arg8 : memref<125x128xf32, #tpu.memory_space<vmem>>) dst(%dma_wait3A_71 : memref<10240x128xf32, #tpu.memory_space<vmem_shared>>)
          tpu.yield
        }) : () -> ()
      }
      %scan3A_37 = arith.constant 80 : i32
    } else {
    }
    %eq3A_13 = arith.constant 1 : i32
    %eq3A_14 = arith.cmpi eq, %arg0, %eq3A_13 : i32
    %convert_element_type3A_15 = arith.extui %eq3A_14 : i1 to i32
    %cond3A_16 = arith.constant 0 : i32
    %cond3A_17 = arith.cmpi ne, %convert_element_type3A_15, %cond3A_16 : i32
    scf.if %cond3A_17 {
      %scan3A_32 = arith.constant 1 : i32
      %scan3A_33 = arith.constant 0 : i32
      %scan3A_34 = arith.constant 80 : i32
      %scan3A_35 = arith.addi %scan3A_33, %scan3A_34 : i32
      %scan3A_36 = arith.constant 1 : i32
      scf.for %scan3A_38 = %scan3A_33 to %scan3A_35 step %scan3A_36  : i32 {
        %mul3A_39 = arith.constant 1 : i32
        %mul3A_40 = arith.muli %scan3A_38, %mul3A_39 : i32
        %add3A = arith.constant 0 : i32
        %add3A_41 = arith.addi %add3A, %mul3A_40 : i32
        %dma_start3A = arith.constant 0 : i32
        %dma_start3A_42 = tpu.memref_slice %arg6[%add3A_41, %dma_start3A] : memref<80x125xi32, #tpu.memory_space<vmem>> -> memref<1x125xi32, #tpu.memory_space<vmem>>
        %dma_start3A_43 = tpu.memref_squeeze %dma_start3A_42 : memref<1x125xi32, #tpu.memory_space<vmem>> -> memref<125xi32, #tpu.memory_space<vmem>>
        %dma_start3A_44 = arith.constant 0 : i32
        %dma_start3A_45 = arith.constant 0 : i32
        %dma_start3A_46 = tpu.memref_slice %arg2[%scan3A_32, %dma_start3A_44, %dma_start3A_45] : memref<2x10000x128xf32, #tpu.memory_space<hbm>> -> memref<1x10000x128xf32, #tpu.memory_space<hbm>>
        %dma_start3A_47 = tpu.memref_squeeze %dma_start3A_46 : memref<1x10000x128xf32, #tpu.memory_space<hbm>> -> memref<10000x128xf32, #tpu.memory_space<hbm>>
        %dma_start3A_48 = arith.constant 0 : i32
        %dma_start3A_49 = arith.constant 0 : i32
        %dma_start3A_50 = tpu.memref_slice %dma_start3A_47[%dma_start3A_48, %dma_start3A_49] : memref<10000x128xf32, #tpu.memory_space<hbm>> -> memref<10000x128xf32, #tpu.memory_space<hbm>>
        tpu.enqueue_indirect_dma source(%dma_start3A_50 : memref<10000x128xf32, #tpu.memory_space<hbm>>) target(%arg8 : memref<125x128xf32, #tpu.memory_space<vmem>>) offsets(%dma_start3A_43 : memref<125xi32, #tpu.memory_space<vmem>>) semaphore(%arg11 : memref<!tpu.dma_semaphore, #tpu.memory_space<semaphore_mem>>)
        %dma_wait3A = arith.constant 0 : i32
        %dma_wait3A_51 = tpu.memref_slice %arg6[%add3A_41, %dma_wait3A] : memref<80x125xi32, #tpu.memory_space<vmem>> -> memref<1x125xi32, #tpu.memory_space<vmem>>
        %dma_wait3A_52 = tpu.memref_squeeze %dma_wait3A_51 : memref<1x125xi32, #tpu.memory_space<vmem>> -> memref<125xi32, #tpu.memory_space<vmem>>
        %dma_wait3A_53 = arith.constant 0 : i32
        %dma_wait3A_54 = arith.constant 0 : i32
        %dma_wait3A_55 = tpu.memref_slice %arg2[%scan3A_32, %dma_wait3A_53, %dma_wait3A_54] : memref<2x10000x128xf32, #tpu.memory_space<hbm>> -> memref<1x10000x128xf32, #tpu.memory_space<hbm>>
        %dma_wait3A_56 = tpu.memref_squeeze %dma_wait3A_55 : memref<1x10000x128xf32, #tpu.memory_space<hbm>> -> memref<10000x128xf32, #tpu.memory_space<hbm>>
        %dma_wait3A_57 = arith.constant 0 : i32
        %dma_wait3A_58 = arith.constant 0 : i32
        %dma_wait3A_59 = tpu.memref_slice %dma_wait3A_56[%dma_wait3A_57, %dma_wait3A_58] : memref<10000x128xf32, #tpu.memory_space<hbm>> -> memref<10000x128xf32, #tpu.memory_space<hbm>>
        tpu.wait_indirect_dma semaphore(%arg11 : memref<!tpu.dma_semaphore, #tpu.memory_space<semaphore_mem>>) src(%dma_wait3A_59 : memref<10000x128xf32, #tpu.memory_space<hbm>>) dst(%arg8 : memref<125x128xf32, #tpu.memory_space<vmem>>)
        "tpu.region"() ({
          %run_scoped3A = tpu.sem_alloc : memref<!tpu.dma_semaphore, #tpu.memory_space<semaphore_mem>>
          %dma_start3A_60 = arith.constant 0 : i32
          %dma_start3A_61 = tpu.memref_slice %arg7[%add3A_41, %dma_start3A_60] : memref<80x125xi32, #tpu.memory_space<vmem>> -> memref<1x125xi32, #tpu.memory_space<vmem>>
          %dma_start3A_62 = tpu.memref_squeeze %dma_start3A_61 : memref<1x125xi32, #tpu.memory_space<vmem>> -> memref<125xi32, #tpu.memory_space<vmem>>
          %dma_start3A_63 = arith.constant 0 : i32
          %dma_start3A_64 = arith.constant 0 : i32
          %dma_start3A_65 = tpu.memref_slice %arg10[%dma_start3A_63, %dma_start3A_64] : memref<10240x128xf32, #tpu.memory_space<vmem_shared>> -> memref<10240x128xf32, #tpu.memory_space<vmem_shared>>
          tpu.enqueue_indirect_dma source(%arg8 : memref<125x128xf32, #tpu.memory_space<vmem>>) target(%dma_start3A_65 : memref<10240x128xf32, #tpu.memory_space<vmem_shared>>) offsets(%dma_start3A_62 : memref<125xi32, #tpu.memory_space<vmem>>) semaphore(%run_scoped3A : memref<!tpu.dma_semaphore, #tpu.memory_space<semaphore_mem>>) {add = true}
          %dma_wait3A_66 = arith.constant 0 : i32
          %dma_wait3A_67 = tpu.memref_slice %arg7[%add3A_41, %dma_wait3A_66] : memref<80x125xi32, #tpu.memory_space<vmem>> -> memref<1x125xi32, #tpu.memory_space<vmem>>
          %dma_wait3A_68 = tpu.memref_squeeze %dma_wait3A_67 : memref<1x125xi32, #tpu.memory_space<vmem>> -> memref<125xi32, #tpu.memory_space<vmem>>
          %dma_wait3A_69 = arith.constant 0 : i32
          %dma_wait3A_70 = arith.constant 0 : i32
          %dma_wait3A_71 = tpu.memref_slice %arg10[%dma_wait3A_69, %dma_wait3A_70] : memref<10240x128xf32, #tpu.memory_space<vmem_shared>> -> memref<10240x128xf32, #tpu.memory_space<vmem_shared>>
          tpu.wait_indirect_dma semaphore(%run_scoped3A : memref<!tpu.dma_semaphore, #tpu.memory_space<semaphore_mem>>) src(%arg8 : memref<125x128xf32, #tpu.memory_space<vmem>>) dst(%dma_wait3A_71 : memref<10240x128xf32, #tpu.memory_space<vmem_shared>>)
          tpu.yield
        }) : () -> ()
      }
      %scan3A_37 = arith.constant 80 : i32
    } else {
    }
    %barrier3A_18 = arith.constant 0 : index
    tpu.barrier barrier_id(%barrier3A_18)
    %eq3A_19 = arith.constant 15 : i32
    %eq3A_20 = arith.cmpi eq, %arg1, %eq3A_19 : i32
    %jit3A = arith.constant 25 : i32
    %jit3A_21 = arith.constant 40 : i32
    %select_n3A = arith.select %eq3A_20, %jit3A, %jit3A_21 : i32
    %eq3A_22 = arith.constant 0 : i32
    %eq3A_23 = arith.cmpi eq, %arg0, %eq3A_22 : i32
    %convert_element_type3A_24 = arith.extui %eq3A_23 : i1 to i32
    %cond3A_25 = arith.constant 0 : i32
    %cond3A_26 = arith.cmpi ne, %convert_element_type3A_24, %cond3A_25 : i32
    scf.if %cond3A_26 {
      %sub3A = arith.constant 0 : i32
      %sub3A_32 = arith.subi %select_n3A, %sub3A : i32
      %sub3A_33 = arith.constant 1 : i32
      %sub3A_34 = arith.constant 1 : i32
      %sub3A_35 = arith.subi %sub3A_33, %sub3A_34 : i32
      %add3A = arith.addi %sub3A_32, %sub3A_35 : i32
      %div3A = arith.constant 1 : i32
      %div3A_36 = arith.divsi %add3A, %div3A : i32
      %while3A = arith.constant 1 : i32
      %while3A_37 = arith.constant 0 : i32
      %while3A_38 = arith.constant 0 : i32
      %while3A_39 = arith.constant 0 : i32
      %while3A_40 = arith.subi %div3A_36, %while3A_39 : i32
      %while3A_41 = arith.addi %while3A_39, %while3A_40 : i32
      %while3A_42 = arith.constant 1 : i32
      %while3A_43 = arith.divsi %while3A_40, %while3A_42 : i32
      %while3A_44 = arith.muli %while3A_43, %while3A_42 : i32
      %while3A_45 = arith.addi %while3A_39, %while3A_44 : i32
      %while3A_46 = arith.constant 1 : i32
      scf.for %while3A_48 = %while3A_39 to %while3A_45 step %while3A_46  : i32 {
        %mul3A_49 = arith.muli %while3A_48, %while3A : i32
        %add3A_50 = arith.addi %while3A_37, %mul3A_49 : i32
        %mul3A_51 = arith.constant 16 : i32
        %mul3A_52 = arith.muli %add3A_50, %mul3A_51 : i32
        %add3A_53 = arith.addi %mul3A_5, %mul3A_52 : i32
        "tpu.region"() ({
          %run_scoped3A = tpu.sem_alloc : memref<!tpu.dma_semaphore, #tpu.memory_space<semaphore_mem>>
          %dma_start3A = arith.constant 0 : i32
          %dma_start3A_54 = arith.constant 0 : i32
          %dma_start3A_55 = tpu.memref_slice %arg5[%while3A_38, %dma_start3A, %dma_start3A_54] : memref<2x10000x128xf32, #tpu.memory_space<hbm>> -> memref<1x10000x128xf32, #tpu.memory_space<hbm>>
          %dma_start3A_56 = tpu.memref_squeeze %dma_start3A_55 : memref<1x10000x128xf32, #tpu.memory_space<hbm>> -> memref<10000x128xf32, #tpu.memory_space<hbm>>
          %dma_start3A_57 = arith.constant 0 : i32
          %dma_start3A_58 = tpu.memref_slice %dma_start3A_56[%add3A_53, %dma_start3A_57] : memref<10000x128xf32, #tpu.memory_space<hbm>> -> memref<16x128xf32, #tpu.memory_space<hbm>>
          %dma_start3A_59 = arith.constant 0 : i32
          %dma_start3A_60 = tpu.memref_slice %arg10[%add3A_53, %dma_start3A_59] : memref<10240x128xf32, #tpu.memory_space<vmem_shared>> -> memref<16x128xf32, #tpu.memory_space<vmem_shared>>
          tpu.enqueue_dma source(%dma_start3A_60 : memref<16x128xf32, #tpu.memory_space<vmem_shared>>) target(%dma_start3A_58 : memref<16x128xf32, #tpu.memory_space<hbm>>) target_semaphore(%run_scoped3A : memref<!tpu.dma_semaphore, #tpu.memory_space<semaphore_mem>>)
          %dma_wait3A = arith.constant 0 : i32
          %dma_wait3A_61 = arith.constant 0 : i32
          %dma_wait3A_62 = tpu.memref_slice %arg5[%while3A_38, %dma_wait3A, %dma_wait3A_61] : memref<2x10000x128xf32, #tpu.memory_space<hbm>> -> memref<1x10000x128xf32, #tpu.memory_space<hbm>>
          %dma_wait3A_63 = tpu.memref_squeeze %dma_wait3A_62 : memref<1x10000x128xf32, #tpu.memory_space<hbm>> -> memref<10000x128xf32, #tpu.memory_space<hbm>>
          %dma_wait3A_64 = arith.constant 0 : i32
          %dma_wait3A_65 = tpu.memref_slice %dma_wait3A_63[%add3A_53, %dma_wait3A_64] : memref<10000x128xf32, #tpu.memory_space<hbm>> -> memref<16x128xf32, #tpu.memory_space<hbm>>
          %dma_wait3A_66 = arith.constant 0 : i32
          %dma_wait3A_67 = tpu.memref_slice %arg10[%add3A_53, %dma_wait3A_66] : memref<10240x128xf32, #tpu.memory_space<vmem_shared>> -> memref<16x128xf32, #tpu.memory_space<vmem_shared>>
          tpu.wait_dma2 semaphore(%run_scoped3A : memref<!tpu.dma_semaphore, #tpu.memory_space<semaphore_mem>>) src(%dma_wait3A_67 : memref<16x128xf32, #tpu.memory_space<vmem_shared>>) dst(%dma_wait3A_65 : memref<16x128xf32, #tpu.memory_space<hbm>>)
          tpu.yield
        }) : () -> ()
      }
      %while3A_47 = arith.constant 1 : i32
      scf.for %while3A_48 = %while3A_45 to %while3A_41 step %while3A_47  : i32 {
        %mul3A_49 = arith.muli %while3A_48, %while3A : i32
        %add3A_50 = arith.addi %while3A_37, %mul3A_49 : i32
        %mul3A_51 = arith.constant 16 : i32
        %mul3A_52 = arith.muli %add3A_50, %mul3A_51 : i32
        %add3A_53 = arith.addi %mul3A_5, %mul3A_52 : i32
        "tpu.region"() ({
          %run_scoped3A = tpu.sem_alloc : memref<!tpu.dma_semaphore, #tpu.memory_space<semaphore_mem>>
          %dma_start3A = arith.constant 0 : i32
          %dma_start3A_54 = arith.constant 0 : i32
          %dma_start3A_55 = tpu.memref_slice %arg5[%while3A_38, %dma_start3A, %dma_start3A_54] : memref<2x10000x128xf32, #tpu.memory_space<hbm>> -> memref<1x10000x128xf32, #tpu.memory_space<hbm>>
          %dma_start3A_56 = tpu.memref_squeeze %dma_start3A_55 : memref<1x10000x128xf32, #tpu.memory_space<hbm>> -> memref<10000x128xf32, #tpu.memory_space<hbm>>
          %dma_start3A_57 = arith.constant 0 : i32
          %dma_start3A_58 = tpu.memref_slice %dma_start3A_56[%add3A_53, %dma_start3A_57] : memref<10000x128xf32, #tpu.memory_space<hbm>> -> memref<16x128xf32, #tpu.memory_space<hbm>>
          %dma_start3A_59 = arith.constant 0 : i32
          %dma_start3A_60 = tpu.memref_slice %arg10[%add3A_53, %dma_start3A_59] : memref<10240x128xf32, #tpu.memory_space<vmem_shared>> -> memref<16x128xf32, #tpu.memory_space<vmem_shared>>
          tpu.enqueue_dma source(%dma_start3A_60 : memref<16x128xf32, #tpu.memory_space<vmem_shared>>) target(%dma_start3A_58 : memref<16x128xf32, #tpu.memory_space<hbm>>) target_semaphore(%run_scoped3A : memref<!tpu.dma_semaphore, #tpu.memory_space<semaphore_mem>>)
          %dma_wait3A = arith.constant 0 : i32
          %dma_wait3A_61 = arith.constant 0 : i32
          %dma_wait3A_62 = tpu.memref_slice %arg5[%while3A_38, %dma_wait3A, %dma_wait3A_61] : memref<2x10000x128xf32, #tpu.memory_space<hbm>> -> memref<1x10000x128xf32, #tpu.memory_space<hbm>>
          %dma_wait3A_63 = tpu.memref_squeeze %dma_wait3A_62 : memref<1x10000x128xf32, #tpu.memory_space<hbm>> -> memref<10000x128xf32, #tpu.memory_space<hbm>>
          %dma_wait3A_64 = arith.constant 0 : i32
          %dma_wait3A_65 = tpu.memref_slice %dma_wait3A_63[%add3A_53, %dma_wait3A_64] : memref<10000x128xf32, #tpu.memory_space<hbm>> -> memref<16x128xf32, #tpu.memory_space<hbm>>
          %dma_wait3A_66 = arith.constant 0 : i32
          %dma_wait3A_67 = tpu.memref_slice %arg10[%add3A_53, %dma_wait3A_66] : memref<10240x128xf32, #tpu.memory_space<vmem_shared>> -> memref<16x128xf32, #tpu.memory_space<vmem_shared>>
          tpu.wait_dma2 semaphore(%run_scoped3A : memref<!tpu.dma_semaphore, #tpu.memory_space<semaphore_mem>>) src(%dma_wait3A_67 : memref<16x128xf32, #tpu.memory_space<vmem_shared>>) dst(%dma_wait3A_65 : memref<16x128xf32, #tpu.memory_space<hbm>>)
          tpu.yield
        }) : () -> ()
      }
    } else {
    }
    %eq3A_27 = arith.constant 1 : i32
    %eq3A_28 = arith.cmpi eq, %arg0, %eq3A_27 : i32
    %convert_element_type3A_29 = arith.extui %eq3A_28 : i1 to i32
    %cond3A_30 = arith.constant 0 : i32
    %cond3A_31 = arith.cmpi ne, %convert_element_type3A_29, %cond3A_30 : i32
    scf.if %cond3A_31 {
      %sub3A = arith.constant 0 : i32
      %sub3A_32 = arith.subi %select_n3A, %sub3A : i32
      %sub3A_33 = arith.constant 1 : i32
      %sub3A_34 = arith.constant 1 : i32
      %sub3A_35 = arith.subi %sub3A_33, %sub3A_34 : i32
      %add3A = arith.addi %sub3A_32, %sub3A_35 : i32
      %div3A = arith.constant 1 : i32
      %div3A_36 = arith.divsi %add3A, %div3A : i32
      %while3A = arith.constant 1 : i32
      %while3A_37 = arith.constant 0 : i32
      %while3A_38 = arith.constant 1 : i32
      %while3A_39 = arith.constant 0 : i32
      %while3A_40 = arith.subi %div3A_36, %while3A_39 : i32
      %while3A_41 = arith.addi %while3A_39, %while3A_40 : i32
      %while3A_42 = arith.constant 1 : i32
      %while3A_43 = arith.divsi %while3A_40, %while3A_42 : i32
      %while3A_44 = arith.muli %while3A_43, %while3A_42 : i32
      %while3A_45 = arith.addi %while3A_39, %while3A_44 : i32
      %while3A_46 = arith.constant 1 : i32
      scf.for %while3A_48 = %while3A_39 to %while3A_45 step %while3A_46  : i32 {
        %mul3A_49 = arith.muli %while3A_48, %while3A : i32
        %add3A_50 = arith.addi %while3A_37, %mul3A_49 : i32
        %mul3A_51 = arith.constant 16 : i32
        %mul3A_52 = arith.muli %add3A_50, %mul3A_51 : i32
        %add3A_53 = arith.addi %mul3A_5, %mul3A_52 : i32
        "tpu.region"() ({
          %run_scoped3A = tpu.sem_alloc : memref<!tpu.dma_semaphore, #tpu.memory_space<semaphore_mem>>
          %dma_start3A = arith.constant 0 : i32
          %dma_start3A_54 = arith.constant 0 : i32
          %dma_start3A_55 = tpu.memref_slice %arg5[%while3A_38, %dma_start3A, %dma_start3A_54] : memref<2x10000x128xf32, #tpu.memory_space<hbm>> -> memref<1x10000x128xf32, #tpu.memory_space<hbm>>
          %dma_start3A_56 = tpu.memref_squeeze %dma_start3A_55 : memref<1x10000x128xf32, #tpu.memory_space<hbm>> -> memref<10000x128xf32, #tpu.memory_space<hbm>>
          %dma_start3A_57 = arith.constant 0 : i32
          %dma_start3A_58 = tpu.memref_slice %dma_start3A_56[%add3A_53, %dma_start3A_57] : memref<10000x128xf32, #tpu.memory_space<hbm>> -> memref<16x128xf32, #tpu.memory_space<hbm>>
          %dma_start3A_59 = arith.constant 0 : i32
          %dma_start3A_60 = tpu.memref_slice %arg10[%add3A_53, %dma_start3A_59] : memref<10240x128xf32, #tpu.memory_space<vmem_shared>> -> memref<16x128xf32, #tpu.memory_space<vmem_shared>>
          tpu.enqueue_dma source(%dma_start3A_60 : memref<16x128xf32, #tpu.memory_space<vmem_shared>>) target(%dma_start3A_58 : memref<16x128xf32, #tpu.memory_space<hbm>>) target_semaphore(%run_scoped3A : memref<!tpu.dma_semaphore, #tpu.memory_space<semaphore_mem>>)
          %dma_wait3A = arith.constant 0 : i32
          %dma_wait3A_61 = arith.constant 0 : i32
          %dma_wait3A_62 = tpu.memref_slice %arg5[%while3A_38, %dma_wait3A, %dma_wait3A_61] : memref<2x10000x128xf32, #tpu.memory_space<hbm>> -> memref<1x10000x128xf32, #tpu.memory_space<hbm>>
          %dma_wait3A_63 = tpu.memref_squeeze %dma_wait3A_62 : memref<1x10000x128xf32, #tpu.memory_space<hbm>> -> memref<10000x128xf32, #tpu.memory_space<hbm>>
          %dma_wait3A_64 = arith.constant 0 : i32
          %dma_wait3A_65 = tpu.memref_slice %dma_wait3A_63[%add3A_53, %dma_wait3A_64] : memref<10000x128xf32, #tpu.memory_space<hbm>> -> memref<16x128xf32, #tpu.memory_space<hbm>>
          %dma_wait3A_66 = arith.constant 0 : i32
          %dma_wait3A_67 = tpu.memref_slice %arg10[%add3A_53, %dma_wait3A_66] : memref<10240x128xf32, #tpu.memory_space<vmem_shared>> -> memref<16x128xf32, #tpu.memory_space<vmem_shared>>
          tpu.wait_dma2 semaphore(%run_scoped3A : memref<!tpu.dma_semaphore, #tpu.memory_space<semaphore_mem>>) src(%dma_wait3A_67 : memref<16x128xf32, #tpu.memory_space<vmem_shared>>) dst(%dma_wait3A_65 : memref<16x128xf32, #tpu.memory_space<hbm>>)
          tpu.yield
        }) : () -> ()
      }
      %while3A_47 = arith.constant 1 : i32
      scf.for %while3A_48 = %while3A_45 to %while3A_41 step %while3A_47  : i32 {
        %mul3A_49 = arith.muli %while3A_48, %while3A : i32
        %add3A_50 = arith.addi %while3A_37, %mul3A_49 : i32
        %mul3A_51 = arith.constant 16 : i32
        %mul3A_52 = arith.muli %add3A_50, %mul3A_51 : i32
        %add3A_53 = arith.addi %mul3A_5, %mul3A_52 : i32
        "tpu.region"() ({
          %run_scoped3A = tpu.sem_alloc : memref<!tpu.dma_semaphore, #tpu.memory_space<semaphore_mem>>
          %dma_start3A = arith.constant 0 : i32
          %dma_start3A_54 = arith.constant 0 : i32
          %dma_start3A_55 = tpu.memref_slice %arg5[%while3A_38, %dma_start3A, %dma_start3A_54] : memref<2x10000x128xf32, #tpu.memory_space<hbm>> -> memref<1x10000x128xf32, #tpu.memory_space<hbm>>
          %dma_start3A_56 = tpu.memref_squeeze %dma_start3A_55 : memref<1x10000x128xf32, #tpu.memory_space<hbm>> -> memref<10000x128xf32, #tpu.memory_space<hbm>>
          %dma_start3A_57 = arith.constant 0 : i32
          %dma_start3A_58 = tpu.memref_slice %dma_start3A_56[%add3A_53, %dma_start3A_57] : memref<10000x128xf32, #tpu.memory_space<hbm>> -> memref<16x128xf32, #tpu.memory_space<hbm>>
          %dma_start3A_59 = arith.constant 0 : i32
          %dma_start3A_60 = tpu.memref_slice %arg10[%add3A_53, %dma_start3A_59] : memref<10240x128xf32, #tpu.memory_space<vmem_shared>> -> memref<16x128xf32, #tpu.memory_space<vmem_shared>>
          tpu.enqueue_dma source(%dma_start3A_60 : memref<16x128xf32, #tpu.memory_space<vmem_shared>>) target(%dma_start3A_58 : memref<16x128xf32, #tpu.memory_space<hbm>>) target_semaphore(%run_scoped3A : memref<!tpu.dma_semaphore, #tpu.memory_space<semaphore_mem>>)
          %dma_wait3A = arith.constant 0 : i32
          %dma_wait3A_61 = arith.constant 0 : i32
          %dma_wait3A_62 = tpu.memref_slice %arg5[%while3A_38, %dma_wait3A, %dma_wait3A_61] : memref<2x10000x128xf32, #tpu.memory_space<hbm>> -> memref<1x10000x128xf32, #tpu.memory_space<hbm>>
          %dma_wait3A_63 = tpu.memref_squeeze %dma_wait3A_62 : memref<1x10000x128xf32, #tpu.memory_space<hbm>> -> memref<10000x128xf32, #tpu.memory_space<hbm>>
          %dma_wait3A_64 = arith.constant 0 : i32
          %dma_wait3A_65 = tpu.memref_slice %dma_wait3A_63[%add3A_53, %dma_wait3A_64] : memref<10000x128xf32, #tpu.memory_space<hbm>> -> memref<16x128xf32, #tpu.memory_space<hbm>>
          %dma_wait3A_66 = arith.constant 0 : i32
          %dma_wait3A_67 = tpu.memref_slice %arg10[%add3A_53, %dma_wait3A_66] : memref<10240x128xf32, #tpu.memory_space<vmem_shared>> -> memref<16x128xf32, #tpu.memory_space<vmem_shared>>
          tpu.wait_dma2 semaphore(%run_scoped3A : memref<!tpu.dma_semaphore, #tpu.memory_space<semaphore_mem>>) src(%dma_wait3A_67 : memref<16x128xf32, #tpu.memory_space<vmem_shared>>) dst(%dma_wait3A_65 : memref<16x128xf32, #tpu.memory_space<hbm>>)
          tpu.yield
        }) : () -> ()
      }
    } else {
    }
    return
  }
}

#map = affine_map<(d0, d1) -> (0, 0, 0)>
module attributes {stable_mosaic.version = 14 : i64} {
  func.func @body(%arg0: i32, %arg1: i32, %arg2: memref<2x10000x128xf32, #tpu.memory_space<hbm>>, %arg3: memref<16x80x125xi32, #tpu.memory_space<hbm>>, %arg4: memref<16x80x125xi32, #tpu.memory_space<hbm>>, %arg5: memref<2x10000x128xf32, #tpu.memory_space<hbm>>, %arg6: memref<80x125xi32, #tpu.memory_space<vmem>>, %arg7: memref<80x125xi32, #tpu.memory_space<vmem>>, %arg8: memref<125x128xf32, #tpu.memory_space<vmem>>, %arg9: memref<16x128xf32, #tpu.memory_space<vmem>>, %arg10: memref<10240x128xf32, #tpu.memory_space<vmem_shared>>, %arg11: memref<!tpu.dma_semaphore, #tpu.memory_space<semaphore_mem>>) attributes {dimension_semantics = [#tpu.dimension_semantics<core_parallel>, #tpu.dimension_semantics<subcore_parallel>], iteration_bounds = array<i64: 2, 16>, scalar_prefetch = 0 : i64, scratch_operands = 6 : i64, tpu.core_type = #tpu.core_type<sc_vector_subcore>, window_params = [{transform_indices = #map}, {transform_indices = #map}, {transform_indices = #map}, {transform_indices = #map}]} {
    %broadcast_in_dim3A = arith.constant 0.000000e+00 : f32
    %broadcast_in_dim3A_0 = vector.broadcast %broadcast_in_dim3A : f32 to vector<16xf32>
    %scan3A = arith.constant 0 : i32
    %scan3A_1 = arith.constant 16 : i32
    %scan3A_2 = arith.addi %scan3A, %scan3A_1 : i32
    %scan3A_3 = arith.constant 1 : i32
    scf.for %scan3A_32 = %scan3A to %scan3A_2 step %scan3A_3  : i32 {
      %mul3A_33 = arith.constant 1 : i32
      %mul3A_34 = arith.muli %scan3A_32, %mul3A_33 : i32
      %add3A = arith.constant 0 : i32
      %add3A_35 = arith.addi %add3A, %mul3A_34 : i32
      %swap3A = arith.index_cast %add3A_35 : i32 to index
      %swap3A_36 = arith.constant 0 : index
      %swap3A_37 = tpu.vector_load %arg9[%swap3A, %swap3A_36] {strides = array<i32>} : memref<16x128xf32, #tpu.memory_space<vmem>>, vector<1x16xf32>,
      %swap3A_38 = vector.shape_cast %swap3A_37 : vector<1x16xf32> to vector<16xf32>
      %swap3A_39 = vector.shape_cast %broadcast_in_dim3A_0 : vector<16xf32> to vector<1x16xf32>
      tpu.vector_store %arg9[%swap3A, %swap3A_36], %swap3A_39 {strides = array<i32>} : memref<16x128xf32, #tpu.memory_space<vmem>>, vector<1x16xf32>,
      %swap3A_40 = arith.index_cast %add3A_35 : i32 to index
      %swap3A_41 = arith.constant 16 : index
      %swap3A_42 = tpu.vector_load %arg9[%swap3A_40, %swap3A_41] {strides = array<i32>} : memref<16x128xf32, #tpu.memory_space<vmem>>, vector<1x16xf32>,
      %swap3A_43 = vector.shape_cast %swap3A_42 : vector<1x16xf32> to vector<16xf32>
      %swap3A_44 = vector.shape_cast %broadcast_in_dim3A_0 : vector<16xf32> to vector<1x16xf32>
      tpu.vector_store %arg9[%swap3A_40, %swap3A_41], %swap3A_44 {strides = array<i32>} : memref<16x128xf32, #tpu.memory_space<vmem>>, vector<1x16xf32>,
      %swap3A_45 = arith.index_cast %add3A_35 : i32 to index
      %swap3A_46 = arith.constant 32 : index
      %swap3A_47 = tpu.vector_load %arg9[%swap3A_45, %swap3A_46] {strides = array<i32>} : memref<16x128xf32, #tpu.memory_space<vmem>>, vector<1x16xf32>,
      %swap3A_48 = vector.shape_cast %swap3A_47 : vector<1x16xf32> to vector<16xf32>
      %swap3A_49 = vector.shape_cast %broadcast_in_dim3A_0 : vector<16xf32> to vector<1x16xf32>
      tpu.vector_store %arg9[%swap3A_45, %swap3A_46], %swap3A_49 {strides = array<i32>} : memref<16x128xf32, #tpu.memory_space<vmem>>, vector<1x16xf32>,
      %swap3A_50 = arith.index_cast %add3A_35 : i32 to index
      %swap3A_51 = arith.constant 48 : index
      %swap3A_52 = tpu.vector_load %arg9[%swap3A_50, %swap3A_51] {strides = array<i32>} : memref<16x128xf32, #tpu.memory_space<vmem>>, vector<1x16xf32>,
      %swap3A_53 = vector.shape_cast %swap3A_52 : vector<1x16xf32> to vector<16xf32>
      %swap3A_54 = vector.shape_cast %broadcast_in_dim3A_0 : vector<16xf32> to vector<1x16xf32>
      tpu.vector_store %arg9[%swap3A_50, %swap3A_51], %swap3A_54 {strides = array<i32>} : memref<16x128xf32, #tpu.memory_space<vmem>>, vector<1x16xf32>,
      %swap3A_55 = arith.index_cast %add3A_35 : i32 to index
      %swap3A_56 = arith.constant 64 : index
      %swap3A_57 = tpu.vector_load %arg9[%swap3A_55, %swap3A_56] {strides = array<i32>} : memref<16x128xf32, #tpu.memory_space<vmem>>, vector<1x16xf32>,
      %swap3A_58 = vector.shape_cast %swap3A_57 : vector<1x16xf32> to vector<16xf32>
      %swap3A_59 = vector.shape_cast %broadcast_in_dim3A_0 : vector<16xf32> to vector<1x16xf32>
      tpu.vector_store %arg9[%swap3A_55, %swap3A_56], %swap3A_59 {strides = array<i32>} : memref<16x128xf32, #tpu.memory_space<vmem>>, vector<1x16xf32>,
      %swap3A_60 = arith.index_cast %add3A_35 : i32 to index
      %swap3A_61 = arith.constant 80 : index
      %swap3A_62 = tpu.vector_load %arg9[%swap3A_60, %swap3A_61] {strides = array<i32>} : memref<16x128xf32, #tpu.memory_space<vmem>>, vector<1x16xf32>,
      %swap3A_63 = vector.shape_cast %swap3A_62 : vector<1x16xf32> to vector<16xf32>
      %swap3A_64 = vector.shape_cast %broadcast_in_dim3A_0 : vector<16xf32> to vector<1x16xf32>
      tpu.vector_store %arg9[%swap3A_60, %swap3A_61], %swap3A_64 {strides = array<i32>} : memref<16x128xf32, #tpu.memory_space<vmem>>, vector<1x16xf32>,
      %swap3A_65 = arith.index_cast %add3A_35 : i32 to index
      %swap3A_66 = arith.constant 96 : index
      %swap3A_67 = tpu.vector_load %arg9[%swap3A_65, %swap3A_66] {strides = array<i32>} : memref<16x128xf32, #tpu.memory_space<vmem>>, vector<1x16xf32>,
      %swap3A_68 = vector.shape_cast %swap3A_67 : vector<1x16xf32> to vector<16xf32>
      %swap3A_69 = vector.shape_cast %broadcast_in_dim3A_0 : vector<16xf32> to vector<1x16xf32>
      tpu.vector_store %arg9[%swap3A_65, %swap3A_66], %swap3A_69 {strides = array<i32>} : memref<16x128xf32, #tpu.memory_space<vmem>>, vector<1x16xf32>,
      %swap3A_70 = arith.index_cast %add3A_35 : i32 to index
      %swap3A_71 = arith.constant 112 : index
      %swap3A_72 = tpu.vector_load %arg9[%swap3A_70, %swap3A_71] {strides = array<i32>} : memref<16x128xf32, #tpu.memory_space<vmem>>, vector<1x16xf32>,
      %swap3A_73 = vector.shape_cast %swap3A_72 : vector<1x16xf32> to vector<16xf32>
      %swap3A_74 = vector.shape_cast %broadcast_in_dim3A_0 : vector<16xf32> to vector<1x16xf32>
      tpu.vector_store %arg9[%swap3A_70, %swap3A_71], %swap3A_74 {strides = array<i32>} : memref<16x128xf32, #tpu.memory_space<vmem>>, vector<1x16xf32>,
    }
    %scan3A_4 = arith.constant 16 : i32
    %mul3A = arith.constant 640 : i32
    %mul3A_5 = arith.muli %arg1, %mul3A : i32
    %scan3A_6 = arith.constant 0 : i32
    %scan3A_7 = arith.constant 40 : i32
    %scan3A_8 = arith.addi %scan3A_6, %scan3A_7 : i32
    %scan3A_9 = arith.constant 1 : i32
    scf.for %scan3A_32 = %scan3A_6 to %scan3A_8 step %scan3A_9  : i32 {
      %mul3A_33 = arith.constant 1 : i32
      %mul3A_34 = arith.muli %scan3A_32, %mul3A_33 : i32
      %add3A = arith.constant 0 : i32
      %add3A_35 = arith.addi %add3A, %mul3A_34 : i32
      %mul3A_36 = arith.constant 16 : i32
      %mul3A_37 = arith.muli %add3A_35, %mul3A_36 : i32
      %add3A_38 = arith.addi %mul3A_5, %mul3A_37 : i32
      "tpu.region"() ({
        %run_scoped3A = tpu.sem_alloc : memref<!tpu.dma_semaphore, #tpu.memory_space<semaphore_mem>>
        %dma_start3A = arith.constant 0 : i32
        %dma_start3A_39 = tpu.memref_slice %arg10[%add3A_38, %dma_start3A] : memref<10240x128xf32, #tpu.memory_space<vmem_shared>> -> memref<16x128xf32, #tpu.memory_space<vmem_shared>>
        %dma_start3A_40 = arith.constant 0 : i32
        %dma_start3A_41 = tpu.memref_slice %arg10[%add3A_38, %dma_start3A_40] : memref<10240x128xf32, #tpu.memory_space<vmem_shared>> -> memref<16x128xf32, #tpu.memory_space<vmem_shared>>
        tpu.enqueue_dma source(%arg9 : memref<16x128xf32, #tpu.memory_space<vmem>>) target(%dma_start3A_41 : memref<16x128xf32, #tpu.memory_space<vmem_shared>>) target_semaphore(%run_scoped3A : memref<!tpu.dma_semaphore, #tpu.memory_space<semaphore_mem>>)
        %dma_wait3A = arith.constant 0 : i32
        %dma_wait3A_42 = tpu.memref_slice %arg10[%add3A_38, %dma_wait3A] : memref<10240x128xf32, #tpu.memory_space<vmem_shared>> -> memref<16x128xf32, #tpu.memory_space<vmem_shared>>
        %dma_wait3A_43 = arith.constant 0 : i32
        %dma_wait3A_44 = tpu.memref_slice %arg10[%add3A_38, %dma_wait3A_43] : memref<10240x128xf32, #tpu.memory_space<vmem_shared>> -> memref<16x128xf32, #tpu.memory_space<vmem_shared>>
        tpu.wait_dma2 semaphore(%run_scoped3A : memref<!tpu.dma_semaphore, #tpu.memory_space<semaphore_mem>>) src(%arg9 : memref<16x128xf32, #tpu.memory_space<vmem>>) dst(%dma_wait3A_44 : memref<16x128xf32, #tpu.memory_space<vmem_shared>>)
        tpu.yield
      }) : () -> ()
    }
    %scan3A_10 = arith.constant 40 : i32
    "tpu.region"() ({
      %run_scoped3A = tpu.sem_alloc : memref<!tpu.dma_semaphore, #tpu.memory_space<semaphore_mem>>
      %dma_start3A = arith.constant 0 : i32
      %dma_start3A_32 = arith.constant 0 : i32
      %dma_start3A_33 = tpu.memref_slice %arg3[%arg1, %dma_start3A, %dma_start3A_32] : memref<16x80x125xi32, #tpu.memory_space<hbm>> -> memref<1x80x125xi32, #tpu.memory_space<hbm>>
      %dma_start3A_34 = tpu.memref_squeeze %dma_start3A_33 : memref<1x80x125xi32, #tpu.memory_space<hbm>> -> memref<80x125xi32, #tpu.memory_space<hbm>>
      %dma_start3A_35 = arith.constant 0 : i32
      %dma_start3A_36 = arith.constant 0 : i32
      %dma_start3A_37 = tpu.memref_slice %arg3[%arg1, %dma_start3A_35, %dma_start3A_36] : memref<16x80x125xi32, #tpu.memory_space<hbm>> -> memref<1x80x125xi32, #tpu.memory_space<hbm>>
      %dma_start3A_38 = tpu.memref_squeeze %dma_start3A_37 : memref<1x80x125xi32, #tpu.memory_space<hbm>> -> memref<80x125xi32, #tpu.memory_space<hbm>>
      tpu.enqueue_dma source(%dma_start3A_38 : memref<80x125xi32, #tpu.memory_space<hbm>>) target(%arg6 : memref<80x125xi32, #tpu.memory_space<vmem>>) target_semaphore(%run_scoped3A : memref<!tpu.dma_semaphore, #tpu.memory_space<semaphore_mem>>)
      %dma_wait3A = arith.constant 0 : i32
      %dma_wait3A_39 = arith.constant 0 : i32
      %dma_wait3A_40 = tpu.memref_slice %arg3[%arg1, %dma_wait3A, %dma_wait3A_39] : memref<16x80x125xi32, #tpu.memory_space<hbm>> -> memref<1x80x125xi32, #tpu.memory_space<hbm>>
      %dma_wait3A_41 = tpu.memref_squeeze %dma_wait3A_40 : memref<1x80x125xi32, #tpu.memory_space<hbm>> -> memref<80x125xi32, #tpu.memory_space<hbm>>
      %dma_wait3A_42 = arith.constant 0 : i32
      %dma_wait3A_43 = arith.constant 0 : i32
      %dma_wait3A_44 = tpu.memref_slice %arg3[%arg1, %dma_wait3A_42, %dma_wait3A_43] : memref<16x80x125xi32, #tpu.memory_space<hbm>> -> memref<1x80x125xi32, #tpu.memory_space<hbm>>
      %dma_wait3A_45 = tpu.memref_squeeze %dma_wait3A_44 : memref<1x80x125xi32, #tpu.memory_space<hbm>> -> memref<80x125xi32, #tpu.memory_space<hbm>>
      tpu.wait_dma2 semaphore(%run_scoped3A : memref<!tpu.dma_semaphore, #tpu.memory_space<semaphore_mem>>) src(%dma_wait3A_45 : memref<80x125xi32, #tpu.memory_space<hbm>>) dst(%arg6 : memref<80x125xi32, #tpu.memory_space<vmem>>)
      tpu.yield
    }) : () -> ()
    "tpu.region"() ({
      %run_scoped3A = tpu.sem_alloc : memref<!tpu.dma_semaphore, #tpu.memory_space<semaphore_mem>>
      %dma_start3A = arith.constant 0 : i32
      %dma_start3A_32 = arith.constant 0 : i32
      %dma_start3A_33 = tpu.memref_slice %arg4[%arg1, %dma_start3A, %dma_start3A_32] : memref<16x80x125xi32, #tpu.memory_space<hbm>> -> memref<1x80x125xi32, #tpu.memory_space<hbm>>
      %dma_start3A_34 = tpu.memref_squeeze %dma_start3A_33 : memref<1x80x125xi32, #tpu.memory_space<hbm>> -> memref<80x125xi32, #tpu.memory_space<hbm>>
      %dma_start3A_35 = arith.constant 0 : i32
      %dma_start3A_36 = arith.constant 0 : i32
      %dma_start3A_37 = tpu.memref_slice %arg4[%arg1, %dma_start3A_35, %dma_start3A_36] : memref<16x80x125xi32, #tpu.memory_space<hbm>> -> memref<1x80x125xi32, #tpu.memory_space<hbm>>
      %dma_start3A_38 = tpu.memref_squeeze %dma_start3A_37 : memref<1x80x125xi32, #tpu.memory_space<hbm>> -> memref<80x125xi32, #tpu.memory_space<hbm>>
      tpu.enqueue_dma source(%dma_start3A_38 : memref<80x125xi32, #tpu.memory_space<hbm>>) target(%arg7 : memref<80x125xi32, #tpu.memory_space<vmem>>) target_semaphore(%run_scoped3A : memref<!tpu.dma_semaphore, #tpu.memory_space<semaphore_mem>>)
      %dma_wait3A = arith.constant 0 : i32
      %dma_wait3A_39 = arith.constant 0 : i32
      %dma_wait3A_40 = tpu.memref_slice %arg4[%arg1, %dma_wait3A, %dma_wait3A_39] : memref<16x80x125xi32, #tpu.memory_space<hbm>> -> memref<1x80x125xi32, #tpu.memory_space<hbm>>
      %dma_wait3A_41 = tpu.memref_squeeze %dma_wait3A_40 : memref<1x80x125xi32, #tpu.memory_space<hbm>> -> memref<80x125xi32, #tpu.memory_space<hbm>>
      %dma_wait3A_42 = arith.constant 0 : i32
      %dma_wait3A_43 = arith.constant 0 : i32
      %dma_wait3A_44 = tpu.memref_slice %arg4[%arg1, %dma_wait3A_42, %dma_wait3A_43] : memref<16x80x125xi32, #tpu.memory_space<hbm>> -> memref<1x80x125xi32, #tpu.memory_space<hbm>>
      %dma_wait3A_45 = tpu.memref_squeeze %dma_wait3A_44 : memref<1x80x125xi32, #tpu.memory_space<hbm>> -> memref<80x125xi32, #tpu.memory_space<hbm>>
      tpu.wait_dma2 semaphore(%run_scoped3A : memref<!tpu.dma_semaphore, #tpu.memory_space<semaphore_mem>>) src(%dma_wait3A_45 : memref<80x125xi32, #tpu.memory_space<hbm>>) dst(%arg7 : memref<80x125xi32, #tpu.memory_space<vmem>>)
      tpu.yield
    }) : () -> ()
    %barrier3A = arith.constant 0 : index
    tpu.barrier barrier_id(%barrier3A)
    %eq3A = arith.constant 0 : i32
    %eq3A_11 = arith.cmpi eq, %arg0, %eq3A : i32
    %convert_element_type3A = arith.extui %eq3A_11 : i1 to i32
    %cond3A = arith.constant 0 : i32
    %cond3A_12 = arith.cmpi ne, %convert_element_type3A, %cond3A : i32
    scf.if %cond3A_12 {
      %scan3A_32 = arith.constant 0 : i32
      %scan3A_33 = arith.constant 0 : i32
      %scan3A_34 = arith.constant 80 : i32
      %scan3A_35 = arith.addi %scan3A_33, %scan3A_34 : i32
      %scan3A_36 = arith.constant 1 : i32
      scf.for %scan3A_38 = %scan3A_33 to %scan3A_35 step %scan3A_36  : i32 {
        %mul3A_39 = arith.constant 1 : i32
        %mul3A_40 = arith.muli %scan3A_38, %mul3A_39 : i32
        %add3A = arith.constant 0 : i32
        %add3A_41 = arith.addi %add3A, %mul3A_40 : i32
        %dma_start3A = arith.constant 0 : i32
        %dma_start3A_42 = tpu.memref_slice %arg6[%add3A_41, %dma_start3A] : memref<80x125xi32, #tpu.memory_space<vmem>> -> memref<1x125xi32, #tpu.memory_space<vmem>>
        %dma_start3A_43 = tpu.memref_squeeze %dma_start3A_42 : memref<1x125xi32, #tpu.memory_space<vmem>> -> memref<125xi32, #tpu.memory_space<vmem>>
        %dma_start3A_44 = arith.constant 0 : i32
        %dma_start3A_45 = arith.constant 0 : i32
        %dma_start3A_46 = tpu.memref_slice %arg2[%scan3A_32, %dma_start3A_44, %dma_start3A_45] : memref<2x10000x128xf32, #tpu.memory_space<hbm>> -> memref<1x10000x128xf32, #tpu.memory_space<hbm>>
        %dma_start3A_47 = tpu.memref_squeeze %dma_start3A_46 : memref<1x10000x128xf32, #tpu.memory_space<hbm>> -> memref<10000x128xf32, #tpu.memory_space<hbm>>
        %dma_start3A_48 = arith.constant 0 : i32
        %dma_start3A_49 = arith.constant 0 : i32
        %dma_start3A_50 = tpu.memref_slice %dma_start3A_47[%dma_start3A_48, %dma_start3A_49] : memref<10000x128xf32, #tpu.memory_space<hbm>> -> memref<10000x128xf32, #tpu.memory_space<hbm>>
        tpu.enqueue_indirect_dma source(%dma_start3A_50 : memref<10000x128xf32, #tpu.memory_space<hbm>>) target(%arg8 : memref<125x128xf32, #tpu.memory_space<vmem>>) offsets(%dma_start3A_43 : memref<125xi32, #tpu.memory_space<vmem>>) semaphore(%arg11 : memref<!tpu.dma_semaphore, #tpu.memory_space<semaphore_mem>>)
        %dma_wait3A = arith.constant 0 : i32
        %dma_wait3A_51 = tpu.memref_slice %arg6[%add3A_41, %dma_wait3A] : memref<80x125xi32, #tpu.memory_space<vmem>> -> memref<1x125xi32, #tpu.memory_space<vmem>>
        %dma_wait3A_52 = tpu.memref_squeeze %dma_wait3A_51 : memref<1x125xi32, #tpu.memory_space<vmem>> -> memref<125xi32, #tpu.memory_space<vmem>>
        %dma_wait3A_53 = arith.constant 0 : i32
        %dma_wait3A_54 = arith.constant 0 : i32
        %dma_wait3A_55 = tpu.memref_slice %arg2[%scan3A_32, %dma_wait3A_53, %dma_wait3A_54] : memref<2x10000x128xf32, #tpu.memory_space<hbm>> -> memref<1x10000x128xf32, #tpu.memory_space<hbm>>
        %dma_wait3A_56 = tpu.memref_squeeze %dma_wait3A_55 : memref<1x10000x128xf32, #tpu.memory_space<hbm>> -> memref<10000x128xf32, #tpu.memory_space<hbm>>
        %dma_wait3A_57 = arith.constant 0 : i32
        %dma_wait3A_58 = arith.constant 0 : i32
        %dma_wait3A_59 = tpu.memref_slice %dma_wait3A_56[%dma_wait3A_57, %dma_wait3A_58] : memref<10000x128xf32, #tpu.memory_space<hbm>> -> memref<10000x128xf32, #tpu.memory_space<hbm>>
        tpu.wait_indirect_dma semaphore(%arg11 : memref<!tpu.dma_semaphore, #tpu.memory_space<semaphore_mem>>) src(%dma_wait3A_59 : memref<10000x128xf32, #tpu.memory_space<hbm>>) dst(%arg8 : memref<125x128xf32, #tpu.memory_space<vmem>>)
        "tpu.region"() ({
          %run_scoped3A = tpu.sem_alloc : memref<!tpu.dma_semaphore, #tpu.memory_space<semaphore_mem>>
          %dma_start3A_60 = arith.constant 0 : i32
          %dma_start3A_61 = tpu.memref_slice %arg7[%add3A_41, %dma_start3A_60] : memref<80x125xi32, #tpu.memory_space<vmem>> -> memref<1x125xi32, #tpu.memory_space<vmem>>
          %dma_start3A_62 = tpu.memref_squeeze %dma_start3A_61 : memref<1x125xi32, #tpu.memory_space<vmem>> -> memref<125xi32, #tpu.memory_space<vmem>>
          %dma_start3A_63 = arith.constant 0 : i32
          %dma_start3A_64 = arith.constant 0 : i32
          %dma_start3A_65 = tpu.memref_slice %arg10[%dma_start3A_63, %dma_start3A_64] : memref<10240x128xf32, #tpu.memory_space<vmem_shared>> -> memref<10240x128xf32, #tpu.memory_space<vmem_shared>>
          tpu.enqueue_indirect_dma source(%arg8 : memref<125x128xf32, #tpu.memory_space<vmem>>) target(%dma_start3A_65 : memref<10240x128xf32, #tpu.memory_space<vmem_shared>>) offsets(%dma_start3A_62 : memref<125xi32, #tpu.memory_space<vmem>>) semaphore(%run_scoped3A : memref<!tpu.dma_semaphore, #tpu.memory_space<semaphore_mem>>) {add = true}
          %dma_wait3A_66 = arith.constant 0 : i32
          %dma_wait3A_67 = tpu.memref_slice %arg7[%add3A_41, %dma_wait3A_66] : memref<80x125xi32, #tpu.memory_space<vmem>> -> memref<1x125xi32, #tpu.memory_space<vmem>>
          %dma_wait3A_68 = tpu.memref_squeeze %dma_wait3A_67 : memref<1x125xi32, #tpu.memory_space<vmem>> -> memref<125xi32, #tpu.memory_space<vmem>>
          %dma_wait3A_69 = arith.constant 0 : i32
          %dma_wait3A_70 = arith.constant 0 : i32
          %dma_wait3A_71 = tpu.memref_slice %arg10[%dma_wait3A_69, %dma_wait3A_70] : memref<10240x128xf32, #tpu.memory_space<vmem_shared>> -> memref<10240x128xf32, #tpu.memory_space<vmem_shared>>
          tpu.wait_indirect_dma semaphore(%run_scoped3A : memref<!tpu.dma_semaphore, #tpu.memory_space<semaphore_mem>>) src(%arg8 : memref<125x128xf32, #tpu.memory_space<vmem>>) dst(%dma_wait3A_71 : memref<10240x128xf32, #tpu.memory_space<vmem_shared>>)
          tpu.yield
        }) : () -> ()
      }
      %scan3A_37 = arith.constant 80 : i32
    } else {
    }
    %eq3A_13 = arith.constant 1 : i32
    %eq3A_14 = arith.cmpi eq, %arg0, %eq3A_13 : i32
    %convert_element_type3A_15 = arith.extui %eq3A_14 : i1 to i32
    %cond3A_16 = arith.constant 0 : i32
    %cond3A_17 = arith.cmpi ne, %convert_element_type3A_15, %cond3A_16 : i32
    scf.if %cond3A_17 {
      %scan3A_32 = arith.constant 1 : i32
      %scan3A_33 = arith.constant 0 : i32
      %scan3A_34 = arith.constant 80 : i32
      %scan3A_35 = arith.addi %scan3A_33, %scan3A_34 : i32
      %scan3A_36 = arith.constant 1 : i32
      scf.for %scan3A_38 = %scan3A_33 to %scan3A_35 step %scan3A_36  : i32 {
        %mul3A_39 = arith.constant 1 : i32
        %mul3A_40 = arith.muli %scan3A_38, %mul3A_39 : i32
        %add3A = arith.constant 0 : i32
        %add3A_41 = arith.addi %add3A, %mul3A_40 : i32
        %dma_start3A = arith.constant 0 : i32
        %dma_start3A_42 = tpu.memref_slice %arg6[%add3A_41, %dma_start3A] : memref<80x125xi32, #tpu.memory_space<vmem>> -> memref<1x125xi32, #tpu.memory_space<vmem>>
        %dma_start3A_43 = tpu.memref_squeeze %dma_start3A_42 : memref<1x125xi32, #tpu.memory_space<vmem>> -> memref<125xi32, #tpu.memory_space<vmem>>
        %dma_start3A_44 = arith.constant 0 : i32
        %dma_start3A_45 = arith.constant 0 : i32
        %dma_start3A_46 = tpu.memref_slice %arg2[%scan3A_32, %dma_start3A_44, %dma_start3A_45] : memref<2x10000x128xf32, #tpu.memory_space<hbm>> -> memref<1x10000x128xf32, #tpu.memory_space<hbm>>
        %dma_start3A_47 = tpu.memref_squeeze %dma_start3A_46 : memref<1x10000x128xf32, #tpu.memory_space<hbm>> -> memref<10000x128xf32, #tpu.memory_space<hbm>>
        %dma_start3A_48 = arith.constant 0 : i32
        %dma_start3A_49 = arith.constant 0 : i32
        %dma_start3A_50 = tpu.memref_slice %dma_start3A_47[%dma_start3A_48, %dma_start3A_49] : memref<10000x128xf32, #tpu.memory_space<hbm>> -> memref<10000x128xf32, #tpu.memory_space<hbm>>
        tpu.enqueue_indirect_dma source(%dma_start3A_50 : memref<10000x128xf32, #tpu.memory_space<hbm>>) target(%arg8 : memref<125x128xf32, #tpu.memory_space<vmem>>) offsets(%dma_start3A_43 : memref<125xi32, #tpu.memory_space<vmem>>) semaphore(%arg11 : memref<!tpu.dma_semaphore, #tpu.memory_space<semaphore_mem>>)
        %dma_wait3A = arith.constant 0 : i32
        %dma_wait3A_51 = tpu.memref_slice %arg6[%add3A_41, %dma_wait3A] : memref<80x125xi32, #tpu.memory_space<vmem>> -> memref<1x125xi32, #tpu.memory_space<vmem>>
        %dma_wait3A_52 = tpu.memref_squeeze %dma_wait3A_51 : memref<1x125xi32, #tpu.memory_space<vmem>> -> memref<125xi32, #tpu.memory_space<vmem>>
        %dma_wait3A_53 = arith.constant 0 : i32
        %dma_wait3A_54 = arith.constant 0 : i32
        %dma_wait3A_55 = tpu.memref_slice %arg2[%scan3A_32, %dma_wait3A_53, %dma_wait3A_54] : memref<2x10000x128xf32, #tpu.memory_space<hbm>> -> memref<1x10000x128xf32, #tpu.memory_space<hbm>>
        %dma_wait3A_56 = tpu.memref_squeeze %dma_wait3A_55 : memref<1x10000x128xf32, #tpu.memory_space<hbm>> -> memref<10000x128xf32, #tpu.memory_space<hbm>>
        %dma_wait3A_57 = arith.constant 0 : i32
        %dma_wait3A_58 = arith.constant 0 : i32
        %dma_wait3A_59 = tpu.memref_slice %dma_wait3A_56[%dma_wait3A_57, %dma_wait3A_58] : memref<10000x128xf32, #tpu.memory_space<hbm>> -> memref<10000x128xf32, #tpu.memory_space<hbm>>
        tpu.wait_indirect_dma semaphore(%arg11 : memref<!tpu.dma_semaphore, #tpu.memory_space<semaphore_mem>>) src(%dma_wait3A_59 : memref<10000x128xf32, #tpu.memory_space<hbm>>) dst(%arg8 : memref<125x128xf32, #tpu.memory_space<vmem>>)
        "tpu.region"() ({
          %run_scoped3A = tpu.sem_alloc : memref<!tpu.dma_semaphore, #tpu.memory_space<semaphore_mem>>
          %dma_start3A_60 = arith.constant 0 : i32
          %dma_start3A_61 = tpu.memref_slice %arg7[%add3A_41, %dma_start3A_60] : memref<80x125xi32, #tpu.memory_space<vmem>> -> memref<1x125xi32, #tpu.memory_space<vmem>>
          %dma_start3A_62 = tpu.memref_squeeze %dma_start3A_61 : memref<1x125xi32, #tpu.memory_space<vmem>> -> memref<125xi32, #tpu.memory_space<vmem>>
          %dma_start3A_63 = arith.constant 0 : i32
          %dma_start3A_64 = arith.constant 0 : i32
          %dma_start3A_65 = tpu.memref_slice %arg10[%dma_start3A_63, %dma_start3A_64] : memref<10240x128xf32, #tpu.memory_space<vmem_shared>> -> memref<10240x128xf32, #tpu.memory_space<vmem_shared>>
          tpu.enqueue_indirect_dma source(%arg8 : memref<125x128xf32, #tpu.memory_space<vmem>>) target(%dma_start3A_65 : memref<10240x128xf32, #tpu.memory_space<vmem_shared>>) offsets(%dma_start3A_62 : memref<125xi32, #tpu.memory_space<vmem>>) semaphore(%run_scoped3A : memref<!tpu.dma_semaphore, #tpu.memory_space<semaphore_mem>>) {add = true}
          %dma_wait3A_66 = arith.constant 0 : i32
          %dma_wait3A_67 = tpu.memref_slice %arg7[%add3A_41, %dma_wait3A_66] : memref<80x125xi32, #tpu.memory_space<vmem>> -> memref<1x125xi32, #tpu.memory_space<vmem>>
          %dma_wait3A_68 = tpu.memref_squeeze %dma_wait3A_67 : memref<1x125xi32, #tpu.memory_space<vmem>> -> memref<125xi32, #tpu.memory_space<vmem>>
          %dma_wait3A_69 = arith.constant 0 : i32
          %dma_wait3A_70 = arith.constant 0 : i32
          %dma_wait3A_71 = tpu.memref_slice %arg10[%dma_wait3A_69, %dma_wait3A_70] : memref<10240x128xf32, #tpu.memory_space<vmem_shared>> -> memref<10240x128xf32, #tpu.memory_space<vmem_shared>>
          tpu.wait_indirect_dma semaphore(%run_scoped3A : memref<!tpu.dma_semaphore, #tpu.memory_space<semaphore_mem>>) src(%arg8 : memref<125x128xf32, #tpu.memory_space<vmem>>) dst(%dma_wait3A_71 : memref<10240x128xf32, #tpu.memory_space<vmem_shared>>)
          tpu.yield
        }) : () -> ()
      }
      %scan3A_37 = arith.constant 80 : i32
    } else {
    }
    %barrier3A_18 = arith.constant 0 : index
    tpu.barrier barrier_id(%barrier3A_18)
    %eq3A_19 = arith.constant 15 : i32
    %eq3A_20 = arith.cmpi eq, %arg1, %eq3A_19 : i32
    %jit3A = arith.constant 25 : i32
    %jit3A_21 = arith.constant 40 : i32
    %select_n3A = arith.select %eq3A_20, %jit3A, %jit3A_21 : i32
    %eq3A_22 = arith.constant 0 : i32
    %eq3A_23 = arith.cmpi eq, %arg0, %eq3A_22 : i32
    %convert_element_type3A_24 = arith.extui %eq3A_23 : i1 to i32
    %cond3A_25 = arith.constant 0 : i32
    %cond3A_26 = arith.cmpi ne, %convert_element_type3A_24, %cond3A_25 : i32
    scf.if %cond3A_26 {
      %sub3A = arith.constant 0 : i32
      %sub3A_32 = arith.subi %select_n3A, %sub3A : i32
      %sub3A_33 = arith.constant 1 : i32
      %sub3A_34 = arith.constant 1 : i32
      %sub3A_35 = arith.subi %sub3A_33, %sub3A_34 : i32
      %add3A = arith.addi %sub3A_32, %sub3A_35 : i32
      %div3A = arith.constant 1 : i32
      %div3A_36 = arith.divsi %add3A, %div3A : i32
      %while3A = arith.constant 1 : i32
      %while3A_37 = arith.constant 0 : i32
      %while3A_38 = arith.constant 0 : i32
      %while3A_39 = arith.constant 0 : i32
      %while3A_40 = arith.subi %div3A_36, %while3A_39 : i32
      %while3A_41 = arith.addi %while3A_39, %while3A_40 : i32
      %while3A_42 = arith.constant 1 : i32
      %while3A_43 = arith.divsi %while3A_40, %while3A_42 : i32
      %while3A_44 = arith.muli %while3A_43, %while3A_42 : i32
      %while3A_45 = arith.addi %while3A_39, %while3A_44 : i32
      %while3A_46 = arith.constant 1 : i32
      scf.for %while3A_48 = %while3A_39 to %while3A_45 step %while3A_46  : i32 {
        %mul3A_49 = arith.muli %while3A_48, %while3A : i32
        %add3A_50 = arith.addi %while3A_37, %mul3A_49 : i32
        %mul3A_51 = arith.constant 16 : i32
        %mul3A_52 = arith.muli %add3A_50, %mul3A_51 : i32
        %add3A_53 = arith.addi %mul3A_5, %mul3A_52 : i32
        "tpu.region"() ({
          %run_scoped3A = tpu.sem_alloc : memref<!tpu.dma_semaphore, #tpu.memory_space<semaphore_mem>>
          %dma_start3A = arith.constant 0 : i32
          %dma_start3A_54 = arith.constant 0 : i32
          %dma_start3A_55 = tpu.memref_slice %arg5[%while3A_38, %dma_start3A, %dma_start3A_54] : memref<2x10000x128xf32, #tpu.memory_space<hbm>> -> memref<1x10000x128xf32, #tpu.memory_space<hbm>>
          %dma_start3A_56 = tpu.memref_squeeze %dma_start3A_55 : memref<1x10000x128xf32, #tpu.memory_space<hbm>> -> memref<10000x128xf32, #tpu.memory_space<hbm>>
          %dma_start3A_57 = arith.constant 0 : i32
          %dma_start3A_58 = tpu.memref_slice %dma_start3A_56[%add3A_53, %dma_start3A_57] : memref<10000x128xf32, #tpu.memory_space<hbm>> -> memref<16x128xf32, #tpu.memory_space<hbm>>
          %dma_start3A_59 = arith.constant 0 : i32
          %dma_start3A_60 = tpu.memref_slice %arg10[%add3A_53, %dma_start3A_59] : memref<10240x128xf32, #tpu.memory_space<vmem_shared>> -> memref<16x128xf32, #tpu.memory_space<vmem_shared>>
          tpu.enqueue_dma source(%dma_start3A_60 : memref<16x128xf32, #tpu.memory_space<vmem_shared>>) target(%dma_start3A_58 : memref<16x128xf32, #tpu.memory_space<hbm>>) target_semaphore(%run_scoped3A : memref<!tpu.dma_semaphore, #tpu.memory_space<semaphore_mem>>)
          %dma_wait3A = arith.constant 0 : i32
          %dma_wait3A_61 = arith.constant 0 : i32
          %dma_wait3A_62 = tpu.memref_slice %arg5[%while3A_38, %dma_wait3A, %dma_wait3A_61] : memref<2x10000x128xf32, #tpu.memory_space<hbm>> -> memref<1x10000x128xf32, #tpu.memory_space<hbm>>
          %dma_wait3A_63 = tpu.memref_squeeze %dma_wait3A_62 : memref<1x10000x128xf32, #tpu.memory_space<hbm>> -> memref<10000x128xf32, #tpu.memory_space<hbm>>
          %dma_wait3A_64 = arith.constant 0 : i32
          %dma_wait3A_65 = tpu.memref_slice %dma_wait3A_63[%add3A_53, %dma_wait3A_64] : memref<10000x128xf32, #tpu.memory_space<hbm>> -> memref<16x128xf32, #tpu.memory_space<hbm>>
          %dma_wait3A_66 = arith.constant 0 : i32
          %dma_wait3A_67 = tpu.memref_slice %arg10[%add3A_53, %dma_wait3A_66] : memref<10240x128xf32, #tpu.memory_space<vmem_shared>> -> memref<16x128xf32, #tpu.memory_space<vmem_shared>>
          tpu.wait_dma2 semaphore(%run_scoped3A : memref<!tpu.dma_semaphore, #tpu.memory_space<semaphore_mem>>) src(%dma_wait3A_67 : memref<16x128xf32, #tpu.memory_space<vmem_shared>>) dst(%dma_wait3A_65 : memref<16x128xf32, #tpu.memory_space<hbm>>)
          tpu.yield
        }) : () -> ()
      }
      %while3A_47 = arith.constant 1 : i32
      scf.for %while3A_48 = %while3A_45 to %while3A_41 step %while3A_47  : i32 {
        %mul3A_49 = arith.muli %while3A_48, %while3A : i32
        %add3A_50 = arith.addi %while3A_37, %mul3A_49 : i32
        %mul3A_51 = arith.constant 16 : i32
        %mul3A_52 = arith.muli %add3A_50, %mul3A_51 : i32
        %add3A_53 = arith.addi %mul3A_5, %mul3A_52 : i32
        "tpu.region"() ({
          %run_scoped3A = tpu.sem_alloc : memref<!tpu.dma_semaphore, #tpu.memory_space<semaphore_mem>>
          %dma_start3A = arith.constant 0 : i32
          %dma_start3A_54 = arith.constant 0 : i32
          %dma_start3A_55 = tpu.memref_slice %arg5[%while3A_38, %dma_start3A, %dma_start3A_54] : memref<2x10000x128xf32, #tpu.memory_space<hbm>> -> memref<1x10000x128xf32, #tpu.memory_space<hbm>>
          %dma_start3A_56 = tpu.memref_squeeze %dma_start3A_55 : memref<1x10000x128xf32, #tpu.memory_space<hbm>> -> memref<10000x128xf32, #tpu.memory_space<hbm>>
          %dma_start3A_57 = arith.constant 0 : i32
          %dma_start3A_58 = tpu.memref_slice %dma_start3A_56[%add3A_53, %dma_start3A_57] : memref<10000x128xf32, #tpu.memory_space<hbm>> -> memref<16x128xf32, #tpu.memory_space<hbm>>
          %dma_start3A_59 = arith.constant 0 : i32
          %dma_start3A_60 = tpu.memref_slice %arg10[%add3A_53, %dma_start3A_59] : memref<10240x128xf32, #tpu.memory_space<vmem_shared>> -> memref<16x128xf32, #tpu.memory_space<vmem_shared>>
          tpu.enqueue_dma source(%dma_start3A_60 : memref<16x128xf32, #tpu.memory_space<vmem_shared>>) target(%dma_start3A_58 : memref<16x128xf32, #tpu.memory_space<hbm>>) target_semaphore(%run_scoped3A : memref<!tpu.dma_semaphore, #tpu.memory_space<semaphore_mem>>)
          %dma_wait3A = arith.constant 0 : i32
          %dma_wait3A_61 = arith.constant 0 : i32
          %dma_wait3A_62 = tpu.memref_slice %arg5[%while3A_38, %dma_wait3A, %dma_wait3A_61] : memref<2x10000x128xf32, #tpu.memory_space<hbm>> -> memref<1x10000x128xf32, #tpu.memory_space<hbm>>
          %dma_wait3A_63 = tpu.memref_squeeze %dma_wait3A_62 : memref<1x10000x128xf32, #tpu.memory_space<hbm>> -> memref<10000x128xf32, #tpu.memory_space<hbm>>
          %dma_wait3A_64 = arith.constant 0 : i32
          %dma_wait3A_65 = tpu.memref_slice %dma_wait3A_63[%add3A_53, %dma_wait3A_64] : memref<10000x128xf32, #tpu.memory_space<hbm>> -> memref<16x128xf32, #tpu.memory_space<hbm>>
          %dma_wait3A_66 = arith.constant 0 : i32
          %dma_wait3A_67 = tpu.memref_slice %arg10[%add3A_53, %dma_wait3A_66] : memref<10240x128xf32, #tpu.memory_space<vmem_shared>> -> memref<16x128xf32, #tpu.memory_space<vmem_shared>>
          tpu.wait_dma2 semaphore(%run_scoped3A : memref<!tpu.dma_semaphore, #tpu.memory_space<semaphore_mem>>) src(%dma_wait3A_67 : memref<16x128xf32, #tpu.memory_space<vmem_shared>>) dst(%dma_wait3A_65 : memref<16x128xf32, #tpu.memory_space<hbm>>)
          tpu.yield
        }) : () -> ()
      }
    } else {
    }
    %eq3A_27 = arith.constant 1 : i32
    %eq3A_28 = arith.cmpi eq, %arg0, %eq3A_27 : i32
    %convert_element_type3A_29 = arith.extui %eq3A_28 : i1 to i32
    %cond3A_30 = arith.constant 0 : i32
    %cond3A_31 = arith.cmpi ne, %convert_element_type3A_29, %cond3A_30 : i32
    scf.if %cond3A_31 {
      %sub3A = arith.constant 0 : i32
      %sub3A_32 = arith.subi %select_n3A, %sub3A : i32
      %sub3A_33 = arith.constant 1 : i32
      %sub3A_34 = arith.constant 1 : i32
      %sub3A_35 = arith.subi %sub3A_33, %sub3A_34 : i32
      %add3A = arith.addi %sub3A_32, %sub3A_35 : i32
      %div3A = arith.constant 1 : i32
      %div3A_36 = arith.divsi %add3A, %div3A : i32
      %while3A = arith.constant 1 : i32
      %while3A_37 = arith.constant 0 : i32
      %while3A_38 = arith.constant 1 : i32
      %while3A_39 = arith.constant 0 : i32
      %while3A_40 = arith.subi %div3A_36, %while3A_39 : i32
      %while3A_41 = arith.addi %while3A_39, %while3A_40 : i32
      %while3A_42 = arith.constant 1 : i32
      %while3A_43 = arith.divsi %while3A_40, %while3A_42 : i32
      %while3A_44 = arith.muli %while3A_43, %while3A_42 : i32
      %while3A_45 = arith.addi %while3A_39, %while3A_44 : i32
      %while3A_46 = arith.constant 1 : i32
      scf.for %while3A_48 = %while3A_39 to %while3A_45 step %while3A_46  : i32 {
        %mul3A_49 = arith.muli %while3A_48, %while3A : i32
        %add3A_50 = arith.addi %while3A_37, %mul3A_49 : i32
        %mul3A_51 = arith.constant 16 : i32
        %mul3A_52 = arith.muli %add3A_50, %mul3A_51 : i32
        %add3A_53 = arith.addi %mul3A_5, %mul3A_52 : i32
        "tpu.region"() ({
          %run_scoped3A = tpu.sem_alloc : memref<!tpu.dma_semaphore, #tpu.memory_space<semaphore_mem>>
          %dma_start3A = arith.constant 0 : i32
          %dma_start3A_54 = arith.constant 0 : i32
          %dma_start3A_55 = tpu.memref_slice %arg5[%while3A_38, %dma_start3A, %dma_start3A_54] : memref<2x10000x128xf32, #tpu.memory_space<hbm>> -> memref<1x10000x128xf32, #tpu.memory_space<hbm>>
          %dma_start3A_56 = tpu.memref_squeeze %dma_start3A_55 : memref<1x10000x128xf32, #tpu.memory_space<hbm>> -> memref<10000x128xf32, #tpu.memory_space<hbm>>
          %dma_start3A_57 = arith.constant 0 : i32
          %dma_start3A_58 = tpu.memref_slice %dma_start3A_56[%add3A_53, %dma_start3A_57] : memref<10000x128xf32, #tpu.memory_space<hbm>> -> memref<16x128xf32, #tpu.memory_space<hbm>>
          %dma_start3A_59 = arith.constant 0 : i32
          %dma_start3A_60 = tpu.memref_slice %arg10[%add3A_53, %dma_start3A_59] : memref<10240x128xf32, #tpu.memory_space<vmem_shared>> -> memref<16x128xf32, #tpu.memory_space<vmem_shared>>
          tpu.enqueue_dma source(%dma_start3A_60 : memref<16x128xf32, #tpu.memory_space<vmem_shared>>) target(%dma_start3A_58 : memref<16x128xf32, #tpu.memory_space<hbm>>) target_semaphore(%run_scoped3A : memref<!tpu.dma_semaphore, #tpu.memory_space<semaphore_mem>>)
          %dma_wait3A = arith.constant 0 : i32
          %dma_wait3A_61 = arith.constant 0 : i32
          %dma_wait3A_62 = tpu.memref_slice %arg5[%while3A_38, %dma_wait3A, %dma_wait3A_61] : memref<2x10000x128xf32, #tpu.memory_space<hbm>> -> memref<1x10000x128xf32, #tpu.memory_space<hbm>>
          %dma_wait3A_63 = tpu.memref_squeeze %dma_wait3A_62 : memref<1x10000x128xf32, #tpu.memory_space<hbm>> -> memref<10000x128xf32, #tpu.memory_space<hbm>>
          %dma_wait3A_64 = arith.constant 0 : i32
          %dma_wait3A_65 = tpu.memref_slice %dma_wait3A_63[%add3A_53, %dma_wait3A_64] : memref<10000x128xf32, #tpu.memory_space<hbm>> -> memref<16x128xf32, #tpu.memory_space<hbm>>
          %dma_wait3A_66 = arith.constant 0 : i32
          %dma_wait3A_67 = tpu.memref_slice %arg10[%add3A_53, %dma_wait3A_66] : memref<10240x128xf32, #tpu.memory_space<vmem_shared>> -> memref<16x128xf32, #tpu.memory_space<vmem_shared>>
          tpu.wait_dma2 semaphore(%run_scoped3A : memref<!tpu.dma_semaphore, #tpu.memory_space<semaphore_mem>>) src(%dma_wait3A_67 : memref<16x128xf32, #tpu.memory_space<vmem_shared>>) dst(%dma_wait3A_65 : memref<16x128xf32, #tpu.memory_space<hbm>>)
          tpu.yield
        }) : () -> ()
      }
      %while3A_47 = arith.constant 1 : i32
      scf.for %while3A_48 = %while3A_45 to %while3A_41 step %while3A_47  : i32 {
        %mul3A_49 = arith.muli %while3A_48, %while3A : i32
        %add3A_50 = arith.addi %while3A_37, %mul3A_49 : i32
        %mul3A_51 = arith.constant 16 : i32
        %mul3A_52 = arith.muli %add3A_50, %mul3A_51 : i32
        %add3A_53 = arith.addi %mul3A_5, %mul3A_52 : i32
        "tpu.region"() ({
          %run_scoped3A = tpu.sem_alloc : memref<!tpu.dma_semaphore, #tpu.memory_space<semaphore_mem>>
          %dma_start3A = arith.constant 0 : i32
          %dma_start3A_54 = arith.constant 0 : i32
          %dma_start3A_55 = tpu.memref_slice %arg5[%while3A_38, %dma_start3A, %dma_start3A_54] : memref<2x10000x128xf32, #tpu.memory_space<hbm>> -> memref<1x10000x128xf32, #tpu.memory_space<hbm>>
          %dma_start3A_56 = tpu.memref_squeeze %dma_start3A_55 : memref<1x10000x128xf32, #tpu.memory_space<hbm>> -> memref<10000x128xf32, #tpu.memory_space<hbm>>
          %dma_start3A_57 = arith.constant 0 : i32
          %dma_start3A_58 = tpu.memref_slice %dma_start3A_56[%add3A_53, %dma_start3A_57] : memref<10000x128xf32, #tpu.memory_space<hbm>> -> memref<16x128xf32, #tpu.memory_space<hbm>>
          %dma_start3A_59 = arith.constant 0 : i32
          %dma_start3A_60 = tpu.memref_slice %arg10[%add3A_53, %dma_start3A_59] : memref<10240x128xf32, #tpu.memory_space<vmem_shared>> -> memref<16x128xf32, #tpu.memory_space<vmem_shared>>
          tpu.enqueue_dma source(%dma_start3A_60 : memref<16x128xf32, #tpu.memory_space<vmem_shared>>) target(%dma_start3A_58 : memref<16x128xf32, #tpu.memory_space<hbm>>) target_semaphore(%run_scoped3A : memref<!tpu.dma_semaphore, #tpu.memory_space<semaphore_mem>>)
          %dma_wait3A = arith.constant 0 : i32
          %dma_wait3A_61 = arith.constant 0 : i32
          %dma_wait3A_62 = tpu.memref_slice %arg5[%while3A_38, %dma_wait3A, %dma_wait3A_61] : memref<2x10000x128xf32, #tpu.memory_space<hbm>> -> memref<1x10000x128xf32, #tpu.memory_space<hbm>>
          %dma_wait3A_63 = tpu.memref_squeeze %dma_wait3A_62 : memref<1x10000x128xf32, #tpu.memory_space<hbm>> -> memref<10000x128xf32, #tpu.memory_space<hbm>>
          %dma_wait3A_64 = arith.constant 0 : i32
          %dma_wait3A_65 = tpu.memref_slice %dma_wait3A_63[%add3A_53, %dma_wait3A_64] : memref<10000x128xf32, #tpu.memory_space<hbm>> -> memref<16x128xf32, #tpu.memory_space<hbm>>
          %dma_wait3A_66 = arith.constant 0 : i32
          %dma_wait3A_67 = tpu.memref_slice %arg10[%add3A_53, %dma_wait3A_66] : memref<10240x128xf32, #tpu.memory_space<vmem_shared>> -> memref<16x128xf32, #tpu.memory_space<vmem_shared>>
          tpu.wait_dma2 semaphore(%run_scoped3A : memref<!tpu.dma_semaphore, #tpu.memory_space<semaphore_mem>>) src(%dma_wait3A_67 : memref<16x128xf32, #tpu.memory_space<vmem_shared>>) dst(%dma_wait3A_65 : memref<16x128xf32, #tpu.memory_space<hbm>>)
          tpu.yield
        }) : () -> ()
      }
    } else {
    }
    return
  }
}

module attributes {stable_mosaic.version = 14 : i64} {
  func.func @_prep_body(%arg0: i32, %arg1: memref<2000x256xf32, #tpu.memory_space<vmem>>, %arg2: memref<2000x1xf32, #tpu.memory_space<vmem>>, %arg3: memref<2x2000x128xf32, #tpu.memory_space<vmem>>, %arg4: memref<2000x1xf32, #tpu.memory_space<vmem>>) attributes {dimension_semantics = [#tpu.dimension_semantics<arbitrary>], iteration_bounds = array<i64: 5>, scalar_prefetch = 0 : i64, scratch_operands = 0 : i64, tpu.core_type = #tpu.core_type<tc>, window_params = [{transform_indices = @transform_0, window_bounds = array<i64: 2000, 256>}, {transform_indices = @transform_1, window_bounds = array<i64: 2000, 1>}, {transform_indices = @transform_2, window_bounds = array<i64: 2, 2000, 128>}, {transform_indices = @transform_3, window_bounds = array<i64: 2000, 1>}]} {
    %get3A = arith.constant 0 : index
    %get3A_0 = arith.constant 0 : index
    %get3A_1 = vector.load %arg2[%get3A, %get3A_0] : memref<2000x1xf32, #tpu.memory_space<vmem>>, vector<2000x1xf32>
    %add3A = arith.constant 1.000000e+00 : f32
    %add3A_2 = vector.broadcast %add3A : f32 to vector<2000x1xf32>
    %add3A_3 = arith.addf %get3A_1, %add3A_2 : vector<2000x1xf32>
    %rsqrt3A = math.rsqrt %add3A_3 : vector<2000x1xf32>
    %get3A_4 = arith.constant 0 : index
    %get3A_5 = arith.constant 0 : index
    %get3A_6 = vector.load %arg1[%get3A_4, %get3A_5] : memref<2000x256xf32, #tpu.memory_space<vmem>>, vector<2000x256xf32>
    %mul3A = vector.broadcast %rsqrt3A : vector<2000x1xf32> to vector<2000x256xf32>
    %mul3A_7 = arith.mulf %get3A_6, %mul3A : vector<2000x256xf32>
    %slice3A = vector.extract_strided_slice %mul3A_7 {offsets = [0, 0], sizes = [2000, 128], strides = [1, 1]} : vector<2000x256xf32> to vector<2000x128xf32>
    %swap3A = arith.constant 0 : index
    %swap3A_8 = arith.constant 0 : index
    %swap3A_9 = arith.constant 0 : index
    %swap3A_10 = vector.load %arg3[%swap3A, %swap3A_8, %swap3A_9] : memref<2x2000x128xf32, #tpu.memory_space<vmem>>, vector<1x2000x128xf32>
    %swap3A_11 = vector.shape_cast %swap3A_10 : vector<1x2000x128xf32> to vector<2000x128xf32>
    %swap3A_12 = vector.shape_cast %slice3A : vector<2000x128xf32> to vector<1x2000x128xf32>
    tpu.vector_store %arg3[%swap3A, %swap3A_8, %swap3A_9], %swap3A_12 {strides = array<i32>} : memref<2x2000x128xf32, #tpu.memory_space<vmem>>, vector<1x2000x128xf32>,
    %slice3A_13 = vector.extract_strided_slice %mul3A_7 {offsets = [0, 128], sizes = [2000, 128], strides = [1, 1]} : vector<2000x256xf32> to vector<2000x128xf32>
    %swap3A_14 = arith.constant 1 : index
    %swap3A_15 = arith.constant 0 : index
    %swap3A_16 = arith.constant 0 : index
    %swap3A_17 = vector.load %arg3[%swap3A_14, %swap3A_15, %swap3A_16] : memref<2x2000x128xf32, #tpu.memory_space<vmem>>, vector<1x2000x128xf32>
    %swap3A_18 = vector.shape_cast %swap3A_17 : vector<1x2000x128xf32> to vector<2000x128xf32>
    %swap3A_19 = vector.shape_cast %slice3A_13 : vector<2000x128xf32> to vector<1x2000x128xf32>
    tpu.vector_store %arg3[%swap3A_14, %swap3A_15, %swap3A_16], %swap3A_19 {strides = array<i32>} : memref<2x2000x128xf32, #tpu.memory_space<vmem>>, vector<1x2000x128xf32>,
    %swap3A_20 = arith.constant 0 : index
    %swap3A_21 = arith.constant 0 : index
    %swap3A_22 = vector.load %arg4[%swap3A_20, %swap3A_21] : memref<2000x1xf32, #tpu.memory_space<vmem>>, vector<2000x1xf32>
    tpu.vector_store %arg4[%swap3A_20, %swap3A_21], %rsqrt3A {strides = array<i32>} : memref<2000x1xf32, #tpu.memory_space<vmem>>, vector<2000x1xf32>,
    return
  }
  func.func @transform_0(%arg0: i32) -> (i32, i32) {
    %c0_i32 = arith.constant 0 : i32
    %c0_i32_0 = arith.constant 0 : i32
    return %arg0, %c0_i32 : i32, i32
  }
  func.func @transform_1(%arg0: i32) -> (i32, i32) {
    %c0_i32 = arith.constant 0 : i32
    %c0_i32_0 = arith.constant 0 : i32
    return %arg0, %c0_i32 : i32, i32
  }
  func.func @transform_2(%arg0: i32) -> (i32, i32, i32) {
    %c0_i32 = arith.constant 0 : i32
    %c0_i32_0 = arith.constant 0 : i32
    %c0_i32_1 = arith.constant 0 : i32
    return %c0_i32, %arg0, %c0_i32_0 : i32, i32, i32
  }
  func.func @transform_3(%arg0: i32) -> (i32, i32) {
    %c0_i32 = arith.constant 0 : i32
    %c0_i32_0 = arith.constant 0 : i32
    return %arg0, %c0_i32 : i32, i32
  }
}

module attributes {stable_mosaic.version = 14 : i64} {
  func.func @_mid_body(%arg0: i32, %arg1: memref<2x2000x128xf32, #tpu.memory_space<vmem>>, %arg2: memref<2x2000x128xf32, #tpu.memory_space<vmem>>, %arg3: memref<2000x1xf32, #tpu.memory_space<vmem>>, %arg4: memref<256x512xf32, #tpu.memory_space<vmem>>, %arg5: memref<1x512xf32, #tpu.memory_space<vmem>>, %arg6: memref<512x256xf32, #tpu.memory_space<vmem>>, %arg7: memref<2x2000x128xf32, #tpu.memory_space<vmem>>) attributes {dimension_semantics = [#tpu.dimension_semantics<arbitrary>], iteration_bounds = array<i64: 5>, scalar_prefetch = 0 : i64, scratch_operands = 0 : i64, tpu.core_type = #tpu.core_type<tc>, window_params = [{transform_indices = @transform_0, window_bounds = array<i64: 2, 2000, 128>}, {transform_indices = @transform_1, window_bounds = array<i64: 2, 2000, 128>}, {transform_indices = @transform_2, window_bounds = array<i64: 2000, 1>}, {pipeline_mode = #tpu.pipeline_mode<synchronous>, transform_indices = @transform_3, window_bounds = array<i64: 256, 512>}, {pipeline_mode = #tpu.pipeline_mode<synchronous>, transform_indices = @transform_4, window_bounds = array<i64: 1, 512>}, {pipeline_mode = #tpu.pipeline_mode<synchronous>, transform_indices = @transform_5, window_bounds = array<i64: 512, 256>}, {transform_indices = @transform_6, window_bounds = array<i64: 2, 2000, 128>}]} {
    %get3A = arith.constant 0 : index
    %get3A_0 = arith.constant 0 : index
    %get3A_1 = vector.load %arg3[%get3A, %get3A_0] : memref<2000x1xf32, #tpu.memory_space<vmem>>, vector<2000x1xf32>
    %get3A_2 = arith.constant 0 : index
    %get3A_3 = arith.constant 0 : index
    %get3A_4 = arith.constant 0 : index
    %get3A_5 = vector.load %arg1[%get3A_2, %get3A_3, %get3A_4] : memref<2x2000x128xf32, #tpu.memory_space<vmem>>, vector<1x2000x128xf32>
    %get3A_6 = vector.shape_cast %get3A_5 : vector<1x2000x128xf32> to vector<2000x128xf32>
    %get3A_7 = arith.constant 1 : index
    %get3A_8 = arith.constant 0 : index
    %get3A_9 = arith.constant 0 : index
    %get3A_10 = vector.load %arg1[%get3A_7, %get3A_8, %get3A_9] : memref<2x2000x128xf32, #tpu.memory_space<vmem>>, vector<1x2000x128xf32>
    %get3A_11 = vector.shape_cast %get3A_10 : vector<1x2000x128xf32> to vector<2000x128xf32>
    %concatenate3A = tpu.concatenate %get3A_6, %get3A_11 in 1 : vector<2000x128xf32>, vector<2000x128xf32> -> vector<2000x256xf32>
    %get3A_12 = arith.constant 0 : index
    %get3A_13 = arith.constant 0 : index
    %get3A_14 = arith.constant 0 : index
    %get3A_15 = vector.load %arg2[%get3A_12, %get3A_13, %get3A_14] : memref<2x2000x128xf32, #tpu.memory_space<vmem>>, vector<1x2000x128xf32>
    %get3A_16 = vector.shape_cast %get3A_15 : vector<1x2000x128xf32> to vector<2000x128xf32>
    %get3A_17 = arith.constant 1 : index
    %get3A_18 = arith.constant 0 : index
    %get3A_19 = arith.constant 0 : index
    %get3A_20 = vector.load %arg2[%get3A_17, %get3A_18, %get3A_19] : memref<2x2000x128xf32, #tpu.memory_space<vmem>>, vector<1x2000x128xf32>
    %get3A_21 = vector.shape_cast %get3A_20 : vector<1x2000x128xf32> to vector<2000x128xf32>
    %concatenate3A_22 = tpu.concatenate %get3A_16, %get3A_21 in 1 : vector<2000x128xf32>, vector<2000x128xf32> -> vector<2000x256xf32>
    %add3A = arith.addf %concatenate3A, %concatenate3A_22 : vector<2000x256xf32>
    %mul3A = vector.broadcast %get3A_1 : vector<2000x1xf32> to vector<2000x256xf32>
    %mul3A_23 = arith.mulf %mul3A, %add3A : vector<2000x256xf32>
    %get3A_24 = arith.constant 0 : index
    %get3A_25 = arith.constant 0 : index
    %get3A_26 = vector.load %arg4[%get3A_24, %get3A_25] : memref<256x512xf32, #tpu.memory_space<vmem>>, vector<256x512xf32>
    %dot_general3A = arith.constant dense<0.000000e+00> : vector<2000x512xf32>
    %dot_general3A_27 = tpu.matmul %mul3A_23, %get3A_26, %dot_general3A {dimension_numbers = #tpu.dot_dimension_numbers<[1], [0], [0], [1], [0, 0, 1, 1], [], []>, transpose_lhs_hint = false} : vector<2000x256xf32>, vector<256x512xf32>, vector<2000x512xf32> -> vector<2000x512xf32>
    %get3A_28 = arith.constant 0 : index
    %get3A_29 = arith.constant 0 : index
    %get3A_30 = vector.load %arg5[%get3A_28, %get3A_29] : memref<1x512xf32, #tpu.memory_space<vmem>>, vector<1x512xf32>
    %add3A_31 = vector.broadcast %get3A_30 : vector<1x512xf32> to vector<2000x512xf32>
    %add3A_32 = arith.addf %dot_general3A_27, %add3A_31 : vector<2000x512xf32>
    %get3A_33 = arith.constant 0 : index
    %get3A_34 = arith.constant 0 : index
    %get3A_35 = vector.load %arg6[%get3A_33, %get3A_34] : memref<512x256xf32, #tpu.memory_space<vmem>>, vector<512x256xf32>
    %dot_general3A_36 = arith.constant dense<0.000000e+00> : vector<2000x256xf32>
    %dot_general3A_37 = tpu.matmul %add3A_32, %get3A_35, %dot_general3A_36 {dimension_numbers = #tpu.dot_dimension_numbers<[1], [0], [0], [1], [0, 0, 1, 1], [], []>, transpose_lhs_hint = false} : vector<2000x512xf32>, vector<512x256xf32>, vector<2000x256xf32> -> vector<2000x256xf32>
    %mul3A_38 = vector.broadcast %get3A_1 : vector<2000x1xf32> to vector<2000x256xf32>
    %mul3A_39 = arith.mulf %dot_general3A_37, %mul3A_38 : vector<2000x256xf32>
    %slice3A = vector.extract_strided_slice %mul3A_39 {offsets = [0, 0], sizes = [2000, 128], strides = [1, 1]} : vector<2000x256xf32> to vector<2000x128xf32>
    %swap3A = arith.constant 0 : index
    %swap3A_40 = arith.constant 0 : index
    %swap3A_41 = arith.constant 0 : index
    %swap3A_42 = vector.load %arg7[%swap3A, %swap3A_40, %swap3A_41] : memref<2x2000x128xf32, #tpu.memory_space<vmem>>, vector<1x2000x128xf32>
    %swap3A_43 = vector.shape_cast %swap3A_42 : vector<1x2000x128xf32> to vector<2000x128xf32>
    %swap3A_44 = vector.shape_cast %slice3A : vector<2000x128xf32> to vector<1x2000x128xf32>
    tpu.vector_store %arg7[%swap3A, %swap3A_40, %swap3A_41], %swap3A_44 {strides = array<i32>} : memref<2x2000x128xf32, #tpu.memory_space<vmem>>, vector<1x2000x128xf32>,
    %slice3A_45 = vector.extract_strided_slice %mul3A_39 {offsets = [0, 128], sizes = [2000, 128], strides = [1, 1]} : vector<2000x256xf32> to vector<2000x128xf32>
    %swap3A_46 = arith.constant 1 : index
    %swap3A_47 = arith.constant 0 : index
    %swap3A_48 = arith.constant 0 : index
    %swap3A_49 = vector.load %arg7[%swap3A_46, %swap3A_47, %swap3A_48] : memref<2x2000x128xf32, #tpu.memory_space<vmem>>, vector<1x2000x128xf32>
    %swap3A_50 = vector.shape_cast %swap3A_49 : vector<1x2000x128xf32> to vector<2000x128xf32>
    %swap3A_51 = vector.shape_cast %slice3A_45 : vector<2000x128xf32> to vector<1x2000x128xf32>
    tpu.vector_store %arg7[%swap3A_46, %swap3A_47, %swap3A_48], %swap3A_51 {strides = array<i32>} : memref<2x2000x128xf32, #tpu.memory_space<vmem>>, vector<1x2000x128xf32>,
    return
  }
  func.func @transform_0(%arg0: i32) -> (i32, i32, i32) {
    %c0_i32 = arith.constant 0 : i32
    %c0_i32_0 = arith.constant 0 : i32
    %c0_i32_1 = arith.constant 0 : i32
    return %c0_i32, %arg0, %c0_i32_0 : i32, i32, i32
  }
  func.func @transform_1(%arg0: i32) -> (i32, i32, i32) {
    %c0_i32 = arith.constant 0 : i32
    %c0_i32_0 = arith.constant 0 : i32
    %c0_i32_1 = arith.constant 0 : i32
    return %c0_i32, %arg0, %c0_i32_0 : i32, i32, i32
  }
  func.func @transform_2(%arg0: i32) -> (i32, i32) {
    %c0_i32 = arith.constant 0 : i32
    %c0_i32_0 = arith.constant 0 : i32
    return %arg0, %c0_i32 : i32, i32
  }
  func.func @transform_3(%arg0: i32) -> (i32, i32) {
    %c0_i32 = arith.constant 0 : i32
    %c0_i32_0 = arith.constant 0 : i32
    %c0_i32_1 = arith.constant 0 : i32
    return %c0_i32, %c0_i32_0 : i32, i32
  }
  func.func @transform_4(%arg0: i32) -> (i32, i32) {
    %c0_i32 = arith.constant 0 : i32
    %c0_i32_0 = arith.constant 0 : i32
    %c0_i32_1 = arith.constant 0 : i32
    return %c0_i32, %c0_i32_0 : i32, i32
  }
  func.func @transform_5(%arg0: i32) -> (i32, i32) {
    %c0_i32 = arith.constant 0 : i32
    %c0_i32_0 = arith.constant 0 : i32
    %c0_i32_1 = arith.constant 0 : i32
    return %c0_i32, %c0_i32_0 : i32, i32
  }
  func.func @transform_6(%arg0: i32) -> (i32, i32, i32) {
    %c0_i32 = arith.constant 0 : i32
    %c0_i32_0 = arith.constant 0 : i32
    %c0_i32_1 = arith.constant 0 : i32
    return %c0_i32, %arg0, %c0_i32_0 : i32, i32, i32
  }
}

module attributes {stable_mosaic.version = 14 : i64} {
  func.func @_heter_body(%arg0: i32, %arg1: memref<2x2000x128xf32, #tpu.memory_space<vmem>>, %arg2: memref<2x2000x128xf32, #tpu.memory_space<vmem>>, %arg3: memref<2000x1xf32, #tpu.memory_space<vmem>>, %arg4: memref<1x256xf32, #tpu.memory_space<vmem>>, %arg5: memref<2000x1xf32, #tpu.memory_space<vmem>>, %arg6: memref<2000x256xf32, #tpu.memory_space<vmem>>, %arg7: memref<2x2000x128xf32, #tpu.memory_space<vmem>>, %arg8: memref<2000x1xf32, #tpu.memory_space<vmem>>) attributes {dimension_semantics = [#tpu.dimension_semantics<arbitrary>], iteration_bounds = array<i64: 5>, scalar_prefetch = 0 : i64, scratch_operands = 0 : i64, tpu.core_type = #tpu.core_type<tc>, window_params = [{transform_indices = @transform_0, window_bounds = array<i64: 2, 2000, 128>}, {transform_indices = @transform_1, window_bounds = array<i64: 2, 2000, 128>}, {transform_indices = @transform_2, window_bounds = array<i64: 2000, 1>}, {pipeline_mode = #tpu.pipeline_mode<synchronous>, transform_indices = @transform_3, window_bounds = array<i64: 1, 256>}, {transform_indices = @transform_4, window_bounds = array<i64: 2000, 1>}, {transform_indices = @transform_5, window_bounds = array<i64: 2000, 256>}, {transform_indices = @transform_6, window_bounds = array<i64: 2, 2000, 128>}, {transform_indices = @transform_7, window_bounds = array<i64: 2000, 1>}]} {
    %get3A = arith.constant 0 : index
    %get3A_0 = arith.constant 0 : index
    %get3A_1 = vector.load %arg3[%get3A, %get3A_0] : memref<2000x1xf32, #tpu.memory_space<vmem>>, vector<2000x1xf32>
    %get3A_2 = arith.constant 0 : index
    %get3A_3 = arith.constant 0 : index
    %get3A_4 = arith.constant 0 : index
    %get3A_5 = vector.load %arg1[%get3A_2, %get3A_3, %get3A_4] : memref<2x2000x128xf32, #tpu.memory_space<vmem>>, vector<1x2000x128xf32>
    %get3A_6 = vector.shape_cast %get3A_5 : vector<1x2000x128xf32> to vector<2000x128xf32>
    %get3A_7 = arith.constant 1 : index
    %get3A_8 = arith.constant 0 : index
    %get3A_9 = arith.constant 0 : index
    %get3A_10 = vector.load %arg1[%get3A_7, %get3A_8, %get3A_9] : memref<2x2000x128xf32, #tpu.memory_space<vmem>>, vector<1x2000x128xf32>
    %get3A_11 = vector.shape_cast %get3A_10 : vector<1x2000x128xf32> to vector<2000x128xf32>
    %concatenate3A = tpu.concatenate %get3A_6, %get3A_11 in 1 : vector<2000x128xf32>, vector<2000x128xf32> -> vector<2000x256xf32>
    %get3A_12 = arith.constant 0 : index
    %get3A_13 = arith.constant 0 : index
    %get3A_14 = arith.constant 0 : index
    %get3A_15 = vector.load %arg2[%get3A_12, %get3A_13, %get3A_14] : memref<2x2000x128xf32, #tpu.memory_space<vmem>>, vector<1x2000x128xf32>
    %get3A_16 = vector.shape_cast %get3A_15 : vector<1x2000x128xf32> to vector<2000x128xf32>
    %get3A_17 = arith.constant 1 : index
    %get3A_18 = arith.constant 0 : index
    %get3A_19 = arith.constant 0 : index
    %get3A_20 = vector.load %arg2[%get3A_17, %get3A_18, %get3A_19] : memref<2x2000x128xf32, #tpu.memory_space<vmem>>, vector<1x2000x128xf32>
    %get3A_21 = vector.shape_cast %get3A_20 : vector<1x2000x128xf32> to vector<2000x128xf32>
    %concatenate3A_22 = tpu.concatenate %get3A_16, %get3A_21 in 1 : vector<2000x128xf32>, vector<2000x128xf32> -> vector<2000x256xf32>
    %add3A = arith.addf %concatenate3A, %concatenate3A_22 : vector<2000x256xf32>
    %mul3A = vector.broadcast %get3A_1 : vector<2000x1xf32> to vector<2000x256xf32>
    %mul3A_23 = arith.mulf %mul3A, %add3A : vector<2000x256xf32>
    %get3A_24 = arith.constant 0 : index
    %get3A_25 = arith.constant 0 : index
    %get3A_26 = vector.load %arg4[%get3A_24, %get3A_25] : memref<1x256xf32, #tpu.memory_space<vmem>>, vector<1x256xf32>
    %add3A_27 = vector.broadcast %get3A_26 : vector<1x256xf32> to vector<2000x256xf32>
    %add3A_28 = arith.addf %mul3A_23, %add3A_27 : vector<2000x256xf32>
    %swap3A = arith.constant 0 : index
    %swap3A_29 = arith.constant 0 : index
    %swap3A_30 = vector.load %arg6[%swap3A, %swap3A_29] : memref<2000x256xf32, #tpu.memory_space<vmem>>, vector<2000x256xf32>
    tpu.vector_store %arg6[%swap3A, %swap3A_29], %add3A_28 {strides = array<i32>} : memref<2000x256xf32, #tpu.memory_space<vmem>>, vector<2000x256xf32>,
    %slice3A = vector.extract_strided_slice %add3A_28 {offsets = [0, 0], sizes = [2000, 128], strides = [1, 1]} : vector<2000x256xf32> to vector<2000x128xf32>
    %swap3A_31 = arith.constant 0 : index
    %swap3A_32 = arith.constant 0 : index
    %swap3A_33 = arith.constant 0 : index
    %swap3A_34 = vector.load %arg7[%swap3A_31, %swap3A_32, %swap3A_33] : memref<2x2000x128xf32, #tpu.memory_space<vmem>>, vector<1x2000x128xf32>
    %swap3A_35 = vector.shape_cast %swap3A_34 : vector<1x2000x128xf32> to vector<2000x128xf32>
    %swap3A_36 = vector.shape_cast %slice3A : vector<2000x128xf32> to vector<1x2000x128xf32>
    tpu.vector_store %arg7[%swap3A_31, %swap3A_32, %swap3A_33], %swap3A_36 {strides = array<i32>} : memref<2x2000x128xf32, #tpu.memory_space<vmem>>, vector<1x2000x128xf32>,
    %slice3A_37 = vector.extract_strided_slice %add3A_28 {offsets = [0, 128], sizes = [2000, 128], strides = [1, 1]} : vector<2000x256xf32> to vector<2000x128xf32>
    %swap3A_38 = arith.constant 1 : index
    %swap3A_39 = arith.constant 0 : index
    %swap3A_40 = arith.constant 0 : index
    %swap3A_41 = vector.load %arg7[%swap3A_38, %swap3A_39, %swap3A_40] : memref<2x2000x128xf32, #tpu.memory_space<vmem>>, vector<1x2000x128xf32>
    %swap3A_42 = vector.shape_cast %swap3A_41 : vector<1x2000x128xf32> to vector<2000x128xf32>
    %swap3A_43 = vector.shape_cast %slice3A_37 : vector<2000x128xf32> to vector<1x2000x128xf32>
    tpu.vector_store %arg7[%swap3A_38, %swap3A_39, %swap3A_40], %swap3A_43 {strides = array<i32>} : memref<2x2000x128xf32, #tpu.memory_space<vmem>>, vector<1x2000x128xf32>,
    %get3A_44 = arith.constant 0 : index
    %get3A_45 = arith.constant 0 : index
    %get3A_46 = vector.load %arg5[%get3A_44, %get3A_45] : memref<2000x1xf32, #tpu.memory_space<vmem>>, vector<2000x1xf32>
    %gt3A = arith.constant 0.000000e+00 : f32
    %gt3A_47 = vector.broadcast %gt3A : f32 to vector<2000x1xf32>
    %gt3A_48 = arith.cmpf ogt, %get3A_46, %gt3A_47 : vector<2000x1xf32>
    %gt3A_49 = arith.constant 0.000000e+00 : f32
    %gt3A_50 = vector.broadcast %gt3A_49 : f32 to vector<2000x1xf32>
    %gt3A_51 = arith.cmpf ogt, %get3A_46, %gt3A_50 : vector<2000x1xf32>
    %jit3A = arith.constant 1.000000e+00 : f32
    %broadcast_in_dim3A = vector.broadcast %jit3A : f32 to vector<2000x1xf32>
    %select_n3A = arith.select %gt3A_51, %get3A_46, %broadcast_in_dim3A : vector<2000x1xi1>, vector<2000x1xf32>
    %div3A = arith.constant 1.000000e+00 : f32
    %div3A_52 = vector.broadcast %div3A : f32 to vector<2000x1xf32>
    %div3A_53 = arith.divf %div3A_52, %select_n3A : vector<2000x1xf32>
    %jit3A_54 = arith.constant 0.000000e+00 : f32
    %broadcast_in_dim3A_55 = vector.broadcast %jit3A_54 : f32 to vector<2000x1xf32>
    %select_n3A_56 = arith.select %gt3A_48, %div3A_53, %broadcast_in_dim3A_55 : vector<2000x1xi1>, vector<2000x1xf32>
    %swap3A_57 = arith.constant 0 : index
    %swap3A_58 = arith.constant 0 : index
    %swap3A_59 = vector.load %arg8[%swap3A_57, %swap3A_58] : memref<2000x1xf32, #tpu.memory_space<vmem>>, vector<2000x1xf32>
    tpu.vector_store %arg8[%swap3A_57, %swap3A_58], %select_n3A_56 {strides = array<i32>} : memref<2000x1xf32, #tpu.memory_space<vmem>>, vector<2000x1xf32>,
    return
  }
  func.func @transform_0(%arg0: i32) -> (i32, i32, i32) {
    %c0_i32 = arith.constant 0 : i32
    %c0_i32_0 = arith.constant 0 : i32
    %c0_i32_1 = arith.constant 0 : i32
    return %c0_i32, %arg0, %c0_i32_0 : i32, i32, i32
  }
  func.func @transform_1(%arg0: i32) -> (i32, i32, i32) {
    %c0_i32 = arith.constant 0 : i32
    %c0_i32_0 = arith.constant 0 : i32
    %c0_i32_1 = arith.constant 0 : i32
    return %c0_i32, %arg0, %c0_i32_0 : i32, i32, i32
  }
  func.func @transform_2(%arg0: i32) -> (i32, i32) {
    %c0_i32 = arith.constant 0 : i32
    %c0_i32_0 = arith.constant 0 : i32
    return %arg0, %c0_i32 : i32, i32
  }
  func.func @transform_3(%arg0: i32) -> (i32, i32) {
    %c0_i32 = arith.constant 0 : i32
    %c0_i32_0 = arith.constant 0 : i32
    %c0_i32_1 = arith.constant 0 : i32
    return %c0_i32, %c0_i32_0 : i32, i32
  }
  func.func @transform_4(%arg0: i32) -> (i32, i32) {
    %c0_i32 = arith.constant 0 : i32
    %c0_i32_0 = arith.constant 0 : i32
    return %arg0, %c0_i32 : i32, i32
  }
  func.func @transform_5(%arg0: i32) -> (i32, i32) {
    %c0_i32 = arith.constant 0 : i32
    %c0_i32_0 = arith.constant 0 : i32
    return %arg0, %c0_i32 : i32, i32
  }
  func.func @transform_6(%arg0: i32) -> (i32, i32, i32) {
    %c0_i32 = arith.constant 0 : i32
    %c0_i32_0 = arith.constant 0 : i32
    %c0_i32_1 = arith.constant 0 : i32
    return %c0_i32, %arg0, %c0_i32_0 : i32, i32, i32
  }
  func.func @transform_7(%arg0: i32) -> (i32, i32) {
    %c0_i32 = arith.constant 0 : i32
    %c0_i32_0 = arith.constant 0 : i32
    return %arg0, %c0_i32 : i32, i32
  }
}

module attributes {stable_mosaic.version = 14 : i64} {
  func.func @_bscale_body(%arg0: i32, %arg1: memref<2x2000x128xf32, #tpu.memory_space<vmem>>, %arg2: memref<2000x1xf32, #tpu.memory_space<vmem>>, %arg3: memref<2x2000x128xf32, #tpu.memory_space<vmem>>) attributes {dimension_semantics = [#tpu.dimension_semantics<arbitrary>], iteration_bounds = array<i64: 5>, scalar_prefetch = 0 : i64, scratch_operands = 0 : i64, tpu.core_type = #tpu.core_type<tc>, window_params = [{transform_indices = @transform_0, window_bounds = array<i64: 2, 2000, 128>}, {transform_indices = @transform_1, window_bounds = array<i64: 2000, 1>}, {transform_indices = @transform_2, window_bounds = array<i64: 2, 2000, 128>}]} {
    %get3A = arith.constant 0 : index
    %get3A_0 = arith.constant 0 : index
    %get3A_1 = vector.load %arg2[%get3A, %get3A_0] : memref<2000x1xf32, #tpu.memory_space<vmem>>, vector<2000x1xf32>
    %get3A_2 = arith.constant 0 : index
    %get3A_3 = arith.constant 0 : index
    %get3A_4 = arith.constant 0 : index
    %get3A_5 = vector.load %arg1[%get3A_2, %get3A_3, %get3A_4] : memref<2x2000x128xf32, #tpu.memory_space<vmem>>, vector<1x2000x128xf32>
    %get3A_6 = vector.shape_cast %get3A_5 : vector<1x2000x128xf32> to vector<2000x128xf32>
    %mul3A = vector.broadcast %get3A_1 : vector<2000x1xf32> to vector<2000x128xf32>
    %mul3A_7 = arith.mulf %get3A_6, %mul3A : vector<2000x128xf32>
    %swap3A = arith.constant 0 : index
    %swap3A_8 = arith.constant 0 : index
    %swap3A_9 = arith.constant 0 : index
    %swap3A_10 = vector.load %arg3[%swap3A, %swap3A_8, %swap3A_9] : memref<2x2000x128xf32, #tpu.memory_space<vmem>>, vector<1x2000x128xf32>
    %swap3A_11 = vector.shape_cast %swap3A_10 : vector<1x2000x128xf32> to vector<2000x128xf32>
    %swap3A_12 = vector.shape_cast %mul3A_7 : vector<2000x128xf32> to vector<1x2000x128xf32>
    tpu.vector_store %arg3[%swap3A, %swap3A_8, %swap3A_9], %swap3A_12 {strides = array<i32>} : memref<2x2000x128xf32, #tpu.memory_space<vmem>>, vector<1x2000x128xf32>,
    %get3A_13 = arith.constant 1 : index
    %get3A_14 = arith.constant 0 : index
    %get3A_15 = arith.constant 0 : index
    %get3A_16 = vector.load %arg1[%get3A_13, %get3A_14, %get3A_15] : memref<2x2000x128xf32, #tpu.memory_space<vmem>>, vector<1x2000x128xf32>
    %get3A_17 = vector.shape_cast %get3A_16 : vector<1x2000x128xf32> to vector<2000x128xf32>
    %mul3A_18 = vector.broadcast %get3A_1 : vector<2000x1xf32> to vector<2000x128xf32>
    %mul3A_19 = arith.mulf %get3A_17, %mul3A_18 : vector<2000x128xf32>
    %swap3A_20 = arith.constant 1 : index
    %swap3A_21 = arith.constant 0 : index
    %swap3A_22 = arith.constant 0 : index
    %swap3A_23 = vector.load %arg3[%swap3A_20, %swap3A_21, %swap3A_22] : memref<2x2000x128xf32, #tpu.memory_space<vmem>>, vector<1x2000x128xf32>
    %swap3A_24 = vector.shape_cast %swap3A_23 : vector<1x2000x128xf32> to vector<2000x128xf32>
    %swap3A_25 = vector.shape_cast %mul3A_19 : vector<2000x128xf32> to vector<1x2000x128xf32>
    tpu.vector_store %arg3[%swap3A_20, %swap3A_21, %swap3A_22], %swap3A_25 {strides = array<i32>} : memref<2x2000x128xf32, #tpu.memory_space<vmem>>, vector<1x2000x128xf32>,
    return
  }
  func.func @transform_0(%arg0: i32) -> (i32, i32, i32) {
    %c0_i32 = arith.constant 0 : i32
    %c0_i32_0 = arith.constant 0 : i32
    %c0_i32_1 = arith.constant 0 : i32
    return %c0_i32, %arg0, %c0_i32_0 : i32, i32, i32
  }
  func.func @transform_1(%arg0: i32) -> (i32, i32) {
    %c0_i32 = arith.constant 0 : i32
    %c0_i32_0 = arith.constant 0 : i32
    return %arg0, %c0_i32 : i32, i32
  }
  func.func @transform_2(%arg0: i32) -> (i32, i32, i32) {
    %c0_i32 = arith.constant 0 : i32
    %c0_i32_0 = arith.constant 0 : i32
    %c0_i32_1 = arith.constant 0 : i32
    return %c0_i32, %arg0, %c0_i32_0 : i32, i32, i32
  }
}

module attributes {stable_mosaic.version = 14 : i64} {
  func.func @_hyper_body(%arg0: i32, %arg1: memref<2x2000x128xf32, #tpu.memory_space<vmem>>, %arg2: memref<2000x1xf32, #tpu.memory_space<vmem>>, %arg3: memref<256x256xf32, #tpu.memory_space<vmem>>, %arg4: memref<1x256xf32, #tpu.memory_space<vmem>>, %arg5: memref<2000x256xf32, #tpu.memory_space<vmem>>) attributes {dimension_semantics = [#tpu.dimension_semantics<arbitrary>], iteration_bounds = array<i64: 5>, scalar_prefetch = 0 : i64, scratch_operands = 0 : i64, tpu.core_type = #tpu.core_type<tc>, window_params = [{transform_indices = @transform_0, window_bounds = array<i64: 2, 2000, 128>}, {transform_indices = @transform_1, window_bounds = array<i64: 2000, 1>}, {pipeline_mode = #tpu.pipeline_mode<synchronous>, transform_indices = @transform_2, window_bounds = array<i64: 256, 256>}, {pipeline_mode = #tpu.pipeline_mode<synchronous>, transform_indices = @transform_3, window_bounds = array<i64: 1, 256>}, {transform_indices = @transform_4, window_bounds = array<i64: 2000, 256>}]} {
    %get3A = arith.constant 0 : index
    %get3A_0 = arith.constant 0 : index
    %get3A_1 = vector.load %arg2[%get3A, %get3A_0] : memref<2000x1xf32, #tpu.memory_space<vmem>>, vector<2000x1xf32>
    %gt3A = arith.constant 0.000000e+00 : f32
    %gt3A_2 = vector.broadcast %gt3A : f32 to vector<2000x1xf32>
    %gt3A_3 = arith.cmpf ogt, %get3A_1, %gt3A_2 : vector<2000x1xf32>
    %gt3A_4 = arith.constant 0.000000e+00 : f32
    %gt3A_5 = vector.broadcast %gt3A_4 : f32 to vector<2000x1xf32>
    %gt3A_6 = arith.cmpf ogt, %get3A_1, %gt3A_5 : vector<2000x1xf32>
    %jit3A = arith.constant 1.000000e+00 : f32
    %broadcast_in_dim3A = vector.broadcast %jit3A : f32 to vector<2000x1xf32>
    %select_n3A = arith.select %gt3A_6, %get3A_1, %broadcast_in_dim3A : vector<2000x1xi1>, vector<2000x1xf32>
    %div3A = arith.constant 1.000000e+00 : f32
    %div3A_7 = vector.broadcast %div3A : f32 to vector<2000x1xf32>
    %div3A_8 = arith.divf %div3A_7, %select_n3A : vector<2000x1xf32>
    %jit3A_9 = arith.constant 0.000000e+00 : f32
    %broadcast_in_dim3A_10 = vector.broadcast %jit3A_9 : f32 to vector<2000x1xf32>
    %select_n3A_11 = arith.select %gt3A_3, %div3A_8, %broadcast_in_dim3A_10 : vector<2000x1xi1>, vector<2000x1xf32>
    %get3A_12 = arith.constant 0 : index
    %get3A_13 = arith.constant 0 : index
    %get3A_14 = arith.constant 0 : index
    %get3A_15 = vector.load %arg1[%get3A_12, %get3A_13, %get3A_14] : memref<2x2000x128xf32, #tpu.memory_space<vmem>>, vector<1x2000x128xf32>
    %get3A_16 = vector.shape_cast %get3A_15 : vector<1x2000x128xf32> to vector<2000x128xf32>
    %mul3A = vector.broadcast %select_n3A_11 : vector<2000x1xf32> to vector<2000x128xf32>
    %mul3A_17 = arith.mulf %get3A_16, %mul3A : vector<2000x128xf32>
    %get3A_18 = arith.constant 1 : index
    %get3A_19 = arith.constant 0 : index
    %get3A_20 = arith.constant 0 : index
    %get3A_21 = vector.load %arg1[%get3A_18, %get3A_19, %get3A_20] : memref<2x2000x128xf32, #tpu.memory_space<vmem>>, vector<1x2000x128xf32>
    %get3A_22 = vector.shape_cast %get3A_21 : vector<1x2000x128xf32> to vector<2000x128xf32>
    %mul3A_23 = vector.broadcast %select_n3A_11 : vector<2000x1xf32> to vector<2000x128xf32>
    %mul3A_24 = arith.mulf %get3A_22, %mul3A_23 : vector<2000x128xf32>
    %get3A_25 = arith.constant 0 : index
    %get3A_26 = arith.constant 0 : index
    %get3A_27 = vector.load %arg3[%get3A_25, %get3A_26] : memref<256x256xf32, #tpu.memory_space<vmem>>, vector<256x256xf32>
    %slice3A = vector.extract_strided_slice %get3A_27 {offsets = [0, 0], sizes = [128, 256], strides = [1, 1]} : vector<256x256xf32> to vector<128x256xf32>
    %dot_general3A = arith.constant dense<0.000000e+00> : vector<2000x256xf32>
    %dot_general3A_28 = tpu.matmul %mul3A_17, %slice3A, %dot_general3A {dimension_numbers = #tpu.dot_dimension_numbers<[1], [0], [0], [1], [0, 0, 1, 1], [], []>, transpose_lhs_hint = false} : vector<2000x128xf32>, vector<128x256xf32>, vector<2000x256xf32> -> vector<2000x256xf32>
    %slice3A_29 = vector.extract_strided_slice %get3A_27 {offsets = [128, 0], sizes = [128, 256], strides = [1, 1]} : vector<256x256xf32> to vector<128x256xf32>
    %dot_general3A_30 = arith.constant dense<0.000000e+00> : vector<2000x256xf32>
    %dot_general3A_31 = tpu.matmul %mul3A_24, %slice3A_29, %dot_general3A_30 {dimension_numbers = #tpu.dot_dimension_numbers<[1], [0], [0], [1], [0, 0, 1, 1], [], []>, transpose_lhs_hint = false} : vector<2000x128xf32>, vector<128x256xf32>, vector<2000x256xf32> -> vector<2000x256xf32>
    %add3A = arith.addf %dot_general3A_28, %dot_general3A_31 : vector<2000x256xf32>
    %get3A_32 = arith.constant 0 : index
    %get3A_33 = arith.constant 0 : index
    %get3A_34 = vector.load %arg4[%get3A_32, %get3A_33] : memref<1x256xf32, #tpu.memory_space<vmem>>, vector<1x256xf32>
    %add3A_35 = vector.broadcast %get3A_34 : vector<1x256xf32> to vector<2000x256xf32>
    %add3A_36 = arith.addf %add3A, %add3A_35 : vector<2000x256xf32>
    %swap3A = arith.constant 0 : index
    %swap3A_37 = arith.constant 0 : index
    %swap3A_38 = vector.load %arg5[%swap3A, %swap3A_37] : memref<2000x256xf32, #tpu.memory_space<vmem>>, vector<2000x256xf32>
    tpu.vector_store %arg5[%swap3A, %swap3A_37], %add3A_36 {strides = array<i32>} : memref<2000x256xf32, #tpu.memory_space<vmem>>, vector<2000x256xf32>,
    return
  }
  func.func @transform_0(%arg0: i32) -> (i32, i32, i32) {
    %c0_i32 = arith.constant 0 : i32
    %c0_i32_0 = arith.constant 0 : i32
    %c0_i32_1 = arith.constant 0 : i32
    return %c0_i32, %arg0, %c0_i32_0 : i32, i32, i32
  }
  func.func @transform_1(%arg0: i32) -> (i32, i32) {
    %c0_i32 = arith.constant 0 : i32
    %c0_i32_0 = arith.constant 0 : i32
    return %arg0, %c0_i32 : i32, i32
  }
  func.func @transform_2(%arg0: i32) -> (i32, i32) {
    %c0_i32 = arith.constant 0 : i32
    %c0_i32_0 = arith.constant 0 : i32
    %c0_i32_1 = arith.constant 0 : i32
    return %c0_i32, %c0_i32_0 : i32, i32
  }
  func.func @transform_3(%arg0: i32) -> (i32, i32) {
    %c0_i32 = arith.constant 0 : i32
    %c0_i32_0 = arith.constant 0 : i32
    %c0_i32_1 = arith.constant 0 : i32
    return %c0_i32, %c0_i32_0 : i32, i32
  }
  func.func @transform_4(%arg0: i32) -> (i32, i32) {
    %c0_i32 = arith.constant 0 : i32
    %c0_i32_0 = arith.constant 0 : i32
    return %arg0, %c0_i32 : i32, i32
  }
}

</mosaic_0001>

<sc_bundles>
// kernel: kernel.12.cloned.1.call-start
scs
__scs_entry_jumppad:
0x0: {  	(pc) =	sbr.rel $0x88, $3  }
0x1: {  	(tag) =	ssettag $0x0;
	lr =	simm.s32 $0x1  }
0x2: {  	[smem:$0x3F98] =	sst lr;
	_ =	strace $0xD0000000  }
0x3: {  	_ = 	snop  }
0x4: {  	_ = 	snop  }
0x5: {  	_ = 	snop  }
0x6: {  	_ = 	snop  }
0x7: {  	_ = 	snop  }
__scs_overlays_trampoline_lowered:
0x8: {  	[smem:$0x3FA7] =	sst s0  }
0x9: {  	[smem:$0x3FA8] =	sst s1  }
0xa: {  	[smem:$0x3FA9] =	sst s2  }
0xb: {  	[smem:$0x3FAA] =	sst s3  }
0xc: {  	[smem:$0x3FAB] =	sst s4  }
0xd: {  	[smem:$0x3FAC] =	sst s5  }
0xe: {  	[smem:$0x3FAD] =	sst s6  }
0xf: {  	[smem:$0x3FAE] =	sst s7  }
0x10: {  	[smem:$0x3FAF] =	sst s8  }
0x11: {  	[smem:$0x3FB0] =	sst s9;
	s0 =	simm.s32 @!p0 $0x0  }
0x12: {  	s1 =	sld [smem:$0x3F96];
	s0 =	simm.s32 @p0 $0x1  }
0x13: {  	[smem:$0x3FB1] =	sst s0;
	s0 =	simm.s32 @!p1 $0x0  }
0x14: {  	s2 =	sld [smem:$0x3F95];
	s0 =	simm.s32 @p1 $0x1  }
0x15: {  	[smem:$0x3FB2] =	sst s0;
	s0 =	simm.s32 @!p2 $0x0  }
0x16: {  	s3 =	sld [smem:$0x3FDB];
	s0 =	simm.s32 @p2 $0x1  }
0x17: {  	s4 =	simm.s32 $0x1BF5;
	[smem:$0x3FB4] =	sst s0  }
0x18: {  	s0 =	sld [smem:$0x3F97];
	_ =	swait.ge [sflag:s4], $0x0  }
0x19: {  	s7 =	sld [smem:$0x3F98]  }
0x1a: {  	s8 =	sadd.s32 $0xFFFFE003, lr  }
0x1b: {  	s9 =	sadd.s32 $0xFFFFFEF7, lr;
	s5 =	simm.s32 $0xFFFFFFFF;
	p2 =	slt.u32 s8, $0xFFFFF086  }
0x1c: {  	p1 =	slt.u32 s9, $0xF7A;
	s5 =	simm.s32 @!p2 $0x0  }
0x1d: {  	s5 =	simm.s32 @p1 $0x1;
	p0 =	seq.s32 s7, s2  }
0x1e: {  	s7 =	smul.u32 @!p0 $0xF7A, s2;
	p2 =	seq.s32 @!p0 s5, $0x0  }
0x1f: {  	s9 =	smul.u32 $0xF7A, s1;
	s8 =	simm.s32 @!p0 $0x1BF5;
	p2 =	por !p2, p0  }
0x20: {  	[sflag:s8] =	ssyncset.s32 @!p0 $0xFFFFF086;
	s6 =	sadd.s32 @!p0 s3, s7;
	s7 =	simm.s32 @!p0 $0x108  }
0x21: {  	s3 =	sadd.s32 s3, s9;
	s6 =	sadd.s32 @!p0 $0x88, s6;
	s7 =	simm.s32 @p2 $0x1082  }
0x22: {  	[simem:s7], [sflag:s8] =	dma.local @!p0 [hbm:s6], $0xF7A  }
0x23: {  	s9 =	sor.u32 $0xD0000000, s2;
	s6 =	simm.s32 $0x108;
	_ =	swait.ge @!p0 [sflag:s8], $0x0  }
0x24: {  	s3 =	sadd.s32 $0x88, s3;
	s6 =	simm.s32 @!p1 $0x1082;
	[sflag:s4] =	ssyncset.s32 $0xFFFFF086  }
0x25: {  	[simem:s6], [sflag:s4] =	dma.local [hbm:s3], $0xF7A  }
0x26: {  	[smem:$0x3F98] =	sst s1;
	(tag) =	ssettag s2;
	_ =	strace s9  }
0x27: {  	s1 =	sld [smem:$0x3FA8]  }
0x28: {  	s2 =	sld [smem:$0x3FA9]  }
0x29: {  	s4 =	sld [smem:$0x3FAB]  }
0x2a: {  	p0 =	seq.s32 s5, $0x0;
	s5 =	sld [smem:$0x3FAC]  }
0x2b: {  	s6 =	sld [smem:$0x3FAD]  }
0x2c: {  	s7 =	sld [smem:$0x3FAE]  }
0x2d: {  	s3 =	simm.s32 $0x108;
	s8 =	sld [smem:$0x3FAF]  }
0x2e: {  	s3 =	simm.s32 @!p0 $0x1082;
	s9 =	sld [smem:$0x3FB0]  }
0x2f: {  	lr =	sadd.s32 s0, s3;
	s0 =	sld [smem:$0x3FA7]  }
0x30: {  	s3 =	sld [smem:$0x3FAA]  }
0x31: {  	[smem:$0x3FB3] =	sst s10  }
0x32: {  	s10 =	sld [smem:$0x3FB1];
	_ =	sdelay $0x3  }
0x33: {  	p0 =	seq.s32 s10, $0x1;
	s10 =	sld [smem:$0x3FB3];
	_ =	sdelay $0x3  }
0x34: {  	[smem:$0x3FB3] =	sst s10  }
0x35: {  	s10 =	sld [smem:$0x3FB2];
	_ =	sdelay $0x3  }
0x36: {  	p1 =	seq.s32 s10, $0x1;
	s10 =	sld [smem:$0x3FB3];
	_ =	sdelay $0x3  }
0x37: {  	[smem:$0x3FB3] =	sst s10  }
0x38: {  	s10 =	sld [smem:$0x3FB4]  }
0x39: {  	_ = 	snop;
	(pc) =	sbr.ind lr, $3  }
0x3a: {  	_ = 	snop  }
0x3b: {  	_ = 	snop  }
0x3c: {  	p2 =	seq.s32 s10, $0x1;
	s10 =	sld [smem:$0x3FB3]  }
0x3d: {  	_ =	shalt  }
0x3e: {  	_ =	shalt  }
0x3f: {  	_ =	shalt  }
0x40: {  	_ =	shalt  }
0x41: {  	_ =	shalt  }
0x42: {  	_ =	shalt  }
0x43: {  	_ =	shalt  }
0x44: {  	_ =	shalt  }
0x45: {  	_ =	shalt  }
0x46: {  	_ =	shalt  }
0x47: {  	_ =	shalt  }
0x48: {  	_ =	shalt  }
0x49: {  	_ =	shalt  }
0x4a: {  	_ =	shalt  }
0x4b: {  	_ =	shalt  }
0x4c: {  	_ =	shalt  }
0x4d: {  	_ =	shalt  }
0x4e: {  	_ =	shalt  }
0x4f: {  	_ =	shalt  }
0x50: {  	_ =	shalt  }
0x51: {  	_ =	shalt  }
0x52: {  	_ =	shalt  }
0x53: {  	_ =	shalt  }
0x54: {  	_ =	shalt  }
0x55: {  	_ =	shalt  }
0x56: {  	_ =	shalt  }
0x57: {  	_ =	shalt  }
0x58: {  	_ =	shalt  }
0x59: {  	_ =	shalt  }
0x5a: {  	_ =	shalt  }
0x5b: {  	_ =	shalt  }
0x5c: {  	_ =	shalt  }
0x5d: {  	_ =	shalt  }
0x5e: {  	_ =	shalt  }
0x5f: {  	_ =	shalt  }
0x60: {  	_ =	shalt  }
0x61: {  	_ =	shalt  }
0x62: {  	_ =	shalt  }
0x63: {  	_ =	shalt  }
0x64: {  	_ =	shalt  }
0x65: {  	_ =	shalt  }
0x66: {  	_ =	shalt  }
0x67: {  	_ =	shalt  }
0x68: {  	_ =	shalt  }
0x69: {  	_ =	shalt  }
0x6a: {  	_ =	shalt  }
0x6b: {  	_ =	shalt  }
0x6c: {  	_ =	shalt  }
0x6d: {  	_ =	shalt  }
0x6e: {  	_ =	shalt  }
0x6f: {  	_ =	shalt  }
0x70: {  	_ =	shalt  }
0x71: {  	_ =	shalt  }
0x72: {  	_ =	shalt  }
0x73: {  	_ =	shalt  }
0x74: {  	_ =	shalt  }
0x75: {  	_ =	shalt  }
0x76: {  	_ =	shalt  }
0x77: {  	_ =	shalt  }
0x78: {  	_ =	shalt  }
0x79: {  	_ =	shalt  }
0x7a: {  	_ =	shalt  }
0x7b: {  	_ =	shalt  }
0x7c: {  	_ =	shalt  }
0x7d: {  	_ =	shalt  }
0x7e: {  	_ =	shalt  }
0x7f: {  	_ =	shalt  }
0x80: {  	_ =	shalt  }
0x81: {  	_ =	shalt  }
0x82: {  	_ =	shalt  }
0x83: {  	_ =	shalt  }
0x84: {  	_ =	shalt  }
0x85: {  	_ =	shalt  }
0x86: {  	_ =	shalt  }
0x87: {  	_ =	shalt  }
.Lfunc_end0:
.L_simem_size_0:
called_computation_lowered:
.L_overlay_start_0:
0x88: {  	s2 =	sld [smem:$0x3FD9]  }
0x89: {  	s3 =	sld [smem:$0x3FFE];
	_ =	sdelay $0x1  }
0x8a: {  	s1 =	srdreg.scid  }
0x8b: {  	s0 =	sand.u32 $0x1, s1  }
0x8c: {  	s14 =	sshll.u32 s0, $0xA;
	s2 =	sadd.s32 s3, s2  }
0x8d: {  	s2 =	sadd.s32 s2, s14  }
0x8e: {  	[smem:$0x3FBF] =	sst s2  }
0x8f: {  	_ = 	snop  }
0x90: {  	s2 =	sld [smem:$0x3FD0];
	_ =	sdelay $0x2  }
0x91: {  	s15 =	simm.s32 $0xA;
	s4 =	simm.s32 $0x10  }
0x92: {  	[smem:s4], [sflag:s15] =	dma.local [hbm:s2], $0x1  }
0x93: {  	_ =	swait.eq [sflag:s15], $0x1  }
0x94: {  	[sflag:s15] =	ssyncset.done $0x0  }
0x95: {  	[sflag:s15] =	ssyncadd.s32 $0xFFFFFFFF  }
0x96: {  	s16 =	sld [smem:$0x11];
	(tm) =	ssettm $0x1  }
0x97: {  	s17 =	sld [smem:$0x3FFB];
	_ =	sdelay $0x3  }
0x98: {  	_ =	strace s17  }
0x99: {  	s3 =	sld [smem:$0x3FFC];
	_ =	sdelay $0x3  }
0x9a: {  	_ =	strace s3  }
0x9b: {  	s3 =	sld [smem:$0x3FFD];
	_ =	sdelay $0x3  }
0x9c: {  	_ =	strace s3  }
0x9d: {  	_ =	strace $0x8FFFFFFF  }
0x9e: {  	s18 =	sld [smem:$0x3FDB];
	_ =	sdelay $0x1  }
0x9f: {  	s19 =	simm.s32 $_scs_section_size  }
0xa0: {  	s5 =	simm.s32 $_size__tile_overlayer_lowered;
	s6 =	simm.s32 $_tile_overlayer_lowered  }
0xa1: {  	s22 =	simm.s32 $0x1BFF;
	s21 =	sshll.u32 s6, $0x1;
	s3 =	sadd.s32 s19, s18  }
0xa2: {  	s7 =	simm.s32 $0x0;
	s20 =	sshll.u32 s5, $0x1;
	s5 =	sadd.s32 s21, s3  }
0xa3: {  	[timem:s7], [sflag:s22] =	dma.local [hbm:s5], s20  }
0xa4: {  	_ =	swait.ge [sflag:s22], s20  }
0xa5: {  	s4 =	ssub.s32 $0x0, s20;
	[sflag:s22] =	ssyncset.done $0x0  }
0xa6: {  	[sflag:s22] =	ssyncadd.s32 s4;
	_ =	sdelay $0x1  }
0xa7: {  	s23 =	simm.s32 $0x1B8B  }
0xa8: {  	_ =	swait.ge [sflag:s23], $0x1  }
0xa9: {  	[sflag:s23] =	ssyncset.done $0x0  }
0xaa: {  	s25 =	simm.s32 $0x1B8E;
	s24 =	sld [smem:$0x3FFE];
	[sflag:s23] =	ssyncadd.s32 $0xFFFFFFFF  }
0xab: {  	s26 =	simm.s32 $execute0_lowered;
	[smem:$0x3FD2] =	sst s25  }
0xac: {  	s5 =	sshll.u32 s26, $0x1;
	_ =	strace $0x80000046;
	[dreg:$0x1] =	wrdreg $0xFFFFFFFF  }
0xad: {  	s28 =	simm.s32 $_size_execute0_lowered;
	s3 =	sadd.s32 s3, s5;
	[dreg:$0x0] =	wrdreg $0x0  }
0xae: {  	s5 =	sshll.u32 s28, $0x1;
	[dreg:$0x2] =	wrdreg s3  }
0xaf: {  	[dreg:$0x3] =	wrdreg s5  }
0xb0: {  	[dreg:$0x4] =	wrdreg $0xC0  }
0xb1: {  	_ =	task [dreg:s7], $0x5FFFF  }
0xb2: {  	[dreg:$0x1] =	wrdreg $0xFFFFFFFF  }
0xb3: {  	[dreg:$0x0] =	wrdreg $0x60  }
0xb4: {  	[dreg:$0x2] =	wrdreg s24  }
0xb5: {  	[dreg:$0x3] =	wrdreg s16  }
0xb6: {  	[dreg:$0x4] =	wrdreg $0x70000  }
0xb7: {  	[dreg:$0x5] =	wrdreg $0x9  }
0xb8: {  	_ =	task.clear_ibuf [dreg:s7], $0x6FFFF;
	_ =	strace $0x90000046  }
0xb9: {  	s29 =	simm.s32 $0x9;
	_ =	strace $0x80000048  }
0xba: {  	_ =	swait.ge [sflag:s29], $0x1  }
0xbb: {  	[sflag:s29] =	ssyncadd.s32 $0xFFFFFFFF  }
0xbc: {  	_ =	strace $0x90000048  }
0xbd: {  	_ =	sfence  }
0xbe: {  	s30 =	sld [smem:$0x0];
	_ =	sdelay $0x2  }
0xbf: {  	s31 =	sshll.u32 s1, $0xD;
	s1 =	sshrl.u32 s1, $0x2  }
0xc0: {  	s3 =	sand.u32 $0x4000, s31;
	s1 =	sadd.s32 s1, s30  }
0xc1: {  	s0 =	sor.u32 s3, s0;
	s1 =	sshll.u32 s1, $0x11  }
0xc2: {  	s0 =	sor.u32 s1, s0  }
0xc3: {  	s0 =	sadd.s32 $0x8F2B, s0  }
0xc4: {  	[sflag:s0] =	ssyncadd.remote.s32 $0x1  }
0xc5: {  	_ =	sfence.sel $0xFFFF  }
0xc6: {  	[dreg:$0x0] =	wrdreg $0xFFFFFFFF;
	(pc) =	sbr.abs _section_cstart, $3  }
0xc7: {  	[dreg:$0x1] =	wrdreg $0xFFFFFFFF  }
0xc8: {  	_ =	task.clear_ibuf [dreg:s7], $0x2FFFF;
	_ =	strace $0x9FFFFFFF  }
0xc9: {  	(tm) =	ssettm $0x7FFFFFFF  }
tec
execute0_lowered:
.L_overlay_start_1:
0x0: {  	(tag) =	ssettag $0x1  }
0x1: {  	s7 =	rddreg [dreg:$0x0]  }
0x2: {  	s2 =	rddreg [dreg:$0x1]  }
0x3: {  	s3 =	rddreg [dreg:$0x2]  }
0x4: {  	s0 =	rddreg [dreg:$0x3];
	s1 =	stileid.u32;
	s4 =	simm.s32 $0x0  }
0x5: {  	s8 =	srdreg.scid;
	s14 =	simm.s32 $0x1;
	s6 =	smul.u32 $0x500, s1  }
0x6: {  	s15 =	simm.s32 $0x7D;
	s16 =	simm.s32 $0x2800;
	s5 =	smul.u32 $0x2800, s1  }
0x7: {  	[smem:$0x7FF] =	sst s4;
	s17 =	sand.u32 $0x1, s8;
	s9 =	smul.u32 $0x50000, s1  }
0x8: {  	_ =	strace $0x80000047;
	s8 =	ssub.s32 $0x2, s17;
	p0 =	sne.s32 s17, $0x0  }
.Ltmp0:
0x9: {  	p1 =	seq.s32 s17, $0x0;
	s10 =	sadd.s32 s6, s7;
	(pc) =	sbr.rel .LBB2_1-.Ltmp0, $4  }
0xa: {  	s6 =	sadd.s32 $0x39E00, s7;
	s11 =	sshrl.u32 s8, $0x1;
	s31 =	sshrl.u32 s9, $0x2  }
0xb: {  	s12 =	sadd.s32 s5, s7;
	s13 =	ssub.s32 s8, s11;
	s7 =	sadd.s32 s31, s3  }
0xc: {  	s8 =	sadd.s32 $0xCE00, s10;
	s9 =	sadd.s32 $0x2E00, s10;
	s10 =	sadd.s32 $0x7E00, s10  }
0xd: {  	v0 =	vimm.f32 $1.000000000e+00;
	v1 =	vimm.f32 $0.0e+00;
	s11 =	sadd.s32 $0x11E00, s12;
	s12 =	smax.u32 s13, $0x1;
	s13 =	simm.s32 $0x6800  }
.LBB2_20:
0xe: {  	[bflag:$0x0] =	sbarrier.arrive $0xFFFF  }
.LBB2_21:
0xf: {  	s4 =	sadd.s32 $0x1, s4  }
0x10: {  	p2 =	sne.s32 s4, s12  }
.Ltmp1:
0x11: {  	_ = 	snop;
	(pc) =	sbr.rel @!p2 .LBB2_22-.Ltmp1, $1  }
0x12: {  	_ =	sdelay $0x3  }
.LBB2_1:
0x13: {  	s17 =	simm.s32 $0x0;
	s18 =	simm.s32 $0x200  }
.LBB2_2:
0x14: {  	p2 =	sne.s32 s18, $0xF800;
	[tilespmem:s17+$0x2870] =	vst v0  }
0x15: {  	[tilespmem:s17+$0x2800] =	vst v0  }
0x16: {  	[tilespmem:s17+$0x2810] =	vst v0  }
.Ltmp2:
0x17: {  	[tilespmem:s17+$0x2820] =	vst v0;
	(pc) =	sbr.rel @p2 .LBB2_2-.Ltmp2, $4  }
0x18: {  	[tilespmem:s17+$0x2830] =	vst v0  }
0x19: {  	[tilespmem:s17+$0x2840] =	vst v0  }
0x1a: {  	[tilespmem:s17+$0x2850] =	vst v0  }
0x1b: {  	[tilespmem:s17+$0x2860] =	vst v0;
	s17 =	sshra.s32 s18, $0x2;
	s18 =	sadd.s32 $0x200, s18  }
0x1c: {  	[tilespmem:s17+$0x2870] =	vst v0  }
0x1d: {  	[tilespmem:s17+$0x2800] =	vst v0  }
0x1e: {  	[tilespmem:s17+$0x2810] =	vst v0  }
0x1f: {  	[tilespmem:s17+$0x2820] =	vst v0  }
0x20: {  	[tilespmem:s17+$0x2830] =	vst v0  }
0x21: {  	[tilespmem:s17+$0x2840] =	vst v0  }
0x22: {  	[tilespmem:s17+$0x2850] =	vst v0  }
0x23: {  	[tilespmem:s17+$0x2860] =	vst v0;
	s17 =	simm.s32 $0x0;
	s18 =	simm.s32 $0x200  }
.LBB2_4:
0x24: {  	p2 =	sne.s32 s18, $0x1E00;
	[tilespmem:s17+$0x6870] =	vst v1  }
0x25: {  	[tilespmem:s17+$0x6800] =	vst v1  }
0x26: {  	[tilespmem:s17+$0x6810] =	vst v1  }
.Ltmp3:
0x27: {  	[tilespmem:s17+$0x6820] =	vst v1;
	(pc) =	sbr.rel @p2 .LBB2_4-.Ltmp3, $4  }
0x28: {  	[tilespmem:s17+$0x6830] =	vst v1  }
0x29: {  	[tilespmem:s17+$0x6840] =	vst v1  }
0x2a: {  	[tilespmem:s17+$0x6850] =	vst v1  }
0x2b: {  	[tilespmem:s17+$0x6860] =	vst v1;
	s17 =	sshra.s32 s18, $0x2;
	s18 =	sadd.s32 $0x200, s18  }
0x2c: {  	[tilespmem:s17+$0x6870] =	vst v1  }
0x2d: {  	[tilespmem:s17+$0x6800] =	vst v1  }
0x2e: {  	[tilespmem:s17+$0x6810] =	vst v1  }
0x2f: {  	[tilespmem:s17+$0x6820] =	vst v1  }
0x30: {  	[tilespmem:s17+$0x6830] =	vst v1  }
0x31: {  	[tilespmem:s17+$0x6840] =	vst v1  }
0x32: {  	[tilespmem:s17+$0x6850] =	vst v1  }
0x33: {  	[tilespmem:s17+$0x6860] =	vst v1;
	s31 =	sadd.s32 $0x0, s7  }
0x34: {  	[spmem:s31] =	stream.linear.scatter [tilespmem:s13], [sflag:$0x1], $0x800, $0x38;
	[tilespmem:$0x1B000] =	vst v63  }
0x35: {  	s17 =	simm.s32 $0x2000;
	_ =	swait.ge [sflag:s14], $0x800  }
.LBB2_6:
0x36: {  	s18 =	sshra.s32 s17, $0x2;
	[sflag:s14] =	ssyncset.done $0x0;
	p2 =	sne.s32 s17, $0x4E000  }
.Ltmp4:
0x37: {  	s18 =	sadd.s32 s18, s7;
	[sflag:s14] =	ssyncadd.s32 $0xFFFFF800;
	(pc) =	sbr.rel @p2 .LBB2_6-.Ltmp4, $3  }
0x38: {  	[spmem:s18] =	stream.linear.scatter [tilespmem:s13], [sflag:$0x1], $0x800, $0x38;
	[tilespmem:$0x1B000] =	vst v63  }
0x39: {  	s17 =	sadd.s32 $0x2000, s17;
	_ =	sdelay $0x1  }
0x3a: {  	_ =	swait.ge [sflag:s14], $0x800  }
.Ltmp5:
0x3b: {  	(pc) =	sbr.rel @p0 .LBB2_11-.Ltmp5, $4  }
0x3c: {  	[sflag:s14] =	ssyncset.done $0x0  }
0x3d: {  	[sflag:s14] =	ssyncadd.s32 $0xFFFFF800  }
0x3e: {  	[bflag:$0x0] =	sbarrier.arrive $0xFFFF  }
0x3f: {  	s17 =	simm.s32 $0x0  }
0x40: {  	[tilespmem:s17], [sflag:$0x1] =	stream.linear.gather [hbm4b:s9+s17], $0x2800, $0x38;
	[tilespmem:$0x1B000] =	vst v63  }
0x41: {  	_ =	swait.ge [sflag:s14], $0x2800  }
0x42: {  	[sflag:s14] =	ssyncset.done $0x0  }
0x43: {  	s31 =	simm.s32 $0x0;
	[sflag:s14] =	ssyncadd.s32 $0xFFFFD800  }
0x44: {  	[spmem:s3] =	stream.indirect.scatter.add.f32 [tilespmem:s16], [sflag:$0x1], $0x80, s31, s15, $0xb8;
	[tilespmem:$0x1B000] =	vst v63  }
0x45: {  	_ =	swait.ge [sflag:s14], $0x3E80  }
0x46: {  	s17 =	simm.s32 $0x200;
	[sflag:s14] =	ssyncset.done $0x0  }
.LBB2_9:
0x47: {  	s18 =	sshra.s32 s17, $0x2;
	[sflag:s14] =	ssyncadd.s32 $0xFFFFC180;
	p2 =	seq.s32 s17, $0x9E00  }
0x48: {  	[spmem:s3] =	stream.indirect.scatter.add.f32 [tilespmem:s16], [sflag:$0x1], $0x80, s18, s15, $0xb8;
	[tilespmem:$0x1B000] =	vst v63  }
.Ltmp6:
0x49: {  	_ = 	snop;
	(pc) =	sbr.rel @!p2 .LBB2_9-.Ltmp6, $4  }
0x4a: {  	_ = 	snop  }
0x4b: {  	s17 =	sadd.s32 $0x200, s17  }
0x4c: {  	_ =	swait.ge [sflag:s14], $0x3E80  }
0x4d: {  	[sflag:s14] =	ssyncset.done $0x0  }
.Ltmp7:
0x4e: {  	(pc) =	sbr.rel .LBB2_14-.Ltmp7, $2  }
0x4f: {  	_ =	sdelay $0x2  }
0x50: {  	[sflag:s14] =	ssyncadd.s32 $0xFFFFC180;
	s17 =	smov.u32 s2  }
.LBB2_11:
0x51: {  	[tilespmem:s17], [sflag:$0x1] =	stream.linear.gather [hbm4b:s8+s17], $0x2800, $0x38;
	[tilespmem:$0x1B000] =	vst v63  }
0x52: {  	_ =	swait.ge [sflag:s14], $0x2800  }
0x53: {  	[sflag:s14] =	ssyncset.done $0x0  }
0x54: {  	s31 =	simm.s32 $0x0;
	[sflag:s14] =	ssyncadd.s32 $0xFFFFD800  }
0x55: {  	[spmem:s3] =	stream.indirect.scatter.add.f32 [tilespmem:s16], [sflag:$0x1], $0x80, s31, s15, $0xb8;
	[tilespmem:$0x1B000] =	vst v63  }
0x56: {  	_ =	swait.ge [sflag:s14], $0x3E80  }
0x57: {  	s17 =	simm.s32 $0x200;
	[sflag:s14] =	ssyncset.done $0x0  }
.LBB2_12:
0x58: {  	s18 =	sshra.s32 s17, $0x2;
	[sflag:s14] =	ssyncadd.s32 $0xFFFFC180;
	p2 =	sne.s32 s17, $0x9E00  }
0x59: {  	[spmem:s3] =	stream.indirect.scatter.add.f32 [tilespmem:s16], [sflag:$0x1], $0x80, s18, s15, $0xb8;
	[tilespmem:$0x1B000] =	vst v63  }
.Ltmp8:
0x5a: {  	_ = 	snop;
	(pc) =	sbr.rel @p2 .LBB2_12-.Ltmp8, $4  }
0x5b: {  	_ = 	snop  }
0x5c: {  	s17 =	sadd.s32 $0x200, s17  }
0x5d: {  	_ =	swait.ge [sflag:s14], $0x3E80  }
0x5e: {  	[sflag:s14] =	ssyncset.done $0x0  }
0x5f: {  	[sflag:s14] =	ssyncadd.s32 $0xFFFFC180;
	s17 =	smov.u32 s6  }
.LBB2_14:
0x60: {  	s19 =	sadd.s32 s17, s5;
	s30 =	sshll.u32 s1, $0x6  }
0x61: {  	[bflag:$0x0] =	sbarrier.arrive $0xFFFF;
	s18 =	sshrl.u32 s7, $0x3;
	s17 =	sor.u32 $0x1C01, s30  }
0x62: {  	[hbm:s19], [sflag:s17] =	dma.local [spmem:s18], $0x2800  }
0x63: {  	_ =	swait.ge [sflag:s14], $0x2800  }
0x64: {  	[sflag:s14] =	ssyncset.done $0x0  }
0x65: {  	s31 =	sadd.s32 $0x0, s7;
	[sflag:s14] =	ssyncadd.s32 $0xFFFFD800  }
0x66: {  	[spmem:s31] =	stream.linear.scatter [tilespmem:s13], [sflag:$0x1], $0x800, $0x38;
	[tilespmem:$0x1B000] =	vst v63  }
0x67: {  	s19 =	simm.s32 $0x2000;
	_ =	swait.ge [sflag:s14], $0x800  }
.LBB2_15:
0x68: {  	s20 =	sshra.s32 s19, $0x2;
	[sflag:s14] =	ssyncset.done $0x0;
	p2 =	sne.s32 s19, $0x4E000  }
.Ltmp9:
0x69: {  	s20 =	sadd.s32 s20, s7;
	[sflag:s14] =	ssyncadd.s32 $0xFFFFF800;
	(pc) =	sbr.rel @p2 .LBB2_15-.Ltmp9, $3  }
0x6a: {  	[spmem:s20] =	stream.linear.scatter [tilespmem:s13], [sflag:$0x1], $0x800, $0x38;
	[tilespmem:$0x1B000] =	vst v63  }
0x6b: {  	s19 =	sadd.s32 $0x2000, s19;
	_ =	sdelay $0x1  }
0x6c: {  	_ =	swait.ge [sflag:s14], $0x800  }
.Ltmp10:
0x6d: {  	(pc) =	sbr.rel @p1 .LBB2_20-.Ltmp10, $3  }
0x6e: {  	[sflag:s14] =	ssyncset.done $0x0  }
0x6f: {  	[sflag:s14] =	ssyncadd.s32 $0xFFFFF800  }
0x70: {  	[bflag:$0x0] =	sbarrier.arrive $0xFFFF;
	_ =	sdelay $0x1  }
0x71: {  	s19 =	simm.s32 $0x0  }
0x72: {  	[tilespmem:s19], [sflag:$0x1] =	stream.linear.gather [hbm4b:s10+s19], $0x2800, $0x38;
	[tilespmem:$0x1B000] =	vst v63  }
0x73: {  	_ =	swait.ge [sflag:s14], $0x2800  }
0x74: {  	[sflag:s14] =	ssyncset.done $0x0  }
0x75: {  	s31 =	simm.s32 $0x0;
	[sflag:s14] =	ssyncadd.s32 $0xFFFFD800  }
0x76: {  	[spmem:s3] =	stream.indirect.scatter.add.f32 [tilespmem:s16], [sflag:$0x1], $0x80, s31, s15, $0xb8;
	[tilespmem:$0x1B000] =	vst v63  }
0x77: {  	_ =	swait.ge [sflag:s14], $0x3E80  }
0x78: {  	s19 =	simm.s32 $0x200;
	[sflag:s14] =	ssyncset.done $0x0  }
.LBB2_18:
0x79: {  	s20 =	sshra.s32 s19, $0x2;
	[sflag:s14] =	ssyncadd.s32 $0xFFFFC180;
	p2 =	sne.s32 s19, $0x9E00  }
0x7a: {  	[spmem:s3] =	stream.indirect.scatter.add.f32 [tilespmem:s16], [sflag:$0x1], $0x80, s20, s15, $0xb8;
	[tilespmem:$0x1B000] =	vst v63  }
.Ltmp11:
0x7b: {  	_ = 	snop;
	(pc) =	sbr.rel @p2 .LBB2_18-.Ltmp11, $4  }
0x7c: {  	_ = 	snop  }
0x7d: {  	s19 =	sadd.s32 $0x200, s19  }
0x7e: {  	_ =	swait.ge [sflag:s14], $0x3E80  }
0x7f: {  	[sflag:s14] =	ssyncset.done $0x0  }
0x80: {  	[sflag:s14] =	ssyncadd.s32 $0xFFFFC180  }
.Ltmp12:
0x81: {  	[bflag:$0x0] =	sbarrier.arrive $0xFFFF;
	(pc) =	sbr.rel .LBB2_21-.Ltmp12, $4  }
0x82: {  	[hbm:s11], [sflag:s17] =	dma.local [spmem:s18], $0x2800  }
0x83: {  	_ =	swait.ge [sflag:s14], $0x2800  }
0x84: {  	[sflag:s14] =	ssyncset.done $0x0  }
0x85: {  	[sflag:s14] =	ssyncadd.s32 $0xFFFFD800  }
.LBB2_22:
0x86: {  	_ =	sfence.sel $0x180000  }
0x87: {  	[bflag:$0x0] =	sbarrier.arrive $0xFFFF  }
0x88: {  	p0 =	sne.s32 s1, $0x0;
	_ =	strace $0x90000047  }
0x89: {  	s0 =	sadd.s32 @!p0 $0x100000, s0;
	[bflag:$0x2] =	sbarrier.arrive $0xFFFF  }
0x8a: {  	[sflag:s0] =	ssyncadd.tile.s32 @!p0 $0x1;
	_ =	shalt  }
.Lfunc_end2:
_tile_overlayer_lowered:
.L_overlay_start_2:
0x8b: {  	(tag) =	ssettag $0x2  }
0x8c: {  	s0 =	rddreg [dreg:$0x0];
	s2 =	stileid.u32  }
0x8d: {  	s1 =	rddreg [dreg:$0x1];
	p0 =	sne.s32 s2, $0x0  }
0x8e: {  	s3 =	rddreg [dreg:$0x2];
	[bflag:$0x3] =	sbarrier.arrive $0xFFFF;
	s2 =	simm.s32 @!p0 $0x1C01  }
0x8f: {  	[timem:s3], [sflag:s2] =	dma.local @!p0 [hbm:s0], s1  }
0x90: {  	s0 =	simm.s32 @!p0 $0x1  }
0x91: {  	_ =	swait.ge @!p0 [sflag:s0], s1  }
0x92: {  	s1 =	ssub.s32 @!p0 $0x0, s1;
	[sflag:s0] =	ssyncset.done @!p0 $0x0  }
0x93: {  	[sflag:s0] =	ssyncadd.s32 @!p0 s1  }
0x94: {  	[bflag:$0x3] =	sbarrier.arrive $0xFFFF  }
0x95: {  	_ =	shalt  }

// kernel: kernel.15.cloned.1.call-start
scs
__scs_entry_jumppad:
0x0: {  	(pc) =	sbr.rel $0x88, $3  }
0x1: {  	(tag) =	ssettag $0x0;
	lr =	simm.s32 $0x1  }
0x2: {  	[smem:$0x3F98] =	sst lr;
	_ =	strace $0xD0000000  }
0x3: {  	_ = 	snop  }
0x4: {  	_ = 	snop  }
0x5: {  	_ = 	snop  }
0x6: {  	_ = 	snop  }
0x7: {  	_ = 	snop  }
__scs_overlays_trampoline_lowered:
0x8: {  	[smem:$0x3FA7] =	sst s0  }
0x9: {  	[smem:$0x3FA8] =	sst s1  }
0xa: {  	[smem:$0x3FA9] =	sst s2  }
0xb: {  	[smem:$0x3FAA] =	sst s3  }
0xc: {  	[smem:$0x3FAB] =	sst s4  }
0xd: {  	[smem:$0x3FAC] =	sst s5  }
0xe: {  	[smem:$0x3FAD] =	sst s6  }
0xf: {  	[smem:$0x3FAE] =	sst s7  }
0x10: {  	[smem:$0x3FAF] =	sst s8  }
0x11: {  	[smem:$0x3FB0] =	sst s9;
	s0 =	simm.s32 @!p0 $0x0  }
0x12: {  	s1 =	sld [smem:$0x3F96];
	s0 =	simm.s32 @p0 $0x1  }
0x13: {  	[smem:$0x3FB1] =	sst s0;
	s0 =	simm.s32 @!p1 $0x0  }
0x14: {  	s2 =	sld [smem:$0x3F95];
	s0 =	simm.s32 @p1 $0x1  }
0x15: {  	[smem:$0x3FB2] =	sst s0;
	s0 =	simm.s32 @!p2 $0x0  }
0x16: {  	s3 =	sld [smem:$0x3FDB];
	s0 =	simm.s32 @p2 $0x1  }
0x17: {  	s4 =	simm.s32 $0x1BF5;
	[smem:$0x3FB4] =	sst s0  }
0x18: {  	s0 =	sld [smem:$0x3F97];
	_ =	swait.ge [sflag:s4], $0x0  }
0x19: {  	s7 =	sld [smem:$0x3F98]  }
0x1a: {  	s8 =	sadd.s32 $0xFFFFE003, lr  }
0x1b: {  	s9 =	sadd.s32 $0xFFFFFEF7, lr;
	s5 =	simm.s32 $0xFFFFFFFF;
	p2 =	slt.u32 s8, $0xFFFFF086  }
0x1c: {  	p1 =	slt.u32 s9, $0xF7A;
	s5 =	simm.s32 @!p2 $0x0  }
0x1d: {  	s5 =	simm.s32 @p1 $0x1;
	p0 =	seq.s32 s7, s2  }
0x1e: {  	s7 =	smul.u32 @!p0 $0xF7A, s2;
	p2 =	seq.s32 @!p0 s5, $0x0  }
0x1f: {  	s9 =	smul.u32 $0xF7A, s1;
	s8 =	simm.s32 @!p0 $0x1BF5;
	p2 =	por !p2, p0  }
0x20: {  	[sflag:s8] =	ssyncset.s32 @!p0 $0xFFFFF086;
	s6 =	sadd.s32 @!p0 s3, s7;
	s7 =	simm.s32 @!p0 $0x108  }
0x21: {  	s3 =	sadd.s32 s3, s9;
	s6 =	sadd.s32 @!p0 $0x88, s6;
	s7 =	simm.s32 @p2 $0x1082  }
0x22: {  	[simem:s7], [sflag:s8] =	dma.local @!p0 [hbm:s6], $0xF7A  }
0x23: {  	s9 =	sor.u32 $0xD0000000, s2;
	s6 =	simm.s32 $0x108;
	_ =	swait.ge @!p0 [sflag:s8], $0x0  }
0x24: {  	s3 =	sadd.s32 $0x88, s3;
	s6 =	simm.s32 @!p1 $0x1082;
	[sflag:s4] =	ssyncset.s32 $0xFFFFF086  }
0x25: {  	[simem:s6], [sflag:s4] =	dma.local [hbm:s3], $0xF7A  }
0x26: {  	[smem:$0x3F98] =	sst s1;
	(tag) =	ssettag s2;
	_ =	strace s9  }
0x27: {  	s1 =	sld [smem:$0x3FA8]  }
0x28: {  	s2 =	sld [smem:$0x3FA9]  }
0x29: {  	s4 =	sld [smem:$0x3FAB]  }
0x2a: {  	p0 =	seq.s32 s5, $0x0;
	s5 =	sld [smem:$0x3FAC]  }
0x2b: {  	s6 =	sld [smem:$0x3FAD]  }
0x2c: {  	s7 =	sld [smem:$0x3FAE]  }
0x2d: {  	s3 =	simm.s32 $0x108;
	s8 =	sld [smem:$0x3FAF]  }
0x2e: {  	s3 =	simm.s32 @!p0 $0x1082;
	s9 =	sld [smem:$0x3FB0]  }
0x2f: {  	lr =	sadd.s32 s0, s3;
	s0 =	sld [smem:$0x3FA7]  }
0x30: {  	s3 =	sld [smem:$0x3FAA]  }
0x31: {  	[smem:$0x3FB3] =	sst s10  }
0x32: {  	s10 =	sld [smem:$0x3FB1];
	_ =	sdelay $0x3  }
0x33: {  	p0 =	seq.s32 s10, $0x1;
	s10 =	sld [smem:$0x3FB3];
	_ =	sdelay $0x3  }
0x34: {  	[smem:$0x3FB3] =	sst s10  }
0x35: {  	s10 =	sld [smem:$0x3FB2];
	_ =	sdelay $0x3  }
0x36: {  	p1 =	seq.s32 s10, $0x1;
	s10 =	sld [smem:$0x3FB3];
	_ =	sdelay $0x3  }
0x37: {  	[smem:$0x3FB3] =	sst s10  }
0x38: {  	s10 =	sld [smem:$0x3FB4]  }
0x39: {  	_ = 	snop;
	(pc) =	sbr.ind lr, $3  }
0x3a: {  	_ = 	snop  }
0x3b: {  	_ = 	snop  }
0x3c: {  	p2 =	seq.s32 s10, $0x1;
	s10 =	sld [smem:$0x3FB3]  }
0x3d: {  	_ =	shalt  }
0x3e: {  	_ =	shalt  }
0x3f: {  	_ =	shalt  }
0x40: {  	_ =	shalt  }
0x41: {  	_ =	shalt  }
0x42: {  	_ =	shalt  }
0x43: {  	_ =	shalt  }
0x44: {  	_ =	shalt  }
0x45: {  	_ =	shalt  }
0x46: {  	_ =	shalt  }
0x47: {  	_ =	shalt  }
0x48: {  	_ =	shalt  }
0x49: {  	_ =	shalt  }
0x4a: {  	_ =	shalt  }
0x4b: {  	_ =	shalt  }
0x4c: {  	_ =	shalt  }
0x4d: {  	_ =	shalt  }
0x4e: {  	_ =	shalt  }
0x4f: {  	_ =	shalt  }
0x50: {  	_ =	shalt  }
0x51: {  	_ =	shalt  }
0x52: {  	_ =	shalt  }
0x53: {  	_ =	shalt  }
0x54: {  	_ =	shalt  }
0x55: {  	_ =	shalt  }
0x56: {  	_ =	shalt  }
0x57: {  	_ =	shalt  }
0x58: {  	_ =	shalt  }
0x59: {  	_ =	shalt  }
0x5a: {  	_ =	shalt  }
0x5b: {  	_ =	shalt  }
0x5c: {  	_ =	shalt  }
0x5d: {  	_ =	shalt  }
0x5e: {  	_ =	shalt  }
0x5f: {  	_ =	shalt  }
0x60: {  	_ =	shalt  }
0x61: {  	_ =	shalt  }
0x62: {  	_ =	shalt  }
0x63: {  	_ =	shalt  }
0x64: {  	_ =	shalt  }
0x65: {  	_ =	shalt  }
0x66: {  	_ =	shalt  }
0x67: {  	_ =	shalt  }
0x68: {  	_ =	shalt  }
0x69: {  	_ =	shalt  }
0x6a: {  	_ =	shalt  }
0x6b: {  	_ =	shalt  }
0x6c: {  	_ =	shalt  }
0x6d: {  	_ =	shalt  }
0x6e: {  	_ =	shalt  }
0x6f: {  	_ =	shalt  }
0x70: {  	_ =	shalt  }
0x71: {  	_ =	shalt  }
0x72: {  	_ =	shalt  }
0x73: {  	_ =	shalt  }
0x74: {  	_ =	shalt  }
0x75: {  	_ =	shalt  }
0x76: {  	_ =	shalt  }
0x77: {  	_ =	shalt  }
0x78: {  	_ =	shalt  }
0x79: {  	_ =	shalt  }
0x7a: {  	_ =	shalt  }
0x7b: {  	_ =	shalt  }
0x7c: {  	_ =	shalt  }
0x7d: {  	_ =	shalt  }
0x7e: {  	_ =	shalt  }
0x7f: {  	_ =	shalt  }
0x80: {  	_ =	shalt  }
0x81: {  	_ =	shalt  }
0x82: {  	_ =	shalt  }
0x83: {  	_ =	shalt  }
0x84: {  	_ =	shalt  }
0x85: {  	_ =	shalt  }
0x86: {  	_ =	shalt  }
0x87: {  	_ =	shalt  }
.Lfunc_end0:
.L_simem_size_0:
called_computation.1_lowered:
.L_overlay_start_0:
0x88: {  	s2 =	sld [smem:$0x3FD9]  }
0x89: {  	s3 =	sld [smem:$0x3FFE];
	_ =	sdelay $0x1  }
0x8a: {  	s1 =	srdreg.scid  }
0x8b: {  	s0 =	sand.u32 $0x1, s1  }
0x8c: {  	s14 =	sshll.u32 s0, $0xA;
	s2 =	sadd.s32 s3, s2  }
0x8d: {  	s2 =	sadd.s32 s2, s14  }
0x8e: {  	[smem:$0x3FBF] =	sst s2  }
0x8f: {  	_ = 	snop  }
0x90: {  	s2 =	sld [smem:$0x3FD0];
	_ =	sdelay $0x2  }
0x91: {  	s15 =	simm.s32 $0xA;
	s4 =	simm.s32 $0x10  }
0x92: {  	[smem:s4], [sflag:s15] =	dma.local [hbm:s2], $0x1  }
0x93: {  	_ =	swait.eq [sflag:s15], $0x1  }
0x94: {  	[sflag:s15] =	ssyncset.done $0x0  }
0x95: {  	s16 =	sld [smem:$0x10];
	[sflag:s15] =	ssyncadd.s32 $0xFFFFFFFF  }
0x96: {  	s17 =	sld [smem:$0x11];
	(tm) =	ssettm $0x1  }
0x97: {  	s18 =	sld [smem:$0x3FFB];
	_ =	sdelay $0x3  }
0x98: {  	_ =	strace s18  }
0x99: {  	s4 =	sld [smem:$0x3FFC];
	_ =	sdelay $0x3  }
0x9a: {  	_ =	strace s4  }
0x9b: {  	s4 =	sld [smem:$0x3FFD];
	_ =	sdelay $0x3  }
0x9c: {  	_ =	strace s4  }
0x9d: {  	_ =	strace $0x8FFFFFFF  }
0x9e: {  	s19 =	sld [smem:$0x3FDB];
	_ =	sdelay $0x1  }
0x9f: {  	s5 =	simm.s32 $_scs_section_size  }
0xa0: {  	s6 =	simm.s32 $_size__tile_overlayer_lowered;
	s7 =	simm.s32 $_tile_overlayer_lowered  }
0xa1: {  	s22 =	simm.s32 $0x1BFF;
	s21 =	sshll.u32 s7, $0x1;
	s4 =	sadd.s32 s5, s19  }
0xa2: {  	s8 =	simm.s32 $0x0;
	s20 =	sshll.u32 s6, $0x1;
	s6 =	sadd.s32 s21, s4  }
0xa3: {  	[timem:s8], [sflag:s22] =	dma.local [hbm:s6], s20  }
0xa4: {  	_ =	swait.ge [sflag:s22], s20  }
0xa5: {  	s5 =	ssub.s32 $0x0, s20;
	[sflag:s22] =	ssyncset.done $0x0  }
0xa6: {  	[sflag:s22] =	ssyncadd.s32 s5;
	_ =	sdelay $0x1  }
0xa7: {  	s23 =	simm.s32 $0x1B8B  }
0xa8: {  	_ =	swait.ge [sflag:s23], $0x1  }
0xa9: {  	[sflag:s23] =	ssyncset.done $0x0  }
0xaa: {  	s25 =	simm.s32 $0x1B8E;
	s24 =	sld [smem:$0x3FFE];
	[sflag:s23] =	ssyncadd.s32 $0xFFFFFFFF  }
0xab: {  	s26 =	simm.s32 $execute0_lowered;
	[smem:$0x3FD2] =	sst s25  }
0xac: {  	s6 =	sshll.u32 s26, $0x1;
	_ =	strace $0x80000049;
	[dreg:$0x1] =	wrdreg $0xFFFFFFFF  }
0xad: {  	s28 =	simm.s32 $_size_execute0_lowered;
	s4 =	sadd.s32 s4, s6;
	[dreg:$0x0] =	wrdreg $0x0  }
0xae: {  	s6 =	sshll.u32 s28, $0x1;
	[dreg:$0x2] =	wrdreg s4  }
0xaf: {  	[dreg:$0x3] =	wrdreg s6  }
0xb0: {  	[dreg:$0x4] =	wrdreg $0xC0  }
0xb1: {  	_ =	task [dreg:s8], $0x5FFFF  }
0xb2: {  	[dreg:$0x1] =	wrdreg $0xFFFFFFFF  }
0xb3: {  	[dreg:$0x0] =	wrdreg $0x60  }
0xb4: {  	[dreg:$0x2] =	wrdreg s17  }
0xb5: {  	[dreg:$0x3] =	wrdreg s24  }
0xb6: {  	[dreg:$0x4] =	wrdreg s16  }
0xb7: {  	[dreg:$0x5] =	wrdreg $0x98000  }
0xb8: {  	[dreg:$0x6] =	wrdreg $0x9  }
0xb9: {  	_ =	task.clear_ibuf [dreg:s8], $0x7FFFF;
	_ =	strace $0x90000049  }
0xba: {  	s29 =	simm.s32 $0x9;
	_ =	strace $0x8000004B  }
0xbb: {  	_ =	swait.ge [sflag:s29], $0x1  }
0xbc: {  	[sflag:s29] =	ssyncadd.s32 $0xFFFFFFFF  }
0xbd: {  	_ =	strace $0x9000004B  }
0xbe: {  	_ =	sfence  }
0xbf: {  	s30 =	sld [smem:$0x0];
	_ =	sdelay $0x2  }
0xc0: {  	s31 =	sshll.u32 s1, $0xD;
	s1 =	sshrl.u32 s1, $0x2  }
0xc1: {  	s3 =	sand.u32 $0x4000, s31;
	s1 =	sadd.s32 s1, s30  }
0xc2: {  	s0 =	sor.u32 s3, s0;
	s1 =	sshll.u32 s1, $0x11  }
0xc3: {  	s0 =	sor.u32 s1, s0  }
0xc4: {  	s0 =	sadd.s32 $0x8F2B, s0  }
0xc5: {  	[sflag:s0] =	ssyncadd.remote.s32 $0x1  }
0xc6: {  	_ =	sfence.sel $0xFFFF  }
0xc7: {  	[dreg:$0x0] =	wrdreg $0xFFFFFFFF;
	(pc) =	sbr.abs _section_cstart, $3  }
0xc8: {  	[dreg:$0x1] =	wrdreg $0xFFFFFFFF  }
0xc9: {  	_ =	task.clear_ibuf [dreg:s8], $0x2FFFF;
	_ =	strace $0x9FFFFFFF  }
0xca: {  	(tm) =	ssettm $0x7FFFFFFF  }
0xcb: {  	_ =	shalt  }
tec
execute0_lowered:
.L_overlay_start_1:
0x0: {  	(tag) =	ssettag $0x1  }
0x1: {  	s1 =	rddreg [dreg:$0x0]  }
0x2: {  	s5 =	rddreg [dreg:$0x1]  }
0x3: {  	s11 =	rddreg [dreg:$0x2]  }
0x4: {  	s3 =	rddreg [dreg:$0x3]  }
0x5: {  	s0 =	rddreg [dreg:$0x4]  }
0x6: {  	s2 =	stileid.u32;
	s6 =	srdreg.scid;
	s4 =	simm.s32 $0x0  }
0x7: {  	s12 =	simm.s32 $0x9000;
	s13 =	simm.s32 $0x2;
	s15 =	simm.s32 $0x7D  }
0x8: {  	s16 =	simm.s32 $0x5000;
	s17 =	simm.s32 $0x1;
	s31 =	smul.u32 $0x50000, s2  }
0x9: {  	s14 =	sand.u32 $0x1, s6;
	[smem:$0x7FF] =	sst s4;
	s7 =	smul.u32 $0x500, s2  }
0xa: {  	p0 =	seq.s32 s2, $0xF;
	s18 =	smul.u32 $0x2800, s2;
	s8 =	ssub.s32 $0x2, s14  }
0xb: {  	s19 =	sadd.s32 $0x27100, s11;
	_ =	strace $0x8000004A;
	s9 =	sshrl.u32 s8, $0x1  }
.Ltmp0:
0xc: {  	s6 =	sshrl.u32 s31, $0x2;
	s7 =	sadd.s32 s7, s5;
	(pc) =	sbr.rel .LBB2_1-.Ltmp0, $4  }
0xd: {  	s11 =	sadd.s32 s18, s11;
	s18 =	sadd.s32 s19, s18;
	s10 =	ssub.s32 s8, s9  }
0xe: {  	s5 =	sadd.s32 s6, s3;
	s6 =	sadd.s32 $0x61E00, s7;
	s9 =	simm.s32 $0x19  }
0xf: {  	s7 =	sadd.s32 $0x2E00, s7;
	s8 =	sadd.s32 $0x27100, s1;
	s9 =	simm.s32 @!p0 $0x28  }
0x10: {  	v0 =	vimm.f32 $0.0e+00;
	s10 =	smax.u32 s10, $0x1;
	p0 =	seq.s32 s14, $0x0;
	s14 =	simm.s32 $0x2800  }
.LBB2_15:
0x11: {  	[sflag:s13] =	ssyncset.done $0x0  }
0x12: {  	[sflag:s13] =	ssyncadd.s32 $0xFFFFFF00  }
.LBB2_16:
0x13: {  	s4 =	sadd.s32 $0x1, s4  }
0x14: {  	p1 =	sne.s32 s4, s10  }
.Ltmp1:
0x15: {  	_ = 	snop;
	(pc) =	sbr.rel @!p1 .LBB2_17-.Ltmp1, $1  }
0x16: {  	_ =	sdelay $0x3  }
.LBB2_1:
0x17: {  	s19 =	simm.s32 $0x0;
	s20 =	simm.s32 $0x200  }
.LBB2_2:
0x18: {  	p1 =	sne.s32 s20, $0x1E00;
	[tilespmem:s19+$0x9070] =	vst v0  }
0x19: {  	[tilespmem:s19+$0x9000] =	vst v0  }
0x1a: {  	[tilespmem:s19+$0x9010] =	vst v0  }
.Ltmp2:
0x1b: {  	[tilespmem:s19+$0x9020] =	vst v0;
	(pc) =	sbr.rel @p1 .LBB2_2-.Ltmp2, $4  }
0x1c: {  	[tilespmem:s19+$0x9030] =	vst v0  }
0x1d: {  	[tilespmem:s19+$0x9040] =	vst v0  }
0x1e: {  	[tilespmem:s19+$0x9050] =	vst v0  }
0x1f: {  	[tilespmem:s19+$0x9060] =	vst v0;
	s19 =	sshra.s32 s20, $0x2;
	s20 =	sadd.s32 $0x200, s20  }
0x20: {  	[tilespmem:s19+$0x9070] =	vst v0  }
0x21: {  	[tilespmem:s19+$0x9000] =	vst v0  }
0x22: {  	[tilespmem:s19+$0x9010] =	vst v0  }
0x23: {  	[tilespmem:s19+$0x9020] =	vst v0  }
0x24: {  	[tilespmem:s19+$0x9030] =	vst v0  }
0x25: {  	[tilespmem:s19+$0x9040] =	vst v0  }
0x26: {  	[tilespmem:s19+$0x9050] =	vst v0  }
0x27: {  	[tilespmem:s19+$0x9060] =	vst v0;
	s31 =	sadd.s32 $0x0, s5  }
0x28: {  	[spmem:s31] =	stream.linear.scatter [tilespmem:s12], [sflag:$0x2], $0x800, $0x38;
	[tilespmem:$0x1D800] =	vst v63  }
0x29: {  	s19 =	simm.s32 $0x2000;
	_ =	swait.ge [sflag:s13], $0x800  }
.LBB2_4:
0x2a: {  	s20 =	sshra.s32 s19, $0x2;
	[sflag:s13] =	ssyncset.done $0x0;
	p1 =	sne.s32 s19, $0x4E000  }
.Ltmp3:
0x2b: {  	s20 =	sadd.s32 s20, s5;
	[sflag:s13] =	ssyncadd.s32 $0xFFFFF800;
	(pc) =	sbr.rel @p1 .LBB2_4-.Ltmp3, $3  }
0x2c: {  	[spmem:s20] =	stream.linear.scatter [tilespmem:s12], [sflag:$0x2], $0x800, $0x38;
	[tilespmem:$0x1D800] =	vst v63  }
0x2d: {  	s19 =	sadd.s32 $0x2000, s19;
	_ =	sdelay $0x1  }
0x2e: {  	_ =	swait.ge [sflag:s13], $0x800  }
0x2f: {  	[sflag:s13] =	ssyncset.done $0x0  }
0x30: {  	s19 =	simm.s32 $0x0;
	[sflag:s13] =	ssyncadd.s32 $0xFFFFF800  }
0x31: {  	[tilespmem:s19], [sflag:$0x2] =	stream.linear.gather [hbm4b:s6+s19], $0x2800, $0x38;
	[tilespmem:$0x1D800] =	vst v63  }
0x32: {  	_ =	swait.ge [sflag:s13], $0x2800  }
0x33: {  	[sflag:s13] =	ssyncset.done $0x0  }
0x34: {  	[sflag:s13] =	ssyncadd.s32 $0xFFFFD800  }
0x35: {  	[tilespmem:s14], [sflag:$0x2] =	stream.linear.gather [hbm4b:s7+s19], $0x2800, $0x38;
	[tilespmem:$0x1D800] =	vst v63  }
.Ltmp4:
0x36: {  	_ =	swait.ge [sflag:s13], $0x2800;
	(pc) =	sbr.rel @!p0 .LBB2_11-.Ltmp4, $4  }
0x37: {  	[sflag:s13] =	ssyncset.done $0x0  }
0x38: {  	[sflag:s13] =	ssyncadd.s32 $0xFFFFD800  }
0x39: {  	[bflag:$0x0] =	sbarrier.arrive $0xFFFF  }
0x3a: {  	s19 =	simm.s32 $0x0  }
0x3b: {  	[tilespmem:s16], [sflag:$0x1] =	stream.indirect.gather [hbm4b:s1+s15], $0x80, s19, s15, $0xb8;
	[tilespmem:$0x1D800] =	vst v63  }
0x3c: {  	_ =	swait.ge [sflag:s17], $0x3E80  }
0x3d: {  	[sflag:s17] =	ssyncset.done $0x0  }
0x3e: {  	s31 =	simm.s32 $0x2800;
	[sflag:s17] =	ssyncadd.s32 $0xFFFFC180  }
0x3f: {  	[spmem:s3] =	stream.indirect.scatter.add.f32 [tilespmem:s16], [sflag:$0x2], $0x80, s31, s15, $0xb8;
	[tilespmem:$0x1D800] =	vst v63  }
0x40: {  	_ =	swait.ge [sflag:s13], $0x3E80  }
0x41: {  	s19 =	simm.s32 $0x200;
	s20 =	simm.s32 $0x400;
	[sflag:s13] =	ssyncset.done $0x0  }
.LBB2_7:
0x42: {  	s21 =	sshra.s32 s19, $0x2  }
0x43: {  	[sflag:s13] =	ssyncadd.s32 $0xFFFFC180;
	s19 =	smov.u32 s20;
	s22 =	sadd.s32 $0x200, s20  }
0x44: {  	[tilespmem:s16], [sflag:$0x1] =	stream.indirect.gather [hbm4b:s1+s15], $0x80, s21, s15, $0xb8;
	[tilespmem:$0x1D800] =	vst v63  }
0x45: {  	p1 =	seq.s32 s20, $0x9E00;
	_ =	swait.ge [sflag:s17], $0x3E80  }
.Ltmp5:
0x46: {  	[sflag:s17] =	ssyncset.done $0x0;
	(pc) =	sbr.rel @!p1 .LBB2_7-.Ltmp5, $4  }
0x47: {  	s20 =	sadd.s32 $0x2800, s21;
	[sflag:s17] =	ssyncadd.s32 $0xFFFFC180  }
0x48: {  	[spmem:s3] =	stream.indirect.scatter.add.f32 [tilespmem:s16], [sflag:$0x2], $0x80, s20, s15, $0xb8;
	[tilespmem:$0x1D800] =	vst v63  }
0x49: {  	_ =	swait.ge [sflag:s13], $0x3E80  }
0x4a: {  	s20 =	smov.u32 s22;
	[sflag:s13] =	ssyncset.done $0x0  }
0x4b: {  	s19 =	sshra.s32 s19, $0x2;
	[sflag:s13] =	ssyncadd.s32 $0xFFFFC180  }
0x4c: {  	[tilespmem:s16], [sflag:$0x1] =	stream.indirect.gather [hbm4b:s1+s15], $0x80, s19, s15, $0xb8;
	[tilespmem:$0x1D800] =	vst v63  }
0x4d: {  	_ =	swait.ge [sflag:s17], $0x3E80  }
0x4e: {  	[sflag:s17] =	ssyncset.done $0x0  }
0x4f: {  	s19 =	sadd.s32 $0x2800, s19;
	[sflag:s17] =	ssyncadd.s32 $0xFFFFC180  }
0x50: {  	[spmem:s3] =	stream.indirect.scatter.add.f32 [tilespmem:s16], [sflag:$0x2], $0x80, s19, s15, $0xb8;
	[tilespmem:$0x1D800] =	vst v63  }
0x51: {  	p1 =	seq.s32 s9, $0x1;
	_ =	swait.ge [sflag:s13], $0x3E80  }
.Ltmp6:
0x52: {  	[sflag:s13] =	ssyncset.done $0x0;
	(pc) =	sbr.rel @p1 .LBB2_10-.Ltmp6, $4  }
0x53: {  	s31 =	sshll.u32 s2, $0x6;
	s20 =	sshrl.u32 s5, $0x3;
	[sflag:s13] =	ssyncadd.s32 $0xFFFFC180  }
0x54: {  	s21 =	sadd.s32 $0x100, s11;
	s19 =	sor.u32 $0x1C02, s31;
	[bflag:$0x0] =	sbarrier.arrive $0xFFFF  }
0x55: {  	[hbm:s11], [sflag:s19] =	dma.local [spmem:s20], $0x100  }
0x56: {  	s22 =	smov.u32 s5;
	s20 =	sadd.s32 $0xFFFFFFFF, s9;
	_ =	swait.ge [sflag:s13], $0x100  }
.LBB2_9:
0x57: {  	[sflag:s13] =	ssyncset.done $0x0;
	s22 =	sadd.s32 $0x800, s22;
	p1 =	seq.s32 s20, $0x1  }
.Ltmp7:
0x58: {  	s23 =	sshrl.u32 s22, $0x3;
	[sflag:s13] =	ssyncadd.s32 $0xFFFFFF00;
	(pc) =	sbr.rel @!p1 .LBB2_9-.Ltmp7, $3  }
0x59: {  	[hbm:s21], [sflag:s19] =	dma.local [spmem:s23], $0x100  }
0x5a: {  	s20 =	sadd.s32 $0xFFFFFFFF, s20;
	_ =	sdelay $0x1  }
0x5b: {  	s21 =	sadd.s32 $0x100, s21;
	_ =	swait.ge [sflag:s13], $0x100  }
.LBB2_10:
.Ltmp8:
0x5c: {  	(pc) =	sbr.rel .LBB2_16-.Ltmp8, $3  }
0x5d: {  	_ =	sdelay $0x1  }
0x5e: {  	[sflag:s13] =	ssyncset.done $0x0  }
0x5f: {  	[sflag:s13] =	ssyncadd.s32 $0xFFFFFF00  }
.LBB2_11:
0x60: {  	[tilespmem:s16], [sflag:$0x1] =	stream.indirect.gather [hbm4b:s8+s15], $0x80, s19, s15, $0xb8;
	[tilespmem:$0x1D800] =	vst v63  }
0x61: {  	_ =	swait.ge [sflag:s17], $0x3E80  }
0x62: {  	[sflag:s17] =	ssyncset.done $0x0  }
0x63: {  	s31 =	simm.s32 $0x2800;
	[sflag:s17] =	ssyncadd.s32 $0xFFFFC180  }
0x64: {  	[spmem:s3] =	stream.indirect.scatter.add.f32 [tilespmem:s16], [sflag:$0x2], $0x80, s31, s15, $0xb8;
	[tilespmem:$0x1D800] =	vst v63  }
0x65: {  	_ =	swait.ge [sflag:s13], $0x3E80  }
0x66: {  	s19 =	simm.s32 $0x200;
	s20 =	simm.s32 $0x400;
	[sflag:s13] =	ssyncset.done $0x0  }
.LBB2_12:
0x67: {  	s21 =	sshra.s32 s19, $0x2  }
0x68: {  	[sflag:s13] =	ssyncadd.s32 $0xFFFFC180;
	s19 =	smov.u32 s20;
	s22 =	sadd.s32 $0x200, s20  }
0x69: {  	[tilespmem:s16], [sflag:$0x1] =	stream.indirect.gather [hbm4b:s8+s15], $0x80, s21, s15, $0xb8;
	[tilespmem:$0x1D800] =	vst v63  }
0x6a: {  	p1 =	seq.s32 s20, $0x9E00;
	_ =	swait.ge [sflag:s17], $0x3E80  }
.Ltmp9:
0x6b: {  	[sflag:s17] =	ssyncset.done $0x0;
	(pc) =	sbr.rel @!p1 .LBB2_12-.Ltmp9, $4  }
0x6c: {  	s20 =	sadd.s32 $0x2800, s21;
	[sflag:s17] =	ssyncadd.s32 $0xFFFFC180  }
0x6d: {  	[spmem:s3] =	stream.indirect.scatter.add.f32 [tilespmem:s16], [sflag:$0x2], $0x80, s20, s15, $0xb8;
	[tilespmem:$0x1D800] =	vst v63  }
0x6e: {  	_ =	swait.ge [sflag:s13], $0x3E80  }
0x6f: {  	s20 =	smov.u32 s22;
	[sflag:s13] =	ssyncset.done $0x0  }
0x70: {  	s19 =	sshra.s32 s19, $0x2;
	[sflag:s13] =	ssyncadd.s32 $0xFFFFC180  }
0x71: {  	[tilespmem:s16], [sflag:$0x1] =	stream.indirect.gather [hbm4b:s8+s15], $0x80, s19, s15, $0xb8;
	[tilespmem:$0x1D800] =	vst v63  }
0x72: {  	_ =	swait.ge [sflag:s17], $0x3E80  }
0x73: {  	[sflag:s17] =	ssyncset.done $0x0  }
0x74: {  	s19 =	sadd.s32 $0x2800, s19;
	[sflag:s17] =	ssyncadd.s32 $0xFFFFC180  }
0x75: {  	[spmem:s3] =	stream.indirect.scatter.add.f32 [tilespmem:s16], [sflag:$0x2], $0x80, s19, s15, $0xb8;
	[tilespmem:$0x1D800] =	vst v63  }
0x76: {  	p1 =	sne.s32 s9, $0x1;
	_ =	swait.ge [sflag:s13], $0x3E80  }
.Ltmp10:
0x77: {  	[sflag:s13] =	ssyncset.done $0x0;
	(pc) =	sbr.rel @!p1 .LBB2_15-.Ltmp10, $4  }
0x78: {  	s31 =	sshll.u32 s2, $0x6;
	s20 =	sshrl.u32 s5, $0x3;
	[sflag:s13] =	ssyncadd.s32 $0xFFFFC180  }
0x79: {  	s21 =	sadd.s32 $0x100, s18;
	s19 =	sor.u32 $0x1C02, s31;
	[bflag:$0x0] =	sbarrier.arrive $0xFFFF  }
0x7a: {  	[hbm:s18], [sflag:s19] =	dma.local [spmem:s20], $0x100  }
0x7b: {  	s22 =	smov.u32 s5;
	s20 =	sadd.s32 $0xFFFFFFFF, s9;
	_ =	swait.ge [sflag:s13], $0x100  }
.LBB2_14:
0x7c: {  	[sflag:s13] =	ssyncset.done $0x0;
	s22 =	sadd.s32 $0x800, s22;
	p1 =	sne.s32 s20, $0x1  }
.Ltmp11:
0x7d: {  	s23 =	sshrl.u32 s22, $0x3;
	[sflag:s13] =	ssyncadd.s32 $0xFFFFFF00;
	(pc) =	sbr.rel @p1 .LBB2_14-.Ltmp11, $3  }
0x7e: {  	[hbm:s21], [sflag:s19] =	dma.local [spmem:s23], $0x100  }
0x7f: {  	s20 =	sadd.s32 $0xFFFFFFFF, s20;
	_ =	sdelay $0x1  }
0x80: {  	s21 =	sadd.s32 $0x100, s21;
	_ =	swait.ge [sflag:s13], $0x100  }
.Ltmp12:
0x81: {  	_ = 	snop;
	(pc) =	sbr.rel .LBB2_15-.Ltmp12, $1  }
0x82: {  	_ =	sdelay $0x3  }
.LBB2_17:
0x83: {  	_ =	sfence.sel $0x180000  }
0x84: {  	[bflag:$0x0] =	sbarrier.arrive $0xFFFF  }
0x85: {  	p0 =	sne.s32 s2, $0x0;
	_ =	strace $0x9000004A  }
0x86: {  	s0 =	sadd.s32 @!p0 $0x100000, s0;
	[bflag:$0x2] =	sbarrier.arrive $0xFFFF  }
0x87: {  	[sflag:s0] =	ssyncadd.tile.s32 @!p0 $0x1;
	_ =	shalt  }
.Lfunc_end2:
_tile_overlayer_lowered:
.L_overlay_start_2:
0x88: {  	(tag) =	ssettag $0x2  }
0x89: {  	s0 =	rddreg [dreg:$0x0];
	s2 =	stileid.u32  }
0x8a: {  	s1 =	rddreg [dreg:$0x1];
	p0 =	sne.s32 s2, $0x0  }
0x8b: {  	s3 =	rddreg [dreg:$0x2];
	[bflag:$0x3] =	sbarrier.arrive $0xFFFF;
	s2 =	simm.s32 @!p0 $0x1C02  }
0x8c: {  	[timem:s3], [sflag:s2] =	dma.local @!p0 [hbm:s0], s1  }
0x8d: {  	s0 =	simm.s32 @!p0 $0x2  }
0x8e: {  	_ =	swait.ge @!p0 [sflag:s0], s1  }
0x8f: {  	s1 =	ssub.s32 @!p0 $0x0, s1;
	[sflag:s0] =	ssyncset.done @!p0 $0x0  }
0x90: {  	[sflag:s0] =	ssyncadd.s32 @!p0 s1  }
0x91: {  	[bflag:$0x3] =	sbarrier.arrive $0xFFFF  }
0x92: {  	_ =	shalt  }

// kernel: kernel.18.cloned.1.call-start
scs
__scs_entry_jumppad:
0x0: {  	(pc) =	sbr.rel $0x88, $3  }
0x1: {  	(tag) =	ssettag $0x0;
	lr =	simm.s32 $0x1  }
0x2: {  	[smem:$0x3F98] =	sst lr;
	_ =	strace $0xD0000000  }
0x3: {  	_ = 	snop  }
0x4: {  	_ = 	snop  }
0x5: {  	_ = 	snop  }
0x6: {  	_ = 	snop  }
0x7: {  	_ = 	snop  }
__scs_overlays_trampoline_lowered:
0x8: {  	[smem:$0x3FA7] =	sst s0  }
0x9: {  	[smem:$0x3FA8] =	sst s1  }
0xa: {  	[smem:$0x3FA9] =	sst s2  }
0xb: {  	[smem:$0x3FAA] =	sst s3  }
0xc: {  	[smem:$0x3FAB] =	sst s4  }
0xd: {  	[smem:$0x3FAC] =	sst s5  }
0xe: {  	[smem:$0x3FAD] =	sst s6  }
0xf: {  	[smem:$0x3FAE] =	sst s7  }
0x10: {  	[smem:$0x3FAF] =	sst s8  }
0x11: {  	[smem:$0x3FB0] =	sst s9;
	s0 =	simm.s32 @!p0 $0x0  }
0x12: {  	s1 =	sld [smem:$0x3F96];
	s0 =	simm.s32 @p0 $0x1  }
0x13: {  	[smem:$0x3FB1] =	sst s0;
	s0 =	simm.s32 @!p1 $0x0  }
0x14: {  	s2 =	sld [smem:$0x3F95];
	s0 =	simm.s32 @p1 $0x1  }
0x15: {  	[smem:$0x3FB2] =	sst s0;
	s0 =	simm.s32 @!p2 $0x0  }
0x16: {  	s3 =	sld [smem:$0x3FDB];
	s0 =	simm.s32 @p2 $0x1  }
0x17: {  	s4 =	simm.s32 $0x1BF5;
	[smem:$0x3FB4] =	sst s0  }
0x18: {  	s0 =	sld [smem:$0x3F97];
	_ =	swait.ge [sflag:s4], $0x0  }
0x19: {  	s7 =	sld [smem:$0x3F98]  }
0x1a: {  	s8 =	sadd.s32 $0xFFFFE003, lr  }
0x1b: {  	s9 =	sadd.s32 $0xFFFFFEF7, lr;
	s5 =	simm.s32 $0xFFFFFFFF;
	p2 =	slt.u32 s8, $0xFFFFF086  }
0x1c: {  	p1 =	slt.u32 s9, $0xF7A;
	s5 =	simm.s32 @!p2 $0x0  }
0x1d: {  	s5 =	simm.s32 @p1 $0x1;
	p0 =	seq.s32 s7, s2  }
0x1e: {  	s7 =	smul.u32 @!p0 $0xF7A, s2;
	p2 =	seq.s32 @!p0 s5, $0x0  }
0x1f: {  	s9 =	smul.u32 $0xF7A, s1;
	s8 =	simm.s32 @!p0 $0x1BF5;
	p2 =	por !p2, p0  }
0x20: {  	[sflag:s8] =	ssyncset.s32 @!p0 $0xFFFFF086;
	s6 =	sadd.s32 @!p0 s3, s7;
	s7 =	simm.s32 @!p0 $0x108  }
0x21: {  	s3 =	sadd.s32 s3, s9;
	s6 =	sadd.s32 @!p0 $0x88, s6;
	s7 =	simm.s32 @p2 $0x1082  }
0x22: {  	[simem:s7], [sflag:s8] =	dma.local @!p0 [hbm:s6], $0xF7A  }
0x23: {  	s9 =	sor.u32 $0xD0000000, s2;
	s6 =	simm.s32 $0x108;
	_ =	swait.ge @!p0 [sflag:s8], $0x0  }
0x24: {  	s3 =	sadd.s32 $0x88, s3;
	s6 =	simm.s32 @!p1 $0x1082;
	[sflag:s4] =	ssyncset.s32 $0xFFFFF086  }
0x25: {  	[simem:s6], [sflag:s4] =	dma.local [hbm:s3], $0xF7A  }
0x26: {  	[smem:$0x3F98] =	sst s1;
	(tag) =	ssettag s2;
	_ =	strace s9  }
0x27: {  	s1 =	sld [smem:$0x3FA8]  }
0x28: {  	s2 =	sld [smem:$0x3FA9]  }
0x29: {  	s4 =	sld [smem:$0x3FAB]  }
0x2a: {  	p0 =	seq.s32 s5, $0x0;
	s5 =	sld [smem:$0x3FAC]  }
0x2b: {  	s6 =	sld [smem:$0x3FAD]  }
0x2c: {  	s7 =	sld [smem:$0x3FAE]  }
0x2d: {  	s3 =	simm.s32 $0x108;
	s8 =	sld [smem:$0x3FAF]  }
0x2e: {  	s3 =	simm.s32 @!p0 $0x1082;
	s9 =	sld [smem:$0x3FB0]  }
0x2f: {  	lr =	sadd.s32 s0, s3;
	s0 =	sld [smem:$0x3FA7]  }
0x30: {  	s3 =	sld [smem:$0x3FAA]  }
0x31: {  	[smem:$0x3FB3] =	sst s10  }
0x32: {  	s10 =	sld [smem:$0x3FB1];
	_ =	sdelay $0x3  }
0x33: {  	p0 =	seq.s32 s10, $0x1;
	s10 =	sld [smem:$0x3FB3];
	_ =	sdelay $0x3  }
0x34: {  	[smem:$0x3FB3] =	sst s10  }
0x35: {  	s10 =	sld [smem:$0x3FB2];
	_ =	sdelay $0x3  }
0x36: {  	p1 =	seq.s32 s10, $0x1;
	s10 =	sld [smem:$0x3FB3];
	_ =	sdelay $0x3  }
0x37: {  	[smem:$0x3FB3] =	sst s10  }
0x38: {  	s10 =	sld [smem:$0x3FB4]  }
0x39: {  	_ = 	snop;
	(pc) =	sbr.ind lr, $3  }
0x3a: {  	_ = 	snop  }
0x3b: {  	_ = 	snop  }
0x3c: {  	p2 =	seq.s32 s10, $0x1;
	s10 =	sld [smem:$0x3FB3]  }
0x3d: {  	_ =	shalt  }
0x3e: {  	_ =	shalt  }
0x3f: {  	_ =	shalt  }
0x40: {  	_ =	shalt  }
0x41: {  	_ =	shalt  }
0x42: {  	_ =	shalt  }
0x43: {  	_ =	shalt  }
0x44: {  	_ =	shalt  }
0x45: {  	_ =	shalt  }
0x46: {  	_ =	shalt  }
0x47: {  	_ =	shalt  }
0x48: {  	_ =	shalt  }
0x49: {  	_ =	shalt  }
0x4a: {  	_ =	shalt  }
0x4b: {  	_ =	shalt  }
0x4c: {  	_ =	shalt  }
0x4d: {  	_ =	shalt  }
0x4e: {  	_ =	shalt  }
0x4f: {  	_ =	shalt  }
0x50: {  	_ =	shalt  }
0x51: {  	_ =	shalt  }
0x52: {  	_ =	shalt  }
0x53: {  	_ =	shalt  }
0x54: {  	_ =	shalt  }
0x55: {  	_ =	shalt  }
0x56: {  	_ =	shalt  }
0x57: {  	_ =	shalt  }
0x58: {  	_ =	shalt  }
0x59: {  	_ =	shalt  }
0x5a: {  	_ =	shalt  }
0x5b: {  	_ =	shalt  }
0x5c: {  	_ =	shalt  }
0x5d: {  	_ =	shalt  }
0x5e: {  	_ =	shalt  }
0x5f: {  	_ =	shalt  }
0x60: {  	_ =	shalt  }
0x61: {  	_ =	shalt  }
0x62: {  	_ =	shalt  }
0x63: {  	_ =	shalt  }
0x64: {  	_ =	shalt  }
0x65: {  	_ =	shalt  }
0x66: {  	_ =	shalt  }
0x67: {  	_ =	shalt  }
0x68: {  	_ =	shalt  }
0x69: {  	_ =	shalt  }
0x6a: {  	_ =	shalt  }
0x6b: {  	_ =	shalt  }
0x6c: {  	_ =	shalt  }
0x6d: {  	_ =	shalt  }
0x6e: {  	_ =	shalt  }
0x6f: {  	_ =	shalt  }
0x70: {  	_ =	shalt  }
0x71: {  	_ =	shalt  }
0x72: {  	_ =	shalt  }
0x73: {  	_ =	shalt  }
0x74: {  	_ =	shalt  }
0x75: {  	_ =	shalt  }
0x76: {  	_ =	shalt  }
0x77: {  	_ =	shalt  }
0x78: {  	_ =	shalt  }
0x79: {  	_ =	shalt  }
0x7a: {  	_ =	shalt  }
0x7b: {  	_ =	shalt  }
0x7c: {  	_ =	shalt  }
0x7d: {  	_ =	shalt  }
0x7e: {  	_ =	shalt  }
0x7f: {  	_ =	shalt  }
0x80: {  	_ =	shalt  }
0x81: {  	_ =	shalt  }
0x82: {  	_ =	shalt  }
0x83: {  	_ =	shalt  }
0x84: {  	_ =	shalt  }
0x85: {  	_ =	shalt  }
0x86: {  	_ =	shalt  }
0x87: {  	_ =	shalt  }
.Lfunc_end0:
.L_simem_size_0:
called_computation.2_lowered:
.L_overlay_start_0:
0x88: {  	s2 =	sld [smem:$0x3FD9]  }
0x89: {  	s3 =	sld [smem:$0x3FFE];
	_ =	sdelay $0x1  }
0x8a: {  	s1 =	srdreg.scid  }
0x8b: {  	s0 =	sand.u32 $0x1, s1  }
0x8c: {  	s14 =	sshll.u32 s0, $0xA;
	s2 =	sadd.s32 s3, s2  }
0x8d: {  	s2 =	sadd.s32 s2, s14  }
0x8e: {  	[smem:$0x3FBF] =	sst s2  }
0x8f: {  	_ = 	snop  }
0x90: {  	s2 =	sld [smem:$0x3FD0];
	_ =	sdelay $0x2  }
0x91: {  	s15 =	simm.s32 $0xA;
	s4 =	simm.s32 $0x10  }
0x92: {  	[smem:s4], [sflag:s15] =	dma.local [hbm:s2], $0x1  }
0x93: {  	_ =	swait.eq [sflag:s15], $0x1  }
0x94: {  	[sflag:s15] =	ssyncset.done $0x0  }
0x95: {  	[sflag:s15] =	ssyncadd.s32 $0xFFFFFFFF  }
0x96: {  	s16 =	sld [smem:$0x11];
	(tm) =	ssettm $0x1  }
0x97: {  	s17 =	sld [smem:$0x3FFB];
	_ =	sdelay $0x3  }
0x98: {  	_ =	strace s17  }
0x99: {  	s3 =	sld [smem:$0x3FFC];
	_ =	sdelay $0x3  }
0x9a: {  	_ =	strace s3  }
0x9b: {  	s3 =	sld [smem:$0x3FFD];
	_ =	sdelay $0x3  }
0x9c: {  	_ =	strace s3  }
0x9d: {  	_ =	strace $0x8FFFFFFF  }
0x9e: {  	s18 =	sld [smem:$0x3FDB];
	_ =	sdelay $0x1  }
0x9f: {  	s19 =	simm.s32 $_scs_section_size  }
0xa0: {  	s5 =	simm.s32 $_size__tile_overlayer_lowered;
	s6 =	simm.s32 $_tile_overlayer_lowered  }
0xa1: {  	s22 =	simm.s32 $0x1BFF;
	s21 =	sshll.u32 s6, $0x1;
	s3 =	sadd.s32 s19, s18  }
0xa2: {  	s7 =	simm.s32 $0x0;
	s20 =	sshll.u32 s5, $0x1;
	s5 =	sadd.s32 s21, s3  }
0xa3: {  	[timem:s7], [sflag:s22] =	dma.local [hbm:s5], s20  }
0xa4: {  	_ =	swait.ge [sflag:s22], s20  }
0xa5: {  	s4 =	ssub.s32 $0x0, s20;
	[sflag:s22] =	ssyncset.done $0x0  }
0xa6: {  	[sflag:s22] =	ssyncadd.s32 s4;
	_ =	sdelay $0x1  }
0xa7: {  	s23 =	simm.s32 $0x1B8B  }
0xa8: {  	_ =	swait.ge [sflag:s23], $0x1  }
0xa9: {  	[sflag:s23] =	ssyncset.done $0x0  }
0xaa: {  	s25 =	simm.s32 $0x1B8E;
	s24 =	sld [smem:$0x3FFE];
	[sflag:s23] =	ssyncadd.s32 $0xFFFFFFFF  }
0xab: {  	s26 =	simm.s32 $execute0_lowered;
	[smem:$0x3FD2] =	sst s25  }
0xac: {  	s5 =	sshll.u32 s26, $0x1;
	_ =	strace $0x8000004C;
	[dreg:$0x1] =	wrdreg $0xFFFFFFFF  }
0xad: {  	s28 =	simm.s32 $_size_execute0_lowered;
	s3 =	sadd.s32 s3, s5;
	[dreg:$0x0] =	wrdreg $0x0  }
0xae: {  	s5 =	sshll.u32 s28, $0x1;
	[dreg:$0x2] =	wrdreg s3  }
0xaf: {  	[dreg:$0x3] =	wrdreg s5  }
0xb0: {  	[dreg:$0x4] =	wrdreg $0xC0  }
0xb1: {  	_ =	task [dreg:s7], $0x5FFFF  }
0xb2: {  	[dreg:$0x1] =	wrdreg $0xFFFFFFFF  }
0xb3: {  	[dreg:$0x0] =	wrdreg $0x60  }
0xb4: {  	[dreg:$0x2] =	wrdreg s16  }
0xb5: {  	[dreg:$0x3] =	wrdreg s24  }
0xb6: {  	[dreg:$0x4] =	wrdreg $0x98000  }
0xb7: {  	[dreg:$0x5] =	wrdreg $0x9  }
0xb8: {  	_ =	task.clear_ibuf [dreg:s7], $0x6FFFF;
	_ =	strace $0x9000004C  }
0xb9: {  	s29 =	simm.s32 $0x9;
	_ =	strace $0x8000004E  }
0xba: {  	_ =	swait.ge [sflag:s29], $0x1  }
0xbb: {  	[sflag:s29] =	ssyncadd.s32 $0xFFFFFFFF  }
0xbc: {  	_ =	strace $0x9000004E  }
0xbd: {  	_ =	sfence  }
0xbe: {  	s30 =	sld [smem:$0x0];
	_ =	sdelay $0x2  }
0xbf: {  	s31 =	sshll.u32 s1, $0xD;
	s1 =	sshrl.u32 s1, $0x2  }
0xc0: {  	s3 =	sand.u32 $0x4000, s31;
	s1 =	sadd.s32 s1, s30  }
0xc1: {  	s0 =	sor.u32 s3, s0;
	s1 =	sshll.u32 s1, $0x11  }
0xc2: {  	s0 =	sor.u32 s1, s0  }
0xc3: {  	s0 =	sadd.s32 $0x8F2B, s0  }
0xc4: {  	[sflag:s0] =	ssyncadd.remote.s32 $0x1  }
0xc5: {  	_ =	sfence.sel $0xFFFF  }
0xc6: {  	[dreg:$0x0] =	wrdreg $0xFFFFFFFF;
	(pc) =	sbr.abs _section_cstart, $3  }
0xc7: {  	[dreg:$0x1] =	wrdreg $0xFFFFFFFF  }
0xc8: {  	_ =	task.clear_ibuf [dreg:s7], $0x2FFFF;
	_ =	strace $0x9FFFFFFF  }
0xc9: {  	(tm) =	ssettm $0x7FFFFFFF  }
tec
execute0_lowered:
.L_overlay_start_1:
0x0: {  	(tag) =	ssettag $0x1  }
0x1: {  	s2 =	rddreg [dreg:$0x0]  }
0x2: {  	s10 =	rddreg [dreg:$0x1]  }
0x3: {  	s3 =	rddreg [dreg:$0x2]  }
0x4: {  	s0 =	rddreg [dreg:$0x3];
	s1 =	stileid.u32  }
0x5: {  	s6 =	srdreg.scid;
	s4 =	simm.s32 $0x0;
	s9 =	simm.s32 $0x19  }
0x6: {  	s13 =	simm.s32 $0x2;
	s15 =	simm.s32 $0x7D;
	s5 =	smul.u32 $0x500, s1  }
0x7: {  	s16 =	simm.s32 $0x5000;
	s17 =	simm.s32 $0x1;
	s18 =	smul.u32 $0x2800, s1  }
0x8: {  	s14 =	sand.u32 $0x1, s6;
	[smem:$0x7FF] =	sst s4;
	s7 =	smul.u32 $0x50000, s1  }
0x9: {  	p0 =	seq.s32 s1, $0xF;
	s19 =	sadd.s32 $0x8DF00, s10;
	s6 =	ssub.s32 $0x2, s14  }
0xa: {  	_ =	strace $0x8000004D;
	s9 =	simm.s32 @!p0 $0x28;
	p0 =	seq.s32 s14, $0x0  }
.Ltmp0:
0xb: {  	s14 =	simm.s32 $0x2800;
	s8 =	sadd.s32 s5, s10;
	(pc) =	sbr.rel .LBB2_1-.Ltmp0, $4  }
0xc: {  	s30 =	sshrl.u32 s6, $0x1;
	s11 =	sadd.s32 s18, s10;
	s31 =	sshrl.u32 s7, $0x2  }
0xd: {  	s18 =	sadd.s32 s19, s18;
	s12 =	ssub.s32 s6, s30;
	s5 =	sadd.s32 s31, s3  }
0xe: {  	s6 =	sadd.s32 $0x61E00, s8;
	s7 =	sadd.s32 $0x2E00, s8;
	s8 =	sadd.s32 $0x27100, s2  }
0xf: {  	v0 =	vimm.f32 $0.0e+00;
	s11 =	sadd.s32 $0x66E00, s11;
	s10 =	smax.u32 s12, $0x1;
	s12 =	simm.s32 $0x9000  }
.LBB2_15:
0x10: {  	[sflag:s13] =	ssyncset.done $0x0  }
0x11: {  	[sflag:s13] =	ssyncadd.s32 $0xFFFFFF00  }
.LBB2_16:
0x12: {  	s4 =	sadd.s32 $0x1, s4  }
0x13: {  	p1 =	sne.s32 s4, s10  }
.Ltmp1:
0x14: {  	_ = 	snop;
	(pc) =	sbr.rel @!p1 .LBB2_17-.Ltmp1, $1  }
0x15: {  	_ =	sdelay $0x3  }
.LBB2_1:
0x16: {  	s19 =	simm.s32 $0x0;
	s20 =	simm.s32 $0x200  }
.LBB2_2:
0x17: {  	p1 =	sne.s32 s20, $0x1E00;
	[tilespmem:s19+$0x9070] =	vst v0  }
0x18: {  	[tilespmem:s19+$0x9000] =	vst v0  }
0x19: {  	[tilespmem:s19+$0x9010] =	vst v0  }
.Ltmp2:
0x1a: {  	[tilespmem:s19+$0x9020] =	vst v0;
	(pc) =	sbr.rel @p1 .LBB2_2-.Ltmp2, $4  }
0x1b: {  	[tilespmem:s19+$0x9030] =	vst v0  }
0x1c: {  	[tilespmem:s19+$0x9040] =	vst v0  }
0x1d: {  	[tilespmem:s19+$0x9050] =	vst v0  }
0x1e: {  	[tilespmem:s19+$0x9060] =	vst v0;
	s19 =	sshra.s32 s20, $0x2;
	s20 =	sadd.s32 $0x200, s20  }
0x1f: {  	[tilespmem:s19+$0x9070] =	vst v0  }
0x20: {  	[tilespmem:s19+$0x9000] =	vst v0  }
0x21: {  	[tilespmem:s19+$0x9010] =	vst v0  }
0x22: {  	[tilespmem:s19+$0x9020] =	vst v0  }
0x23: {  	[tilespmem:s19+$0x9030] =	vst v0  }
0x24: {  	[tilespmem:s19+$0x9040] =	vst v0  }
0x25: {  	[tilespmem:s19+$0x9050] =	vst v0  }
0x26: {  	[tilespmem:s19+$0x9060] =	vst v0;
	s31 =	sadd.s32 $0x0, s5  }
0x27: {  	[spmem:s31] =	stream.linear.scatter [tilespmem:s12], [sflag:$0x2], $0x800, $0x38;
	[tilespmem:$0x1D800] =	vst v63  }
0x28: {  	s19 =	simm.s32 $0x2000;
	_ =	swait.ge [sflag:s13], $0x800  }
.LBB2_4:
0x29: {  	s20 =	sshra.s32 s19, $0x2;
	[sflag:s13] =	ssyncset.done $0x0;
	p1 =	sne.s32 s19, $0x4E000  }
.Ltmp3:
0x2a: {  	s20 =	sadd.s32 s20, s5;
	[sflag:s13] =	ssyncadd.s32 $0xFFFFF800;
	(pc) =	sbr.rel @p1 .LBB2_4-.Ltmp3, $3  }
0x2b: {  	[spmem:s20] =	stream.linear.scatter [tilespmem:s12], [sflag:$0x2], $0x800, $0x38;
	[tilespmem:$0x1D800] =	vst v63  }
0x2c: {  	s19 =	sadd.s32 $0x2000, s19;
	_ =	sdelay $0x1  }
0x2d: {  	_ =	swait.ge [sflag:s13], $0x800  }
0x2e: {  	[sflag:s13] =	ssyncset.done $0x0  }
0x2f: {  	s19 =	simm.s32 $0x0;
	[sflag:s13] =	ssyncadd.s32 $0xFFFFF800  }
0x30: {  	[tilespmem:s19], [sflag:$0x2] =	stream.linear.gather [hbm4b:s6+s19], $0x2800, $0x38;
	[tilespmem:$0x1D800] =	vst v63  }
0x31: {  	_ =	swait.ge [sflag:s13], $0x2800  }
0x32: {  	[sflag:s13] =	ssyncset.done $0x0  }
0x33: {  	[sflag:s13] =	ssyncadd.s32 $0xFFFFD800  }
0x34: {  	[tilespmem:s14], [sflag:$0x2] =	stream.linear.gather [hbm4b:s7+s19], $0x2800, $0x38;
	[tilespmem:$0x1D800] =	vst v63  }
.Ltmp4:
0x35: {  	_ =	swait.ge [sflag:s13], $0x2800;
	(pc) =	sbr.rel @!p0 .LBB2_11-.Ltmp4, $4  }
0x36: {  	[sflag:s13] =	ssyncset.done $0x0  }
0x37: {  	[sflag:s13] =	ssyncadd.s32 $0xFFFFD800  }
0x38: {  	[bflag:$0x0] =	sbarrier.arrive $0xFFFF  }
0x39: {  	s19 =	simm.s32 $0x0  }
0x3a: {  	[tilespmem:s16], [sflag:$0x1] =	stream.indirect.gather [hbm4b:s2+s15], $0x80, s19, s15, $0xb8;
	[tilespmem:$0x1D800] =	vst v63  }
0x3b: {  	_ =	swait.ge [sflag:s17], $0x3E80  }
0x3c: {  	[sflag:s17] =	ssyncset.done $0x0  }
0x3d: {  	s31 =	simm.s32 $0x2800;
	[sflag:s17] =	ssyncadd.s32 $0xFFFFC180  }
0x3e: {  	[spmem:s3] =	stream.indirect.scatter.add.f32 [tilespmem:s16], [sflag:$0x2], $0x80, s31, s15, $0xb8;
	[tilespmem:$0x1D800] =	vst v63  }
0x3f: {  	_ =	swait.ge [sflag:s13], $0x3E80  }
0x40: {  	s19 =	simm.s32 $0x200;
	s20 =	simm.s32 $0x400;
	[sflag:s13] =	ssyncset.done $0x0  }
.LBB2_7:
0x41: {  	s21 =	sshra.s32 s19, $0x2  }
0x42: {  	[sflag:s13] =	ssyncadd.s32 $0xFFFFC180;
	s19 =	smov.u32 s20;
	s22 =	sadd.s32 $0x200, s20  }
0x43: {  	[tilespmem:s16], [sflag:$0x1] =	stream.indirect.gather [hbm4b:s2+s15], $0x80, s21, s15, $0xb8;
	[tilespmem:$0x1D800] =	vst v63  }
0x44: {  	p1 =	seq.s32 s20, $0x9E00;
	_ =	swait.ge [sflag:s17], $0x3E80  }
.Ltmp5:
0x45: {  	[sflag:s17] =	ssyncset.done $0x0;
	(pc) =	sbr.rel @!p1 .LBB2_7-.Ltmp5, $4  }
0x46: {  	s20 =	sadd.s32 $0x2800, s21;
	[sflag:s17] =	ssyncadd.s32 $0xFFFFC180  }
0x47: {  	[spmem:s3] =	stream.indirect.scatter.add.f32 [tilespmem:s16], [sflag:$0x2], $0x80, s20, s15, $0xb8;
	[tilespmem:$0x1D800] =	vst v63  }
0x48: {  	_ =	swait.ge [sflag:s13], $0x3E80  }
0x49: {  	s20 =	smov.u32 s22;
	[sflag:s13] =	ssyncset.done $0x0  }
0x4a: {  	s19 =	sshra.s32 s19, $0x2;
	[sflag:s13] =	ssyncadd.s32 $0xFFFFC180  }
0x4b: {  	[tilespmem:s16], [sflag:$0x1] =	stream.indirect.gather [hbm4b:s2+s15], $0x80, s19, s15, $0xb8;
	[tilespmem:$0x1D800] =	vst v63  }
0x4c: {  	_ =	swait.ge [sflag:s17], $0x3E80  }
0x4d: {  	[sflag:s17] =	ssyncset.done $0x0  }
0x4e: {  	s19 =	sadd.s32 $0x2800, s19;
	[sflag:s17] =	ssyncadd.s32 $0xFFFFC180  }
0x4f: {  	[spmem:s3] =	stream.indirect.scatter.add.f32 [tilespmem:s16], [sflag:$0x2], $0x80, s19, s15, $0xb8;
	[tilespmem:$0x1D800] =	vst v63  }
0x50: {  	p1 =	seq.s32 s9, $0x1;
	_ =	swait.ge [sflag:s13], $0x3E80  }
.Ltmp6:
0x51: {  	[sflag:s13] =	ssyncset.done $0x0;
	(pc) =	sbr.rel @p1 .LBB2_10-.Ltmp6, $4  }
0x52: {  	s31 =	sshll.u32 s1, $0x6;
	s20 =	sshrl.u32 s5, $0x3;
	[sflag:s13] =	ssyncadd.s32 $0xFFFFC180  }
0x53: {  	s21 =	sadd.s32 $0x100, s11;
	s19 =	sor.u32 $0x1C02, s31;
	[bflag:$0x0] =	sbarrier.arrive $0xFFFF  }
0x54: {  	[hbm:s11], [sflag:s19] =	dma.local [spmem:s20], $0x100  }
0x55: {  	s22 =	smov.u32 s5;
	s20 =	sadd.s32 $0xFFFFFFFF, s9;
	_ =	swait.ge [sflag:s13], $0x100  }
.LBB2_9:
0x56: {  	[sflag:s13] =	ssyncset.done $0x0;
	s22 =	sadd.s32 $0x800, s22;
	p1 =	seq.s32 s20, $0x1  }
.Ltmp7:
0x57: {  	s23 =	sshrl.u32 s22, $0x3;
	[sflag:s13] =	ssyncadd.s32 $0xFFFFFF00;
	(pc) =	sbr.rel @!p1 .LBB2_9-.Ltmp7, $3  }
0x58: {  	[hbm:s21], [sflag:s19] =	dma.local [spmem:s23], $0x100  }
0x59: {  	s20 =	sadd.s32 $0xFFFFFFFF, s20;
	_ =	sdelay $0x1  }
0x5a: {  	s21 =	sadd.s32 $0x100, s21;
	_ =	swait.ge [sflag:s13], $0x100  }
.LBB2_10:
.Ltmp8:
0x5b: {  	(pc) =	sbr.rel .LBB2_16-.Ltmp8, $3  }
0x5c: {  	_ =	sdelay $0x1  }
0x5d: {  	[sflag:s13] =	ssyncset.done $0x0  }
0x5e: {  	[sflag:s13] =	ssyncadd.s32 $0xFFFFFF00  }
.LBB2_11:
0x5f: {  	[tilespmem:s16], [sflag:$0x1] =	stream.indirect.gather [hbm4b:s8+s15], $0x80, s19, s15, $0xb8;
	[tilespmem:$0x1D800] =	vst v63  }
0x60: {  	_ =	swait.ge [sflag:s17], $0x3E80  }
0x61: {  	[sflag:s17] =	ssyncset.done $0x0  }
0x62: {  	s31 =	simm.s32 $0x2800;
	[sflag:s17] =	ssyncadd.s32 $0xFFFFC180  }
0x63: {  	[spmem:s3] =	stream.indirect.scatter.add.f32 [tilespmem:s16], [sflag:$0x2], $0x80, s31, s15, $0xb8;
	[tilespmem:$0x1D800] =	vst v63  }
0x64: {  	_ =	swait.ge [sflag:s13], $0x3E80  }
0x65: {  	s19 =	simm.s32 $0x200;
	s20 =	simm.s32 $0x400;
	[sflag:s13] =	ssyncset.done $0x0  }
.LBB2_12:
0x66: {  	s21 =	sshra.s32 s19, $0x2  }
0x67: {  	[sflag:s13] =	ssyncadd.s32 $0xFFFFC180;
	s19 =	smov.u32 s20;
	s22 =	sadd.s32 $0x200, s20  }
0x68: {  	[tilespmem:s16], [sflag:$0x1] =	stream.indirect.gather [hbm4b:s8+s15], $0x80, s21, s15, $0xb8;
	[tilespmem:$0x1D800] =	vst v63  }
0x69: {  	p1 =	seq.s32 s20, $0x9E00;
	_ =	swait.ge [sflag:s17], $0x3E80  }
.Ltmp9:
0x6a: {  	[sflag:s17] =	ssyncset.done $0x0;
	(pc) =	sbr.rel @!p1 .LBB2_12-.Ltmp9, $4  }
0x6b: {  	s20 =	sadd.s32 $0x2800, s21;
	[sflag:s17] =	ssyncadd.s32 $0xFFFFC180  }
0x6c: {  	[spmem:s3] =	stream.indirect.scatter.add.f32 [tilespmem:s16], [sflag:$0x2], $0x80, s20, s15, $0xb8;
	[tilespmem:$0x1D800] =	vst v63  }
0x6d: {  	_ =	swait.ge [sflag:s13], $0x3E80  }
0x6e: {  	s20 =	smov.u32 s22;
	[sflag:s13] =	ssyncset.done $0x0  }
0x6f: {  	s19 =	sshra.s32 s19, $0x2;
	[sflag:s13] =	ssyncadd.s32 $0xFFFFC180  }
0x70: {  	[tilespmem:s16], [sflag:$0x1] =	stream.indirect.gather [hbm4b:s8+s15], $0x80, s19, s15, $0xb8;
	[tilespmem:$0x1D800] =	vst v63  }
0x71: {  	_ =	swait.ge [sflag:s17], $0x3E80  }
0x72: {  	[sflag:s17] =	ssyncset.done $0x0  }
0x73: {  	s19 =	sadd.s32 $0x2800, s19;
	[sflag:s17] =	ssyncadd.s32 $0xFFFFC180  }
0x74: {  	[spmem:s3] =	stream.indirect.scatter.add.f32 [tilespmem:s16], [sflag:$0x2], $0x80, s19, s15, $0xb8;
	[tilespmem:$0x1D800] =	vst v63  }
0x75: {  	p1 =	sne.s32 s9, $0x1;
	_ =	swait.ge [sflag:s13], $0x3E80  }
.Ltmp10:
0x76: {  	[sflag:s13] =	ssyncset.done $0x0;
	(pc) =	sbr.rel @!p1 .LBB2_15-.Ltmp10, $4  }
0x77: {  	s31 =	sshll.u32 s1, $0x6;
	s20 =	sshrl.u32 s5, $0x3;
	[sflag:s13] =	ssyncadd.s32 $0xFFFFC180  }
0x78: {  	s21 =	sadd.s32 $0x100, s18;
	s19 =	sor.u32 $0x1C02, s31;
	[bflag:$0x0] =	sbarrier.arrive $0xFFFF  }
0x79: {  	[hbm:s18], [sflag:s19] =	dma.local [spmem:s20], $0x100  }
0x7a: {  	s22 =	smov.u32 s5;
	s20 =	sadd.s32 $0xFFFFFFFF, s9;
	_ =	swait.ge [sflag:s13], $0x100  }
.LBB2_14:
0x7b: {  	[sflag:s13] =	ssyncset.done $0x0;
	s22 =	sadd.s32 $0x800, s22;
	p1 =	sne.s32 s20, $0x1  }
.Ltmp11:
0x7c: {  	s23 =	sshrl.u32 s22, $0x3;
	[sflag:s13] =	ssyncadd.s32 $0xFFFFFF00;
	(pc) =	sbr.rel @p1 .LBB2_14-.Ltmp11, $3  }
0x7d: {  	[hbm:s21], [sflag:s19] =	dma.local [spmem:s23], $0x100  }
0x7e: {  	s20 =	sadd.s32 $0xFFFFFFFF, s20;
	_ =	sdelay $0x1  }
0x7f: {  	s21 =	sadd.s32 $0x100, s21;
	_ =	swait.ge [sflag:s13], $0x100  }
.Ltmp12:
0x80: {  	_ = 	snop;
	(pc) =	sbr.rel .LBB2_15-.Ltmp12, $1  }
0x81: {  	_ =	sdelay $0x3  }
.LBB2_17:
0x82: {  	_ =	sfence.sel $0x180000  }
0x83: {  	[bflag:$0x0] =	sbarrier.arrive $0xFFFF  }
0x84: {  	p0 =	sne.s32 s1, $0x0;
	_ =	strace $0x9000004D  }
0x85: {  	s0 =	sadd.s32 @!p0 $0x100000, s0;
	[bflag:$0x2] =	sbarrier.arrive $0xFFFF  }
0x86: {  	[sflag:s0] =	ssyncadd.tile.s32 @!p0 $0x1;
	_ =	shalt  }
.Lfunc_end2:
_tile_overlayer_lowered:
.L_overlay_start_2:
0x87: {  	(tag) =	ssettag $0x2  }
0x88: {  	s0 =	rddreg [dreg:$0x0];
	s2 =	stileid.u32  }
0x89: {  	s1 =	rddreg [dreg:$0x1];
	p0 =	sne.s32 s2, $0x0  }
0x8a: {  	s3 =	rddreg [dreg:$0x2];
	[bflag:$0x3] =	sbarrier.arrive $0xFFFF;
	s2 =	simm.s32 @!p0 $0x1C02  }
0x8b: {  	[timem:s3], [sflag:s2] =	dma.local @!p0 [hbm:s0], s1  }
0x8c: {  	s0 =	simm.s32 @!p0 $0x2  }
0x8d: {  	_ =	swait.ge @!p0 [sflag:s0], s1  }
0x8e: {  	s1 =	ssub.s32 @!p0 $0x0, s1;
	[sflag:s0] =	ssyncset.done @!p0 $0x0  }
0x8f: {  	[sflag:s0] =	ssyncadd.s32 @!p0 s1  }
0x90: {  	[bflag:$0x3] =	sbarrier.arrive $0xFFFF  }
0x91: {  	_ =	shalt  }

// kernel: kernel.21.cloned.1.call-start
scs
__scs_entry_jumppad:
0x0: {  	(pc) =	sbr.rel $0x88, $3  }
0x1: {  	(tag) =	ssettag $0x0;
	lr =	simm.s32 $0x1  }
0x2: {  	[smem:$0x3F98] =	sst lr;
	_ =	strace $0xD0000000  }
0x3: {  	_ = 	snop  }
0x4: {  	_ = 	snop  }
0x5: {  	_ = 	snop  }
0x6: {  	_ = 	snop  }
0x7: {  	_ = 	snop  }
__scs_overlays_trampoline_lowered:
0x8: {  	[smem:$0x3FA7] =	sst s0  }
0x9: {  	[smem:$0x3FA8] =	sst s1  }
0xa: {  	[smem:$0x3FA9] =	sst s2  }
0xb: {  	[smem:$0x3FAA] =	sst s3  }
0xc: {  	[smem:$0x3FAB] =	sst s4  }
0xd: {  	[smem:$0x3FAC] =	sst s5  }
0xe: {  	[smem:$0x3FAD] =	sst s6  }
0xf: {  	[smem:$0x3FAE] =	sst s7  }
0x10: {  	[smem:$0x3FAF] =	sst s8  }
0x11: {  	[smem:$0x3FB0] =	sst s9;
	s0 =	simm.s32 @!p0 $0x0  }
0x12: {  	s1 =	sld [smem:$0x3F96];
	s0 =	simm.s32 @p0 $0x1  }
0x13: {  	[smem:$0x3FB1] =	sst s0;
	s0 =	simm.s32 @!p1 $0x0  }
0x14: {  	s2 =	sld [smem:$0x3F95];
	s0 =	simm.s32 @p1 $0x1  }
0x15: {  	[smem:$0x3FB2] =	sst s0;
	s0 =	simm.s32 @!p2 $0x0  }
0x16: {  	s3 =	sld [smem:$0x3FDB];
	s0 =	simm.s32 @p2 $0x1  }
0x17: {  	s4 =	simm.s32 $0x1BF5;
	[smem:$0x3FB4] =	sst s0  }
0x18: {  	s0 =	sld [smem:$0x3F97];
	_ =	swait.ge [sflag:s4], $0x0  }
0x19: {  	s7 =	sld [smem:$0x3F98]  }
0x1a: {  	s8 =	sadd.s32 $0xFFFFE003, lr  }
0x1b: {  	s9 =	sadd.s32 $0xFFFFFEF7, lr;
	s5 =	simm.s32 $0xFFFFFFFF;
	p2 =	slt.u32 s8, $0xFFFFF086  }
0x1c: {  	p1 =	slt.u32 s9, $0xF7A;
	s5 =	simm.s32 @!p2 $0x0  }
0x1d: {  	s5 =	simm.s32 @p1 $0x1;
	p0 =	seq.s32 s7, s2  }
0x1e: {  	s7 =	smul.u32 @!p0 $0xF7A, s2;
	p2 =	seq.s32 @!p0 s5, $0x0  }
0x1f: {  	s9 =	smul.u32 $0xF7A, s1;
	s8 =	simm.s32 @!p0 $0x1BF5;
	p2 =	por !p2, p0  }
0x20: {  	[sflag:s8] =	ssyncset.s32 @!p0 $0xFFFFF086;
	s6 =	sadd.s32 @!p0 s3, s7;
	s7 =	simm.s32 @!p0 $0x108  }
0x21: {  	s3 =	sadd.s32 s3, s9;
	s6 =	sadd.s32 @!p0 $0x88, s6;
	s7 =	simm.s32 @p2 $0x1082  }
0x22: {  	[simem:s7], [sflag:s8] =	dma.local @!p0 [hbm:s6], $0xF7A  }
0x23: {  	s9 =	sor.u32 $0xD0000000, s2;
	s6 =	simm.s32 $0x108;
	_ =	swait.ge @!p0 [sflag:s8], $0x0  }
0x24: {  	s3 =	sadd.s32 $0x88, s3;
	s6 =	simm.s32 @!p1 $0x1082;
	[sflag:s4] =	ssyncset.s32 $0xFFFFF086  }
0x25: {  	[simem:s6], [sflag:s4] =	dma.local [hbm:s3], $0xF7A  }
0x26: {  	[smem:$0x3F98] =	sst s1;
	(tag) =	ssettag s2;
	_ =	strace s9  }
0x27: {  	s1 =	sld [smem:$0x3FA8]  }
0x28: {  	s2 =	sld [smem:$0x3FA9]  }
0x29: {  	s4 =	sld [smem:$0x3FAB]  }
0x2a: {  	p0 =	seq.s32 s5, $0x0;
	s5 =	sld [smem:$0x3FAC]  }
0x2b: {  	s6 =	sld [smem:$0x3FAD]  }
0x2c: {  	s7 =	sld [smem:$0x3FAE]  }
0x2d: {  	s3 =	simm.s32 $0x108;
	s8 =	sld [smem:$0x3FAF]  }
0x2e: {  	s3 =	simm.s32 @!p0 $0x1082;
	s9 =	sld [smem:$0x3FB0]  }
0x2f: {  	lr =	sadd.s32 s0, s3;
	s0 =	sld [smem:$0x3FA7]  }
0x30: {  	s3 =	sld [smem:$0x3FAA]  }
0x31: {  	[smem:$0x3FB3] =	sst s10  }
0x32: {  	s10 =	sld [smem:$0x3FB1];
	_ =	sdelay $0x3  }
0x33: {  	p0 =	seq.s32 s10, $0x1;
	s10 =	sld [smem:$0x3FB3];
	_ =	sdelay $0x3  }
0x34: {  	[smem:$0x3FB3] =	sst s10  }
0x35: {  	s10 =	sld [smem:$0x3FB2];
	_ =	sdelay $0x3  }
0x36: {  	p1 =	seq.s32 s10, $0x1;
	s10 =	sld [smem:$0x3FB3];
	_ =	sdelay $0x3  }
0x37: {  	[smem:$0x3FB3] =	sst s10  }
0x38: {  	s10 =	sld [smem:$0x3FB4]  }
0x39: {  	_ = 	snop;
	(pc) =	sbr.ind lr, $3  }
0x3a: {  	_ = 	snop  }
0x3b: {  	_ = 	snop  }
0x3c: {  	p2 =	seq.s32 s10, $0x1;
	s10 =	sld [smem:$0x3FB3]  }
0x3d: {  	_ =	shalt  }
0x3e: {  	_ =	shalt  }
0x3f: {  	_ =	shalt  }
0x40: {  	_ =	shalt  }
0x41: {  	_ =	shalt  }
0x42: {  	_ =	shalt  }
0x43: {  	_ =	shalt  }
0x44: {  	_ =	shalt  }
0x45: {  	_ =	shalt  }
0x46: {  	_ =	shalt  }
0x47: {  	_ =	shalt  }
0x48: {  	_ =	shalt  }
0x49: {  	_ =	shalt  }
0x4a: {  	_ =	shalt  }
0x4b: {  	_ =	shalt  }
0x4c: {  	_ =	shalt  }
0x4d: {  	_ =	shalt  }
0x4e: {  	_ =	shalt  }
0x4f: {  	_ =	shalt  }
0x50: {  	_ =	shalt  }
0x51: {  	_ =	shalt  }
0x52: {  	_ =	shalt  }
0x53: {  	_ =	shalt  }
0x54: {  	_ =	shalt  }
0x55: {  	_ =	shalt  }
0x56: {  	_ =	shalt  }
0x57: {  	_ =	shalt  }
0x58: {  	_ =	shalt  }
0x59: {  	_ =	shalt  }
0x5a: {  	_ =	shalt  }
0x5b: {  	_ =	shalt  }
0x5c: {  	_ =	shalt  }
0x5d: {  	_ =	shalt  }
0x5e: {  	_ =	shalt  }
0x5f: {  	_ =	shalt  }
0x60: {  	_ =	shalt  }
0x61: {  	_ =	shalt  }
0x62: {  	_ =	shalt  }
0x63: {  	_ =	shalt  }
0x64: {  	_ =	shalt  }
0x65: {  	_ =	shalt  }
0x66: {  	_ =	shalt  }
0x67: {  	_ =	shalt  }
0x68: {  	_ =	shalt  }
0x69: {  	_ =	shalt  }
0x6a: {  	_ =	shalt  }
0x6b: {  	_ =	shalt  }
0x6c: {  	_ =	shalt  }
0x6d: {  	_ =	shalt  }
0x6e: {  	_ =	shalt  }
0x6f: {  	_ =	shalt  }
0x70: {  	_ =	shalt  }
0x71: {  	_ =	shalt  }
0x72: {  	_ =	shalt  }
0x73: {  	_ =	shalt  }
0x74: {  	_ =	shalt  }
0x75: {  	_ =	shalt  }
0x76: {  	_ =	shalt  }
0x77: {  	_ =	shalt  }
0x78: {  	_ =	shalt  }
0x79: {  	_ =	shalt  }
0x7a: {  	_ =	shalt  }
0x7b: {  	_ =	shalt  }
0x7c: {  	_ =	shalt  }
0x7d: {  	_ =	shalt  }
0x7e: {  	_ =	shalt  }
0x7f: {  	_ =	shalt  }
0x80: {  	_ =	shalt  }
0x81: {  	_ =	shalt  }
0x82: {  	_ =	shalt  }
0x83: {  	_ =	shalt  }
0x84: {  	_ =	shalt  }
0x85: {  	_ =	shalt  }
0x86: {  	_ =	shalt  }
0x87: {  	_ =	shalt  }
.Lfunc_end0:
.L_simem_size_0:
called_computation.3_lowered:
.L_overlay_start_0:
0x88: {  	s2 =	sld [smem:$0x3FD9]  }
0x89: {  	s3 =	sld [smem:$0x3FFE];
	_ =	sdelay $0x1  }
0x8a: {  	s1 =	srdreg.scid  }
0x8b: {  	s0 =	sand.u32 $0x1, s1  }
0x8c: {  	s14 =	sshll.u32 s0, $0xA;
	s2 =	sadd.s32 s3, s2  }
0x8d: {  	s2 =	sadd.s32 s2, s14  }
0x8e: {  	[smem:$0x3FBF] =	sst s2  }
0x8f: {  	_ = 	snop  }
0x90: {  	s2 =	sld [smem:$0x3FD0];
	_ =	sdelay $0x2  }
0x91: {  	s15 =	simm.s32 $0xA;
	s4 =	simm.s32 $0x10  }
0x92: {  	[smem:s4], [sflag:s15] =	dma.local [hbm:s2], $0x1  }
0x93: {  	_ =	swait.eq [sflag:s15], $0x1  }
0x94: {  	[sflag:s15] =	ssyncset.done $0x0  }
0x95: {  	[sflag:s15] =	ssyncadd.s32 $0xFFFFFFFF  }
0x96: {  	s16 =	sld [smem:$0x11];
	(tm) =	ssettm $0x1  }
0x97: {  	s17 =	sld [smem:$0x3FFB];
	_ =	sdelay $0x3  }
0x98: {  	_ =	strace s17  }
0x99: {  	s3 =	sld [smem:$0x3FFC];
	_ =	sdelay $0x3  }
0x9a: {  	_ =	strace s3  }
0x9b: {  	s3 =	sld [smem:$0x3FFD];
	_ =	sdelay $0x3  }
0x9c: {  	_ =	strace s3  }
0x9d: {  	_ =	strace $0x8FFFFFFF  }
0x9e: {  	s18 =	sld [smem:$0x3FDB];
	_ =	sdelay $0x1  }
0x9f: {  	s19 =	simm.s32 $_scs_section_size  }
0xa0: {  	s5 =	simm.s32 $_size__tile_overlayer_lowered;
	s6 =	simm.s32 $_tile_overlayer_lowered  }
0xa1: {  	s22 =	simm.s32 $0x1BFF;
	s21 =	sshll.u32 s6, $0x1;
	s3 =	sadd.s32 s19, s18  }
0xa2: {  	s7 =	simm.s32 $0x0;
	s20 =	sshll.u32 s5, $0x1;
	s5 =	sadd.s32 s21, s3  }
0xa3: {  	[timem:s7], [sflag:s22] =	dma.local [hbm:s5], s20  }
0xa4: {  	_ =	swait.ge [sflag:s22], s20  }
0xa5: {  	s4 =	ssub.s32 $0x0, s20;
	[sflag:s22] =	ssyncset.done $0x0  }
0xa6: {  	[sflag:s22] =	ssyncadd.s32 s4;
	_ =	sdelay $0x1  }
0xa7: {  	s23 =	simm.s32 $0x1B8B  }
0xa8: {  	_ =	swait.ge [sflag:s23], $0x1  }
0xa9: {  	[sflag:s23] =	ssyncset.done $0x0  }
0xaa: {  	s25 =	simm.s32 $0x1B8E;
	s24 =	sld [smem:$0x3FFE];
	[sflag:s23] =	ssyncadd.s32 $0xFFFFFFFF  }
0xab: {  	s26 =	simm.s32 $execute0_lowered;
	[smem:$0x3FD2] =	sst s25  }
0xac: {  	s5 =	sshll.u32 s26, $0x1;
	_ =	strace $0x8000004F;
	[dreg:$0x1] =	wrdreg $0xFFFFFFFF  }
0xad: {  	s28 =	simm.s32 $_size_execute0_lowered;
	s3 =	sadd.s32 s3, s5;
	[dreg:$0x0] =	wrdreg $0x0  }
0xae: {  	s5 =	sshll.u32 s28, $0x1;
	[dreg:$0x2] =	wrdreg s3  }
0xaf: {  	[dreg:$0x3] =	wrdreg s5  }
0xb0: {  	[dreg:$0x4] =	wrdreg $0xC0  }
0xb1: {  	_ =	task [dreg:s7], $0x5FFFF  }
0xb2: {  	[dreg:$0x1] =	wrdreg $0xFFFFFFFF  }
0xb3: {  	[dreg:$0x0] =	wrdreg $0x60  }
0xb4: {  	[dreg:$0x2] =	wrdreg s24  }
0xb5: {  	[dreg:$0x3] =	wrdreg s16  }
0xb6: {  	[dreg:$0x4] =	wrdreg $0x98000  }
0xb7: {  	[dreg:$0x5] =	wrdreg $0x9  }
0xb8: {  	_ =	task.clear_ibuf [dreg:s7], $0x6FFFF;
	_ =	strace $0x9000004F  }
0xb9: {  	s29 =	simm.s32 $0x9;
	_ =	strace $0x80000051  }
0xba: {  	_ =	swait.ge [sflag:s29], $0x1  }
0xbb: {  	[sflag:s29] =	ssyncadd.s32 $0xFFFFFFFF  }
0xbc: {  	_ =	strace $0x90000051  }
0xbd: {  	_ =	sfence  }
0xbe: {  	s30 =	sld [smem:$0x0];
	_ =	sdelay $0x2  }
0xbf: {  	s31 =	sshll.u32 s1, $0xD;
	s1 =	sshrl.u32 s1, $0x2  }
0xc0: {  	s3 =	sand.u32 $0x4000, s31;
	s1 =	sadd.s32 s1, s30  }
0xc1: {  	s0 =	sor.u32 s3, s0;
	s1 =	sshll.u32 s1, $0x11  }
0xc2: {  	s0 =	sor.u32 s1, s0  }
0xc3: {  	s0 =	sadd.s32 $0x8F2B, s0  }
0xc4: {  	[sflag:s0] =	ssyncadd.remote.s32 $0x1  }
0xc5: {  	_ =	sfence.sel $0xFFFF  }
0xc6: {  	[dreg:$0x0] =	wrdreg $0xFFFFFFFF;
	(pc) =	sbr.abs _section_cstart, $3  }
0xc7: {  	[dreg:$0x1] =	wrdreg $0xFFFFFFFF  }
0xc8: {  	_ =	task.clear_ibuf [dreg:s7], $0x2FFFF;
	_ =	strace $0x9FFFFFFF  }
0xc9: {  	(tm) =	ssettm $0x7FFFFFFF  }
tec
execute0_lowered:
.L_overlay_start_1:
0x0: {  	(tag) =	ssettag $0x1  }
0x1: {  	s8 =	rddreg [dreg:$0x0]  }
0x2: {  	s11 =	rddreg [dreg:$0x1]  }
0x3: {  	s2 =	rddreg [dreg:$0x2]  }
0x4: {  	s0 =	rddreg [dreg:$0x3];
	s3 =	simm.s32 $0x0  }
0x5: {  	s1 =	stileid.u32;
	s4 =	srdreg.scid;
	s13 =	simm.s32 $0x2  }
0x6: {  	s15 =	simm.s32 $0x7D;
	s16 =	simm.s32 $0x5000;
	s17 =	simm.s32 $0x1  }
0x7: {  	[smem:$0x7FF] =	sst s3;
	s14 =	sand.u32 $0x1, s4;
	s5 =	smul.u32 $0x50000, s1  }
0x8: {  	s6 =	smul.u32 $0x500, s1;
	s4 =	sadd.s32 $0xB5000, s8;
	p0 =	seq.s32 s1, $0xF  }
0x9: {  	s18 =	smul.u32 $0x2800, s1;
	s19 =	sadd.s32 $0x27100, s11;
	s7 =	ssub.s32 $0x2, s14  }
0xa: {  	_ =	strace $0x80000050;
	s9 =	sshrl.u32 s7, $0x1;
	s5 =	sshrl.u32 s5, $0x2  }
.Ltmp0:
0xb: {  	s10 =	sadd.s32 s6, s8;
	s8 =	sadd.s32 $0xDC100, s8;
	(pc) =	sbr.rel .LBB2_1-.Ltmp0, $4  }
0xc: {  	s11 =	sadd.s32 s18, s11;
	s18 =	sadd.s32 s19, s18;
	s12 =	ssub.s32 s7, s9  }
0xd: {  	s5 =	sadd.s32 s5, s2;
	s6 =	sadd.s32 $0xCE00, s10;
	s9 =	simm.s32 $0x19  }
0xe: {  	s7 =	sadd.s32 $0x7E00, s10;
	s9 =	simm.s32 @!p0 $0x28;
	s10 =	smax.u32 s12, $0x1  }
0xf: {  	v0 =	vimm.f32 $0.0e+00;
	s12 =	simm.s32 $0x9000;
	p0 =	seq.s32 s14, $0x0;
	s14 =	simm.s32 $0x2800  }
.LBB2_15:
0x10: {  	[sflag:s13] =	ssyncset.done $0x0  }
0x11: {  	[sflag:s13] =	ssyncadd.s32 $0xFFFFFF00  }
.LBB2_16:
0x12: {  	s3 =	sadd.s32 $0x1, s3  }
0x13: {  	p1 =	sne.s32 s3, s10  }
.Ltmp1:
0x14: {  	_ = 	snop;
	(pc) =	sbr.rel @!p1 .LBB2_17-.Ltmp1, $1  }
0x15: {  	_ =	sdelay $0x3  }
.LBB2_1:
0x16: {  	s19 =	simm.s32 $0x0;
	s20 =	simm.s32 $0x200  }
.LBB2_2:
0x17: {  	p1 =	sne.s32 s20, $0x1E00;
	[tilespmem:s19+$0x9070] =	vst v0  }
0x18: {  	[tilespmem:s19+$0x9000] =	vst v0  }
0x19: {  	[tilespmem:s19+$0x9010] =	vst v0  }
.Ltmp2:
0x1a: {  	[tilespmem:s19+$0x9020] =	vst v0;
	(pc) =	sbr.rel @p1 .LBB2_2-.Ltmp2, $4  }
0x1b: {  	[tilespmem:s19+$0x9030] =	vst v0  }
0x1c: {  	[tilespmem:s19+$0x9040] =	vst v0  }
0x1d: {  	[tilespmem:s19+$0x9050] =	vst v0  }
0x1e: {  	[tilespmem:s19+$0x9060] =	vst v0;
	s19 =	sshra.s32 s20, $0x2;
	s20 =	sadd.s32 $0x200, s20  }
0x1f: {  	[tilespmem:s19+$0x9070] =	vst v0  }
0x20: {  	[tilespmem:s19+$0x9000] =	vst v0  }
0x21: {  	[tilespmem:s19+$0x9010] =	vst v0  }
0x22: {  	[tilespmem:s19+$0x9020] =	vst v0  }
0x23: {  	[tilespmem:s19+$0x9030] =	vst v0  }
0x24: {  	[tilespmem:s19+$0x9040] =	vst v0  }
0x25: {  	[tilespmem:s19+$0x9050] =	vst v0  }
0x26: {  	[tilespmem:s19+$0x9060] =	vst v0;
	s31 =	sadd.s32 $0x0, s5  }
0x27: {  	[spmem:s31] =	stream.linear.scatter [tilespmem:s12], [sflag:$0x2], $0x800, $0x38;
	[tilespmem:$0x1D800] =	vst v63  }
0x28: {  	s19 =	simm.s32 $0x2000;
	_ =	swait.ge [sflag:s13], $0x800  }
.LBB2_4:
0x29: {  	s20 =	sshra.s32 s19, $0x2;
	[sflag:s13] =	ssyncset.done $0x0;
	p1 =	sne.s32 s19, $0x4E000  }
.Ltmp3:
0x2a: {  	s20 =	sadd.s32 s20, s5;
	[sflag:s13] =	ssyncadd.s32 $0xFFFFF800;
	(pc) =	sbr.rel @p1 .LBB2_4-.Ltmp3, $3  }
0x2b: {  	[spmem:s20] =	stream.linear.scatter [tilespmem:s12], [sflag:$0x2], $0x800, $0x38;
	[tilespmem:$0x1D800] =	vst v63  }
0x2c: {  	s19 =	sadd.s32 $0x2000, s19;
	_ =	sdelay $0x1  }
0x2d: {  	_ =	swait.ge [sflag:s13], $0x800  }
0x2e: {  	[sflag:s13] =	ssyncset.done $0x0  }
0x2f: {  	s19 =	simm.s32 $0x0;
	[sflag:s13] =	ssyncadd.s32 $0xFFFFF800  }
0x30: {  	[tilespmem:s19], [sflag:$0x2] =	stream.linear.gather [hbm4b:s6+s19], $0x2800, $0x38;
	[tilespmem:$0x1D800] =	vst v63  }
0x31: {  	_ =	swait.ge [sflag:s13], $0x2800  }
0x32: {  	[sflag:s13] =	ssyncset.done $0x0  }
0x33: {  	[sflag:s13] =	ssyncadd.s32 $0xFFFFD800  }
0x34: {  	[tilespmem:s14], [sflag:$0x2] =	stream.linear.gather [hbm4b:s7+s19], $0x2800, $0x38;
	[tilespmem:$0x1D800] =	vst v63  }
.Ltmp4:
0x35: {  	_ =	swait.ge [sflag:s13], $0x2800;
	(pc) =	sbr.rel @!p0 .LBB2_11-.Ltmp4, $4  }
0x36: {  	[sflag:s13] =	ssyncset.done $0x0  }
0x37: {  	[sflag:s13] =	ssyncadd.s32 $0xFFFFD800  }
0x38: {  	[bflag:$0x0] =	sbarrier.arrive $0xFFFF  }
0x39: {  	s19 =	simm.s32 $0x0  }
0x3a: {  	[tilespmem:s16], [sflag:$0x1] =	stream.indirect.gather [hbm4b:s4+s15], $0x80, s19, s15, $0xb8;
	[tilespmem:$0x1D800] =	vst v63  }
0x3b: {  	_ =	swait.ge [sflag:s17], $0x3E80  }
0x3c: {  	[sflag:s17] =	ssyncset.done $0x0  }
0x3d: {  	s31 =	simm.s32 $0x2800;
	[sflag:s17] =	ssyncadd.s32 $0xFFFFC180  }
0x3e: {  	[spmem:s2] =	stream.indirect.scatter.add.f32 [tilespmem:s16], [sflag:$0x2], $0x80, s31, s15, $0xb8;
	[tilespmem:$0x1D800] =	vst v63  }
0x3f: {  	_ =	swait.ge [sflag:s13], $0x3E80  }
0x40: {  	s19 =	simm.s32 $0x200;
	s20 =	simm.s32 $0x400;
	[sflag:s13] =	ssyncset.done $0x0  }
.LBB2_7:
0x41: {  	s21 =	sshra.s32 s19, $0x2  }
0x42: {  	[sflag:s13] =	ssyncadd.s32 $0xFFFFC180;
	s19 =	smov.u32 s20;
	s22 =	sadd.s32 $0x200, s20  }
0x43: {  	[tilespmem:s16], [sflag:$0x1] =	stream.indirect.gather [hbm4b:s4+s15], $0x80, s21, s15, $0xb8;
	[tilespmem:$0x1D800] =	vst v63  }
0x44: {  	p1 =	seq.s32 s20, $0x9E00;
	_ =	swait.ge [sflag:s17], $0x3E80  }
.Ltmp5:
0x45: {  	[sflag:s17] =	ssyncset.done $0x0;
	(pc) =	sbr.rel @!p1 .LBB2_7-.Ltmp5, $4  }
0x46: {  	s20 =	sadd.s32 $0x2800, s21;
	[sflag:s17] =	ssyncadd.s32 $0xFFFFC180  }
0x47: {  	[spmem:s2] =	stream.indirect.scatter.add.f32 [tilespmem:s16], [sflag:$0x2], $0x80, s20, s15, $0xb8;
	[tilespmem:$0x1D800] =	vst v63  }
0x48: {  	_ =	swait.ge [sflag:s13], $0x3E80  }
0x49: {  	s20 =	smov.u32 s22;
	[sflag:s13] =	ssyncset.done $0x0  }
0x4a: {  	s19 =	sshra.s32 s19, $0x2;
	[sflag:s13] =	ssyncadd.s32 $0xFFFFC180  }
0x4b: {  	[tilespmem:s16], [sflag:$0x1] =	stream.indirect.gather [hbm4b:s4+s15], $0x80, s19, s15, $0xb8;
	[tilespmem:$0x1D800] =	vst v63  }
0x4c: {  	_ =	swait.ge [sflag:s17], $0x3E80  }
0x4d: {  	[sflag:s17] =	ssyncset.done $0x0  }
0x4e: {  	s19 =	sadd.s32 $0x2800, s19;
	[sflag:s17] =	ssyncadd.s32 $0xFFFFC180  }
0x4f: {  	[spmem:s2] =	stream.indirect.scatter.add.f32 [tilespmem:s16], [sflag:$0x2], $0x80, s19, s15, $0xb8;
	[tilespmem:$0x1D800] =	vst v63  }
0x50: {  	p1 =	seq.s32 s9, $0x1;
	_ =	swait.ge [sflag:s13], $0x3E80  }
.Ltmp6:
0x51: {  	[sflag:s13] =	ssyncset.done $0x0;
	(pc) =	sbr.rel @p1 .LBB2_10-.Ltmp6, $4  }
0x52: {  	s31 =	sshll.u32 s1, $0x6;
	s20 =	sshrl.u32 s5, $0x3;
	[sflag:s13] =	ssyncadd.s32 $0xFFFFC180  }
0x53: {  	s21 =	sadd.s32 $0x100, s11;
	s19 =	sor.u32 $0x1C02, s31;
	[bflag:$0x0] =	sbarrier.arrive $0xFFFF  }
0x54: {  	[hbm:s11], [sflag:s19] =	dma.local [spmem:s20], $0x100  }
0x55: {  	s22 =	smov.u32 s5;
	s20 =	sadd.s32 $0xFFFFFFFF, s9;
	_ =	swait.ge [sflag:s13], $0x100  }
.LBB2_9:
0x56: {  	[sflag:s13] =	ssyncset.done $0x0;
	s22 =	sadd.s32 $0x800, s22;
	p1 =	seq.s32 s20, $0x1  }
.Ltmp7:
0x57: {  	s23 =	sshrl.u32 s22, $0x3;
	[sflag:s13] =	ssyncadd.s32 $0xFFFFFF00;
	(pc) =	sbr.rel @!p1 .LBB2_9-.Ltmp7, $3  }
0x58: {  	[hbm:s21], [sflag:s19] =	dma.local [spmem:s23], $0x100  }
0x59: {  	s20 =	sadd.s32 $0xFFFFFFFF, s20;
	_ =	sdelay $0x1  }
0x5a: {  	s21 =	sadd.s32 $0x100, s21;
	_ =	swait.ge [sflag:s13], $0x100  }
.LBB2_10:
.Ltmp8:
0x5b: {  	(pc) =	sbr.rel .LBB2_16-.Ltmp8, $3  }
0x5c: {  	_ =	sdelay $0x1  }
0x5d: {  	[sflag:s13] =	ssyncset.done $0x0  }
0x5e: {  	[sflag:s13] =	ssyncadd.s32 $0xFFFFFF00  }
.LBB2_11:
0x5f: {  	[tilespmem:s16], [sflag:$0x1] =	stream.indirect.gather [hbm4b:s8+s15], $0x80, s19, s15, $0xb8;
	[tilespmem:$0x1D800] =	vst v63  }
0x60: {  	_ =	swait.ge [sflag:s17], $0x3E80  }
0x61: {  	[sflag:s17] =	ssyncset.done $0x0  }
0x62: {  	s31 =	simm.s32 $0x2800;
	[sflag:s17] =	ssyncadd.s32 $0xFFFFC180  }
0x63: {  	[spmem:s2] =	stream.indirect.scatter.add.f32 [tilespmem:s16], [sflag:$0x2], $0x80, s31, s15, $0xb8;
	[tilespmem:$0x1D800] =	vst v63  }
0x64: {  	_ =	swait.ge [sflag:s13], $0x3E80  }
0x65: {  	s19 =	simm.s32 $0x200;
	s20 =	simm.s32 $0x400;
	[sflag:s13] =	ssyncset.done $0x0  }
.LBB2_12:
0x66: {  	s21 =	sshra.s32 s19, $0x2  }
0x67: {  	[sflag:s13] =	ssyncadd.s32 $0xFFFFC180;
	s19 =	smov.u32 s20;
	s22 =	sadd.s32 $0x200, s20  }
0x68: {  	[tilespmem:s16], [sflag:$0x1] =	stream.indirect.gather [hbm4b:s8+s15], $0x80, s21, s15, $0xb8;
	[tilespmem:$0x1D800] =	vst v63  }
0x69: {  	p1 =	seq.s32 s20, $0x9E00;
	_ =	swait.ge [sflag:s17], $0x3E80  }
.Ltmp9:
0x6a: {  	[sflag:s17] =	ssyncset.done $0x0;
	(pc) =	sbr.rel @!p1 .LBB2_12-.Ltmp9, $4  }
0x6b: {  	s20 =	sadd.s32 $0x2800, s21;
	[sflag:s17] =	ssyncadd.s32 $0xFFFFC180  }
0x6c: {  	[spmem:s2] =	stream.indirect.scatter.add.f32 [tilespmem:s16], [sflag:$0x2], $0x80, s20, s15, $0xb8;
	[tilespmem:$0x1D800] =	vst v63  }
0x6d: {  	_ =	swait.ge [sflag:s13], $0x3E80  }
0x6e: {  	s20 =	smov.u32 s22;
	[sflag:s13] =	ssyncset.done $0x0  }
0x6f: {  	s19 =	sshra.s32 s19, $0x2;
	[sflag:s13] =	ssyncadd.s32 $0xFFFFC180  }
0x70: {  	[tilespmem:s16], [sflag:$0x1] =	stream.indirect.gather [hbm4b:s8+s15], $0x80, s19, s15, $0xb8;
	[tilespmem:$0x1D800] =	vst v63  }
0x71: {  	_ =	swait.ge [sflag:s17], $0x3E80  }
0x72: {  	[sflag:s17] =	ssyncset.done $0x0  }
0x73: {  	s19 =	sadd.s32 $0x2800, s19;
	[sflag:s17] =	ssyncadd.s32 $0xFFFFC180  }
0x74: {  	[spmem:s2] =	stream.indirect.scatter.add.f32 [tilespmem:s16], [sflag:$0x2], $0x80, s19, s15, $0xb8;
	[tilespmem:$0x1D800] =	vst v63  }
0x75: {  	p1 =	sne.s32 s9, $0x1;
	_ =	swait.ge [sflag:s13], $0x3E80  }
.Ltmp10:
0x76: {  	[sflag:s13] =	ssyncset.done $0x0;
	(pc) =	sbr.rel @!p1 .LBB2_15-.Ltmp10, $4  }
0x77: {  	s31 =	sshll.u32 s1, $0x6;
	s20 =	sshrl.u32 s5, $0x3;
	[sflag:s13] =	ssyncadd.s32 $0xFFFFC180  }
0x78: {  	s21 =	sadd.s32 $0x100, s18;
	s19 =	sor.u32 $0x1C02, s31;
	[bflag:$0x0] =	sbarrier.arrive $0xFFFF  }
0x79: {  	[hbm:s18], [sflag:s19] =	dma.local [spmem:s20], $0x100  }
0x7a: {  	s22 =	smov.u32 s5;
	s20 =	sadd.s32 $0xFFFFFFFF, s9;
	_ =	swait.ge [sflag:s13], $0x100  }
.LBB2_14:
0x7b: {  	[sflag:s13] =	ssyncset.done $0x0;
	s22 =	sadd.s32 $0x800, s22;
	p1 =	sne.s32 s20, $0x1  }
.Ltmp11:
0x7c: {  	s23 =	sshrl.u32 s22, $0x3;
	[sflag:s13] =	ssyncadd.s32 $0xFFFFFF00;
	(pc) =	sbr.rel @p1 .LBB2_14-.Ltmp11, $3  }
0x7d: {  	[hbm:s21], [sflag:s19] =	dma.local [spmem:s23], $0x100  }
0x7e: {  	s20 =	sadd.s32 $0xFFFFFFFF, s20;
	_ =	sdelay $0x1  }
0x7f: {  	s21 =	sadd.s32 $0x100, s21;
	_ =	swait.ge [sflag:s13], $0x100  }
.Ltmp12:
0x80: {  	_ = 	snop;
	(pc) =	sbr.rel .LBB2_15-.Ltmp12, $1  }
0x81: {  	_ =	sdelay $0x3  }
.LBB2_17:
0x82: {  	_ =	sfence.sel $0x180000  }
0x83: {  	[bflag:$0x0] =	sbarrier.arrive $0xFFFF  }
0x84: {  	p0 =	sne.s32 s1, $0x0;
	_ =	strace $0x90000050  }
0x85: {  	s0 =	sadd.s32 @!p0 $0x100000, s0;
	[bflag:$0x2] =	sbarrier.arrive $0xFFFF  }
0x86: {  	[sflag:s0] =	ssyncadd.tile.s32 @!p0 $0x1;
	_ =	shalt  }
.Lfunc_end2:
_tile_overlayer_lowered:
.L_overlay_start_2:
0x87: {  	(tag) =	ssettag $0x2  }
0x88: {  	s0 =	rddreg [dreg:$0x0];
	s2 =	stileid.u32  }
0x89: {  	s1 =	rddreg [dreg:$0x1];
	p0 =	sne.s32 s2, $0x0  }
0x8a: {  	s3 =	rddreg [dreg:$0x2];
	[bflag:$0x3] =	sbarrier.arrive $0xFFFF;
	s2 =	simm.s32 @!p0 $0x1C02  }
0x8b: {  	[timem:s3], [sflag:s2] =	dma.local @!p0 [hbm:s0], s1  }
0x8c: {  	s0 =	simm.s32 @!p0 $0x2  }
0x8d: {  	_ =	swait.ge @!p0 [sflag:s0], s1  }
0x8e: {  	s1 =	ssub.s32 @!p0 $0x0, s1;
	[sflag:s0] =	ssyncset.done @!p0 $0x0  }
0x8f: {  	[sflag:s0] =	ssyncadd.s32 @!p0 s1  }
0x90: {  	[bflag:$0x3] =	sbarrier.arrive $0xFFFF  }
0x91: {  	_ =	shalt  }

// kernel: kernel.24.cloned.1.call-start
scs
__scs_entry_jumppad:
0x0: {  	(pc) =	sbr.rel $0x88, $3  }
0x1: {  	(tag) =	ssettag $0x0;
	lr =	simm.s32 $0x1  }
0x2: {  	[smem:$0x3F98] =	sst lr;
	_ =	strace $0xD0000000  }
0x3: {  	_ = 	snop  }
0x4: {  	_ = 	snop  }
0x5: {  	_ = 	snop  }
0x6: {  	_ = 	snop  }
0x7: {  	_ = 	snop  }
__scs_overlays_trampoline_lowered:
0x8: {  	[smem:$0x3FA7] =	sst s0  }
0x9: {  	[smem:$0x3FA8] =	sst s1  }
0xa: {  	[smem:$0x3FA9] =	sst s2  }
0xb: {  	[smem:$0x3FAA] =	sst s3  }
0xc: {  	[smem:$0x3FAB] =	sst s4  }
0xd: {  	[smem:$0x3FAC] =	sst s5  }
0xe: {  	[smem:$0x3FAD] =	sst s6  }
0xf: {  	[smem:$0x3FAE] =	sst s7  }
0x10: {  	[smem:$0x3FAF] =	sst s8  }
0x11: {  	[smem:$0x3FB0] =	sst s9;
	s0 =	simm.s32 @!p0 $0x0  }
0x12: {  	s1 =	sld [smem:$0x3F96];
	s0 =	simm.s32 @p0 $0x1  }
0x13: {  	[smem:$0x3FB1] =	sst s0;
	s0 =	simm.s32 @!p1 $0x0  }
0x14: {  	s2 =	sld [smem:$0x3F95];
	s0 =	simm.s32 @p1 $0x1  }
0x15: {  	[smem:$0x3FB2] =	sst s0;
	s0 =	simm.s32 @!p2 $0x0  }
0x16: {  	s3 =	sld [smem:$0x3FDB];
	s0 =	simm.s32 @p2 $0x1  }
0x17: {  	s4 =	simm.s32 $0x1BF5;
	[smem:$0x3FB4] =	sst s0  }
0x18: {  	s0 =	sld [smem:$0x3F97];
	_ =	swait.ge [sflag:s4], $0x0  }
0x19: {  	s7 =	sld [smem:$0x3F98]  }
0x1a: {  	s8 =	sadd.s32 $0xFFFFE003, lr  }
0x1b: {  	s9 =	sadd.s32 $0xFFFFFEF7, lr;
	s5 =	simm.s32 $0xFFFFFFFF;
	p2 =	slt.u32 s8, $0xFFFFF086  }
0x1c: {  	p1 =	slt.u32 s9, $0xF7A;
	s5 =	simm.s32 @!p2 $0x0  }
0x1d: {  	s5 =	simm.s32 @p1 $0x1;
	p0 =	seq.s32 s7, s2  }
0x1e: {  	s7 =	smul.u32 @!p0 $0xF7A, s2;
	p2 =	seq.s32 @!p0 s5, $0x0  }
0x1f: {  	s9 =	smul.u32 $0xF7A, s1;
	s8 =	simm.s32 @!p0 $0x1BF5;
	p2 =	por !p2, p0  }
0x20: {  	[sflag:s8] =	ssyncset.s32 @!p0 $0xFFFFF086;
	s6 =	sadd.s32 @!p0 s3, s7;
	s7 =	simm.s32 @!p0 $0x108  }
0x21: {  	s3 =	sadd.s32 s3, s9;
	s6 =	sadd.s32 @!p0 $0x88, s6;
	s7 =	simm.s32 @p2 $0x1082  }
0x22: {  	[simem:s7], [sflag:s8] =	dma.local @!p0 [hbm:s6], $0xF7A  }
0x23: {  	s9 =	sor.u32 $0xD0000000, s2;
	s6 =	simm.s32 $0x108;
	_ =	swait.ge @!p0 [sflag:s8], $0x0  }
0x24: {  	s3 =	sadd.s32 $0x88, s3;
	s6 =	simm.s32 @!p1 $0x1082;
	[sflag:s4] =	ssyncset.s32 $0xFFFFF086  }
0x25: {  	[simem:s6], [sflag:s4] =	dma.local [hbm:s3], $0xF7A  }
0x26: {  	[smem:$0x3F98] =	sst s1;
	(tag) =	ssettag s2;
	_ =	strace s9  }
0x27: {  	s1 =	sld [smem:$0x3FA8]  }
0x28: {  	s2 =	sld [smem:$0x3FA9]  }
0x29: {  	s4 =	sld [smem:$0x3FAB]  }
0x2a: {  	p0 =	seq.s32 s5, $0x0;
	s5 =	sld [smem:$0x3FAC]  }
0x2b: {  	s6 =	sld [smem:$0x3FAD]  }
0x2c: {  	s7 =	sld [smem:$0x3FAE]  }
0x2d: {  	s3 =	simm.s32 $0x108;
	s8 =	sld [smem:$0x3FAF]  }
0x2e: {  	s3 =	simm.s32 @!p0 $0x1082;
	s9 =	sld [smem:$0x3FB0]  }
0x2f: {  	lr =	sadd.s32 s0, s3;
	s0 =	sld [smem:$0x3FA7]  }
0x30: {  	s3 =	sld [smem:$0x3FAA]  }
0x31: {  	[smem:$0x3FB3] =	sst s10  }
0x32: {  	s10 =	sld [smem:$0x3FB1];
	_ =	sdelay $0x3  }
0x33: {  	p0 =	seq.s32 s10, $0x1;
	s10 =	sld [smem:$0x3FB3];
	_ =	sdelay $0x3  }
0x34: {  	[smem:$0x3FB3] =	sst s10  }
0x35: {  	s10 =	sld [smem:$0x3FB2];
	_ =	sdelay $0x3  }
0x36: {  	p1 =	seq.s32 s10, $0x1;
	s10 =	sld [smem:$0x3FB3];
	_ =	sdelay $0x3  }
0x37: {  	[smem:$0x3FB3] =	sst s10  }
0x38: {  	s10 =	sld [smem:$0x3FB4]  }
0x39: {  	_ = 	snop;
	(pc) =	sbr.ind lr, $3  }
0x3a: {  	_ = 	snop  }
0x3b: {  	_ = 	snop  }
0x3c: {  	p2 =	seq.s32 s10, $0x1;
	s10 =	sld [smem:$0x3FB3]  }
0x3d: {  	_ =	shalt  }
0x3e: {  	_ =	shalt  }
0x3f: {  	_ =	shalt  }
0x40: {  	_ =	shalt  }
0x41: {  	_ =	shalt  }
0x42: {  	_ =	shalt  }
0x43: {  	_ =	shalt  }
0x44: {  	_ =	shalt  }
0x45: {  	_ =	shalt  }
0x46: {  	_ =	shalt  }
0x47: {  	_ =	shalt  }
0x48: {  	_ =	shalt  }
0x49: {  	_ =	shalt  }
0x4a: {  	_ =	shalt  }
0x4b: {  	_ =	shalt  }
0x4c: {  	_ =	shalt  }
0x4d: {  	_ =	shalt  }
0x4e: {  	_ =	shalt  }
0x4f: {  	_ =	shalt  }
0x50: {  	_ =	shalt  }
0x51: {  	_ =	shalt  }
0x52: {  	_ =	shalt  }
0x53: {  	_ =	shalt  }
0x54: {  	_ =	shalt  }
0x55: {  	_ =	shalt  }
0x56: {  	_ =	shalt  }
0x57: {  	_ =	shalt  }
0x58: {  	_ =	shalt  }
0x59: {  	_ =	shalt  }
0x5a: {  	_ =	shalt  }
0x5b: {  	_ =	shalt  }
0x5c: {  	_ =	shalt  }
0x5d: {  	_ =	shalt  }
0x5e: {  	_ =	shalt  }
0x5f: {  	_ =	shalt  }
0x60: {  	_ =	shalt  }
0x61: {  	_ =	shalt  }
0x62: {  	_ =	shalt  }
0x63: {  	_ =	shalt  }
0x64: {  	_ =	shalt  }
0x65: {  	_ =	shalt  }
0x66: {  	_ =	shalt  }
0x67: {  	_ =	shalt  }
0x68: {  	_ =	shalt  }
0x69: {  	_ =	shalt  }
0x6a: {  	_ =	shalt  }
0x6b: {  	_ =	shalt  }
0x6c: {  	_ =	shalt  }
0x6d: {  	_ =	shalt  }
0x6e: {  	_ =	shalt  }
0x6f: {  	_ =	shalt  }
0x70: {  	_ =	shalt  }
0x71: {  	_ =	shalt  }
0x72: {  	_ =	shalt  }
0x73: {  	_ =	shalt  }
0x74: {  	_ =	shalt  }
0x75: {  	_ =	shalt  }
0x76: {  	_ =	shalt  }
0x77: {  	_ =	shalt  }
0x78: {  	_ =	shalt  }
0x79: {  	_ =	shalt  }
0x7a: {  	_ =	shalt  }
0x7b: {  	_ =	shalt  }
0x7c: {  	_ =	shalt  }
0x7d: {  	_ =	shalt  }
0x7e: {  	_ =	shalt  }
0x7f: {  	_ =	shalt  }
0x80: {  	_ =	shalt  }
0x81: {  	_ =	shalt  }
0x82: {  	_ =	shalt  }
0x83: {  	_ =	shalt  }
0x84: {  	_ =	shalt  }
0x85: {  	_ =	shalt  }
0x86: {  	_ =	shalt  }
0x87: {  	_ =	shalt  }
.Lfunc_end0:
.L_simem_size_0:
called_computation.4_lowered:
.L_overlay_start_0:
0x88: {  	s2 =	sld [smem:$0x3FD9]  }
0x89: {  	s3 =	sld [smem:$0x3FFE];
	_ =	sdelay $0x1  }
0x8a: {  	s1 =	srdreg.scid  }
0x8b: {  	s0 =	sand.u32 $0x1, s1  }
0x8c: {  	s14 =	sshll.u32 s0, $0xA;
	s2 =	sadd.s32 s3, s2  }
0x8d: {  	s2 =	sadd.s32 s2, s14  }
0x8e: {  	[smem:$0x3FBF] =	sst s2  }
0x8f: {  	_ = 	snop  }
0x90: {  	s2 =	sld [smem:$0x3FD0];
	_ =	sdelay $0x2  }
0x91: {  	s15 =	simm.s32 $0xA;
	s4 =	simm.s32 $0x10  }
0x92: {  	[smem:s4], [sflag:s15] =	dma.local [hbm:s2], $0x1  }
0x93: {  	_ =	swait.eq [sflag:s15], $0x1  }
0x94: {  	[sflag:s15] =	ssyncset.done $0x0  }
0x95: {  	[sflag:s15] =	ssyncadd.s32 $0xFFFFFFFF  }
0x96: {  	s16 =	sld [smem:$0x11];
	(tm) =	ssettm $0x1  }
0x97: {  	s17 =	sld [smem:$0x3FFB];
	_ =	sdelay $0x3  }
0x98: {  	_ =	strace s17  }
0x99: {  	s3 =	sld [smem:$0x3FFC];
	_ =	sdelay $0x3  }
0x9a: {  	_ =	strace s3  }
0x9b: {  	s3 =	sld [smem:$0x3FFD];
	_ =	sdelay $0x3  }
0x9c: {  	_ =	strace s3  }
0x9d: {  	_ =	strace $0x8FFFFFFF  }
0x9e: {  	s18 =	sld [smem:$0x3FDB];
	_ =	sdelay $0x1  }
0x9f: {  	s19 =	simm.s32 $_scs_section_size  }
0xa0: {  	s5 =	simm.s32 $_size__tile_overlayer_lowered;
	s6 =	simm.s32 $_tile_overlayer_lowered  }
0xa1: {  	s22 =	simm.s32 $0x1BFF;
	s21 =	sshll.u32 s6, $0x1;
	s3 =	sadd.s32 s19, s18  }
0xa2: {  	s7 =	simm.s32 $0x0;
	s20 =	sshll.u32 s5, $0x1;
	s5 =	sadd.s32 s21, s3  }
0xa3: {  	[timem:s7], [sflag:s22] =	dma.local [hbm:s5], s20  }
0xa4: {  	_ =	swait.ge [sflag:s22], s20  }
0xa5: {  	s4 =	ssub.s32 $0x0, s20;
	[sflag:s22] =	ssyncset.done $0x0  }
0xa6: {  	[sflag:s22] =	ssyncadd.s32 s4;
	_ =	sdelay $0x1  }
0xa7: {  	s23 =	simm.s32 $0x1B8B  }
0xa8: {  	_ =	swait.ge [sflag:s23], $0x1  }
0xa9: {  	[sflag:s23] =	ssyncset.done $0x0  }
0xaa: {  	s25 =	simm.s32 $0x1B8E;
	s24 =	sld [smem:$0x3FFE];
	[sflag:s23] =	ssyncadd.s32 $0xFFFFFFFF  }
0xab: {  	s26 =	simm.s32 $execute0_lowered;
	[smem:$0x3FD2] =	sst s25  }
0xac: {  	s5 =	sshll.u32 s26, $0x1;
	_ =	strace $0x80000052;
	[dreg:$0x1] =	wrdreg $0xFFFFFFFF  }
0xad: {  	s28 =	simm.s32 $_size_execute0_lowered;
	s3 =	sadd.s32 s3, s5;
	[dreg:$0x0] =	wrdreg $0x0  }
0xae: {  	s5 =	sshll.u32 s28, $0x1;
	[dreg:$0x2] =	wrdreg s3  }
0xaf: {  	[dreg:$0x3] =	wrdreg s5  }
0xb0: {  	[dreg:$0x4] =	wrdreg $0xC0  }
0xb1: {  	_ =	task [dreg:s7], $0x5FFFF  }
0xb2: {  	[dreg:$0x1] =	wrdreg $0xFFFFFFFF  }
0xb3: {  	[dreg:$0x0] =	wrdreg $0x60  }
0xb4: {  	[dreg:$0x2] =	wrdreg s16  }
0xb5: {  	[dreg:$0x3] =	wrdreg s24  }
0xb6: {  	[dreg:$0x4] =	wrdreg $0x98000  }
0xb7: {  	[dreg:$0x5] =	wrdreg $0x9  }
0xb8: {  	_ =	task.clear_ibuf [dreg:s7], $0x6FFFF;
	_ =	strace $0x90000052  }
0xb9: {  	s29 =	simm.s32 $0x9;
	_ =	strace $0x80000054  }
0xba: {  	_ =	swait.ge [sflag:s29], $0x1  }
0xbb: {  	[sflag:s29] =	ssyncadd.s32 $0xFFFFFFFF  }
0xbc: {  	_ =	strace $0x90000054  }
0xbd: {  	_ =	sfence  }
0xbe: {  	s30 =	sld [smem:$0x0];
	_ =	sdelay $0x2  }
0xbf: {  	s31 =	sshll.u32 s1, $0xD;
	s1 =	sshrl.u32 s1, $0x2  }
0xc0: {  	s3 =	sand.u32 $0x4000, s31;
	s1 =	sadd.s32 s1, s30  }
0xc1: {  	s0 =	sor.u32 s3, s0;
	s1 =	sshll.u32 s1, $0x11  }
0xc2: {  	s0 =	sor.u32 s1, s0  }
0xc3: {  	s0 =	sadd.s32 $0x8F2B, s0  }
0xc4: {  	[sflag:s0] =	ssyncadd.remote.s32 $0x1  }
0xc5: {  	_ =	sfence.sel $0xFFFF  }
0xc6: {  	[dreg:$0x0] =	wrdreg $0xFFFFFFFF;
	(pc) =	sbr.abs _section_cstart, $3  }
0xc7: {  	[dreg:$0x1] =	wrdreg $0xFFFFFFFF  }
0xc8: {  	_ =	task.clear_ibuf [dreg:s7], $0x2FFFF;
	_ =	strace $0x9FFFFFFF  }
0xc9: {  	(tm) =	ssettm $0x7FFFFFFF  }
tec
execute0_lowered:
.L_overlay_start_1:
0x0: {  	(tag) =	ssettag $0x1  }
0x1: {  	s2 =	rddreg [dreg:$0x0]  }
0x2: {  	s10 =	rddreg [dreg:$0x1]  }
0x3: {  	s3 =	rddreg [dreg:$0x2]  }
0x4: {  	s0 =	rddreg [dreg:$0x3];
	s1 =	stileid.u32  }
0x5: {  	s6 =	srdreg.scid;
	s4 =	simm.s32 $0x0;
	s9 =	simm.s32 $0x19  }
0x6: {  	s13 =	simm.s32 $0x2;
	s15 =	simm.s32 $0x7D;
	s5 =	smul.u32 $0x500, s1  }
0x7: {  	s16 =	simm.s32 $0x5000;
	s17 =	simm.s32 $0x1;
	s18 =	smul.u32 $0x2800, s1  }
0x8: {  	s14 =	sand.u32 $0x1, s6;
	[smem:$0x7FF] =	sst s4;
	s7 =	smul.u32 $0x50000, s1  }
0x9: {  	p0 =	seq.s32 s1, $0xF;
	s19 =	sadd.s32 $0x88F00, s10;
	s6 =	ssub.s32 $0x2, s14  }
0xa: {  	_ =	strace $0x80000053;
	s9 =	simm.s32 @!p0 $0x28;
	p0 =	seq.s32 s14, $0x0  }
.Ltmp0:
0xb: {  	s14 =	simm.s32 $0x2800;
	s8 =	sadd.s32 s5, s10;
	(pc) =	sbr.rel .LBB2_1-.Ltmp0, $4  }
0xc: {  	s30 =	sshrl.u32 s6, $0x1;
	s11 =	sadd.s32 s18, s10;
	s31 =	sshrl.u32 s7, $0x2  }
0xd: {  	s18 =	sadd.s32 s19, s18;
	s12 =	ssub.s32 s6, s30;
	s5 =	sadd.s32 s31, s3  }
0xe: {  	s6 =	sadd.s32 $0x7E00, s8;
	s7 =	sadd.s32 $0xCE00, s8;
	s8 =	sadd.s32 $0x27100, s2  }
0xf: {  	v0 =	vimm.f32 $0.0e+00;
	s11 =	sadd.s32 $0x61E00, s11;
	s10 =	smax.u32 s12, $0x1;
	s12 =	simm.s32 $0x9000  }
.LBB2_15:
0x10: {  	[sflag:s13] =	ssyncset.done $0x0  }
0x11: {  	[sflag:s13] =	ssyncadd.s32 $0xFFFFFF00  }
.LBB2_16:
0x12: {  	s4 =	sadd.s32 $0x1, s4  }
0x13: {  	p1 =	sne.s32 s4, s10  }
.Ltmp1:
0x14: {  	_ = 	snop;
	(pc) =	sbr.rel @!p1 .LBB2_17-.Ltmp1, $1  }
0x15: {  	_ =	sdelay $0x3  }
.LBB2_1:
0x16: {  	s19 =	simm.s32 $0x0;
	s20 =	simm.s32 $0x200  }
.LBB2_2:
0x17: {  	p1 =	sne.s32 s20, $0x1E00;
	[tilespmem:s19+$0x9070] =	vst v0  }
0x18: {  	[tilespmem:s19+$0x9000] =	vst v0  }
0x19: {  	[tilespmem:s19+$0x9010] =	vst v0  }
.Ltmp2:
0x1a: {  	[tilespmem:s19+$0x9020] =	vst v0;
	(pc) =	sbr.rel @p1 .LBB2_2-.Ltmp2, $4  }
0x1b: {  	[tilespmem:s19+$0x9030] =	vst v0  }
0x1c: {  	[tilespmem:s19+$0x9040] =	vst v0  }
0x1d: {  	[tilespmem:s19+$0x9050] =	vst v0  }
0x1e: {  	[tilespmem:s19+$0x9060] =	vst v0;
	s19 =	sshra.s32 s20, $0x2;
	s20 =	sadd.s32 $0x200, s20  }
0x1f: {  	[tilespmem:s19+$0x9070] =	vst v0  }
0x20: {  	[tilespmem:s19+$0x9000] =	vst v0  }
0x21: {  	[tilespmem:s19+$0x9010] =	vst v0  }
0x22: {  	[tilespmem:s19+$0x9020] =	vst v0  }
0x23: {  	[tilespmem:s19+$0x9030] =	vst v0  }
0x24: {  	[tilespmem:s19+$0x9040] =	vst v0  }
0x25: {  	[tilespmem:s19+$0x9050] =	vst v0  }
0x26: {  	[tilespmem:s19+$0x9060] =	vst v0;
	s31 =	sadd.s32 $0x0, s5  }
0x27: {  	[spmem:s31] =	stream.linear.scatter [tilespmem:s12], [sflag:$0x2], $0x800, $0x38;
	[tilespmem:$0x1D800] =	vst v63  }
0x28: {  	s19 =	simm.s32 $0x2000;
	_ =	swait.ge [sflag:s13], $0x800  }
.LBB2_4:
0x29: {  	s20 =	sshra.s32 s19, $0x2;
	[sflag:s13] =	ssyncset.done $0x0;
	p1 =	sne.s32 s19, $0x4E000  }
.Ltmp3:
0x2a: {  	s20 =	sadd.s32 s20, s5;
	[sflag:s13] =	ssyncadd.s32 $0xFFFFF800;
	(pc) =	sbr.rel @p1 .LBB2_4-.Ltmp3, $3  }
0x2b: {  	[spmem:s20] =	stream.linear.scatter [tilespmem:s12], [sflag:$0x2], $0x800, $0x38;
	[tilespmem:$0x1D800] =	vst v63  }
0x2c: {  	s19 =	sadd.s32 $0x2000, s19;
	_ =	sdelay $0x1  }
0x2d: {  	_ =	swait.ge [sflag:s13], $0x800  }
0x2e: {  	[sflag:s13] =	ssyncset.done $0x0  }
0x2f: {  	s19 =	simm.s32 $0x0;
	[sflag:s13] =	ssyncadd.s32 $0xFFFFF800  }
0x30: {  	[tilespmem:s19], [sflag:$0x2] =	stream.linear.gather [hbm4b:s6+s19], $0x2800, $0x38;
	[tilespmem:$0x1D800] =	vst v63  }
0x31: {  	_ =	swait.ge [sflag:s13], $0x2800  }
0x32: {  	[sflag:s13] =	ssyncset.done $0x0  }
0x33: {  	[sflag:s13] =	ssyncadd.s32 $0xFFFFD800  }
0x34: {  	[tilespmem:s14], [sflag:$0x2] =	stream.linear.gather [hbm4b:s7+s19], $0x2800, $0x38;
	[tilespmem:$0x1D800] =	vst v63  }
.Ltmp4:
0x35: {  	_ =	swait.ge [sflag:s13], $0x2800;
	(pc) =	sbr.rel @!p0 .LBB2_11-.Ltmp4, $4  }
0x36: {  	[sflag:s13] =	ssyncset.done $0x0  }
0x37: {  	[sflag:s13] =	ssyncadd.s32 $0xFFFFD800  }
0x38: {  	[bflag:$0x0] =	sbarrier.arrive $0xFFFF  }
0x39: {  	s19 =	simm.s32 $0x0  }
0x3a: {  	[tilespmem:s16], [sflag:$0x1] =	stream.indirect.gather [hbm4b:s2+s15], $0x80, s19, s15, $0xb8;
	[tilespmem:$0x1D800] =	vst v63  }
0x3b: {  	_ =	swait.ge [sflag:s17], $0x3E80  }
0x3c: {  	[sflag:s17] =	ssyncset.done $0x0  }
0x3d: {  	s31 =	simm.s32 $0x2800;
	[sflag:s17] =	ssyncadd.s32 $0xFFFFC180  }
0x3e: {  	[spmem:s3] =	stream.indirect.scatter.add.f32 [tilespmem:s16], [sflag:$0x2], $0x80, s31, s15, $0xb8;
	[tilespmem:$0x1D800] =	vst v63  }
0x3f: {  	_ =	swait.ge [sflag:s13], $0x3E80  }
0x40: {  	s19 =	simm.s32 $0x200;
	s20 =	simm.s32 $0x400;
	[sflag:s13] =	ssyncset.done $0x0  }
.LBB2_7:
0x41: {  	s21 =	sshra.s32 s19, $0x2  }
0x42: {  	[sflag:s13] =	ssyncadd.s32 $0xFFFFC180;
	s19 =	smov.u32 s20;
	s22 =	sadd.s32 $0x200, s20  }
0x43: {  	[tilespmem:s16], [sflag:$0x1] =	stream.indirect.gather [hbm4b:s2+s15], $0x80, s21, s15, $0xb8;
	[tilespmem:$0x1D800] =	vst v63  }
0x44: {  	p1 =	seq.s32 s20, $0x9E00;
	_ =	swait.ge [sflag:s17], $0x3E80  }
.Ltmp5:
0x45: {  	[sflag:s17] =	ssyncset.done $0x0;
	(pc) =	sbr.rel @!p1 .LBB2_7-.Ltmp5, $4  }
0x46: {  	s20 =	sadd.s32 $0x2800, s21;
	[sflag:s17] =	ssyncadd.s32 $0xFFFFC180  }
0x47: {  	[spmem:s3] =	stream.indirect.scatter.add.f32 [tilespmem:s16], [sflag:$0x2], $0x80, s20, s15, $0xb8;
	[tilespmem:$0x1D800] =	vst v63  }
0x48: {  	_ =	swait.ge [sflag:s13], $0x3E80  }
0x49: {  	s20 =	smov.u32 s22;
	[sflag:s13] =	ssyncset.done $0x0  }
0x4a: {  	s19 =	sshra.s32 s19, $0x2;
	[sflag:s13] =	ssyncadd.s32 $0xFFFFC180  }
0x4b: {  	[tilespmem:s16], [sflag:$0x1] =	stream.indirect.gather [hbm4b:s2+s15], $0x80, s19, s15, $0xb8;
	[tilespmem:$0x1D800] =	vst v63  }
0x4c: {  	_ =	swait.ge [sflag:s17], $0x3E80  }
0x4d: {  	[sflag:s17] =	ssyncset.done $0x0  }
0x4e: {  	s19 =	sadd.s32 $0x2800, s19;
	[sflag:s17] =	ssyncadd.s32 $0xFFFFC180  }
0x4f: {  	[spmem:s3] =	stream.indirect.scatter.add.f32 [tilespmem:s16], [sflag:$0x2], $0x80, s19, s15, $0xb8;
	[tilespmem:$0x1D800] =	vst v63  }
0x50: {  	p1 =	seq.s32 s9, $0x1;
	_ =	swait.ge [sflag:s13], $0x3E80  }
.Ltmp6:
0x51: {  	[sflag:s13] =	ssyncset.done $0x0;
	(pc) =	sbr.rel @p1 .LBB2_10-.Ltmp6, $4  }
0x52: {  	s31 =	sshll.u32 s1, $0x6;
	s20 =	sshrl.u32 s5, $0x3;
	[sflag:s13] =	ssyncadd.s32 $0xFFFFC180  }
0x53: {  	s21 =	sadd.s32 $0x100, s11;
	s19 =	sor.u32 $0x1C02, s31;
	[bflag:$0x0] =	sbarrier.arrive $0xFFFF  }
0x54: {  	[hbm:s11], [sflag:s19] =	dma.local [spmem:s20], $0x100  }
0x55: {  	s22 =	smov.u32 s5;
	s20 =	sadd.s32 $0xFFFFFFFF, s9;
	_ =	swait.ge [sflag:s13], $0x100  }
.LBB2_9:
0x56: {  	[sflag:s13] =	ssyncset.done $0x0;
	s22 =	sadd.s32 $0x800, s22;
	p1 =	seq.s32 s20, $0x1  }
.Ltmp7:
0x57: {  	s23 =	sshrl.u32 s22, $0x3;
	[sflag:s13] =	ssyncadd.s32 $0xFFFFFF00;
	(pc) =	sbr.rel @!p1 .LBB2_9-.Ltmp7, $3  }
0x58: {  	[hbm:s21], [sflag:s19] =	dma.local [spmem:s23], $0x100  }
0x59: {  	s20 =	sadd.s32 $0xFFFFFFFF, s20;
	_ =	sdelay $0x1  }
0x5a: {  	s21 =	sadd.s32 $0x100, s21;
	_ =	swait.ge [sflag:s13], $0x100  }
.LBB2_10:
.Ltmp8:
0x5b: {  	(pc) =	sbr.rel .LBB2_16-.Ltmp8, $3  }
0x5c: {  	_ =	sdelay $0x1  }
0x5d: {  	[sflag:s13] =	ssyncset.done $0x0  }
0x5e: {  	[sflag:s13] =	ssyncadd.s32 $0xFFFFFF00  }
.LBB2_11:
0x5f: {  	[tilespmem:s16], [sflag:$0x1] =	stream.indirect.gather [hbm4b:s8+s15], $0x80, s19, s15, $0xb8;
	[tilespmem:$0x1D800] =	vst v63  }
0x60: {  	_ =	swait.ge [sflag:s17], $0x3E80  }
0x61: {  	[sflag:s17] =	ssyncset.done $0x0  }
0x62: {  	s31 =	simm.s32 $0x2800;
	[sflag:s17] =	ssyncadd.s32 $0xFFFFC180  }
0x63: {  	[spmem:s3] =	stream.indirect.scatter.add.f32 [tilespmem:s16], [sflag:$0x2], $0x80, s31, s15, $0xb8;
	[tilespmem:$0x1D800] =	vst v63  }
0x64: {  	_ =	swait.ge [sflag:s13], $0x3E80  }
0x65: {  	s19 =	simm.s32 $0x200;
	s20 =	simm.s32 $0x400;
	[sflag:s13] =	ssyncset.done $0x0  }
.LBB2_12:
0x66: {  	s21 =	sshra.s32 s19, $0x2  }
0x67: {  	[sflag:s13] =	ssyncadd.s32 $0xFFFFC180;
	s19 =	smov.u32 s20;
	s22 =	sadd.s32 $0x200, s20  }
0x68: {  	[tilespmem:s16], [sflag:$0x1] =	stream.indirect.gather [hbm4b:s8+s15], $0x80, s21, s15, $0xb8;
	[tilespmem:$0x1D800] =	vst v63  }
0x69: {  	p1 =	seq.s32 s20, $0x9E00;
	_ =	swait.ge [sflag:s17], $0x3E80  }
.Ltmp9:
0x6a: {  	[sflag:s17] =	ssyncset.done $0x0;
	(pc) =	sbr.rel @!p1 .LBB2_12-.Ltmp9, $4  }
0x6b: {  	s20 =	sadd.s32 $0x2800, s21;
	[sflag:s17] =	ssyncadd.s32 $0xFFFFC180  }
0x6c: {  	[spmem:s3] =	stream.indirect.scatter.add.f32 [tilespmem:s16], [sflag:$0x2], $0x80, s20, s15, $0xb8;
	[tilespmem:$0x1D800] =	vst v63  }
0x6d: {  	_ =	swait.ge [sflag:s13], $0x3E80  }
0x6e: {  	s20 =	smov.u32 s22;
	[sflag:s13] =	ssyncset.done $0x0  }
0x6f: {  	s19 =	sshra.s32 s19, $0x2;
	[sflag:s13] =	ssyncadd.s32 $0xFFFFC180  }
0x70: {  	[tilespmem:s16], [sflag:$0x1] =	stream.indirect.gather [hbm4b:s8+s15], $0x80, s19, s15, $0xb8;
	[tilespmem:$0x1D800] =	vst v63  }
0x71: {  	_ =	swait.ge [sflag:s17], $0x3E80  }
0x72: {  	[sflag:s17] =	ssyncset.done $0x0  }
0x73: {  	s19 =	sadd.s32 $0x2800, s19;
	[sflag:s17] =	ssyncadd.s32 $0xFFFFC180  }
0x74: {  	[spmem:s3] =	stream.indirect.scatter.add.f32 [tilespmem:s16], [sflag:$0x2], $0x80, s19, s15, $0xb8;
	[tilespmem:$0x1D800] =	vst v63  }
0x75: {  	p1 =	sne.s32 s9, $0x1;
	_ =	swait.ge [sflag:s13], $0x3E80  }
.Ltmp10:
0x76: {  	[sflag:s13] =	ssyncset.done $0x0;
	(pc) =	sbr.rel @!p1 .LBB2_15-.Ltmp10, $4  }
0x77: {  	s31 =	sshll.u32 s1, $0x6;
	s20 =	sshrl.u32 s5, $0x3;
	[sflag:s13] =	ssyncadd.s32 $0xFFFFC180  }
0x78: {  	s21 =	sadd.s32 $0x100, s18;
	s19 =	sor.u32 $0x1C02, s31;
	[bflag:$0x0] =	sbarrier.arrive $0xFFFF  }
0x79: {  	[hbm:s18], [sflag:s19] =	dma.local [spmem:s20], $0x100  }
0x7a: {  	s22 =	smov.u32 s5;
	s20 =	sadd.s32 $0xFFFFFFFF, s9;
	_ =	swait.ge [sflag:s13], $0x100  }
.LBB2_14:
0x7b: {  	[sflag:s13] =	ssyncset.done $0x0;
	s22 =	sadd.s32 $0x800, s22;
	p1 =	sne.s32 s20, $0x1  }
.Ltmp11:
0x7c: {  	s23 =	sshrl.u32 s22, $0x3;
	[sflag:s13] =	ssyncadd.s32 $0xFFFFFF00;
	(pc) =	sbr.rel @p1 .LBB2_14-.Ltmp11, $3  }
0x7d: {  	[hbm:s21], [sflag:s19] =	dma.local [spmem:s23], $0x100  }
0x7e: {  	s20 =	sadd.s32 $0xFFFFFFFF, s20;
	_ =	sdelay $0x1  }
0x7f: {  	s21 =	sadd.s32 $0x100, s21;
	_ =	swait.ge [sflag:s13], $0x100  }
.Ltmp12:
0x80: {  	_ = 	snop;
	(pc) =	sbr.rel .LBB2_15-.Ltmp12, $1  }
0x81: {  	_ =	sdelay $0x3  }
.LBB2_17:
0x82: {  	_ =	sfence.sel $0x180000  }
0x83: {  	[bflag:$0x0] =	sbarrier.arrive $0xFFFF  }
0x84: {  	p0 =	sne.s32 s1, $0x0;
	_ =	strace $0x90000053  }
0x85: {  	s0 =	sadd.s32 @!p0 $0x100000, s0;
	[bflag:$0x2] =	sbarrier.arrive $0xFFFF  }
0x86: {  	[sflag:s0] =	ssyncadd.tile.s32 @!p0 $0x1;
	_ =	shalt  }
.Lfunc_end2:
_tile_overlayer_lowered:
.L_overlay_start_2:
0x87: {  	(tag) =	ssettag $0x2  }
0x88: {  	s0 =	rddreg [dreg:$0x0];
	s2 =	stileid.u32  }
0x89: {  	s1 =	rddreg [dreg:$0x1];
	p0 =	sne.s32 s2, $0x0  }
0x8a: {  	s3 =	rddreg [dreg:$0x2];
	[bflag:$0x3] =	sbarrier.arrive $0xFFFF;
	s2 =	simm.s32 @!p0 $0x1C02  }
0x8b: {  	[timem:s3], [sflag:s2] =	dma.local @!p0 [hbm:s0], s1  }
0x8c: {  	s0 =	simm.s32 @!p0 $0x2  }
0x8d: {  	_ =	swait.ge @!p0 [sflag:s0], s1  }
0x8e: {  	s1 =	ssub.s32 @!p0 $0x0, s1;
	[sflag:s0] =	ssyncset.done @!p0 $0x0  }
0x8f: {  	[sflag:s0] =	ssyncadd.s32 @!p0 s1  }
0x90: {  	[bflag:$0x3] =	sbarrier.arrive $0xFFFF  }
0x91: {  	_ =	shalt  }

</sc_bundles>
